<compile_context>
chip_gen: v7x
topology: tpu7x:2x2x1
jax: 0.10.2.dev20260603
libtpu: 0.0.44.dev20260713+nightly
codegen_flags: <defaults>
</compile_context>

<pallas_src>
import functools

import jax
import jax.numpy as jnp
from jax import lax
from jax.experimental import pallas as pl
from jax.experimental.pallas import tpu as pltpu
from jax.experimental.pallas import tpu_sc as plsc

N = 10000
E = 320000
OUT_DIM = 16
LANES = 128
R = 4096
PADR = 2048
K_HOMO = int(E * 0.8)
K_HET = int(E * 0.2)


def _sort_kernel(val_ref, oidx_ref, otgt_ref, kscr, iscr):
    n = R * LANES
    row = lax.broadcasted_iota(jnp.int32, (R, LANES), 0)
    lane = lax.broadcasted_iota(jnp.int32, (R, LANES), 1)
    i = row * LANES + lane

    def row_partner(x, jr, scr):
        scr[pl.ds(PADR, R), :] = x
        a = scr[pl.ds(PADR + jr, R), :]
        b = scr[pl.ds(PADR - jr, R), :]
        return a, b

    def cmpx(key, idx, pk, pi, jbit, kk, active=None):
        less = (key < pk) | ((key == pk) & (idx < pi))
        take_a = (((i & jbit) == 0) == ((i & kk) == 0)) == less
        if active is not None:
            take_a = take_a | (~active)
        return jnp.where(take_a, key, pk), jnp.where(take_a, idx, pi)

    def phase(m, carry):
        key, idx = carry
        kk = jnp.int32(1) << m

        def row_stage(t, carry):
            key, idx = carry
            jr = (kk >> 8) >> t
            a_k, b_k = row_partner(key, jr, kscr)
            a_i, b_i = row_partner(idx, jr, iscr)
            sel = (row & jr) == 0
            pk = jnp.where(sel, a_k, b_k)
            pi = jnp.where(sel, a_i, b_i)
            return cmpx(key, idx, pk, pi, jr << 7, kk)

        key, idx = lax.fori_loop(0, jnp.maximum(m - 7, 0), row_stage,
                                 (key, idx))
        for s in (64, 32, 16, 8, 4, 2, 1):
            a_k = pltpu.roll(key, LANES - s, axis=1)
            b_k = pltpu.roll(key, s, axis=1)
            a_i = pltpu.roll(idx, LANES - s, axis=1)
            b_i = pltpu.roll(idx, s, axis=1)
            sel = (lane & s) == 0
            pk = jnp.where(sel, a_k, b_k)
            pi = jnp.where(sel, a_i, b_i)
            active = jnp.broadcast_to(jnp.int32(s) <= (kk >> 1), key.shape)
            key, idx = cmpx(key, idx, pk, pi, s, kk, active)
        return key, idx

    v = val_ref[...]
    b = lax.bitcast_convert_type(v, jnp.uint32)
    mask = jnp.where(b >= jnp.uint32(0x80000000), jnp.uint32(0xFFFFFFFF),
                     jnp.uint32(0x80000000))
    u = b ^ mask
    pad = i >= E
    key0 = jnp.where(pad, jnp.uint32(0xFFFFFFFF), u)
    idx0 = jnp.where(pad, jnp.int32(0x7FFFFFFF), i)
    key_s, idx_s = lax.fori_loop(1, 20, phase, (key0, idx0))
    oidx_ref[...] = idx_s

    def row_shift_down(x, q, fill):
        iscr[pl.ds(PADR, R), :] = x
        y = iscr[pl.ds(PADR - q, R), :]
        return jnp.where(row >= q, y, fill)

    def row_shift_up(x, q, fill):
        iscr[pl.ds(PADR, R), :] = x
        y = iscr[pl.ds(PADR + q, R), :]
        return jnp.where(row < R - q, y, fill)

    kscr[pl.ds(PADR, R), :] = key_s
    km1 = kscr[pl.ds(PADR - 1, R), :]
    prev = jnp.where(lane >= 1, pltpu.roll(key_s, 1, axis=1),
                     pltpu.roll(km1, 1, axis=1))
    bdry = (key_s != prev) | (i == 0)
    kp1 = kscr[pl.ds(PADR + 1, R), :]
    nxt = jnp.where(lane < LANES - 1, pltpu.roll(key_s, LANES - 1, axis=1),
                    pltpu.roll(kp1, LANES - 1, axis=1))
    endb = (key_s != nxt) | (i == n - 1)

    p = jnp.where(bdry, i, 0)
    for k in (1, 2, 4, 8, 16, 32, 64):
        sh = pltpu.roll(p, k, axis=1)
        p = jnp.maximum(p, jnp.where(lane >= k, sh, 0))
    t_row = jnp.broadcast_to(jnp.max(p, axis=1, keepdims=True), p.shape)
    x = row_shift_down(t_row, 1, 0)

    def scan_fwd(t, x):
        q = jnp.int32(1) << t
        return jnp.maximum(x, row_shift_down(x, q, 0))

    x = lax.fori_loop(0, 12, scan_fwd, x)
    s_run = jnp.maximum(p, x)

    big = jnp.int32(0x7FFFFFFF)
    p2 = jnp.where(endb, i, big)
    for k in (1, 2, 4, 8, 16, 32, 64):
        sh = pltpu.roll(p2, LANES - k, axis=1)
        p2 = jnp.minimum(p2, jnp.where(lane < LANES - k, sh, big))
    u_row = jnp.broadcast_to(jnp.min(p2, axis=1, keepdims=True), p2.shape)
    y = row_shift_up(u_row, 1, big)

    def scan_bwd(t, y):
        q = jnp.int32(1) << t
        return jnp.minimum(y, row_shift_up(y, q, big))

    y = lax.fori_loop(0, 12, scan_bwd, y)
    e_run = jnp.minimum(p2, y)
    otgt_ref[...] = s_run + e_run - i


_sort_call = pl.pallas_call(
    _sort_kernel,
    in_specs=[
        pl.BlockSpec(memory_space=pltpu.VMEM),
    ],
    out_specs=[
        pl.BlockSpec(memory_space=pltpu.VMEM),
        pl.BlockSpec(memory_space=pltpu.VMEM),
    ],
    out_shape=[
        jax.ShapeDtypeStruct((R, LANES), jnp.int32),
        jax.ShapeDtypeStruct((R, LANES), jnp.int32),
    ],
    scratch_shapes=[
        pltpu.VMEM((R + 2 * PADR, LANES), jnp.uint32),
        pltpu.VMEM((R + 2 * PADR, LANES), jnp.int32),
    ],
)


EFULL = E + N
_NW = 32
_CH = 120
_BPAD = 330240
_EPAD = 322560


def _make_row_gather(BPAD):
    D = 128
    mesh = plsc.VectorSubcoreMesh(core_axis_name="c", subcore_axis_name="s")
    cpw = (BPAD // _NW) // _CH

    @functools.partial(
        pl.kernel,
        mesh=mesh,
        out_type=jax.ShapeDtypeStruct((BPAD, D), jnp.float32),
        scratch_types=[
            pltpu.VMEM((_CH,), jnp.int32),
            pltpu.VMEM((_CH, D), jnp.float32),
            pltpu.SemaphoreType.DMA,
        ],
    )
    def row_gather(table_hbm, idx_hbm, out_hbm, iv, rv, sem):
        wid = lax.axis_index("s") * 2 + lax.axis_index("c")

        def chunk(c, carry):
            off = wid * (cpw * _CH) + c * _CH
            pltpu.sync_copy(idx_hbm.at[pl.ds(off, _CH)], iv)
            pltpu.async_copy(table_hbm.at[iv], rv, sem).wait()
            pltpu.sync_copy(rv, out_hbm.at[pl.ds(off, _CH)])
            return carry

        lax.fori_loop(0, cpw, chunk, 0)

    return row_gather


def _make_conv_gather():
    D = 128
    mesh = plsc.VectorSubcoreMesh(core_axis_name="c", subcore_axis_name="s")
    cpw = (_BPAD // _NW) // _CH

    @functools.partial(
        pl.kernel,
        mesh=mesh,
        out_type=[
            jax.ShapeDtypeStruct((_BPAD, D), jnp.float32),
            jax.ShapeDtypeStruct((_BPAD,), jnp.float32),
            jax.ShapeDtypeStruct((_BPAD,), jnp.float32),
        ],
        scratch_types=[
            pltpu.VMEM((_CH,), jnp.int32),
            pltpu.VMEM((_CH,), jnp.int32),
            pltpu.VMEM((_CH, D), jnp.float32),
            pltpu.VMEM((_CH,), jnp.float32),
            pltpu.VMEM((_CH,), jnp.float32),
            pltpu.SemaphoreType.DMA,
        ],
    )
    def conv_gather(table_hbm, dinv_hbm, src_hbm, dst_hbm,
                    orows, ods, odd, iv, iv2, rv, dv, dv2, sem):
        wid = lax.axis_index("s") * 2 + lax.axis_index("c")

        def chunk(c, carry):
            off = wid * (cpw * _CH) + c * _CH
            pltpu.sync_copy(src_hbm.at[pl.ds(off, _CH)], iv)
            pltpu.sync_copy(dst_hbm.at[pl.ds(off, _CH)], iv2)
            c1 = pltpu.async_copy(table_hbm.at[iv], rv, sem)
            c2 = pltpu.async_copy(dinv_hbm.at[iv], dv, sem)
            c3 = pltpu.async_copy(dinv_hbm.at[iv2], dv2, sem)
            c1.wait()
            c2.wait()
            c3.wait()
            pltpu.sync_copy(rv, orows.at[pl.ds(off, _CH)])
            pltpu.sync_copy(dv, ods.at[pl.ds(off, _CH)])
            pltpu.sync_copy(dv2, odd.at[pl.ds(off, _CH)])
            return carry

        lax.fori_loop(0, cpw, chunk, 0)

    return conv_gather


_conv_gather = _make_conv_gather()


def _gcn_conv(x, edge_index, W, b):
    h = x @ W
    loop = jnp.arange(N, dtype=edge_index.dtype)
    src = jnp.concatenate([edge_index[0], loop])
    dst = jnp.concatenate([edge_index[1], loop])
    deg = jnp.zeros((N,), dtype=h.dtype).at[dst].add(jnp.ones(src.shape[0], dtype=h.dtype))
    dinv = jnp.where(deg > 0, 1.0 / jnp.sqrt(deg), 0.0)
    zpad = jnp.zeros((_BPAD - EFULL,), dtype=src.dtype)
    src_pad = jnp.concatenate([src, zpad])
    dst_pad = jnp.concatenate([dst, zpad])
    h128 = jnp.concatenate(
        [h, jnp.zeros((N, 128 - h.shape[1]), dtype=h.dtype)], axis=1)
    rows, ds, dd = _conv_gather(h128, dinv, src_pad, dst_pad)
    hsrc = rows[:EFULL, :h.shape[1]]
    norm = ds[:EFULL] * dd[:EFULL]
    msg = hsrc * norm[:, None]
    out = jnp.zeros((N, h.shape[1]), dtype=h.dtype).at[dst].add(msg)
    return out + b


_gather_edge = _make_row_gather(_EPAD)


def kernel(x, edge_index, W1, b1, W2, b2):
    xM1 = jax.nn.relu(_gcn_conv(x, edge_index, W1, b1))
    xM2 = _gcn_conv(xM1, edge_index, W2, b2)
    zpad = jnp.zeros((_EPAD - E,), dtype=edge_index.dtype)
    xM2p = jnp.concatenate(
        [xM2, jnp.zeros((N, 128 - OUT_DIM), dtype=xM2.dtype)], axis=1)
    g0 = _gather_edge(xM2p, jnp.concatenate([edge_index[0], zpad]))[:E, :OUT_DIM]
    g1 = _gather_edge(xM2p, jnp.concatenate([edge_index[1], zpad]))[:E, :OUT_DIM]
    value = (g0 * g1).sum(axis=1)
    vp = jnp.zeros((R * LANES,), jnp.float32).at[:E].set(value).reshape(R, LANES)
    oidx, otgt = _sort_call(vp)
    idx_s = oidx.reshape(-1)
    tgt = otgt.reshape(-1)
    het = idx_s[:K_HET]
    homo = jnp.take(idx_s, tgt[E - 1 - jnp.arange(K_HOMO)])
    return (jnp.take(edge_index, homo, axis=1), jnp.take(edge_index, het, axis=1))

# --- scband reference (transcript-rebuilt; emitter-appended) ---
"""Pipeline reference for scband-mask-encoder-3393024164037 (READ-ONLY COPY).

The authoritative reference and input builder live on the scoring server;
editing this copy changes nothing except your own understanding.
"""

import jax, jax.numpy as jnp
import numpy as np

N = 10000
E = 320000
IN_DIM = 128
H_DIM = 64
OUT_DIM = 16


def setup_inputs(seed: int = 0) -> dict:
    key = jax.random.key(seed)
    k1, k2, k3, k4, k5, k6 = jax.random.split(key, 6)
    x = jax.random.normal(k1, (N, IN_DIM), dtype=jnp.float32)
    edge_index = jax.random.randint(k2, (2, E), 0, N, dtype=jnp.int32)
    # GCNConv parameters (glorot-ish scaling)
    W1 = jax.random.normal(k3, (IN_DIM, H_DIM), dtype=jnp.float32) * (1.0 / np.sqrt(IN_DIM))
    b1 = jnp.zeros((H_DIM,), dtype=jnp.float32)
    W2 = jax.random.normal(k4, (H_DIM, OUT_DIM), dtype=jnp.float32) * (1.0 / np.sqrt(H_DIM))
    b2 = jnp.zeros((OUT_DIM,), dtype=jnp.float32)
    return {"x": x, "edge_index": edge_index, "W1": W1, "b1": b1, "W2": W2, "b2": b2}


def _gcn_conv(x, edge_index, W, b):
    # PyG GCNConv: add self-loops, symmetric normalization D^-1/2 (A+I) D^-1/2 X W + b
    h = x @ W
    loop = jnp.arange(N, dtype=edge_index.dtype)
    src = jnp.concatenate([edge_index[0], loop])
    dst = jnp.concatenate([edge_index[1], loop])
    deg = jnp.zeros((N,), dtype=h.dtype).at[dst].add(jnp.ones(src.shape[0], dtype=h.dtype))
    dinv = jnp.where(deg > 0, 1.0 / jnp.sqrt(deg), 0.0)
    norm = dinv[src] * dinv[dst]
    msg = h[src] * norm[:, None]
    out = jnp.zeros((N, h.shape[1]), dtype=h.dtype).at[dst].add(msg)
    return out + b


def reference(x, edge_index, W1, b1, W2, b2):
    xM1 = jax.nn.relu(_gcn_conv(x, edge_index, W1, b1))
    # dropout p=0.5 is identity in eval mode
    xM2 = _gcn_conv(xM1, edge_index, W2, b2)
    value = (xM2[edge_index[0]] * xM2[edge_index[1]]).sum(axis=1)
    k_homo = int(E * 0.8)
    k_het = int(E * 0.2)
    _, topk_homo = jax.lax.top_k(value, k_homo)
    _, topk_hetero = jax.lax.top_k(-value, k_het)
    return (edge_index[:, topk_homo], edge_index[:, topk_hetero])

if __name__ == "__main__":
    import jax
    _d = setup_inputs()
    print(jax.jit(kernel)(*tuple(_d.values())))

</pallas_src>

<mosaic_0001>
#map = affine_map<(d0, d1) -> (0, 0)>
#map1 = affine_map<(d0, d1) -> (0)>
module attributes {stable_mosaic.version = 14 : i64} {
  func.func @row_gather(%arg0: i32, %arg1: i32, %arg2: memref<10000x128xf32, #tpu.memory_space<hbm>>, %arg3: memref<322560xi32, #tpu.memory_space<hbm>>, %arg4: memref<322560x128xf32, #tpu.memory_space<hbm>>, %arg5: memref<120xi32, #tpu.memory_space<vmem>>, %arg6: memref<120x128xf32, #tpu.memory_space<vmem>>, %arg7: memref<!tpu.dma_semaphore, #tpu.memory_space<semaphore_mem>>) attributes {dimension_semantics = [#tpu.dimension_semantics<core_parallel>, #tpu.dimension_semantics<subcore_parallel>], iteration_bounds = array<i64: 2, 16>, scalar_prefetch = 0 : i64, scratch_operands = 3 : i64, tpu.core_type = #tpu.core_type<sc_vector_subcore>, window_params = [{transform_indices = #map}, {transform_indices = #map1}, {transform_indices = #map}]} {
    %mul3A = arith.constant 2 : i32
    %mul3A_0 = arith.muli %arg1, %mul3A : i32
    %add3A = arith.addi %mul3A_0, %arg0 : i32
    %scan3A = arith.constant 0 : i32
    %scan3A_1 = arith.constant 0 : i32
    %scan3A_2 = arith.constant 84 : i32
    %scan3A_3 = arith.addi %scan3A_1, %scan3A_2 : i32
    %scan3A_4 = arith.constant 1 : i32
    scf.for %scan3A_6 = %scan3A_1 to %scan3A_3 step %scan3A_4  : i32 {
      %mul3A_7 = arith.constant 10080 : i32
      %mul3A_8 = arith.muli %add3A, %mul3A_7 : i32
      %mul3A_9 = arith.constant 120 : i32
      %mul3A_10 = arith.muli %scan3A_6, %mul3A_9 : i32
      %add3A_11 = arith.addi %mul3A_8, %mul3A_10 : i32
      "tpu.region"() ({
        %run_scoped3A = tpu.sem_alloc : memref<!tpu.dma_semaphore, #tpu.memory_space<semaphore_mem>>
        %dma_start3A_16 = tpu.memref_slice %arg3[%add3A_11] : memref<322560xi32, #tpu.memory_space<hbm>> -> memref<120xi32, #tpu.memory_space<hbm>>
        %dma_start3A_17 = tpu.memref_slice %arg3[%add3A_11] : memref<322560xi32, #tpu.memory_space<hbm>> -> memref<120xi32, #tpu.memory_space<hbm>>
        tpu.enqueue_dma source(%dma_start3A_17 : memref<120xi32, #tpu.memory_space<hbm>>) target(%arg5 : memref<120xi32, #tpu.memory_space<vmem>>) target_semaphore(%run_scoped3A : memref<!tpu.dma_semaphore, #tpu.memory_space<semaphore_mem>>)
        %dma_wait3A_18 = tpu.memref_slice %arg3[%add3A_11] : memref<322560xi32, #tpu.memory_space<hbm>> -> memref<120xi32, #tpu.memory_space<hbm>>
        %dma_wait3A_19 = tpu.memref_slice %arg3[%add3A_11] : memref<322560xi32, #tpu.memory_space<hbm>> -> memref<120xi32, #tpu.memory_space<hbm>>
        tpu.wait_dma2 semaphore(%run_scoped3A : memref<!tpu.dma_semaphore, #tpu.memory_space<semaphore_mem>>) src(%dma_wait3A_19 : memref<120xi32, #tpu.memory_space<hbm>>) dst(%arg5 : memref<120xi32, #tpu.memory_space<vmem>>)
        tpu.yield
      }) : () -> ()
      %dma_start3A = arith.constant 0 : i32
      %dma_start3A_12 = arith.constant 0 : i32
      %dma_start3A_13 = tpu.memref_slice %arg2[%dma_start3A, %dma_start3A_12] : memref<10000x128xf32, #tpu.memory_space<hbm>> -> memref<10000x128xf32, #tpu.memory_space<hbm>>
      tpu.enqueue_indirect_dma source(%dma_start3A_13 : memref<10000x128xf32, #tpu.memory_space<hbm>>) target(%arg6 : memref<120x128xf32, #tpu.memory_space<vmem>>) offsets(%arg5 : memref<120xi32, #tpu.memory_space<vmem>>) semaphore(%arg7 : memref<!tpu.dma_semaphore, #tpu.memory_space<semaphore_mem>>)
      %dma_wait3A = arith.constant 0 : i32
      %dma_wait3A_14 = arith.constant 0 : i32
      %dma_wait3A_15 = tpu.memref_slice %arg2[%dma_wait3A, %dma_wait3A_14] : memref<10000x128xf32, #tpu.memory_space<hbm>> -> memref<10000x128xf32, #tpu.memory_space<hbm>>
      tpu.wait_indirect_dma semaphore(%arg7 : memref<!tpu.dma_semaphore, #tpu.memory_space<semaphore_mem>>) src(%dma_wait3A_15 : memref<10000x128xf32, #tpu.memory_space<hbm>>) dst(%arg6 : memref<120x128xf32, #tpu.memory_space<vmem>>)
      "tpu.region"() ({
        %run_scoped3A = tpu.sem_alloc : memref<!tpu.dma_semaphore, #tpu.memory_space<semaphore_mem>>
        %dma_start3A_16 = arith.constant 0 : i32
        %dma_start3A_17 = tpu.memref_slice %arg4[%add3A_11, %dma_start3A_16] : memref<322560x128xf32, #tpu.memory_space<hbm>> -> memref<120x128xf32, #tpu.memory_space<hbm>>
        %dma_start3A_18 = arith.constant 0 : i32
        %dma_start3A_19 = tpu.memref_slice %arg4[%add3A_11, %dma_start3A_18] : memref<322560x128xf32, #tpu.memory_space<hbm>> -> memref<120x128xf32, #tpu.memory_space<hbm>>
        tpu.enqueue_dma source(%arg6 : memref<120x128xf32, #tpu.memory_space<vmem>>) target(%dma_start3A_19 : memref<120x128xf32, #tpu.memory_space<hbm>>) target_semaphore(%run_scoped3A : memref<!tpu.dma_semaphore, #tpu.memory_space<semaphore_mem>>)
        %dma_wait3A_20 = arith.constant 0 : i32
        %dma_wait3A_21 = tpu.memref_slice %arg4[%add3A_11, %dma_wait3A_20] : memref<322560x128xf32, #tpu.memory_space<hbm>> -> memref<120x128xf32, #tpu.memory_space<hbm>>
        %dma_wait3A_22 = arith.constant 0 : i32
        %dma_wait3A_23 = tpu.memref_slice %arg4[%add3A_11, %dma_wait3A_22] : memref<322560x128xf32, #tpu.memory_space<hbm>> -> memref<120x128xf32, #tpu.memory_space<hbm>>
        tpu.wait_dma2 semaphore(%run_scoped3A : memref<!tpu.dma_semaphore, #tpu.memory_space<semaphore_mem>>) src(%arg6 : memref<120x128xf32, #tpu.memory_space<vmem>>) dst(%dma_wait3A_23 : memref<120x128xf32, #tpu.memory_space<hbm>>)
        tpu.yield
      }) : () -> ()
    }
    %scan3A_5 = arith.constant 84 : i32
    return
  }
}

#map = affine_map<(d0, d1) -> (0, 0)>
#map1 = affine_map<(d0, d1) -> (0)>
module attributes {stable_mosaic.version = 14 : i64} {
  func.func @row_gather(%arg0: i32, %arg1: i32, %arg2: memref<10000x128xf32, #tpu.memory_space<hbm>>, %arg3: memref<322560xi32, #tpu.memory_space<hbm>>, %arg4: memref<322560x128xf32, #tpu.memory_space<hbm>>, %arg5: memref<120xi32, #tpu.memory_space<vmem>>, %arg6: memref<120x128xf32, #tpu.memory_space<vmem>>, %arg7: memref<!tpu.dma_semaphore, #tpu.memory_space<semaphore_mem>>) attributes {dimension_semantics = [#tpu.dimension_semantics<core_parallel>, #tpu.dimension_semantics<subcore_parallel>], iteration_bounds = array<i64: 2, 16>, scalar_prefetch = 0 : i64, scratch_operands = 3 : i64, tpu.core_type = #tpu.core_type<sc_vector_subcore>, window_params = [{transform_indices = #map}, {transform_indices = #map1}, {transform_indices = #map}]} {
    %mul3A = arith.constant 2 : i32
    %mul3A_0 = arith.muli %arg1, %mul3A : i32
    %add3A = arith.addi %mul3A_0, %arg0 : i32
    %scan3A = arith.constant 0 : i32
    %scan3A_1 = arith.constant 0 : i32
    %scan3A_2 = arith.constant 84 : i32
    %scan3A_3 = arith.addi %scan3A_1, %scan3A_2 : i32
    %scan3A_4 = arith.constant 1 : i32
    scf.for %scan3A_6 = %scan3A_1 to %scan3A_3 step %scan3A_4  : i32 {
      %mul3A_7 = arith.constant 10080 : i32
      %mul3A_8 = arith.muli %add3A, %mul3A_7 : i32
      %mul3A_9 = arith.constant 120 : i32
      %mul3A_10 = arith.muli %scan3A_6, %mul3A_9 : i32
      %add3A_11 = arith.addi %mul3A_8, %mul3A_10 : i32
      "tpu.region"() ({
        %run_scoped3A = tpu.sem_alloc : memref<!tpu.dma_semaphore, #tpu.memory_space<semaphore_mem>>
        %dma_start3A_16 = tpu.memref_slice %arg3[%add3A_11] : memref<322560xi32, #tpu.memory_space<hbm>> -> memref<120xi32, #tpu.memory_space<hbm>>
        %dma_start3A_17 = tpu.memref_slice %arg3[%add3A_11] : memref<322560xi32, #tpu.memory_space<hbm>> -> memref<120xi32, #tpu.memory_space<hbm>>
        tpu.enqueue_dma source(%dma_start3A_17 : memref<120xi32, #tpu.memory_space<hbm>>) target(%arg5 : memref<120xi32, #tpu.memory_space<vmem>>) target_semaphore(%run_scoped3A : memref<!tpu.dma_semaphore, #tpu.memory_space<semaphore_mem>>)
        %dma_wait3A_18 = tpu.memref_slice %arg3[%add3A_11] : memref<322560xi32, #tpu.memory_space<hbm>> -> memref<120xi32, #tpu.memory_space<hbm>>
        %dma_wait3A_19 = tpu.memref_slice %arg3[%add3A_11] : memref<322560xi32, #tpu.memory_space<hbm>> -> memref<120xi32, #tpu.memory_space<hbm>>
        tpu.wait_dma2 semaphore(%run_scoped3A : memref<!tpu.dma_semaphore, #tpu.memory_space<semaphore_mem>>) src(%dma_wait3A_19 : memref<120xi32, #tpu.memory_space<hbm>>) dst(%arg5 : memref<120xi32, #tpu.memory_space<vmem>>)
        tpu.yield
      }) : () -> ()
      %dma_start3A = arith.constant 0 : i32
      %dma_start3A_12 = arith.constant 0 : i32
      %dma_start3A_13 = tpu.memref_slice %arg2[%dma_start3A, %dma_start3A_12] : memref<10000x128xf32, #tpu.memory_space<hbm>> -> memref<10000x128xf32, #tpu.memory_space<hbm>>
      tpu.enqueue_indirect_dma source(%dma_start3A_13 : memref<10000x128xf32, #tpu.memory_space<hbm>>) target(%arg6 : memref<120x128xf32, #tpu.memory_space<vmem>>) offsets(%arg5 : memref<120xi32, #tpu.memory_space<vmem>>) semaphore(%arg7 : memref<!tpu.dma_semaphore, #tpu.memory_space<semaphore_mem>>)
      %dma_wait3A = arith.constant 0 : i32
      %dma_wait3A_14 = arith.constant 0 : i32
      %dma_wait3A_15 = tpu.memref_slice %arg2[%dma_wait3A, %dma_wait3A_14] : memref<10000x128xf32, #tpu.memory_space<hbm>> -> memref<10000x128xf32, #tpu.memory_space<hbm>>
      tpu.wait_indirect_dma semaphore(%arg7 : memref<!tpu.dma_semaphore, #tpu.memory_space<semaphore_mem>>) src(%dma_wait3A_15 : memref<10000x128xf32, #tpu.memory_space<hbm>>) dst(%arg6 : memref<120x128xf32, #tpu.memory_space<vmem>>)
      "tpu.region"() ({
        %run_scoped3A = tpu.sem_alloc : memref<!tpu.dma_semaphore, #tpu.memory_space<semaphore_mem>>
        %dma_start3A_16 = arith.constant 0 : i32
        %dma_start3A_17 = tpu.memref_slice %arg4[%add3A_11, %dma_start3A_16] : memref<322560x128xf32, #tpu.memory_space<hbm>> -> memref<120x128xf32, #tpu.memory_space<hbm>>
        %dma_start3A_18 = arith.constant 0 : i32
        %dma_start3A_19 = tpu.memref_slice %arg4[%add3A_11, %dma_start3A_18] : memref<322560x128xf32, #tpu.memory_space<hbm>> -> memref<120x128xf32, #tpu.memory_space<hbm>>
        tpu.enqueue_dma source(%arg6 : memref<120x128xf32, #tpu.memory_space<vmem>>) target(%dma_start3A_19 : memref<120x128xf32, #tpu.memory_space<hbm>>) target_semaphore(%run_scoped3A : memref<!tpu.dma_semaphore, #tpu.memory_space<semaphore_mem>>)
        %dma_wait3A_20 = arith.constant 0 : i32
        %dma_wait3A_21 = tpu.memref_slice %arg4[%add3A_11, %dma_wait3A_20] : memref<322560x128xf32, #tpu.memory_space<hbm>> -> memref<120x128xf32, #tpu.memory_space<hbm>>
        %dma_wait3A_22 = arith.constant 0 : i32
        %dma_wait3A_23 = tpu.memref_slice %arg4[%add3A_11, %dma_wait3A_22] : memref<322560x128xf32, #tpu.memory_space<hbm>> -> memref<120x128xf32, #tpu.memory_space<hbm>>
        tpu.wait_dma2 semaphore(%run_scoped3A : memref<!tpu.dma_semaphore, #tpu.memory_space<semaphore_mem>>) src(%arg6 : memref<120x128xf32, #tpu.memory_space<vmem>>) dst(%dma_wait3A_23 : memref<120x128xf32, #tpu.memory_space<hbm>>)
        tpu.yield
      }) : () -> ()
    }
    %scan3A_5 = arith.constant 84 : i32
    return
  }
}

module attributes {stable_mosaic.version = 14 : i64} {
  func.func @_sort_kernel(%arg0: memref<4096x128xf32, #tpu.memory_space<vmem>>, %arg1: memref<4096x128xi32, #tpu.memory_space<vmem>>, %arg2: memref<4096x128xi32, #tpu.memory_space<vmem>>, %arg3: memref<8192x128xi32, #tpu.memory_space<vmem>>, %arg4: memref<8192x128xi32, #tpu.memory_space<vmem>>) attributes {dimension_semantics = [], scalar_prefetch = 0 : i64, scratch_operands = 2 : i64, tpu.core_type = #tpu.core_type<tc>} {
    %iota3A = tpu.iota {dimensions = array<i32: 0>} : vector<4096x128xi32>
    %iota3A_0 = tpu.iota {dimensions = array<i32: 1>} : vector<4096x128xi32>
    %mul3A = arith.constant 128 : i32
    %mul3A_1 = vector.broadcast %mul3A : i32 to vector<4096x128xi32>
    %mul3A_2 = arith.muli %iota3A, %mul3A_1 : vector<4096x128xi32>
    %add3A = arith.addi %mul3A_2, %iota3A_0 : vector<4096x128xi32>
    %get3A = arith.constant 0 : index
    %get3A_3 = arith.constant 0 : index
    %get3A_4 = vector.load %arg0[%get3A, %get3A_3] : memref<4096x128xf32, #tpu.memory_space<vmem>>, vector<4096x128xf32>
    %bitcast_convert_type3A = tpu.bitcast %get3A_4 : vector<4096x128xf32> -> vector<4096x128xi32>
    %ge3A = arith.constant -2147483648 : i32
    %ge3A_5 = vector.broadcast %ge3A : i32 to vector<4096x128xi32>
    %ge3A_6 = arith.cmpi uge, %bitcast_convert_type3A, %ge3A_5 : vector<4096x128xi32>
    %jit3A = arith.constant -1 : i32
    %jit3A_7 = arith.constant -2147483648 : i32
    %broadcast_in_dim3A = vector.broadcast %jit3A : i32 to vector<4096x128xi32>
    %broadcast_in_dim3A_8 = vector.broadcast %jit3A_7 : i32 to vector<4096x128xi32>
    %select_n3A = arith.select %ge3A_6, %broadcast_in_dim3A, %broadcast_in_dim3A_8 : vector<4096x128xi1>, vector<4096x128xi32>
    %xor3A = arith.xori %bitcast_convert_type3A, %select_n3A : vector<4096x128xi32>
    %ge3A_9 = arith.constant 320000 : i32
    %ge3A_10 = vector.broadcast %ge3A_9 : i32 to vector<4096x128xi32>
    %ge3A_11 = arith.cmpi sge, %add3A, %ge3A_10 : vector<4096x128xi32>
    %jit3A_12 = arith.constant -1 : i32
    %broadcast_in_dim3A_13 = vector.broadcast %jit3A_12 : i32 to vector<4096x128xi32>
    %select_n3A_14 = arith.select %ge3A_11, %broadcast_in_dim3A_13, %xor3A : vector<4096x128xi1>, vector<4096x128xi32>
    %jit3A_15 = arith.constant 2147483647 : i32
    %broadcast_in_dim3A_16 = vector.broadcast %jit3A_15 : i32 to vector<4096x128xi32>
    %select_n3A_17 = arith.select %ge3A_11, %broadcast_in_dim3A_16, %add3A : vector<4096x128xi1>, vector<4096x128xi32>
    %scan3A = arith.constant 1 : i32
    %scan3A_18 = arith.constant 19 : i32
    %scan3A_19 = arith.addi %scan3A, %scan3A_18 : i32
    %scan3A_20 = arith.constant 1 : i32
    %scan3A_21:2 = scf.for %scan3A_236 = %scan3A to %scan3A_19 step %scan3A_20 iter_args(%scan3A_237 = %select_n3A_14, %scan3A_238 = %select_n3A_17) -> (vector<4096x128xi32>, vector<4096x128xi32>)  : i32 {
      %shift_left3A = arith.constant 1 : i32
      %shift_left3A_239 = arith.shli %shift_left3A, %scan3A_236 : i32
      %sub3A_240 = arith.constant 7 : i32
      %sub3A_241 = arith.subi %scan3A_236, %sub3A_240 : i32
      %max3A_242 = arith.constant 0 : i32
      %max3A_243 = arith.maxsi %sub3A_241, %max3A_242 : i32
      %while3A = arith.constant 0 : i32
      %while3A_244 = arith.subi %max3A_243, %while3A : i32
      %while3A_245 = arith.addi %while3A, %while3A_244 : i32
      %while3A_246 = arith.constant 1 : i32
      %while3A_247 = arith.divsi %while3A_244, %while3A_246 : i32
      %while3A_248 = arith.muli %while3A_247, %while3A_246 : i32
      %while3A_249 = arith.addi %while3A, %while3A_248 : i32
      %while3A_250 = arith.constant 1 : i32
      %while3A_251:2 = scf.for %while3A_586 = %while3A to %while3A_249 step %while3A_250 iter_args(%while3A_587 = %scan3A_237, %while3A_588 = %scan3A_238) -> (vector<4096x128xi32>, vector<4096x128xi32>)  : i32 {
        %shift_right_arithmetic3A_589 = arith.constant 8 : i32
        %shift_right_arithmetic3A_590 = arith.shrsi %shift_left3A_239, %shift_right_arithmetic3A_589 : i32
        %shift_right_arithmetic3A_591 = arith.shrsi %shift_right_arithmetic3A_590, %while3A_586 : i32
        %swap3A_592 = arith.constant 2048 : index
        %swap3A_593 = arith.constant 0 : index
        %swap3A_594 = vector.load %arg3[%swap3A_592, %swap3A_593] : memref<8192x128xi32, #tpu.memory_space<vmem>>, vector<4096x128xi32>
        tpu.vector_store %arg3[%swap3A_592, %swap3A_593], %while3A_587 {strides = array<i32>} : memref<8192x128xi32, #tpu.memory_space<vmem>>, vector<4096x128xi32>,
        %add3A_595 = arith.constant 2048 : i32
        %add3A_596 = arith.addi %add3A_595, %shift_right_arithmetic3A_591 : i32
        %get3A_597 = arith.index_cast %add3A_596 : i32 to index
        %get3A_598 = arith.constant 0 : index
        %get3A_599 = vector.load %arg3[%get3A_597, %get3A_598] : memref<8192x128xi32, #tpu.memory_space<vmem>>, vector<4096x128xi32>
        %sub3A_600 = arith.constant 2048 : i32
        %sub3A_601 = arith.subi %sub3A_600, %shift_right_arithmetic3A_591 : i32
        %get3A_602 = arith.index_cast %sub3A_601 : i32 to index
        %get3A_603 = arith.constant 0 : index
        %get3A_604 = vector.load %arg3[%get3A_602, %get3A_603] : memref<8192x128xi32, #tpu.memory_space<vmem>>, vector<4096x128xi32>
        %swap3A_605 = arith.constant 2048 : index
        %swap3A_606 = arith.constant 0 : index
        %swap3A_607 = vector.load %arg4[%swap3A_605, %swap3A_606] : memref<8192x128xi32, #tpu.memory_space<vmem>>, vector<4096x128xi32>
        tpu.vector_store %arg4[%swap3A_605, %swap3A_606], %while3A_588 {strides = array<i32>} : memref<8192x128xi32, #tpu.memory_space<vmem>>, vector<4096x128xi32>,
        %add3A_608 = arith.constant 2048 : i32
        %add3A_609 = arith.addi %add3A_608, %shift_right_arithmetic3A_591 : i32
        %get3A_610 = arith.index_cast %add3A_609 : i32 to index
        %get3A_611 = arith.constant 0 : index
        %get3A_612 = vector.load %arg4[%get3A_610, %get3A_611] : memref<8192x128xi32, #tpu.memory_space<vmem>>, vector<4096x128xi32>
        %sub3A_613 = arith.constant 2048 : i32
        %sub3A_614 = arith.subi %sub3A_613, %shift_right_arithmetic3A_591 : i32
        %get3A_615 = arith.index_cast %sub3A_614 : i32 to index
        %get3A_616 = arith.constant 0 : index
        %get3A_617 = vector.load %arg4[%get3A_615, %get3A_616] : memref<8192x128xi32, #tpu.memory_space<vmem>>, vector<4096x128xi32>
        %and3A_618 = vector.broadcast %shift_right_arithmetic3A_591 : i32 to vector<4096x128xi32>
        %and3A_619 = arith.andi %iota3A, %and3A_618 : vector<4096x128xi32>
        %eq3A_620 = arith.constant 0 : i32
        %eq3A_621 = vector.broadcast %eq3A_620 : i32 to vector<4096x128xi32>
        %eq3A_622 = arith.cmpi eq, %and3A_619, %eq3A_621 : vector<4096x128xi32>
        %select_n3A_623 = arith.select %eq3A_622, %get3A_599, %get3A_604 : vector<4096x128xi1>, vector<4096x128xi32>
        %select_n3A_624 = arith.select %eq3A_622, %get3A_612, %get3A_617 : vector<4096x128xi1>, vector<4096x128xi32>
        %shift_left3A_625 = arith.constant 7 : i32
        %shift_left3A_626 = arith.shli %shift_right_arithmetic3A_591, %shift_left3A_625 : i32
        %lt3A_627 = arith.cmpi ult, %while3A_587, %select_n3A_623 : vector<4096x128xi32>
        %eq3A_628 = arith.cmpi eq, %while3A_587, %select_n3A_623 : vector<4096x128xi32>
        %lt3A_629 = arith.cmpi slt, %while3A_588, %select_n3A_624 : vector<4096x128xi32>
        %and3A_630 = arith.andi %eq3A_628, %lt3A_629 : vector<4096x128xi1>
        %or3A_631 = arith.ori %lt3A_627, %and3A_630 : vector<4096x128xi1>
        %and3A_632 = vector.broadcast %shift_left3A_626 : i32 to vector<4096x128xi32>
        %and3A_633 = arith.andi %add3A, %and3A_632 : vector<4096x128xi32>
        %eq3A_634 = arith.constant 0 : i32
        %eq3A_635 = vector.broadcast %eq3A_634 : i32 to vector<4096x128xi32>
        %eq3A_636 = arith.cmpi eq, %and3A_633, %eq3A_635 : vector<4096x128xi32>
        %and3A_637 = vector.broadcast %shift_left3A_239 : i32 to vector<4096x128xi32>
        %and3A_638 = arith.andi %add3A, %and3A_637 : vector<4096x128xi32>
        %eq3A_639 = arith.constant 0 : i32
        %eq3A_640 = vector.broadcast %eq3A_639 : i32 to vector<4096x128xi32>
        %eq3A_641 = arith.cmpi eq, %and3A_638, %eq3A_640 : vector<4096x128xi32>
        %eq3A_642 = arith.xori %eq3A_636, %eq3A_641 : vector<4096x128xi1>
        %eq3A_643 = arith.constant dense<true> : vector<4096x128xi1>
        %eq3A_644 = arith.xori %eq3A_642, %eq3A_643 : vector<4096x128xi1>
        %eq3A_645 = arith.xori %eq3A_644, %or3A_631 : vector<4096x128xi1>
        %eq3A_646 = arith.constant dense<true> : vector<4096x128xi1>
        %eq3A_647 = arith.xori %eq3A_645, %eq3A_646 : vector<4096x128xi1>
        %select_n3A_648 = arith.select %eq3A_647, %while3A_587, %select_n3A_623 : vector<4096x128xi1>, vector<4096x128xi32>
        %select_n3A_649 = arith.select %eq3A_647, %while3A_588, %select_n3A_624 : vector<4096x128xi1>, vector<4096x128xi32>
        scf.yield %select_n3A_648, %select_n3A_649 : vector<4096x128xi32>, vector<4096x128xi32>
      }
      %while3A_252 = arith.constant 1 : i32
      %while3A_253:2 = scf.for %while3A_586 = %while3A_249 to %while3A_245 step %while3A_252 iter_args(%while3A_587 = %while3A_251#0, %while3A_588 = %while3A_251#1) -> (vector<4096x128xi32>, vector<4096x128xi32>)  : i32 {
        %shift_right_arithmetic3A_589 = arith.constant 8 : i32
        %shift_right_arithmetic3A_590 = arith.shrsi %shift_left3A_239, %shift_right_arithmetic3A_589 : i32
        %shift_right_arithmetic3A_591 = arith.shrsi %shift_right_arithmetic3A_590, %while3A_586 : i32
        %swap3A_592 = arith.constant 2048 : index
        %swap3A_593 = arith.constant 0 : index
        %swap3A_594 = vector.load %arg3[%swap3A_592, %swap3A_593] : memref<8192x128xi32, #tpu.memory_space<vmem>>, vector<4096x128xi32>
        tpu.vector_store %arg3[%swap3A_592, %swap3A_593], %while3A_587 {strides = array<i32>} : memref<8192x128xi32, #tpu.memory_space<vmem>>, vector<4096x128xi32>,
        %add3A_595 = arith.constant 2048 : i32
        %add3A_596 = arith.addi %add3A_595, %shift_right_arithmetic3A_591 : i32
        %get3A_597 = arith.index_cast %add3A_596 : i32 to index
        %get3A_598 = arith.constant 0 : index
        %get3A_599 = vector.load %arg3[%get3A_597, %get3A_598] : memref<8192x128xi32, #tpu.memory_space<vmem>>, vector<4096x128xi32>
        %sub3A_600 = arith.constant 2048 : i32
        %sub3A_601 = arith.subi %sub3A_600, %shift_right_arithmetic3A_591 : i32
        %get3A_602 = arith.index_cast %sub3A_601 : i32 to index
        %get3A_603 = arith.constant 0 : index
        %get3A_604 = vector.load %arg3[%get3A_602, %get3A_603] : memref<8192x128xi32, #tpu.memory_space<vmem>>, vector<4096x128xi32>
        %swap3A_605 = arith.constant 2048 : index
        %swap3A_606 = arith.constant 0 : index
        %swap3A_607 = vector.load %arg4[%swap3A_605, %swap3A_606] : memref<8192x128xi32, #tpu.memory_space<vmem>>, vector<4096x128xi32>
        tpu.vector_store %arg4[%swap3A_605, %swap3A_606], %while3A_588 {strides = array<i32>} : memref<8192x128xi32, #tpu.memory_space<vmem>>, vector<4096x128xi32>,
        %add3A_608 = arith.constant 2048 : i32
        %add3A_609 = arith.addi %add3A_608, %shift_right_arithmetic3A_591 : i32
        %get3A_610 = arith.index_cast %add3A_609 : i32 to index
        %get3A_611 = arith.constant 0 : index
        %get3A_612 = vector.load %arg4[%get3A_610, %get3A_611] : memref<8192x128xi32, #tpu.memory_space<vmem>>, vector<4096x128xi32>
        %sub3A_613 = arith.constant 2048 : i32
        %sub3A_614 = arith.subi %sub3A_613, %shift_right_arithmetic3A_591 : i32
        %get3A_615 = arith.index_cast %sub3A_614 : i32 to index
        %get3A_616 = arith.constant 0 : index
        %get3A_617 = vector.load %arg4[%get3A_615, %get3A_616] : memref<8192x128xi32, #tpu.memory_space<vmem>>, vector<4096x128xi32>
        %and3A_618 = vector.broadcast %shift_right_arithmetic3A_591 : i32 to vector<4096x128xi32>
        %and3A_619 = arith.andi %iota3A, %and3A_618 : vector<4096x128xi32>
        %eq3A_620 = arith.constant 0 : i32
        %eq3A_621 = vector.broadcast %eq3A_620 : i32 to vector<4096x128xi32>
        %eq3A_622 = arith.cmpi eq, %and3A_619, %eq3A_621 : vector<4096x128xi32>
        %select_n3A_623 = arith.select %eq3A_622, %get3A_599, %get3A_604 : vector<4096x128xi1>, vector<4096x128xi32>
        %select_n3A_624 = arith.select %eq3A_622, %get3A_612, %get3A_617 : vector<4096x128xi1>, vector<4096x128xi32>
        %shift_left3A_625 = arith.constant 7 : i32
        %shift_left3A_626 = arith.shli %shift_right_arithmetic3A_591, %shift_left3A_625 : i32
        %lt3A_627 = arith.cmpi ult, %while3A_587, %select_n3A_623 : vector<4096x128xi32>
        %eq3A_628 = arith.cmpi eq, %while3A_587, %select_n3A_623 : vector<4096x128xi32>
        %lt3A_629 = arith.cmpi slt, %while3A_588, %select_n3A_624 : vector<4096x128xi32>
        %and3A_630 = arith.andi %eq3A_628, %lt3A_629 : vector<4096x128xi1>
        %or3A_631 = arith.ori %lt3A_627, %and3A_630 : vector<4096x128xi1>
        %and3A_632 = vector.broadcast %shift_left3A_626 : i32 to vector<4096x128xi32>
        %and3A_633 = arith.andi %add3A, %and3A_632 : vector<4096x128xi32>
        %eq3A_634 = arith.constant 0 : i32
        %eq3A_635 = vector.broadcast %eq3A_634 : i32 to vector<4096x128xi32>
        %eq3A_636 = arith.cmpi eq, %and3A_633, %eq3A_635 : vector<4096x128xi32>
        %and3A_637 = vector.broadcast %shift_left3A_239 : i32 to vector<4096x128xi32>
        %and3A_638 = arith.andi %add3A, %and3A_637 : vector<4096x128xi32>
        %eq3A_639 = arith.constant 0 : i32
        %eq3A_640 = vector.broadcast %eq3A_639 : i32 to vector<4096x128xi32>
        %eq3A_641 = arith.cmpi eq, %and3A_638, %eq3A_640 : vector<4096x128xi32>
        %eq3A_642 = arith.xori %eq3A_636, %eq3A_641 : vector<4096x128xi1>
        %eq3A_643 = arith.constant dense<true> : vector<4096x128xi1>
        %eq3A_644 = arith.xori %eq3A_642, %eq3A_643 : vector<4096x128xi1>
        %eq3A_645 = arith.xori %eq3A_644, %or3A_631 : vector<4096x128xi1>
        %eq3A_646 = arith.constant dense<true> : vector<4096x128xi1>
        %eq3A_647 = arith.xori %eq3A_645, %eq3A_646 : vector<4096x128xi1>
        %select_n3A_648 = arith.select %eq3A_647, %while3A_587, %select_n3A_623 : vector<4096x128xi1>, vector<4096x128xi32>
        %select_n3A_649 = arith.select %eq3A_647, %while3A_588, %select_n3A_624 : vector<4096x128xi1>, vector<4096x128xi32>
        scf.yield %select_n3A_648, %select_n3A_649 : vector<4096x128xi32>, vector<4096x128xi32>
      }
      %roll3A_254 = arith.constant 64 : i32
      %roll3A_255 = tpu.dynamic_rotate %while3A_253#0 by %roll3A_254 dim 1 : vector<4096x128xi32>, i32 -> vector<4096x128xi32>
      %roll3A_256 = arith.constant 64 : i32
      %roll3A_257 = tpu.dynamic_rotate %while3A_253#0 by %roll3A_256 dim 1 : vector<4096x128xi32>, i32 -> vector<4096x128xi32>
      %roll3A_258 = arith.constant 64 : i32
      %roll3A_259 = tpu.dynamic_rotate %while3A_253#1 by %roll3A_258 dim 1 : vector<4096x128xi32>, i32 -> vector<4096x128xi32>
      %roll3A_260 = arith.constant 64 : i32
      %roll3A_261 = tpu.dynamic_rotate %while3A_253#1 by %roll3A_260 dim 1 : vector<4096x128xi32>, i32 -> vector<4096x128xi32>
      %and3A = arith.constant 64 : i32
      %and3A_262 = vector.broadcast %and3A : i32 to vector<4096x128xi32>
      %and3A_263 = arith.andi %iota3A_0, %and3A_262 : vector<4096x128xi32>
      %eq3A_264 = arith.constant 0 : i32
      %eq3A_265 = vector.broadcast %eq3A_264 : i32 to vector<4096x128xi32>
      %eq3A_266 = arith.cmpi eq, %and3A_263, %eq3A_265 : vector<4096x128xi32>
      %select_n3A_267 = arith.select %eq3A_266, %roll3A_255, %roll3A_257 : vector<4096x128xi1>, vector<4096x128xi32>
      %select_n3A_268 = arith.select %eq3A_266, %roll3A_259, %roll3A_261 : vector<4096x128xi1>, vector<4096x128xi32>
      %shift_right_arithmetic3A = arith.constant 1 : i32
      %shift_right_arithmetic3A_269 = arith.shrsi %shift_left3A_239, %shift_right_arithmetic3A : i32
      %le3A = arith.constant 64 : i32
      %le3A_270 = arith.cmpi sle, %le3A, %shift_right_arithmetic3A_269 : i32
      %broadcast_in_dim3A_271 = vector.broadcast %le3A_270 : i1 to vector<4096x128xi1>
      %lt3A_272 = arith.cmpi ult, %while3A_253#0, %select_n3A_267 : vector<4096x128xi32>
      %eq3A_273 = arith.cmpi eq, %while3A_253#0, %select_n3A_267 : vector<4096x128xi32>
      %lt3A_274 = arith.cmpi slt, %while3A_253#1, %select_n3A_268 : vector<4096x128xi32>
      %and3A_275 = arith.andi %eq3A_273, %lt3A_274 : vector<4096x128xi1>
      %or3A_276 = arith.ori %lt3A_272, %and3A_275 : vector<4096x128xi1>
      %and3A_277 = arith.constant 64 : i32
      %and3A_278 = vector.broadcast %and3A_277 : i32 to vector<4096x128xi32>
      %and3A_279 = arith.andi %add3A, %and3A_278 : vector<4096x128xi32>
      %eq3A_280 = arith.constant 0 : i32
      %eq3A_281 = vector.broadcast %eq3A_280 : i32 to vector<4096x128xi32>
      %eq3A_282 = arith.cmpi eq, %and3A_279, %eq3A_281 : vector<4096x128xi32>
      %and3A_283 = vector.broadcast %shift_left3A_239 : i32 to vector<4096x128xi32>
      %and3A_284 = arith.andi %add3A, %and3A_283 : vector<4096x128xi32>
      %eq3A_285 = arith.constant 0 : i32
      %eq3A_286 = vector.broadcast %eq3A_285 : i32 to vector<4096x128xi32>
      %eq3A_287 = arith.cmpi eq, %and3A_284, %eq3A_286 : vector<4096x128xi32>
      %eq3A_288 = arith.xori %eq3A_282, %eq3A_287 : vector<4096x128xi1>
      %eq3A_289 = arith.constant dense<true> : vector<4096x128xi1>
      %eq3A_290 = arith.xori %eq3A_288, %eq3A_289 : vector<4096x128xi1>
      %eq3A_291 = arith.xori %eq3A_290, %or3A_276 : vector<4096x128xi1>
      %eq3A_292 = arith.constant dense<true> : vector<4096x128xi1>
      %eq3A_293 = arith.xori %eq3A_291, %eq3A_292 : vector<4096x128xi1>
      %not3A = arith.constant dense<true> : vector<4096x128xi1>
      %not3A_294 = arith.xori %broadcast_in_dim3A_271, %not3A : vector<4096x128xi1>
      %or3A_295 = arith.ori %eq3A_293, %not3A_294 : vector<4096x128xi1>
      %select_n3A_296 = arith.select %or3A_295, %while3A_253#0, %select_n3A_267 : vector<4096x128xi1>, vector<4096x128xi32>
      %select_n3A_297 = arith.select %or3A_295, %while3A_253#1, %select_n3A_268 : vector<4096x128xi1>, vector<4096x128xi32>
      %roll3A_298 = arith.constant 96 : i32
      %roll3A_299 = tpu.dynamic_rotate %select_n3A_296 by %roll3A_298 dim 1 : vector<4096x128xi32>, i32 -> vector<4096x128xi32>
      %roll3A_300 = arith.constant 32 : i32
      %roll3A_301 = tpu.dynamic_rotate %select_n3A_296 by %roll3A_300 dim 1 : vector<4096x128xi32>, i32 -> vector<4096x128xi32>
      %roll3A_302 = arith.constant 96 : i32
      %roll3A_303 = tpu.dynamic_rotate %select_n3A_297 by %roll3A_302 dim 1 : vector<4096x128xi32>, i32 -> vector<4096x128xi32>
      %roll3A_304 = arith.constant 32 : i32
      %roll3A_305 = tpu.dynamic_rotate %select_n3A_297 by %roll3A_304 dim 1 : vector<4096x128xi32>, i32 -> vector<4096x128xi32>
      %and3A_306 = arith.constant 32 : i32
      %and3A_307 = vector.broadcast %and3A_306 : i32 to vector<4096x128xi32>
      %and3A_308 = arith.andi %iota3A_0, %and3A_307 : vector<4096x128xi32>
      %eq3A_309 = arith.constant 0 : i32
      %eq3A_310 = vector.broadcast %eq3A_309 : i32 to vector<4096x128xi32>
      %eq3A_311 = arith.cmpi eq, %and3A_308, %eq3A_310 : vector<4096x128xi32>
      %select_n3A_312 = arith.select %eq3A_311, %roll3A_299, %roll3A_301 : vector<4096x128xi1>, vector<4096x128xi32>
      %select_n3A_313 = arith.select %eq3A_311, %roll3A_303, %roll3A_305 : vector<4096x128xi1>, vector<4096x128xi32>
      %shift_right_arithmetic3A_314 = arith.constant 1 : i32
      %shift_right_arithmetic3A_315 = arith.shrsi %shift_left3A_239, %shift_right_arithmetic3A_314 : i32
      %le3A_316 = arith.constant 32 : i32
      %le3A_317 = arith.cmpi sle, %le3A_316, %shift_right_arithmetic3A_315 : i32
      %broadcast_in_dim3A_318 = vector.broadcast %le3A_317 : i1 to vector<4096x128xi1>
      %lt3A_319 = arith.cmpi ult, %select_n3A_296, %select_n3A_312 : vector<4096x128xi32>
      %eq3A_320 = arith.cmpi eq, %select_n3A_296, %select_n3A_312 : vector<4096x128xi32>
      %lt3A_321 = arith.cmpi slt, %select_n3A_297, %select_n3A_313 : vector<4096x128xi32>
      %and3A_322 = arith.andi %eq3A_320, %lt3A_321 : vector<4096x128xi1>
      %or3A_323 = arith.ori %lt3A_319, %and3A_322 : vector<4096x128xi1>
      %and3A_324 = arith.constant 32 : i32
      %and3A_325 = vector.broadcast %and3A_324 : i32 to vector<4096x128xi32>
      %and3A_326 = arith.andi %add3A, %and3A_325 : vector<4096x128xi32>
      %eq3A_327 = arith.constant 0 : i32
      %eq3A_328 = vector.broadcast %eq3A_327 : i32 to vector<4096x128xi32>
      %eq3A_329 = arith.cmpi eq, %and3A_326, %eq3A_328 : vector<4096x128xi32>
      %and3A_330 = vector.broadcast %shift_left3A_239 : i32 to vector<4096x128xi32>
      %and3A_331 = arith.andi %add3A, %and3A_330 : vector<4096x128xi32>
      %eq3A_332 = arith.constant 0 : i32
      %eq3A_333 = vector.broadcast %eq3A_332 : i32 to vector<4096x128xi32>
      %eq3A_334 = arith.cmpi eq, %and3A_331, %eq3A_333 : vector<4096x128xi32>
      %eq3A_335 = arith.xori %eq3A_329, %eq3A_334 : vector<4096x128xi1>
      %eq3A_336 = arith.constant dense<true> : vector<4096x128xi1>
      %eq3A_337 = arith.xori %eq3A_335, %eq3A_336 : vector<4096x128xi1>
      %eq3A_338 = arith.xori %eq3A_337, %or3A_323 : vector<4096x128xi1>
      %eq3A_339 = arith.constant dense<true> : vector<4096x128xi1>
      %eq3A_340 = arith.xori %eq3A_338, %eq3A_339 : vector<4096x128xi1>
      %not3A_341 = arith.constant dense<true> : vector<4096x128xi1>
      %not3A_342 = arith.xori %broadcast_in_dim3A_318, %not3A_341 : vector<4096x128xi1>
      %or3A_343 = arith.ori %eq3A_340, %not3A_342 : vector<4096x128xi1>
      %select_n3A_344 = arith.select %or3A_343, %select_n3A_296, %select_n3A_312 : vector<4096x128xi1>, vector<4096x128xi32>
      %select_n3A_345 = arith.select %or3A_343, %select_n3A_297, %select_n3A_313 : vector<4096x128xi1>, vector<4096x128xi32>
      %roll3A_346 = arith.constant 112 : i32
      %roll3A_347 = tpu.dynamic_rotate %select_n3A_344 by %roll3A_346 dim 1 : vector<4096x128xi32>, i32 -> vector<4096x128xi32>
      %roll3A_348 = arith.constant 16 : i32
      %roll3A_349 = tpu.dynamic_rotate %select_n3A_344 by %roll3A_348 dim 1 : vector<4096x128xi32>, i32 -> vector<4096x128xi32>
      %roll3A_350 = arith.constant 112 : i32
      %roll3A_351 = tpu.dynamic_rotate %select_n3A_345 by %roll3A_350 dim 1 : vector<4096x128xi32>, i32 -> vector<4096x128xi32>
      %roll3A_352 = arith.constant 16 : i32
      %roll3A_353 = tpu.dynamic_rotate %select_n3A_345 by %roll3A_352 dim 1 : vector<4096x128xi32>, i32 -> vector<4096x128xi32>
      %and3A_354 = arith.constant 16 : i32
      %and3A_355 = vector.broadcast %and3A_354 : i32 to vector<4096x128xi32>
      %and3A_356 = arith.andi %iota3A_0, %and3A_355 : vector<4096x128xi32>
      %eq3A_357 = arith.constant 0 : i32
      %eq3A_358 = vector.broadcast %eq3A_357 : i32 to vector<4096x128xi32>
      %eq3A_359 = arith.cmpi eq, %and3A_356, %eq3A_358 : vector<4096x128xi32>
      %select_n3A_360 = arith.select %eq3A_359, %roll3A_347, %roll3A_349 : vector<4096x128xi1>, vector<4096x128xi32>
      %select_n3A_361 = arith.select %eq3A_359, %roll3A_351, %roll3A_353 : vector<4096x128xi1>, vector<4096x128xi32>
      %shift_right_arithmetic3A_362 = arith.constant 1 : i32
      %shift_right_arithmetic3A_363 = arith.shrsi %shift_left3A_239, %shift_right_arithmetic3A_362 : i32
      %le3A_364 = arith.constant 16 : i32
      %le3A_365 = arith.cmpi sle, %le3A_364, %shift_right_arithmetic3A_363 : i32
      %broadcast_in_dim3A_366 = vector.broadcast %le3A_365 : i1 to vector<4096x128xi1>
      %lt3A_367 = arith.cmpi ult, %select_n3A_344, %select_n3A_360 : vector<4096x128xi32>
      %eq3A_368 = arith.cmpi eq, %select_n3A_344, %select_n3A_360 : vector<4096x128xi32>
      %lt3A_369 = arith.cmpi slt, %select_n3A_345, %select_n3A_361 : vector<4096x128xi32>
      %and3A_370 = arith.andi %eq3A_368, %lt3A_369 : vector<4096x128xi1>
      %or3A_371 = arith.ori %lt3A_367, %and3A_370 : vector<4096x128xi1>
      %and3A_372 = arith.constant 16 : i32
      %and3A_373 = vector.broadcast %and3A_372 : i32 to vector<4096x128xi32>
      %and3A_374 = arith.andi %add3A, %and3A_373 : vector<4096x128xi32>
      %eq3A_375 = arith.constant 0 : i32
      %eq3A_376 = vector.broadcast %eq3A_375 : i32 to vector<4096x128xi32>
      %eq3A_377 = arith.cmpi eq, %and3A_374, %eq3A_376 : vector<4096x128xi32>
      %and3A_378 = vector.broadcast %shift_left3A_239 : i32 to vector<4096x128xi32>
      %and3A_379 = arith.andi %add3A, %and3A_378 : vector<4096x128xi32>
      %eq3A_380 = arith.constant 0 : i32
      %eq3A_381 = vector.broadcast %eq3A_380 : i32 to vector<4096x128xi32>
      %eq3A_382 = arith.cmpi eq, %and3A_379, %eq3A_381 : vector<4096x128xi32>
      %eq3A_383 = arith.xori %eq3A_377, %eq3A_382 : vector<4096x128xi1>
      %eq3A_384 = arith.constant dense<true> : vector<4096x128xi1>
      %eq3A_385 = arith.xori %eq3A_383, %eq3A_384 : vector<4096x128xi1>
      %eq3A_386 = arith.xori %eq3A_385, %or3A_371 : vector<4096x128xi1>
      %eq3A_387 = arith.constant dense<true> : vector<4096x128xi1>
      %eq3A_388 = arith.xori %eq3A_386, %eq3A_387 : vector<4096x128xi1>
      %not3A_389 = arith.constant dense<true> : vector<4096x128xi1>
      %not3A_390 = arith.xori %broadcast_in_dim3A_366, %not3A_389 : vector<4096x128xi1>
      %or3A_391 = arith.ori %eq3A_388, %not3A_390 : vector<4096x128xi1>
      %select_n3A_392 = arith.select %or3A_391, %select_n3A_344, %select_n3A_360 : vector<4096x128xi1>, vector<4096x128xi32>
      %select_n3A_393 = arith.select %or3A_391, %select_n3A_345, %select_n3A_361 : vector<4096x128xi1>, vector<4096x128xi32>
      %roll3A_394 = arith.constant 120 : i32
      %roll3A_395 = tpu.dynamic_rotate %select_n3A_392 by %roll3A_394 dim 1 : vector<4096x128xi32>, i32 -> vector<4096x128xi32>
      %roll3A_396 = arith.constant 8 : i32
      %roll3A_397 = tpu.dynamic_rotate %select_n3A_392 by %roll3A_396 dim 1 : vector<4096x128xi32>, i32 -> vector<4096x128xi32>
      %roll3A_398 = arith.constant 120 : i32
      %roll3A_399 = tpu.dynamic_rotate %select_n3A_393 by %roll3A_398 dim 1 : vector<4096x128xi32>, i32 -> vector<4096x128xi32>
      %roll3A_400 = arith.constant 8 : i32
      %roll3A_401 = tpu.dynamic_rotate %select_n3A_393 by %roll3A_400 dim 1 : vector<4096x128xi32>, i32 -> vector<4096x128xi32>
      %and3A_402 = arith.constant 8 : i32
      %and3A_403 = vector.broadcast %and3A_402 : i32 to vector<4096x128xi32>
      %and3A_404 = arith.andi %iota3A_0, %and3A_403 : vector<4096x128xi32>
      %eq3A_405 = arith.constant 0 : i32
      %eq3A_406 = vector.broadcast %eq3A_405 : i32 to vector<4096x128xi32>
      %eq3A_407 = arith.cmpi eq, %and3A_404, %eq3A_406 : vector<4096x128xi32>
      %select_n3A_408 = arith.select %eq3A_407, %roll3A_395, %roll3A_397 : vector<4096x128xi1>, vector<4096x128xi32>
      %select_n3A_409 = arith.select %eq3A_407, %roll3A_399, %roll3A_401 : vector<4096x128xi1>, vector<4096x128xi32>
      %shift_right_arithmetic3A_410 = arith.constant 1 : i32
      %shift_right_arithmetic3A_411 = arith.shrsi %shift_left3A_239, %shift_right_arithmetic3A_410 : i32
      %le3A_412 = arith.constant 8 : i32
      %le3A_413 = arith.cmpi sle, %le3A_412, %shift_right_arithmetic3A_411 : i32
      %broadcast_in_dim3A_414 = vector.broadcast %le3A_413 : i1 to vector<4096x128xi1>
      %lt3A_415 = arith.cmpi ult, %select_n3A_392, %select_n3A_408 : vector<4096x128xi32>
      %eq3A_416 = arith.cmpi eq, %select_n3A_392, %select_n3A_408 : vector<4096x128xi32>
      %lt3A_417 = arith.cmpi slt, %select_n3A_393, %select_n3A_409 : vector<4096x128xi32>
      %and3A_418 = arith.andi %eq3A_416, %lt3A_417 : vector<4096x128xi1>
      %or3A_419 = arith.ori %lt3A_415, %and3A_418 : vector<4096x128xi1>
      %and3A_420 = arith.constant 8 : i32
      %and3A_421 = vector.broadcast %and3A_420 : i32 to vector<4096x128xi32>
      %and3A_422 = arith.andi %add3A, %and3A_421 : vector<4096x128xi32>
      %eq3A_423 = arith.constant 0 : i32
      %eq3A_424 = vector.broadcast %eq3A_423 : i32 to vector<4096x128xi32>
      %eq3A_425 = arith.cmpi eq, %and3A_422, %eq3A_424 : vector<4096x128xi32>
      %and3A_426 = vector.broadcast %shift_left3A_239 : i32 to vector<4096x128xi32>
      %and3A_427 = arith.andi %add3A, %and3A_426 : vector<4096x128xi32>
      %eq3A_428 = arith.constant 0 : i32
      %eq3A_429 = vector.broadcast %eq3A_428 : i32 to vector<4096x128xi32>
      %eq3A_430 = arith.cmpi eq, %and3A_427, %eq3A_429 : vector<4096x128xi32>
      %eq3A_431 = arith.xori %eq3A_425, %eq3A_430 : vector<4096x128xi1>
      %eq3A_432 = arith.constant dense<true> : vector<4096x128xi1>
      %eq3A_433 = arith.xori %eq3A_431, %eq3A_432 : vector<4096x128xi1>
      %eq3A_434 = arith.xori %eq3A_433, %or3A_419 : vector<4096x128xi1>
      %eq3A_435 = arith.constant dense<true> : vector<4096x128xi1>
      %eq3A_436 = arith.xori %eq3A_434, %eq3A_435 : vector<4096x128xi1>
      %not3A_437 = arith.constant dense<true> : vector<4096x128xi1>
      %not3A_438 = arith.xori %broadcast_in_dim3A_414, %not3A_437 : vector<4096x128xi1>
      %or3A_439 = arith.ori %eq3A_436, %not3A_438 : vector<4096x128xi1>
      %select_n3A_440 = arith.select %or3A_439, %select_n3A_392, %select_n3A_408 : vector<4096x128xi1>, vector<4096x128xi32>
      %select_n3A_441 = arith.select %or3A_439, %select_n3A_393, %select_n3A_409 : vector<4096x128xi1>, vector<4096x128xi32>
      %roll3A_442 = arith.constant 124 : i32
      %roll3A_443 = tpu.dynamic_rotate %select_n3A_440 by %roll3A_442 dim 1 : vector<4096x128xi32>, i32 -> vector<4096x128xi32>
      %roll3A_444 = arith.constant 4 : i32
      %roll3A_445 = tpu.dynamic_rotate %select_n3A_440 by %roll3A_444 dim 1 : vector<4096x128xi32>, i32 -> vector<4096x128xi32>
      %roll3A_446 = arith.constant 124 : i32
      %roll3A_447 = tpu.dynamic_rotate %select_n3A_441 by %roll3A_446 dim 1 : vector<4096x128xi32>, i32 -> vector<4096x128xi32>
      %roll3A_448 = arith.constant 4 : i32
      %roll3A_449 = tpu.dynamic_rotate %select_n3A_441 by %roll3A_448 dim 1 : vector<4096x128xi32>, i32 -> vector<4096x128xi32>
      %and3A_450 = arith.constant 4 : i32
      %and3A_451 = vector.broadcast %and3A_450 : i32 to vector<4096x128xi32>
      %and3A_452 = arith.andi %iota3A_0, %and3A_451 : vector<4096x128xi32>
      %eq3A_453 = arith.constant 0 : i32
      %eq3A_454 = vector.broadcast %eq3A_453 : i32 to vector<4096x128xi32>
      %eq3A_455 = arith.cmpi eq, %and3A_452, %eq3A_454 : vector<4096x128xi32>
      %select_n3A_456 = arith.select %eq3A_455, %roll3A_443, %roll3A_445 : vector<4096x128xi1>, vector<4096x128xi32>
      %select_n3A_457 = arith.select %eq3A_455, %roll3A_447, %roll3A_449 : vector<4096x128xi1>, vector<4096x128xi32>
      %shift_right_arithmetic3A_458 = arith.constant 1 : i32
      %shift_right_arithmetic3A_459 = arith.shrsi %shift_left3A_239, %shift_right_arithmetic3A_458 : i32
      %le3A_460 = arith.constant 4 : i32
      %le3A_461 = arith.cmpi sle, %le3A_460, %shift_right_arithmetic3A_459 : i32
      %broadcast_in_dim3A_462 = vector.broadcast %le3A_461 : i1 to vector<4096x128xi1>
      %lt3A_463 = arith.cmpi ult, %select_n3A_440, %select_n3A_456 : vector<4096x128xi32>
      %eq3A_464 = arith.cmpi eq, %select_n3A_440, %select_n3A_456 : vector<4096x128xi32>
      %lt3A_465 = arith.cmpi slt, %select_n3A_441, %select_n3A_457 : vector<4096x128xi32>
      %and3A_466 = arith.andi %eq3A_464, %lt3A_465 : vector<4096x128xi1>
      %or3A_467 = arith.ori %lt3A_463, %and3A_466 : vector<4096x128xi1>
      %and3A_468 = arith.constant 4 : i32
      %and3A_469 = vector.broadcast %and3A_468 : i32 to vector<4096x128xi32>
      %and3A_470 = arith.andi %add3A, %and3A_469 : vector<4096x128xi32>
      %eq3A_471 = arith.constant 0 : i32
      %eq3A_472 = vector.broadcast %eq3A_471 : i32 to vector<4096x128xi32>
      %eq3A_473 = arith.cmpi eq, %and3A_470, %eq3A_472 : vector<4096x128xi32>
      %and3A_474 = vector.broadcast %shift_left3A_239 : i32 to vector<4096x128xi32>
      %and3A_475 = arith.andi %add3A, %and3A_474 : vector<4096x128xi32>
      %eq3A_476 = arith.constant 0 : i32
      %eq3A_477 = vector.broadcast %eq3A_476 : i32 to vector<4096x128xi32>
      %eq3A_478 = arith.cmpi eq, %and3A_475, %eq3A_477 : vector<4096x128xi32>
      %eq3A_479 = arith.xori %eq3A_473, %eq3A_478 : vector<4096x128xi1>
      %eq3A_480 = arith.constant dense<true> : vector<4096x128xi1>
      %eq3A_481 = arith.xori %eq3A_479, %eq3A_480 : vector<4096x128xi1>
      %eq3A_482 = arith.xori %eq3A_481, %or3A_467 : vector<4096x128xi1>
      %eq3A_483 = arith.constant dense<true> : vector<4096x128xi1>
      %eq3A_484 = arith.xori %eq3A_482, %eq3A_483 : vector<4096x128xi1>
      %not3A_485 = arith.constant dense<true> : vector<4096x128xi1>
      %not3A_486 = arith.xori %broadcast_in_dim3A_462, %not3A_485 : vector<4096x128xi1>
      %or3A_487 = arith.ori %eq3A_484, %not3A_486 : vector<4096x128xi1>
      %select_n3A_488 = arith.select %or3A_487, %select_n3A_440, %select_n3A_456 : vector<4096x128xi1>, vector<4096x128xi32>
      %select_n3A_489 = arith.select %or3A_487, %select_n3A_441, %select_n3A_457 : vector<4096x128xi1>, vector<4096x128xi32>
      %roll3A_490 = arith.constant 126 : i32
      %roll3A_491 = tpu.dynamic_rotate %select_n3A_488 by %roll3A_490 dim 1 : vector<4096x128xi32>, i32 -> vector<4096x128xi32>
      %roll3A_492 = arith.constant 2 : i32
      %roll3A_493 = tpu.dynamic_rotate %select_n3A_488 by %roll3A_492 dim 1 : vector<4096x128xi32>, i32 -> vector<4096x128xi32>
      %roll3A_494 = arith.constant 126 : i32
      %roll3A_495 = tpu.dynamic_rotate %select_n3A_489 by %roll3A_494 dim 1 : vector<4096x128xi32>, i32 -> vector<4096x128xi32>
      %roll3A_496 = arith.constant 2 : i32
      %roll3A_497 = tpu.dynamic_rotate %select_n3A_489 by %roll3A_496 dim 1 : vector<4096x128xi32>, i32 -> vector<4096x128xi32>
      %and3A_498 = arith.constant 2 : i32
      %and3A_499 = vector.broadcast %and3A_498 : i32 to vector<4096x128xi32>
      %and3A_500 = arith.andi %iota3A_0, %and3A_499 : vector<4096x128xi32>
      %eq3A_501 = arith.constant 0 : i32
      %eq3A_502 = vector.broadcast %eq3A_501 : i32 to vector<4096x128xi32>
      %eq3A_503 = arith.cmpi eq, %and3A_500, %eq3A_502 : vector<4096x128xi32>
      %select_n3A_504 = arith.select %eq3A_503, %roll3A_491, %roll3A_493 : vector<4096x128xi1>, vector<4096x128xi32>
      %select_n3A_505 = arith.select %eq3A_503, %roll3A_495, %roll3A_497 : vector<4096x128xi1>, vector<4096x128xi32>
      %shift_right_arithmetic3A_506 = arith.constant 1 : i32
      %shift_right_arithmetic3A_507 = arith.shrsi %shift_left3A_239, %shift_right_arithmetic3A_506 : i32
      %le3A_508 = arith.constant 2 : i32
      %le3A_509 = arith.cmpi sle, %le3A_508, %shift_right_arithmetic3A_507 : i32
      %broadcast_in_dim3A_510 = vector.broadcast %le3A_509 : i1 to vector<4096x128xi1>
      %lt3A_511 = arith.cmpi ult, %select_n3A_488, %select_n3A_504 : vector<4096x128xi32>
      %eq3A_512 = arith.cmpi eq, %select_n3A_488, %select_n3A_504 : vector<4096x128xi32>
      %lt3A_513 = arith.cmpi slt, %select_n3A_489, %select_n3A_505 : vector<4096x128xi32>
      %and3A_514 = arith.andi %eq3A_512, %lt3A_513 : vector<4096x128xi1>
      %or3A_515 = arith.ori %lt3A_511, %and3A_514 : vector<4096x128xi1>
      %and3A_516 = arith.constant 2 : i32
      %and3A_517 = vector.broadcast %and3A_516 : i32 to vector<4096x128xi32>
      %and3A_518 = arith.andi %add3A, %and3A_517 : vector<4096x128xi32>
      %eq3A_519 = arith.constant 0 : i32
      %eq3A_520 = vector.broadcast %eq3A_519 : i32 to vector<4096x128xi32>
      %eq3A_521 = arith.cmpi eq, %and3A_518, %eq3A_520 : vector<4096x128xi32>
      %and3A_522 = vector.broadcast %shift_left3A_239 : i32 to vector<4096x128xi32>
      %and3A_523 = arith.andi %add3A, %and3A_522 : vector<4096x128xi32>
      %eq3A_524 = arith.constant 0 : i32
      %eq3A_525 = vector.broadcast %eq3A_524 : i32 to vector<4096x128xi32>
      %eq3A_526 = arith.cmpi eq, %and3A_523, %eq3A_525 : vector<4096x128xi32>
      %eq3A_527 = arith.xori %eq3A_521, %eq3A_526 : vector<4096x128xi1>
      %eq3A_528 = arith.constant dense<true> : vector<4096x128xi1>
      %eq3A_529 = arith.xori %eq3A_527, %eq3A_528 : vector<4096x128xi1>
      %eq3A_530 = arith.xori %eq3A_529, %or3A_515 : vector<4096x128xi1>
      %eq3A_531 = arith.constant dense<true> : vector<4096x128xi1>
      %eq3A_532 = arith.xori %eq3A_530, %eq3A_531 : vector<4096x128xi1>
      %not3A_533 = arith.constant dense<true> : vector<4096x128xi1>
      %not3A_534 = arith.xori %broadcast_in_dim3A_510, %not3A_533 : vector<4096x128xi1>
      %or3A_535 = arith.ori %eq3A_532, %not3A_534 : vector<4096x128xi1>
      %select_n3A_536 = arith.select %or3A_535, %select_n3A_488, %select_n3A_504 : vector<4096x128xi1>, vector<4096x128xi32>
      %select_n3A_537 = arith.select %or3A_535, %select_n3A_489, %select_n3A_505 : vector<4096x128xi1>, vector<4096x128xi32>
      %roll3A_538 = arith.constant 127 : i32
      %roll3A_539 = tpu.dynamic_rotate %select_n3A_536 by %roll3A_538 dim 1 : vector<4096x128xi32>, i32 -> vector<4096x128xi32>
      %roll3A_540 = arith.constant 1 : i32
      %roll3A_541 = tpu.dynamic_rotate %select_n3A_536 by %roll3A_540 dim 1 : vector<4096x128xi32>, i32 -> vector<4096x128xi32>
      %roll3A_542 = arith.constant 127 : i32
      %roll3A_543 = tpu.dynamic_rotate %select_n3A_537 by %roll3A_542 dim 1 : vector<4096x128xi32>, i32 -> vector<4096x128xi32>
      %roll3A_544 = arith.constant 1 : i32
      %roll3A_545 = tpu.dynamic_rotate %select_n3A_537 by %roll3A_544 dim 1 : vector<4096x128xi32>, i32 -> vector<4096x128xi32>
      %and3A_546 = arith.constant 1 : i32
      %and3A_547 = vector.broadcast %and3A_546 : i32 to vector<4096x128xi32>
      %and3A_548 = arith.andi %iota3A_0, %and3A_547 : vector<4096x128xi32>
      %eq3A_549 = arith.constant 0 : i32
      %eq3A_550 = vector.broadcast %eq3A_549 : i32 to vector<4096x128xi32>
      %eq3A_551 = arith.cmpi eq, %and3A_548, %eq3A_550 : vector<4096x128xi32>
      %select_n3A_552 = arith.select %eq3A_551, %roll3A_539, %roll3A_541 : vector<4096x128xi1>, vector<4096x128xi32>
      %select_n3A_553 = arith.select %eq3A_551, %roll3A_543, %roll3A_545 : vector<4096x128xi1>, vector<4096x128xi32>
      %shift_right_arithmetic3A_554 = arith.constant 1 : i32
      %shift_right_arithmetic3A_555 = arith.shrsi %shift_left3A_239, %shift_right_arithmetic3A_554 : i32
      %le3A_556 = arith.constant 1 : i32
      %le3A_557 = arith.cmpi sle, %le3A_556, %shift_right_arithmetic3A_555 : i32
      %broadcast_in_dim3A_558 = vector.broadcast %le3A_557 : i1 to vector<4096x128xi1>
      %lt3A_559 = arith.cmpi ult, %select_n3A_536, %select_n3A_552 : vector<4096x128xi32>
      %eq3A_560 = arith.cmpi eq, %select_n3A_536, %select_n3A_552 : vector<4096x128xi32>
      %lt3A_561 = arith.cmpi slt, %select_n3A_537, %select_n3A_553 : vector<4096x128xi32>
      %and3A_562 = arith.andi %eq3A_560, %lt3A_561 : vector<4096x128xi1>
      %or3A_563 = arith.ori %lt3A_559, %and3A_562 : vector<4096x128xi1>
      %and3A_564 = arith.constant 1 : i32
      %and3A_565 = vector.broadcast %and3A_564 : i32 to vector<4096x128xi32>
      %and3A_566 = arith.andi %add3A, %and3A_565 : vector<4096x128xi32>
      %eq3A_567 = arith.constant 0 : i32
      %eq3A_568 = vector.broadcast %eq3A_567 : i32 to vector<4096x128xi32>
      %eq3A_569 = arith.cmpi eq, %and3A_566, %eq3A_568 : vector<4096x128xi32>
      %and3A_570 = vector.broadcast %shift_left3A_239 : i32 to vector<4096x128xi32>
      %and3A_571 = arith.andi %add3A, %and3A_570 : vector<4096x128xi32>
      %eq3A_572 = arith.constant 0 : i32
      %eq3A_573 = vector.broadcast %eq3A_572 : i32 to vector<4096x128xi32>
      %eq3A_574 = arith.cmpi eq, %and3A_571, %eq3A_573 : vector<4096x128xi32>
      %eq3A_575 = arith.xori %eq3A_569, %eq3A_574 : vector<4096x128xi1>
      %eq3A_576 = arith.constant dense<true> : vector<4096x128xi1>
      %eq3A_577 = arith.xori %eq3A_575, %eq3A_576 : vector<4096x128xi1>
      %eq3A_578 = arith.xori %eq3A_577, %or3A_563 : vector<4096x128xi1>
      %eq3A_579 = arith.constant dense<true> : vector<4096x128xi1>
      %eq3A_580 = arith.xori %eq3A_578, %eq3A_579 : vector<4096x128xi1>
      %not3A_581 = arith.constant dense<true> : vector<4096x128xi1>
      %not3A_582 = arith.xori %broadcast_in_dim3A_558, %not3A_581 : vector<4096x128xi1>
      %or3A_583 = arith.ori %eq3A_580, %not3A_582 : vector<4096x128xi1>
      %select_n3A_584 = arith.select %or3A_583, %select_n3A_536, %select_n3A_552 : vector<4096x128xi1>, vector<4096x128xi32>
      %select_n3A_585 = arith.select %or3A_583, %select_n3A_537, %select_n3A_553 : vector<4096x128xi1>, vector<4096x128xi32>
      scf.yield %select_n3A_584, %select_n3A_585 : vector<4096x128xi32>, vector<4096x128xi32>
    }
    %scan3A_22 = arith.constant 19 : i32
    %swap3A = arith.constant 0 : index
    %swap3A_23 = arith.constant 0 : index
    %swap3A_24 = vector.load %arg1[%swap3A, %swap3A_23] : memref<4096x128xi32, #tpu.memory_space<vmem>>, vector<4096x128xi32>
    tpu.vector_store %arg1[%swap3A, %swap3A_23], %scan3A_21#1 {strides = array<i32>} : memref<4096x128xi32, #tpu.memory_space<vmem>>, vector<4096x128xi32>,
    %swap3A_25 = arith.constant 2048 : index
    %swap3A_26 = arith.constant 0 : index
    %swap3A_27 = vector.load %arg3[%swap3A_25, %swap3A_26] : memref<8192x128xi32, #tpu.memory_space<vmem>>, vector<4096x128xi32>
    tpu.vector_store %arg3[%swap3A_25, %swap3A_26], %scan3A_21#0 {strides = array<i32>} : memref<8192x128xi32, #tpu.memory_space<vmem>>, vector<4096x128xi32>,
    %get3A_28 = arith.constant 2047 : index
    %get3A_29 = arith.constant 0 : index
    %get3A_30 = vector.load %arg3[%get3A_28, %get3A_29] : memref<8192x128xi32, #tpu.memory_space<vmem>>, vector<4096x128xi32>
    %ge3A_31 = arith.constant 1 : i32
    %ge3A_32 = vector.broadcast %ge3A_31 : i32 to vector<4096x128xi32>
    %ge3A_33 = arith.cmpi sge, %iota3A_0, %ge3A_32 : vector<4096x128xi32>
    %roll3A = arith.constant 1 : i32
    %roll3A_34 = tpu.dynamic_rotate %scan3A_21#0 by %roll3A dim 1 : vector<4096x128xi32>, i32 -> vector<4096x128xi32>
    %roll3A_35 = arith.constant 1 : i32
    %roll3A_36 = tpu.dynamic_rotate %get3A_30 by %roll3A_35 dim 1 : vector<4096x128xi32>, i32 -> vector<4096x128xi32>
    %select_n3A_37 = arith.select %ge3A_33, %roll3A_34, %roll3A_36 : vector<4096x128xi1>, vector<4096x128xi32>
    %ne3A = arith.cmpi ne, %scan3A_21#0, %select_n3A_37 : vector<4096x128xi32>
    %eq3A = arith.constant 0 : i32
    %eq3A_38 = vector.broadcast %eq3A : i32 to vector<4096x128xi32>
    %eq3A_39 = arith.cmpi eq, %add3A, %eq3A_38 : vector<4096x128xi32>
    %or3A = arith.ori %ne3A, %eq3A_39 : vector<4096x128xi1>
    %get3A_40 = arith.constant 2049 : index
    %get3A_41 = arith.constant 0 : index
    %get3A_42 = vector.load %arg3[%get3A_40, %get3A_41] : memref<8192x128xi32, #tpu.memory_space<vmem>>, vector<4096x128xi32>
    %lt3A = arith.constant 127 : i32
    %lt3A_43 = vector.broadcast %lt3A : i32 to vector<4096x128xi32>
    %lt3A_44 = arith.cmpi slt, %iota3A_0, %lt3A_43 : vector<4096x128xi32>
    %roll3A_45 = arith.constant 127 : i32
    %roll3A_46 = tpu.dynamic_rotate %scan3A_21#0 by %roll3A_45 dim 1 : vector<4096x128xi32>, i32 -> vector<4096x128xi32>
    %roll3A_47 = arith.constant 127 : i32
    %roll3A_48 = tpu.dynamic_rotate %get3A_42 by %roll3A_47 dim 1 : vector<4096x128xi32>, i32 -> vector<4096x128xi32>
    %select_n3A_49 = arith.select %lt3A_44, %roll3A_46, %roll3A_48 : vector<4096x128xi1>, vector<4096x128xi32>
    %ne3A_50 = arith.cmpi ne, %scan3A_21#0, %select_n3A_49 : vector<4096x128xi32>
    %eq3A_51 = arith.constant 524287 : i32
    %eq3A_52 = vector.broadcast %eq3A_51 : i32 to vector<4096x128xi32>
    %eq3A_53 = arith.cmpi eq, %add3A, %eq3A_52 : vector<4096x128xi32>
    %or3A_54 = arith.ori %ne3A_50, %eq3A_53 : vector<4096x128xi1>
    %jit3A_55 = arith.constant 0 : i32
    %broadcast_in_dim3A_56 = vector.broadcast %jit3A_55 : i32 to vector<4096x128xi32>
    %select_n3A_57 = arith.select %or3A, %add3A, %broadcast_in_dim3A_56 : vector<4096x128xi1>, vector<4096x128xi32>
    %roll3A_58 = arith.constant 1 : i32
    %roll3A_59 = tpu.dynamic_rotate %select_n3A_57 by %roll3A_58 dim 1 : vector<4096x128xi32>, i32 -> vector<4096x128xi32>
    %ge3A_60 = arith.constant 1 : i32
    %ge3A_61 = vector.broadcast %ge3A_60 : i32 to vector<4096x128xi32>
    %ge3A_62 = arith.cmpi sge, %iota3A_0, %ge3A_61 : vector<4096x128xi32>
    %jit3A_63 = arith.constant 0 : i32
    %broadcast_in_dim3A_64 = vector.broadcast %jit3A_63 : i32 to vector<4096x128xi32>
    %select_n3A_65 = arith.select %ge3A_62, %roll3A_59, %broadcast_in_dim3A_64 : vector<4096x128xi1>, vector<4096x128xi32>
    %max3A = arith.maxsi %select_n3A_57, %select_n3A_65 : vector<4096x128xi32>
    %roll3A_66 = arith.constant 2 : i32
    %roll3A_67 = tpu.dynamic_rotate %max3A by %roll3A_66 dim 1 : vector<4096x128xi32>, i32 -> vector<4096x128xi32>
    %ge3A_68 = arith.constant 2 : i32
    %ge3A_69 = vector.broadcast %ge3A_68 : i32 to vector<4096x128xi32>
    %ge3A_70 = arith.cmpi sge, %iota3A_0, %ge3A_69 : vector<4096x128xi32>
    %jit3A_71 = arith.constant 0 : i32
    %broadcast_in_dim3A_72 = vector.broadcast %jit3A_71 : i32 to vector<4096x128xi32>
    %select_n3A_73 = arith.select %ge3A_70, %roll3A_67, %broadcast_in_dim3A_72 : vector<4096x128xi1>, vector<4096x128xi32>
    %max3A_74 = arith.maxsi %max3A, %select_n3A_73 : vector<4096x128xi32>
    %roll3A_75 = arith.constant 4 : i32
    %roll3A_76 = tpu.dynamic_rotate %max3A_74 by %roll3A_75 dim 1 : vector<4096x128xi32>, i32 -> vector<4096x128xi32>
    %ge3A_77 = arith.constant 4 : i32
    %ge3A_78 = vector.broadcast %ge3A_77 : i32 to vector<4096x128xi32>
    %ge3A_79 = arith.cmpi sge, %iota3A_0, %ge3A_78 : vector<4096x128xi32>
    %jit3A_80 = arith.constant 0 : i32
    %broadcast_in_dim3A_81 = vector.broadcast %jit3A_80 : i32 to vector<4096x128xi32>
    %select_n3A_82 = arith.select %ge3A_79, %roll3A_76, %broadcast_in_dim3A_81 : vector<4096x128xi1>, vector<4096x128xi32>
    %max3A_83 = arith.maxsi %max3A_74, %select_n3A_82 : vector<4096x128xi32>
    %roll3A_84 = arith.constant 8 : i32
    %roll3A_85 = tpu.dynamic_rotate %max3A_83 by %roll3A_84 dim 1 : vector<4096x128xi32>, i32 -> vector<4096x128xi32>
    %ge3A_86 = arith.constant 8 : i32
    %ge3A_87 = vector.broadcast %ge3A_86 : i32 to vector<4096x128xi32>
    %ge3A_88 = arith.cmpi sge, %iota3A_0, %ge3A_87 : vector<4096x128xi32>
    %jit3A_89 = arith.constant 0 : i32
    %broadcast_in_dim3A_90 = vector.broadcast %jit3A_89 : i32 to vector<4096x128xi32>
    %select_n3A_91 = arith.select %ge3A_88, %roll3A_85, %broadcast_in_dim3A_90 : vector<4096x128xi1>, vector<4096x128xi32>
    %max3A_92 = arith.maxsi %max3A_83, %select_n3A_91 : vector<4096x128xi32>
    %roll3A_93 = arith.constant 16 : i32
    %roll3A_94 = tpu.dynamic_rotate %max3A_92 by %roll3A_93 dim 1 : vector<4096x128xi32>, i32 -> vector<4096x128xi32>
    %ge3A_95 = arith.constant 16 : i32
    %ge3A_96 = vector.broadcast %ge3A_95 : i32 to vector<4096x128xi32>
    %ge3A_97 = arith.cmpi sge, %iota3A_0, %ge3A_96 : vector<4096x128xi32>
    %jit3A_98 = arith.constant 0 : i32
    %broadcast_in_dim3A_99 = vector.broadcast %jit3A_98 : i32 to vector<4096x128xi32>
    %select_n3A_100 = arith.select %ge3A_97, %roll3A_94, %broadcast_in_dim3A_99 : vector<4096x128xi1>, vector<4096x128xi32>
    %max3A_101 = arith.maxsi %max3A_92, %select_n3A_100 : vector<4096x128xi32>
    %roll3A_102 = arith.constant 32 : i32
    %roll3A_103 = tpu.dynamic_rotate %max3A_101 by %roll3A_102 dim 1 : vector<4096x128xi32>, i32 -> vector<4096x128xi32>
    %ge3A_104 = arith.constant 32 : i32
    %ge3A_105 = vector.broadcast %ge3A_104 : i32 to vector<4096x128xi32>
    %ge3A_106 = arith.cmpi sge, %iota3A_0, %ge3A_105 : vector<4096x128xi32>
    %jit3A_107 = arith.constant 0 : i32
    %broadcast_in_dim3A_108 = vector.broadcast %jit3A_107 : i32 to vector<4096x128xi32>
    %select_n3A_109 = arith.select %ge3A_106, %roll3A_103, %broadcast_in_dim3A_108 : vector<4096x128xi1>, vector<4096x128xi32>
    %max3A_110 = arith.maxsi %max3A_101, %select_n3A_109 : vector<4096x128xi32>
    %roll3A_111 = arith.constant 64 : i32
    %roll3A_112 = tpu.dynamic_rotate %max3A_110 by %roll3A_111 dim 1 : vector<4096x128xi32>, i32 -> vector<4096x128xi32>
    %ge3A_113 = arith.constant 64 : i32
    %ge3A_114 = vector.broadcast %ge3A_113 : i32 to vector<4096x128xi32>
    %ge3A_115 = arith.cmpi sge, %iota3A_0, %ge3A_114 : vector<4096x128xi32>
    %jit3A_116 = arith.constant 0 : i32
    %broadcast_in_dim3A_117 = vector.broadcast %jit3A_116 : i32 to vector<4096x128xi32>
    %select_n3A_118 = arith.select %ge3A_115, %roll3A_112, %broadcast_in_dim3A_117 : vector<4096x128xi1>, vector<4096x128xi32>
    %max3A_119 = arith.maxsi %max3A_110, %select_n3A_118 : vector<4096x128xi32>
    %reduce_max3A = arith.constant dense<-2147483648> : vector<4096xi32>
    %reduce_max3A_120 = vector.multi_reduction <maxsi>, %max3A_119, %reduce_max3A [1] : vector<4096x128xi32> to vector<4096xi32>
    %broadcast_in_dim3A_121 = vector.shape_cast %reduce_max3A_120 : vector<4096xi32> to vector<4096x1xi32>
    %broadcast_in_dim3A_122 = vector.shape_cast %broadcast_in_dim3A_121 : vector<4096x1xi32> to vector<4096x1xi32>
    %broadcast_in_dim3A_123 = vector.broadcast %broadcast_in_dim3A_122 : vector<4096x1xi32> to vector<4096x128xi32>
    %swap3A_124 = arith.constant 2048 : index
    %swap3A_125 = arith.constant 0 : index
    %swap3A_126 = vector.load %arg4[%swap3A_124, %swap3A_125] : memref<8192x128xi32, #tpu.memory_space<vmem>>, vector<4096x128xi32>
    tpu.vector_store %arg4[%swap3A_124, %swap3A_125], %broadcast_in_dim3A_123 {strides = array<i32>} : memref<8192x128xi32, #tpu.memory_space<vmem>>, vector<4096x128xi32>,
    %get3A_127 = arith.constant 2047 : index
    %get3A_128 = arith.constant 0 : index
    %get3A_129 = vector.load %arg4[%get3A_127, %get3A_128] : memref<8192x128xi32, #tpu.memory_space<vmem>>, vector<4096x128xi32>
    %ge3A_130 = arith.constant 1 : i32
    %ge3A_131 = vector.broadcast %ge3A_130 : i32 to vector<4096x128xi32>
    %ge3A_132 = arith.cmpi sge, %iota3A, %ge3A_131 : vector<4096x128xi32>
    %jit3A_133 = arith.constant 0 : i32
    %broadcast_in_dim3A_134 = vector.broadcast %jit3A_133 : i32 to vector<4096x128xi32>
    %select_n3A_135 = arith.select %ge3A_132, %get3A_129, %broadcast_in_dim3A_134 : vector<4096x128xi1>, vector<4096x128xi32>
    %scan3A_136 = arith.constant 0 : i32
    %scan3A_137 = arith.constant 12 : i32
    %scan3A_138 = arith.addi %scan3A_136, %scan3A_137 : i32
    %scan3A_139 = arith.constant 1 : i32
    %scan3A_140 = scf.for %scan3A_236 = %scan3A_136 to %scan3A_138 step %scan3A_139 iter_args(%scan3A_237 = %select_n3A_135) -> (vector<4096x128xi32>)  : i32 {
      %shift_left3A = arith.constant 1 : i32
      %shift_left3A_238 = arith.shli %shift_left3A, %scan3A_236 : i32
      %swap3A_239 = arith.constant 2048 : index
      %swap3A_240 = arith.constant 0 : index
      %swap3A_241 = vector.load %arg4[%swap3A_239, %swap3A_240] : memref<8192x128xi32, #tpu.memory_space<vmem>>, vector<4096x128xi32>
      tpu.vector_store %arg4[%swap3A_239, %swap3A_240], %scan3A_237 {strides = array<i32>} : memref<8192x128xi32, #tpu.memory_space<vmem>>, vector<4096x128xi32>,
      %sub3A_242 = arith.constant 2048 : i32
      %sub3A_243 = arith.subi %sub3A_242, %shift_left3A_238 : i32
      %get3A_244 = arith.index_cast %sub3A_243 : i32 to index
      %get3A_245 = arith.constant 0 : index
      %get3A_246 = vector.load %arg4[%get3A_244, %get3A_245] : memref<8192x128xi32, #tpu.memory_space<vmem>>, vector<4096x128xi32>
      %ge3A_247 = vector.broadcast %shift_left3A_238 : i32 to vector<4096x128xi32>
      %ge3A_248 = arith.cmpi sge, %iota3A, %ge3A_247 : vector<4096x128xi32>
      %jit3A_249 = arith.constant 0 : i32
      %broadcast_in_dim3A_250 = vector.broadcast %jit3A_249 : i32 to vector<4096x128xi32>
      %select_n3A_251 = arith.select %ge3A_248, %get3A_246, %broadcast_in_dim3A_250 : vector<4096x128xi1>, vector<4096x128xi32>
      %max3A_252 = arith.maxsi %scan3A_237, %select_n3A_251 : vector<4096x128xi32>
      scf.yield %max3A_252 : vector<4096x128xi32>
    }
    %scan3A_141 = arith.constant 12 : i32
    %max3A_142 = arith.maxsi %max3A_119, %scan3A_140 : vector<4096x128xi32>
    %jit3A_143 = arith.constant 2147483647 : i32
    %broadcast_in_dim3A_144 = vector.broadcast %jit3A_143 : i32 to vector<4096x128xi32>
    %select_n3A_145 = arith.select %or3A_54, %add3A, %broadcast_in_dim3A_144 : vector<4096x128xi1>, vector<4096x128xi32>
    %roll3A_146 = arith.constant 127 : i32
    %roll3A_147 = tpu.dynamic_rotate %select_n3A_145 by %roll3A_146 dim 1 : vector<4096x128xi32>, i32 -> vector<4096x128xi32>
    %lt3A_148 = arith.constant 127 : i32
    %lt3A_149 = vector.broadcast %lt3A_148 : i32 to vector<4096x128xi32>
    %lt3A_150 = arith.cmpi slt, %iota3A_0, %lt3A_149 : vector<4096x128xi32>
    %jit3A_151 = arith.constant 2147483647 : i32
    %broadcast_in_dim3A_152 = vector.broadcast %jit3A_151 : i32 to vector<4096x128xi32>
    %select_n3A_153 = arith.select %lt3A_150, %roll3A_147, %broadcast_in_dim3A_152 : vector<4096x128xi1>, vector<4096x128xi32>
    %min3A = arith.minsi %select_n3A_145, %select_n3A_153 : vector<4096x128xi32>
    %roll3A_154 = arith.constant 126 : i32
    %roll3A_155 = tpu.dynamic_rotate %min3A by %roll3A_154 dim 1 : vector<4096x128xi32>, i32 -> vector<4096x128xi32>
    %lt3A_156 = arith.constant 126 : i32
    %lt3A_157 = vector.broadcast %lt3A_156 : i32 to vector<4096x128xi32>
    %lt3A_158 = arith.cmpi slt, %iota3A_0, %lt3A_157 : vector<4096x128xi32>
    %jit3A_159 = arith.constant 2147483647 : i32
    %broadcast_in_dim3A_160 = vector.broadcast %jit3A_159 : i32 to vector<4096x128xi32>
    %select_n3A_161 = arith.select %lt3A_158, %roll3A_155, %broadcast_in_dim3A_160 : vector<4096x128xi1>, vector<4096x128xi32>
    %min3A_162 = arith.minsi %min3A, %select_n3A_161 : vector<4096x128xi32>
    %roll3A_163 = arith.constant 124 : i32
    %roll3A_164 = tpu.dynamic_rotate %min3A_162 by %roll3A_163 dim 1 : vector<4096x128xi32>, i32 -> vector<4096x128xi32>
    %lt3A_165 = arith.constant 124 : i32
    %lt3A_166 = vector.broadcast %lt3A_165 : i32 to vector<4096x128xi32>
    %lt3A_167 = arith.cmpi slt, %iota3A_0, %lt3A_166 : vector<4096x128xi32>
    %jit3A_168 = arith.constant 2147483647 : i32
    %broadcast_in_dim3A_169 = vector.broadcast %jit3A_168 : i32 to vector<4096x128xi32>
    %select_n3A_170 = arith.select %lt3A_167, %roll3A_164, %broadcast_in_dim3A_169 : vector<4096x128xi1>, vector<4096x128xi32>
    %min3A_171 = arith.minsi %min3A_162, %select_n3A_170 : vector<4096x128xi32>
    %roll3A_172 = arith.constant 120 : i32
    %roll3A_173 = tpu.dynamic_rotate %min3A_171 by %roll3A_172 dim 1 : vector<4096x128xi32>, i32 -> vector<4096x128xi32>
    %lt3A_174 = arith.constant 120 : i32
    %lt3A_175 = vector.broadcast %lt3A_174 : i32 to vector<4096x128xi32>
    %lt3A_176 = arith.cmpi slt, %iota3A_0, %lt3A_175 : vector<4096x128xi32>
    %jit3A_177 = arith.constant 2147483647 : i32
    %broadcast_in_dim3A_178 = vector.broadcast %jit3A_177 : i32 to vector<4096x128xi32>
    %select_n3A_179 = arith.select %lt3A_176, %roll3A_173, %broadcast_in_dim3A_178 : vector<4096x128xi1>, vector<4096x128xi32>
    %min3A_180 = arith.minsi %min3A_171, %select_n3A_179 : vector<4096x128xi32>
    %roll3A_181 = arith.constant 112 : i32
    %roll3A_182 = tpu.dynamic_rotate %min3A_180 by %roll3A_181 dim 1 : vector<4096x128xi32>, i32 -> vector<4096x128xi32>
    %lt3A_183 = arith.constant 112 : i32
    %lt3A_184 = vector.broadcast %lt3A_183 : i32 to vector<4096x128xi32>
    %lt3A_185 = arith.cmpi slt, %iota3A_0, %lt3A_184 : vector<4096x128xi32>
    %jit3A_186 = arith.constant 2147483647 : i32
    %broadcast_in_dim3A_187 = vector.broadcast %jit3A_186 : i32 to vector<4096x128xi32>
    %select_n3A_188 = arith.select %lt3A_185, %roll3A_182, %broadcast_in_dim3A_187 : vector<4096x128xi1>, vector<4096x128xi32>
    %min3A_189 = arith.minsi %min3A_180, %select_n3A_188 : vector<4096x128xi32>
    %roll3A_190 = arith.constant 96 : i32
    %roll3A_191 = tpu.dynamic_rotate %min3A_189 by %roll3A_190 dim 1 : vector<4096x128xi32>, i32 -> vector<4096x128xi32>
    %lt3A_192 = arith.constant 96 : i32
    %lt3A_193 = vector.broadcast %lt3A_192 : i32 to vector<4096x128xi32>
    %lt3A_194 = arith.cmpi slt, %iota3A_0, %lt3A_193 : vector<4096x128xi32>
    %jit3A_195 = arith.constant 2147483647 : i32
    %broadcast_in_dim3A_196 = vector.broadcast %jit3A_195 : i32 to vector<4096x128xi32>
    %select_n3A_197 = arith.select %lt3A_194, %roll3A_191, %broadcast_in_dim3A_196 : vector<4096x128xi1>, vector<4096x128xi32>
    %min3A_198 = arith.minsi %min3A_189, %select_n3A_197 : vector<4096x128xi32>
    %roll3A_199 = arith.constant 64 : i32
    %roll3A_200 = tpu.dynamic_rotate %min3A_198 by %roll3A_199 dim 1 : vector<4096x128xi32>, i32 -> vector<4096x128xi32>
    %lt3A_201 = arith.constant 64 : i32
    %lt3A_202 = vector.broadcast %lt3A_201 : i32 to vector<4096x128xi32>
    %lt3A_203 = arith.cmpi slt, %iota3A_0, %lt3A_202 : vector<4096x128xi32>
    %jit3A_204 = arith.constant 2147483647 : i32
    %broadcast_in_dim3A_205 = vector.broadcast %jit3A_204 : i32 to vector<4096x128xi32>
    %select_n3A_206 = arith.select %lt3A_203, %roll3A_200, %broadcast_in_dim3A_205 : vector<4096x128xi1>, vector<4096x128xi32>
    %min3A_207 = arith.minsi %min3A_198, %select_n3A_206 : vector<4096x128xi32>
    %reduce_min3A = arith.constant dense<2147483647> : vector<4096xi32>
    %reduce_min3A_208 = vector.multi_reduction <minsi>, %min3A_207, %reduce_min3A [1] : vector<4096x128xi32> to vector<4096xi32>
    %broadcast_in_dim3A_209 = vector.shape_cast %reduce_min3A_208 : vector<4096xi32> to vector<4096x1xi32>
    %broadcast_in_dim3A_210 = vector.shape_cast %broadcast_in_dim3A_209 : vector<4096x1xi32> to vector<4096x1xi32>
    %broadcast_in_dim3A_211 = vector.broadcast %broadcast_in_dim3A_210 : vector<4096x1xi32> to vector<4096x128xi32>
    %swap3A_212 = arith.constant 2048 : index
    %swap3A_213 = arith.constant 0 : index
    %swap3A_214 = vector.load %arg4[%swap3A_212, %swap3A_213] : memref<8192x128xi32, #tpu.memory_space<vmem>>, vector<4096x128xi32>
    tpu.vector_store %arg4[%swap3A_212, %swap3A_213], %broadcast_in_dim3A_211 {strides = array<i32>} : memref<8192x128xi32, #tpu.memory_space<vmem>>, vector<4096x128xi32>,
    %get3A_215 = arith.constant 2049 : index
    %get3A_216 = arith.constant 0 : index
    %get3A_217 = vector.load %arg4[%get3A_215, %get3A_216] : memref<8192x128xi32, #tpu.memory_space<vmem>>, vector<4096x128xi32>
    %lt3A_218 = arith.constant 4095 : i32
    %lt3A_219 = vector.broadcast %lt3A_218 : i32 to vector<4096x128xi32>
    %lt3A_220 = arith.cmpi slt, %iota3A, %lt3A_219 : vector<4096x128xi32>
    %jit3A_221 = arith.constant 2147483647 : i32
    %broadcast_in_dim3A_222 = vector.broadcast %jit3A_221 : i32 to vector<4096x128xi32>
    %select_n3A_223 = arith.select %lt3A_220, %get3A_217, %broadcast_in_dim3A_222 : vector<4096x128xi1>, vector<4096x128xi32>
    %scan3A_224 = arith.constant 2147483647 : i32
    %scan3A_225 = arith.constant 0 : i32
    %scan3A_226 = arith.constant 12 : i32
    %scan3A_227 = arith.addi %scan3A_225, %scan3A_226 : i32
    %scan3A_228 = arith.constant 1 : i32
    %scan3A_229 = scf.for %scan3A_236 = %scan3A_225 to %scan3A_227 step %scan3A_228 iter_args(%scan3A_237 = %select_n3A_223) -> (vector<4096x128xi32>)  : i32 {
      %shift_left3A = arith.constant 1 : i32
      %shift_left3A_238 = arith.shli %shift_left3A, %scan3A_236 : i32
      %swap3A_239 = arith.constant 2048 : index
      %swap3A_240 = arith.constant 0 : index
      %swap3A_241 = vector.load %arg4[%swap3A_239, %swap3A_240] : memref<8192x128xi32, #tpu.memory_space<vmem>>, vector<4096x128xi32>
      tpu.vector_store %arg4[%swap3A_239, %swap3A_240], %scan3A_237 {strides = array<i32>} : memref<8192x128xi32, #tpu.memory_space<vmem>>, vector<4096x128xi32>,
      %add3A_242 = arith.constant 2048 : i32
      %add3A_243 = arith.addi %add3A_242, %shift_left3A_238 : i32
      %get3A_244 = arith.index_cast %add3A_243 : i32 to index
      %get3A_245 = arith.constant 0 : index
      %get3A_246 = vector.load %arg4[%get3A_244, %get3A_245] : memref<8192x128xi32, #tpu.memory_space<vmem>>, vector<4096x128xi32>
      %sub3A_247 = arith.constant 4096 : i32
      %sub3A_248 = arith.subi %sub3A_247, %shift_left3A_238 : i32
      %lt3A_249 = vector.broadcast %sub3A_248 : i32 to vector<4096x128xi32>
      %lt3A_250 = arith.cmpi slt, %iota3A, %lt3A_249 : vector<4096x128xi32>
      %broadcast_in_dim3A_251 = vector.broadcast %scan3A_224 : i32 to vector<4096x128xi32>
      %select_n3A_252 = arith.select %lt3A_250, %get3A_246, %broadcast_in_dim3A_251 : vector<4096x128xi1>, vector<4096x128xi32>
      %min3A_253 = arith.minsi %scan3A_237, %select_n3A_252 : vector<4096x128xi32>
      scf.yield %min3A_253 : vector<4096x128xi32>
    }
    %scan3A_230 = arith.constant 12 : i32
    %min3A_231 = arith.minsi %min3A_207, %scan3A_229 : vector<4096x128xi32>
    %add3A_232 = arith.addi %max3A_142, %min3A_231 : vector<4096x128xi32>
    %sub3A = arith.subi %add3A_232, %add3A : vector<4096x128xi32>
    %swap3A_233 = arith.constant 0 : index
    %swap3A_234 = arith.constant 0 : index
    %swap3A_235 = vector.load %arg2[%swap3A_233, %swap3A_234] : memref<4096x128xi32, #tpu.memory_space<vmem>>, vector<4096x128xi32>
    tpu.vector_store %arg2[%swap3A_233, %swap3A_234], %sub3A {strides = array<i32>} : memref<4096x128xi32, #tpu.memory_space<vmem>>, vector<4096x128xi32>,
    return
  }
}

</mosaic_0001>

<sc_bundles>
// kernel: gather_offload_async_start.1
scs
__scs_entry_jumppad:
0x0: {  	(pc) =	sbr.rel $0x88, $3  }
0x1: {  	(tag) =	ssettag $0x0;
	lr =	simm.s32 $0x1  }
0x2: {  	[smem:$0x3F9B] =	sst lr;
	_ =	strace $0xD0000000  }
0x3: {  	_ = 	snop  }
0x4: {  	_ = 	snop  }
0x5: {  	_ = 	snop  }
0x6: {  	_ = 	snop  }
0x7: {  	_ = 	snop  }
__scs_overlays_trampoline_lowered:
0x8: {  	[smem:$0x3FAA] =	sst s0  }
0x9: {  	[smem:$0x3FAB] =	sst s1  }
0xa: {  	[smem:$0x3FAC] =	sst s2  }
0xb: {  	[smem:$0x3FAD] =	sst s3  }
0xc: {  	[smem:$0x3FAE] =	sst s4  }
0xd: {  	[smem:$0x3FAF] =	sst s5  }
0xe: {  	[smem:$0x3FB0] =	sst s6  }
0xf: {  	[smem:$0x3FB1] =	sst s7  }
0x10: {  	[smem:$0x3FB2] =	sst s8  }
0x11: {  	[smem:$0x3FB3] =	sst s9;
	s0 =	simm.s32 @!p0 $0x0  }
0x12: {  	s1 =	sld [smem:$0x3F99];
	s0 =	simm.s32 @p0 $0x1  }
0x13: {  	[smem:$0x3FB4] =	sst s0;
	s0 =	simm.s32 @!p1 $0x0  }
0x14: {  	s2 =	sld [smem:$0x3F98];
	s0 =	simm.s32 @p1 $0x1  }
0x15: {  	[smem:$0x3FB5] =	sst s0;
	s0 =	simm.s32 @!p2 $0x0  }
0x16: {  	s3 =	sld [smem:$0x3FDB];
	s0 =	simm.s32 @p2 $0x1  }
0x17: {  	s4 =	simm.s32 $0x1BF5;
	[smem:$0x3FB7] =	sst s0  }
0x18: {  	s0 =	sld [smem:$0x3F9A];
	_ =	swait.ge [sflag:s4], $0x0  }
0x19: {  	s7 =	sld [smem:$0x3F9B]  }
0x1a: {  	s8 =	sadd.s32 $0xFFFFE003, lr  }
0x1b: {  	s9 =	sadd.s32 $0xFFFFFEF7, lr;
	s5 =	simm.s32 $0xFFFFFFFF;
	p2 =	slt.u32 s8, $0xFFFFF086  }
0x1c: {  	p1 =	slt.u32 s9, $0xF7A;
	s5 =	simm.s32 @!p2 $0x0  }
0x1d: {  	s5 =	simm.s32 @p1 $0x1;
	p0 =	seq.s32 s7, s2  }
0x1e: {  	s7 =	smul.u32 @!p0 $0xF7A, s2;
	p2 =	seq.s32 @!p0 s5, $0x0  }
0x1f: {  	s9 =	smul.u32 $0xF7A, s1;
	s8 =	simm.s32 @!p0 $0x1BF5;
	p2 =	por !p2, p0  }
0x20: {  	[sflag:s8] =	ssyncset.s32 @!p0 $0xFFFFF086;
	s6 =	sadd.s32 @!p0 s3, s7;
	s7 =	simm.s32 @!p0 $0x108  }
0x21: {  	s3 =	sadd.s32 s3, s9;
	s6 =	sadd.s32 @!p0 $0x88, s6;
	s7 =	simm.s32 @p2 $0x1082  }
0x22: {  	[simem:s7], [sflag:s8] =	dma.local @!p0 [hbm:s6], $0xF7A  }
0x23: {  	s9 =	sor.u32 $0xD0000000, s2;
	s6 =	simm.s32 $0x108;
	_ =	swait.ge @!p0 [sflag:s8], $0x0  }
0x24: {  	s3 =	sadd.s32 $0x88, s3;
	s6 =	simm.s32 @!p1 $0x1082;
	[sflag:s4] =	ssyncset.s32 $0xFFFFF086  }
0x25: {  	[simem:s6], [sflag:s4] =	dma.local [hbm:s3], $0xF7A  }
0x26: {  	[smem:$0x3F9B] =	sst s1;
	(tag) =	ssettag s2;
	_ =	strace s9  }
0x27: {  	s1 =	sld [smem:$0x3FAB]  }
0x28: {  	s2 =	sld [smem:$0x3FAC]  }
0x29: {  	s4 =	sld [smem:$0x3FAE]  }
0x2a: {  	p0 =	seq.s32 s5, $0x0;
	s5 =	sld [smem:$0x3FAF]  }
0x2b: {  	s6 =	sld [smem:$0x3FB0]  }
0x2c: {  	s7 =	sld [smem:$0x3FB1]  }
0x2d: {  	s3 =	simm.s32 $0x108;
	s8 =	sld [smem:$0x3FB2]  }
0x2e: {  	s3 =	simm.s32 @!p0 $0x1082;
	s9 =	sld [smem:$0x3FB3]  }
0x2f: {  	lr =	sadd.s32 s0, s3;
	s0 =	sld [smem:$0x3FAA]  }
0x30: {  	s3 =	sld [smem:$0x3FAD]  }
0x31: {  	[smem:$0x3FB6] =	sst s10  }
0x32: {  	s10 =	sld [smem:$0x3FB4];
	_ =	sdelay $0x3  }
0x33: {  	p0 =	seq.s32 s10, $0x1;
	s10 =	sld [smem:$0x3FB6];
	_ =	sdelay $0x3  }
0x34: {  	[smem:$0x3FB6] =	sst s10  }
0x35: {  	s10 =	sld [smem:$0x3FB5];
	_ =	sdelay $0x3  }
0x36: {  	p1 =	seq.s32 s10, $0x1;
	s10 =	sld [smem:$0x3FB6];
	_ =	sdelay $0x3  }
0x37: {  	[smem:$0x3FB6] =	sst s10  }
0x38: {  	s10 =	sld [smem:$0x3FB7]  }
0x39: {  	_ = 	snop;
	(pc) =	sbr.ind lr, $3  }
0x3a: {  	_ = 	snop  }
0x3b: {  	_ = 	snop  }
0x3c: {  	p2 =	seq.s32 s10, $0x1;
	s10 =	sld [smem:$0x3FB6]  }
0x3d: {  	_ =	shalt  }
0x3e: {  	_ =	shalt  }
0x3f: {  	_ =	shalt  }
0x40: {  	_ =	shalt  }
0x41: {  	_ =	shalt  }
0x42: {  	_ =	shalt  }
0x43: {  	_ =	shalt  }
0x44: {  	_ =	shalt  }
0x45: {  	_ =	shalt  }
0x46: {  	_ =	shalt  }
0x47: {  	_ =	shalt  }
0x48: {  	_ =	shalt  }
0x49: {  	_ =	shalt  }
0x4a: {  	_ =	shalt  }
0x4b: {  	_ =	shalt  }
0x4c: {  	_ =	shalt  }
0x4d: {  	_ =	shalt  }
0x4e: {  	_ =	shalt  }
0x4f: {  	_ =	shalt  }
0x50: {  	_ =	shalt  }
0x51: {  	_ =	shalt  }
0x52: {  	_ =	shalt  }
0x53: {  	_ =	shalt  }
0x54: {  	_ =	shalt  }
0x55: {  	_ =	shalt  }
0x56: {  	_ =	shalt  }
0x57: {  	_ =	shalt  }
0x58: {  	_ =	shalt  }
0x59: {  	_ =	shalt  }
0x5a: {  	_ =	shalt  }
0x5b: {  	_ =	shalt  }
0x5c: {  	_ =	shalt  }
0x5d: {  	_ =	shalt  }
0x5e: {  	_ =	shalt  }
0x5f: {  	_ =	shalt  }
0x60: {  	_ =	shalt  }
0x61: {  	_ =	shalt  }
0x62: {  	_ =	shalt  }
0x63: {  	_ =	shalt  }
0x64: {  	_ =	shalt  }
0x65: {  	_ =	shalt  }
0x66: {  	_ =	shalt  }
0x67: {  	_ =	shalt  }
0x68: {  	_ =	shalt  }
0x69: {  	_ =	shalt  }
0x6a: {  	_ =	shalt  }
0x6b: {  	_ =	shalt  }
0x6c: {  	_ =	shalt  }
0x6d: {  	_ =	shalt  }
0x6e: {  	_ =	shalt  }
0x6f: {  	_ =	shalt  }
0x70: {  	_ =	shalt  }
0x71: {  	_ =	shalt  }
0x72: {  	_ =	shalt  }
0x73: {  	_ =	shalt  }
0x74: {  	_ =	shalt  }
0x75: {  	_ =	shalt  }
0x76: {  	_ =	shalt  }
0x77: {  	_ =	shalt  }
0x78: {  	_ =	shalt  }
0x79: {  	_ =	shalt  }
0x7a: {  	_ =	shalt  }
0x7b: {  	_ =	shalt  }
0x7c: {  	_ =	shalt  }
0x7d: {  	_ =	shalt  }
0x7e: {  	_ =	shalt  }
0x7f: {  	_ =	shalt  }
0x80: {  	_ =	shalt  }
0x81: {  	_ =	shalt  }
0x82: {  	_ =	shalt  }
0x83: {  	_ =	shalt  }
0x84: {  	_ =	shalt  }
0x85: {  	_ =	shalt  }
0x86: {  	_ =	shalt  }
0x87: {  	_ =	shalt  }
.Lfunc_end0:
.L_simem_size_0:
called_computation.4_lowered:
.L_overlay_start_0:
0x88: {  	s2 =	sld [smem:$0x3FD9]  }
0x89: {  	s3 =	sld [smem:$0x3FFE];
	_ =	sdelay $0x1  }
0x8a: {  	s1 =	srdreg.scid  }
0x8b: {  	s0 =	sand.u32 $0x1, s1  }
0x8c: {  	s14 =	sshll.u32 s0, $0xA;
	s2 =	sadd.s32 s3, s2  }
0x8d: {  	s2 =	sadd.s32 s2, s14  }
0x8e: {  	[smem:$0x3FC2] =	sst s2  }
0x8f: {  	_ = 	snop  }
0x90: {  	s2 =	sld [smem:$0x3FD0];
	_ =	sdelay $0x2  }
0x91: {  	s15 =	simm.s32 $0xB;
	s4 =	simm.s32 $0x10  }
0x92: {  	[smem:s4], [sflag:s15] =	dma.local [hbm:s2], $0x1  }
0x93: {  	_ =	swait.eq [sflag:s15], $0x1  }
0x94: {  	[sflag:s15] =	ssyncset.done $0x0  }
0x95: {  	[sflag:s15] =	ssyncadd.s32 $0xFFFFFFFF  }
0x96: {  	s16 =	sld [smem:$0x10];
	(tm) =	ssettm $0x1  }
0x97: {  	s17 =	sld [smem:$0x3FFB];
	_ =	sdelay $0x3  }
0x98: {  	_ =	strace s17  }
0x99: {  	s3 =	sld [smem:$0x3FFC];
	_ =	sdelay $0x3  }
0x9a: {  	_ =	strace s3  }
0x9b: {  	s3 =	sld [smem:$0x3FFD];
	_ =	sdelay $0x3  }
0x9c: {  	_ =	strace s3  }
0x9d: {  	_ =	strace $0x8FFFFFFF  }
0x9e: {  	s18 =	sld [smem:$0x3FDB];
	_ =	sdelay $0x1  }
0x9f: {  	s19 =	simm.s32 $_scs_section_size  }
0xa0: {  	s5 =	simm.s32 $_size__tile_overlayer_lowered;
	s6 =	simm.s32 $_tile_overlayer_lowered  }
0xa1: {  	s22 =	simm.s32 $0x1BFF;
	s21 =	sshll.u32 s6, $0x1;
	s3 =	sadd.s32 s19, s18  }
0xa2: {  	s7 =	simm.s32 $0x0;
	s20 =	sshll.u32 s5, $0x1;
	s5 =	sadd.s32 s21, s3  }
0xa3: {  	[timem:s7], [sflag:s22] =	dma.local [hbm:s5], s20  }
0xa4: {  	_ =	swait.ge [sflag:s22], s20  }
0xa5: {  	s4 =	ssub.s32 $0x0, s20;
	[sflag:s22] =	ssyncset.done $0x0  }
0xa6: {  	[sflag:s22] =	ssyncadd.s32 s4;
	_ =	sdelay $0x1  }
0xa7: {  	s23 =	simm.s32 $0x1B8B  }
0xa8: {  	_ =	swait.ge [sflag:s23], $0x1  }
0xa9: {  	[sflag:s23] =	ssyncset.done $0x0  }
0xaa: {  	s25 =	simm.s32 $0x1B8E;
	s24 =	sld [smem:$0x3FFE];
	[sflag:s23] =	ssyncadd.s32 $0xFFFFFFFF  }
0xab: {  	s26 =	simm.s32 $execute0_lowered;
	[smem:$0x3FD2] =	sst s25  }
0xac: {  	s5 =	sshll.u32 s26, $0x1;
	_ =	strace $0x80000058;
	[dreg:$0x1] =	wrdreg $0xFFFFFFFF  }
0xad: {  	s28 =	simm.s32 $_size_execute0_lowered;
	s3 =	sadd.s32 s3, s5;
	[dreg:$0x0] =	wrdreg $0x0  }
0xae: {  	s5 =	sshll.u32 s28, $0x1;
	[dreg:$0x2] =	wrdreg s3  }
0xaf: {  	[dreg:$0x3] =	wrdreg s5  }
0xb0: {  	[dreg:$0x4] =	wrdreg $0xC0  }
0xb1: {  	_ =	task [dreg:s7], $0x5FFFF  }
0xb2: {  	[dreg:$0x1] =	wrdreg $0xFFFFFFFF  }
0xb3: {  	[dreg:$0x0] =	wrdreg $0x60  }
0xb4: {  	[dreg:$0x2] =	wrdreg s24  }
0xb5: {  	[dreg:$0x3] =	wrdreg s16  }
0xb6: {  	[dreg:$0x4] =	wrdreg $0x9  }
0xb7: {  	_ =	task.clear_ibuf [dreg:s7], $0x5FFFF;
	_ =	strace $0x90000058  }
0xb8: {  	s29 =	simm.s32 $0x9;
	_ =	strace $0x8000005A  }
0xb9: {  	_ =	swait.ge [sflag:s29], $0x1  }
0xba: {  	[sflag:s29] =	ssyncadd.s32 $0xFFFFFFFF  }
0xbb: {  	_ =	strace $0x9000005A  }
0xbc: {  	_ =	sfence  }
0xbd: {  	s30 =	sld [smem:$0x0];
	_ =	sdelay $0x2  }
0xbe: {  	s31 =	sshll.u32 s1, $0xD;
	s1 =	sshrl.u32 s1, $0x2  }
0xbf: {  	s3 =	sand.u32 $0x4000, s31;
	s1 =	sadd.s32 s1, s30  }
0xc0: {  	s0 =	sor.u32 s3, s0;
	s1 =	sshll.u32 s1, $0x11  }
0xc1: {  	s0 =	sor.u32 s1, s0  }
0xc2: {  	s0 =	sadd.s32 $0x8F2B, s0  }
0xc3: {  	[sflag:s0] =	ssyncadd.remote.s32 $0x1  }
0xc4: {  	_ =	sfence.sel $0xFFFF  }
0xc5: {  	[dreg:$0x0] =	wrdreg $0xFFFFFFFF;
	(pc) =	sbr.abs _section_cstart, $3  }
0xc6: {  	[dreg:$0x1] =	wrdreg $0xFFFFFFFF  }
0xc7: {  	_ =	task.clear_ibuf [dreg:s7], $0x2FFFF;
	_ =	strace $0x9FFFFFFF  }
0xc8: {  	(tm) =	ssettm $0x7FFFFFFF  }
0xc9: {  	_ =	shalt  }
tec
execute0_lowered:
.L_overlay_start_1:
0x0: {  	(tag) =	ssettag $0x1  }
0x1: {  	s8 =	rddreg [dreg:$0x0];
	s0 =	stileid.u32  }
0x2: {  	s1 =	srdreg.scid;
	s2 =	rddreg [dreg:$0x1]  }
0x3: {  	s5 =	simm.s32 $0x1;
	s9 =	simm.s32 $0x1;
	s10 =	simm.s32 $0x3  }
0x4: {  	s13 =	simm.s32 $0x0;
	s3 =	sand.u32 $0x1, s1;
	s4 =	sshll.u32 s0, $0x1  }
0x5: {  	s12 =	simm.s32 $0x0;
	s1 =	rddreg [dreg:$0x2];
	s6 =	sor.u32 s4, s3  }
0x6: {  	_ =	strace $0x80000059;
	s3 =	sadd.s32 $0x18800, s8;
	s4 =	smul.u32 $0x1900, s6  }
0x7: {  	[sflag:s5] =	ssyncpa.u1 $0x0;
	p0 =	slt.u32 s6, $0x9;
	s6 =	simm.s32 $0x32000  }
.Ltmp0:
0x8: {  	s6 =	simm.s32 @!p0 $0x0;
	s7 =	ssub.s32 $0x3E800, s4;
	(pc) =	sbr.rel .LBB2_1-.Ltmp0, $4  }
0x9: {  	s9 =	simm.s32 @!p0 $0x0;
	p0 =	sne.s32 s7, s6;
	s7 =	simm.s32 $0x1  }
0xa: {  	s8 =	sadd.s32 $0xA00, s8;
	s6 =	simm.s32 $0x2;
	s7 =	simm.s32 @!p0 $0x0  }
0xb: {  	s11 =	smov.u32 s4;
	[sflag:s6] =	ssyncpa.u1 $0x0;
	s7 =	sadd.s32 s9, s7  }
0xc: {  	vm0 =	vmmov $0xffff;
	[sflag:s10] =	ssyncpa.u1 $0x0;
	s10 =	simm.s32 $0x0;
	s9 =	sadd.s32 $0x1, s7  }
.LBB2_4:
0xd: {  	v2 =	vnsel vm1, $0x0, v2  }
0xe: {  	vm1 =	vgt.s32 v0, $0x0;
	v2 =	vmin.u32 v2, $0x7FFFF  }
0xf: {  	v0 =	vnsel vm1, $0x0, v0  }
0x10: {  	v0 =	vmin.u32 v0, $0x7FFFF  }
0x11: {  	[tilespmem:s18], [sflag:$0x1] =	stream.indirect_vreg.gather [hbm4b:s3+s10], $0x1, v1, vm0, $0x4038;
	[tilespmem:$0x6400] =	vst v63  }
0x12: {  	(ifvalue) =	ssetifvalue $0x7FFFFFFF  }
0x13: {  	[tilespmem:s15], [sflag:$0x1] =	stream.indirect_vreg.gather [hbm4b:s3+s10], $0x1, v2, vm0, $0x4038;
	[tilespmem:$0x6400] =	vst v63  }
0x14: {  	s29 =	sadd.s32 $0x10, s15;
	(ifvalue) =	ssetifvalue $0x7FFFFFFF  }
0x15: {  	[tilespmem:s29], [sflag:$0x1] =	stream.indirect_vreg.gather [hbm4b:s3+s10], $0x1, v0, vm0, $0x4038;
	[tilespmem:$0x6400] =	vst v63  }
0x16: {  	_ =	swait.ge [sflag:s5], $0x1900  }
0x17: {  	s30 =	sshrl.u32 s13, $0x3;
	[sflag:s5] =	ssyncset.done $0x0  }
0x18: {  	s31 =	sand.u32 $0x7, s13;
	s15 =	sadd.s32 s8, s30;
	[sflag:s5] =	ssyncadd.s32 $0xFFFFE700  }
0x19: {  	[hbm4b:s15+s31] =	stream.linear.scatter [tilespmem:s14], [sflag:$0x3], $0x1900, $0x38;
	[tilespmem:$0x6400] =	vst v63  }
.LBB2_5:
0x1a: {  	s15 =	sadd.s32 $0x32000, s11  }
0x1b: {  	p1 =	sgt.s32 s15, $0x3E7FF  }
0x1c: {  	s15 =	smov.u32 @p1 s4;
	p1 =	sne.s32 s12, s9  }
.Ltmp1:
0x1d: {  	p0 =	slt.u32 s12, $0x2;
	(pc) =	sbr.rel @!p1 .LBB2_6-.Ltmp1, $4  }
0x1e: {  	s14 =	simm.s32 @!p0 $0x3  }
0x1f: {  	_ =	swait.ge @!p0 [sflag:s14], $0x1900  }
0x20: {  	s16 =	sadd.s32 $0x1, s12;
	s13 =	smov.u32 s11;
	[sflag:s14] =	ssyncset.done @!p0 $0x0  }
0x21: {  	s12 =	smov.u32 s16;
	s11 =	smov.u32 s15;
	[sflag:s14] =	ssyncadd.s32 @!p0 $0xFFFFE700  }
.LBB2_1:
0x22: {  	p0 =	sge.u32 s12, s7  }
0x23: {  	s14 =	sxor.u32 @!p0 $0x1, s12  }
0x24: {  	s14 =	smul.u32 @!p0 $0x6400, s14  }
0x25: {  	s31 =	sadd.s32 $0xFFFFFFFF, s12;
	s15 =	sshrl.u32 @!p0 s11, $0x3  }
0x26: {  	s16 =	sand.u32 @!p0 $0x7, s11;
	s15 =	sadd.s32 @!p0 s2, s15;
	s14 =	sshra.s32 @!p0 s14, $0x2  }
0x27: {  	[tilespmem:s14], [sflag:$0x2] =	stream.linear.gather @!p0 [hbm4b:s15+s16], $0x1900, $0x38;
	[tilespmem:$0x6400] =	vst v63  }
0x28: {  	p0 =	sge.u32 s31, s7  }
.Ltmp2:
0x29: {  	_ = 	snop;
	(pc) =	sbr.rel @p0 .LBB2_5-.Ltmp2, $1  }
0x2a: {  	_ =	sdelay $0x3  }
0x2b: {  	s14 =	sand.u32 $0x1, s12  }
0x2c: {  	_ =	swait.ge [sflag:s6], $0x1900;
	p0 =	seq.s32 s14, $0x1;
	s14 =	simm.s32 $0x1900  }
0x2d: {  	[sflag:s6] =	ssyncset.done $0x0;
	s14 =	simm.s32 @!p0 $0x0  }
0x2e: {  	[sflag:s6] =	ssyncadd.s32 $0xFFFFE700;
	(ifvalue) =	ssetifvalue $0x7FFFFFFF;
	v0 =	vld.msk [tilespmem:s14+$0x0 ss:$0x1], $0xffff;
	_ =	sdelay $0x4  }
0x2f: {  	s15 =	sadd.s32 $0x10, s14;
	vm1 =	vgt.s32 v0, $0x0  }
0x30: {  	v2 =	vld.msk [tilespmem:s15+$0x0 ss:$0x1], $0xffff;
	v1 =	vnsel vm1, $0x0, v0  }
0x31: {  	v1 =	vmin.u32 v1, $0x7FFFF;
	_ =	sdelay $0x2  }
0x32: {  	s17 =	simm.s32 $0x20;
	s14 =	sadd.s32 $0x3200, s14;
	s16 =	sadd.s32 $0x10, s15  }
0x33: {  	s15 =	sadd.s32 $0x10, s14;
	s18 =	smov.u32 s14;
	v0 =	vld.msk [tilespmem:s16+$0x0 ss:$0x1], $0xffff;
	vm1 =	vgt.s32 v2, $0x0;
	(ifvalue) =	ssetifvalue $0x7FFFFFFF  }
.LBB2_3:
0x34: {  	[tilespmem:s18], [sflag:$0x1] =	stream.indirect_vreg.gather [hbm4b:s3+s10], $0x1, v1, vm0, $0x4038;
	[tilespmem:$0x6400] =	vst v63  }
0x35: {  	s17 =	sadd.s32 $0x10, s17  }
0x36: {  	v2 =	vnsel vm1, $0x0, v2;
	p0 =	slt.u32 s17, $0x18F0  }
.Ltmp3:
0x37: {  	s18 =	smov.u32 s15;
	v1 =	vmin.u32 v2, $0x7FFFF;
	(pc) =	sbr.rel @p0 .LBB2_3-.Ltmp3, $3  }
0x38: {  	_ =	sdelay $0x1  }
0x39: {  	s16 =	sadd.s32 $0x10, s16  }
0x3a: {  	vm1 =	vgt.s32 v0, $0x0;
	s15 =	sadd.s32 $0x10, s15;
	v2 =	vmov v0;
	(ifvalue) =	ssetifvalue $0x7FFFFFFF;
	v0 =	vld.msk [tilespmem:s16+$0x0 ss:$0x1], $0xffff  }
.Ltmp4:
0x3b: {  	_ = 	snop;
	(pc) =	sbr.rel .LBB2_4-.Ltmp4, $1  }
0x3c: {  	_ =	sdelay $0x3  }
.LBB2_6:
0x3d: {  	_ =	sfence.sel $0x180000  }
0x3e: {  	s2 =	simm.s32 $0x2;
	[bflag:$0x0] =	sbarrier.arrive $0xFFFF  }
0x3f: {  	s30 =	simm.s32 $0x3;
	[sflag:s2] =	ssyncpa.u1 $0x1  }
0x40: {  	s31 =	simm.s32 $0x1;
	[sflag:s30] =	ssyncpa.u1 $0x1  }
0x41: {  	[sflag:s31] =	ssyncpa.u1 $0x1  }
0x42: {  	p0 =	sne.s32 s0, $0x0;
	_ =	strace $0x90000059  }
0x43: {  	s0 =	sadd.s32 @!p0 $0x100000, s1;
	[bflag:$0x2] =	sbarrier.arrive $0xFFFF  }
0x44: {  	[sflag:s0] =	ssyncadd.tile.s32 @!p0 $0x1;
	_ =	shalt  }
.Lfunc_end2:
_tile_overlayer_lowered:
.L_overlay_start_2:
0x45: {  	(tag) =	ssettag $0x2  }
0x46: {  	s0 =	rddreg [dreg:$0x0];
	s2 =	stileid.u32  }
0x47: {  	s1 =	rddreg [dreg:$0x1];
	p0 =	sne.s32 s2, $0x0  }
0x48: {  	s3 =	rddreg [dreg:$0x2];
	[bflag:$0x3] =	sbarrier.arrive $0xFFFF;
	s2 =	simm.s32 @!p0 $0x1C01  }
0x49: {  	[timem:s3], [sflag:s2] =	dma.local @!p0 [hbm:s0], s1  }
0x4a: {  	s0 =	simm.s32 @!p0 $0x1  }
0x4b: {  	_ =	swait.ge @!p0 [sflag:s0], s1  }
0x4c: {  	s1 =	ssub.s32 @!p0 $0x0, s1;
	[sflag:s0] =	ssyncset.done @!p0 $0x0  }
0x4d: {  	[sflag:s0] =	ssyncadd.s32 @!p0 s1  }
0x4e: {  	[bflag:$0x3] =	sbarrier.arrive $0xFFFF  }
0x4f: {  	_ =	shalt  }

// kernel: gather_offload_async_start.2
scs
__scs_entry_jumppad:
0x0: {  	(pc) =	sbr.rel $0x88, $3  }
0x1: {  	(tag) =	ssettag $0x0;
	lr =	simm.s32 $0x1  }
0x2: {  	[smem:$0x3F9B] =	sst lr;
	_ =	strace $0xD0000000  }
0x3: {  	_ = 	snop  }
0x4: {  	_ = 	snop  }
0x5: {  	_ = 	snop  }
0x6: {  	_ = 	snop  }
0x7: {  	_ = 	snop  }
__scs_overlays_trampoline_lowered:
0x8: {  	[smem:$0x3FAA] =	sst s0  }
0x9: {  	[smem:$0x3FAB] =	sst s1  }
0xa: {  	[smem:$0x3FAC] =	sst s2  }
0xb: {  	[smem:$0x3FAD] =	sst s3  }
0xc: {  	[smem:$0x3FAE] =	sst s4  }
0xd: {  	[smem:$0x3FAF] =	sst s5  }
0xe: {  	[smem:$0x3FB0] =	sst s6  }
0xf: {  	[smem:$0x3FB1] =	sst s7  }
0x10: {  	[smem:$0x3FB2] =	sst s8  }
0x11: {  	[smem:$0x3FB3] =	sst s9;
	s0 =	simm.s32 @!p0 $0x0  }
0x12: {  	s1 =	sld [smem:$0x3F99];
	s0 =	simm.s32 @p0 $0x1  }
0x13: {  	[smem:$0x3FB4] =	sst s0;
	s0 =	simm.s32 @!p1 $0x0  }
0x14: {  	s2 =	sld [smem:$0x3F98];
	s0 =	simm.s32 @p1 $0x1  }
0x15: {  	[smem:$0x3FB5] =	sst s0;
	s0 =	simm.s32 @!p2 $0x0  }
0x16: {  	s3 =	sld [smem:$0x3FDB];
	s0 =	simm.s32 @p2 $0x1  }
0x17: {  	s4 =	simm.s32 $0x1BF5;
	[smem:$0x3FB7] =	sst s0  }
0x18: {  	s0 =	sld [smem:$0x3F9A];
	_ =	swait.ge [sflag:s4], $0x0  }
0x19: {  	s7 =	sld [smem:$0x3F9B]  }
0x1a: {  	s8 =	sadd.s32 $0xFFFFE003, lr  }
0x1b: {  	s9 =	sadd.s32 $0xFFFFFEF7, lr;
	s5 =	simm.s32 $0xFFFFFFFF;
	p2 =	slt.u32 s8, $0xFFFFF086  }
0x1c: {  	p1 =	slt.u32 s9, $0xF7A;
	s5 =	simm.s32 @!p2 $0x0  }
0x1d: {  	s5 =	simm.s32 @p1 $0x1;
	p0 =	seq.s32 s7, s2  }
0x1e: {  	s7 =	smul.u32 @!p0 $0xF7A, s2;
	p2 =	seq.s32 @!p0 s5, $0x0  }
0x1f: {  	s9 =	smul.u32 $0xF7A, s1;
	s8 =	simm.s32 @!p0 $0x1BF5;
	p2 =	por !p2, p0  }
0x20: {  	[sflag:s8] =	ssyncset.s32 @!p0 $0xFFFFF086;
	s6 =	sadd.s32 @!p0 s3, s7;
	s7 =	simm.s32 @!p0 $0x108  }
0x21: {  	s3 =	sadd.s32 s3, s9;
	s6 =	sadd.s32 @!p0 $0x88, s6;
	s7 =	simm.s32 @p2 $0x1082  }
0x22: {  	[simem:s7], [sflag:s8] =	dma.local @!p0 [hbm:s6], $0xF7A  }
0x23: {  	s9 =	sor.u32 $0xD0000000, s2;
	s6 =	simm.s32 $0x108;
	_ =	swait.ge @!p0 [sflag:s8], $0x0  }
0x24: {  	s3 =	sadd.s32 $0x88, s3;
	s6 =	simm.s32 @!p1 $0x1082;
	[sflag:s4] =	ssyncset.s32 $0xFFFFF086  }
0x25: {  	[simem:s6], [sflag:s4] =	dma.local [hbm:s3], $0xF7A  }
0x26: {  	[smem:$0x3F9B] =	sst s1;
	(tag) =	ssettag s2;
	_ =	strace s9  }
0x27: {  	s1 =	sld [smem:$0x3FAB]  }
0x28: {  	s2 =	sld [smem:$0x3FAC]  }
0x29: {  	s4 =	sld [smem:$0x3FAE]  }
0x2a: {  	p0 =	seq.s32 s5, $0x0;
	s5 =	sld [smem:$0x3FAF]  }
0x2b: {  	s6 =	sld [smem:$0x3FB0]  }
0x2c: {  	s7 =	sld [smem:$0x3FB1]  }
0x2d: {  	s3 =	simm.s32 $0x108;
	s8 =	sld [smem:$0x3FB2]  }
0x2e: {  	s3 =	simm.s32 @!p0 $0x1082;
	s9 =	sld [smem:$0x3FB3]  }
0x2f: {  	lr =	sadd.s32 s0, s3;
	s0 =	sld [smem:$0x3FAA]  }
0x30: {  	s3 =	sld [smem:$0x3FAD]  }
0x31: {  	[smem:$0x3FB6] =	sst s10  }
0x32: {  	s10 =	sld [smem:$0x3FB4];
	_ =	sdelay $0x3  }
0x33: {  	p0 =	seq.s32 s10, $0x1;
	s10 =	sld [smem:$0x3FB6];
	_ =	sdelay $0x3  }
0x34: {  	[smem:$0x3FB6] =	sst s10  }
0x35: {  	s10 =	sld [smem:$0x3FB5];
	_ =	sdelay $0x3  }
0x36: {  	p1 =	seq.s32 s10, $0x1;
	s10 =	sld [smem:$0x3FB6];
	_ =	sdelay $0x3  }
0x37: {  	[smem:$0x3FB6] =	sst s10  }
0x38: {  	s10 =	sld [smem:$0x3FB7]  }
0x39: {  	_ = 	snop;
	(pc) =	sbr.ind lr, $3  }
0x3a: {  	_ = 	snop  }
0x3b: {  	_ = 	snop  }
0x3c: {  	p2 =	seq.s32 s10, $0x1;
	s10 =	sld [smem:$0x3FB6]  }
0x3d: {  	_ =	shalt  }
0x3e: {  	_ =	shalt  }
0x3f: {  	_ =	shalt  }
0x40: {  	_ =	shalt  }
0x41: {  	_ =	shalt  }
0x42: {  	_ =	shalt  }
0x43: {  	_ =	shalt  }
0x44: {  	_ =	shalt  }
0x45: {  	_ =	shalt  }
0x46: {  	_ =	shalt  }
0x47: {  	_ =	shalt  }
0x48: {  	_ =	shalt  }
0x49: {  	_ =	shalt  }
0x4a: {  	_ =	shalt  }
0x4b: {  	_ =	shalt  }
0x4c: {  	_ =	shalt  }
0x4d: {  	_ =	shalt  }
0x4e: {  	_ =	shalt  }
0x4f: {  	_ =	shalt  }
0x50: {  	_ =	shalt  }
0x51: {  	_ =	shalt  }
0x52: {  	_ =	shalt  }
0x53: {  	_ =	shalt  }
0x54: {  	_ =	shalt  }
0x55: {  	_ =	shalt  }
0x56: {  	_ =	shalt  }
0x57: {  	_ =	shalt  }
0x58: {  	_ =	shalt  }
0x59: {  	_ =	shalt  }
0x5a: {  	_ =	shalt  }
0x5b: {  	_ =	shalt  }
0x5c: {  	_ =	shalt  }
0x5d: {  	_ =	shalt  }
0x5e: {  	_ =	shalt  }
0x5f: {  	_ =	shalt  }
0x60: {  	_ =	shalt  }
0x61: {  	_ =	shalt  }
0x62: {  	_ =	shalt  }
0x63: {  	_ =	shalt  }
0x64: {  	_ =	shalt  }
0x65: {  	_ =	shalt  }
0x66: {  	_ =	shalt  }
0x67: {  	_ =	shalt  }
0x68: {  	_ =	shalt  }
0x69: {  	_ =	shalt  }
0x6a: {  	_ =	shalt  }
0x6b: {  	_ =	shalt  }
0x6c: {  	_ =	shalt  }
0x6d: {  	_ =	shalt  }
0x6e: {  	_ =	shalt  }
0x6f: {  	_ =	shalt  }
0x70: {  	_ =	shalt  }
0x71: {  	_ =	shalt  }
0x72: {  	_ =	shalt  }
0x73: {  	_ =	shalt  }
0x74: {  	_ =	shalt  }
0x75: {  	_ =	shalt  }
0x76: {  	_ =	shalt  }
0x77: {  	_ =	shalt  }
0x78: {  	_ =	shalt  }
0x79: {  	_ =	shalt  }
0x7a: {  	_ =	shalt  }
0x7b: {  	_ =	shalt  }
0x7c: {  	_ =	shalt  }
0x7d: {  	_ =	shalt  }
0x7e: {  	_ =	shalt  }
0x7f: {  	_ =	shalt  }
0x80: {  	_ =	shalt  }
0x81: {  	_ =	shalt  }
0x82: {  	_ =	shalt  }
0x83: {  	_ =	shalt  }
0x84: {  	_ =	shalt  }
0x85: {  	_ =	shalt  }
0x86: {  	_ =	shalt  }
0x87: {  	_ =	shalt  }
.Lfunc_end0:
.L_simem_size_0:
called_computation.5_lowered:
.L_overlay_start_0:
0x88: {  	s2 =	sld [smem:$0x3FD9]  }
0x89: {  	s3 =	sld [smem:$0x3FFE];
	_ =	sdelay $0x1  }
0x8a: {  	s1 =	srdreg.scid  }
0x8b: {  	s0 =	sand.u32 $0x1, s1  }
0x8c: {  	s15 =	sshll.u32 s0, $0xA;
	s2 =	sadd.s32 s3, s2  }
0x8d: {  	s2 =	sadd.s32 s2, s15  }
0x8e: {  	[smem:$0x3FC2] =	sst s2  }
0x8f: {  	_ = 	snop  }
0x90: {  	s16 =	sld [smem:$0x3FD0];
	_ =	sdelay $0x2  }
0x91: {  	s4 =	simm.s32 $0xB;
	s5 =	simm.s32 $0x10;
	s2 =	sld [smem:$0x3FC8]  }
0x92: {  	[smem:s5], [sflag:s4] =	dma.local [hbm:s16], $0x1  }
0x93: {  	_ =	swait.eq [sflag:s4], $0x1  }
0x94: {  	[sflag:s4] =	ssyncset.done $0x0  }
0x95: {  	[sflag:s4] =	ssyncadd.s32 $0xFFFFFFFF  }
0x96: {  	s17 =	sld [smem:$0x10];
	(tm) =	ssettm $0x1  }
0x97: {  	s18 =	sld [smem:$0x3FFB];
	_ =	sdelay $0x3  }
0x98: {  	_ =	strace s18  }
0x99: {  	s3 =	sld [smem:$0x3FFC];
	_ =	sdelay $0x3  }
0x9a: {  	_ =	strace s3  }
0x9b: {  	s3 =	sld [smem:$0x3FFD];
	_ =	sdelay $0x3  }
0x9c: {  	_ =	strace s3  }
0x9d: {  	_ =	strace $0x8FFFFFFF  }
0x9e: {  	s19 =	sld [smem:$0x3FDB];
	_ =	sdelay $0x1  }
0x9f: {  	s20 =	simm.s32 $_scs_section_size  }
0xa0: {  	s6 =	simm.s32 $_size__tile_overlayer_lowered;
	s7 =	simm.s32 $_tile_overlayer_lowered  }
0xa1: {  	s8 =	simm.s32 $0x1BFF;
	s21 =	sshll.u32 s7, $0x1;
	s5 =	sadd.s32 s20, s19  }
0xa2: {  	s22 =	simm.s32 $0x0;
	s6 =	sshll.u32 s6, $0x1;
	s7 =	sadd.s32 s21, s5  }
0xa3: {  	[timem:s22], [sflag:s8] =	dma.local [hbm:s7], s6  }
0xa4: {  	_ =	swait.ge [sflag:s8], s6  }
0xa5: {  	s6 =	ssub.s32 $0x0, s6;
	[sflag:s8] =	ssyncset.done $0x0  }
0xa6: {  	[sflag:s8] =	ssyncadd.s32 s6;
	_ =	sdelay $0x1  }
0xa7: {  	s23 =	simm.s32 $0x1B8B  }
0xa8: {  	_ =	swait.ge [sflag:s23], $0x1  }
0xa9: {  	[sflag:s23] =	ssyncset.done $0x0  }
0xaa: {  	[sflag:s23] =	ssyncadd.s32 $0xFFFFFFFF  }
0xab: {  	s6 =	sld [smem:$0x0]  }
0xac: {  	s7 =	sand.u32 $0xFFFFFFFE, s1  }
0xad: {  	p0 =	sne.s32 s1, s7  }
0xae: {  	s7 =	sshll.u32 @p0 s7, $0xE  }
0xaf: {  	s7 =	sadd.s32 @p0 $0x11B8D, s7;
	s8 =	sshll.u32 @p0 s6, $0x11  }
0xb0: {  	s7 =	sor.u32 @p0 s8, s7  }
0xb1: {  	[sflag:s7] =	ssyncadd.remote.s32 @p0 $0x1;
	_ =	sdelay $0x1  }
0xb2: {  	s7 =	simm.s32 @p0 $0x1B8D  }
0xb3: {  	_ =	swait.eq @p0 [sflag:s7], $0x1  }
0xb4: {  	[sflag:s7] =	ssyncadd.s32 @p0 $0xFFFFFFFF  }
0xb5: {  	s8 =	sshll.u32 @!p0 s1, $0xE  }
0xb6: {  	s8 =	sor.u32 @!p0 $0x4000, s8;
	s7 =	simm.s32 @!p0 $0x1B8D  }
0xb7: {  	s6 =	sshll.u32 @!p0 s6, $0x11;
	s8 =	sadd.s32 @!p0 $0x11B8D, s8;
	_ =	swait.eq @!p0 [sflag:s7], $0x1  }
0xb8: {  	s6 =	sor.u32 @!p0 s6, s8;
	[sflag:s7] =	ssyncadd.s32 @!p0 $0xFFFFFFFF  }
0xb9: {  	s25 =	simm.s32 $0x1B8E;
	s24 =	sld [smem:$0x3FFE];
	[sflag:s6] =	ssyncadd.remote.s32 @!p0 $0x1  }
0xba: {  	s26 =	simm.s32 $execute0_lowered;
	[smem:$0x3FD2] =	sst s25  }
0xbb: {  	s7 =	sshll.u32 s26, $0x1;
	_ =	strace $0x8000005E;
	[dreg:$0x1] =	wrdreg $0xFFFFFFFF  }
0xbc: {  	s28 =	simm.s32 $_size_execute0_lowered;
	s5 =	sadd.s32 s5, s7;
	[dreg:$0x0] =	wrdreg $0x0  }
0xbd: {  	s7 =	sshll.u32 s28, $0x1;
	[dreg:$0x2] =	wrdreg s5  }
0xbe: {  	[dreg:$0x3] =	wrdreg s7  }
0xbf: {  	[dreg:$0x4] =	wrdreg $0xC0  }
0xc0: {  	_ =	task [dreg:s22], $0x5FFFF  }
0xc1: {  	[dreg:$0x1] =	wrdreg $0xFFFFFFFF  }
0xc2: {  	[dreg:$0x0] =	wrdreg $0x60  }
0xc3: {  	[dreg:$0x2] =	wrdreg s2  }
0xc4: {  	[dreg:$0x3] =	wrdreg s24  }
0xc5: {  	[dreg:$0x4] =	wrdreg s17  }
0xc6: {  	[dreg:$0x5] =	wrdreg $0x9  }
0xc7: {  	_ =	task.clear_ibuf [dreg:s22], $0x6FFFF;
	_ =	strace $0x9000005E  }
0xc8: {  	s29 =	simm.s32 $0x9;
	_ =	strace $0x80000060  }
0xc9: {  	_ =	swait.ge [sflag:s29], $0x1  }
0xca: {  	[sflag:s29] =	ssyncadd.s32 $0xFFFFFFFF  }
0xcb: {  	_ =	strace $0x90000060  }
0xcc: {  	_ =	sfence  }
0xcd: {  	s30 =	sld [smem:$0x0];
	_ =	sdelay $0x2  }
0xce: {  	s31 =	sshll.u32 s1, $0xD;
	s1 =	sshrl.u32 s1, $0x2  }
0xcf: {  	s4 =	sand.u32 $0x4000, s31;
	s1 =	sadd.s32 s1, s30  }
0xd0: {  	s0 =	sor.u32 s4, s0;
	s1 =	sshll.u32 s1, $0x11  }
0xd1: {  	s0 =	sor.u32 s1, s0  }
0xd2: {  	s0 =	sadd.s32 $0x8F2B, s0  }
0xd3: {  	[sflag:s0] =	ssyncadd.remote.s32 $0x1  }
0xd4: {  	_ =	sfence.sel $0xFFFF  }
0xd5: {  	[dreg:$0x0] =	wrdreg $0xFFFFFFFF;
	(pc) =	sbr.abs _section_cstart, $3  }
0xd6: {  	[dreg:$0x1] =	wrdreg $0xFFFFFFFF  }
0xd7: {  	_ =	task.clear_ibuf [dreg:s22], $0x2FFFF;
	_ =	strace $0x9FFFFFFF  }
0xd8: {  	(tm) =	ssettm $0x7FFFFFFF  }
0xd9: {  	_ =	shalt  }
tec
execute0_lowered:
.L_overlay_start_1:
0x0: {  	(tag) =	ssettag $0x1  }
0x1: {  	s2 =	rddreg [dreg:$0x0]  }
0x2: {  	s4 =	rddreg [dreg:$0x1];
	s0 =	stileid.u32  }
0x3: {  	s1 =	srdreg.scid;
	s3 =	rddreg [dreg:$0x2]  }
0x4: {  	s9 =	simm.s32 $0x1;
	s10 =	simm.s32 $0x3;
	s13 =	simm.s32 $0x0  }
0x5: {  	s12 =	simm.s32 $0x0;
	s5 =	sand.u32 $0x1, s1;
	s6 =	sshll.u32 s0, $0x1  }
0x6: {  	s1 =	rddreg [dreg:$0x3];
	_ =	strace $0x8000005F;
	s7 =	sor.u32 s6, s5  }
0x7: {  	s4 =	sadd.s32 $0x2A00, s4;
	s6 =	simm.s32 $0x1;
	s5 =	smul.u32 $0x1900, s7  }
0x8: {  	p0 =	slt.u32 s7, $0x9;
	s7 =	simm.s32 $0x32000;
	[sflag:s6] =	ssyncpa.u1 $0x0  }
.Ltmp0:
0x9: {  	s7 =	simm.s32 @!p0 $0x0;
	s8 =	ssub.s32 $0x3E800, s5;
	(pc) =	sbr.rel .LBB2_1-.Ltmp0, $4  }
0xa: {  	s9 =	simm.s32 @!p0 $0x0;
	p0 =	sne.s32 s8, s7;
	s8 =	simm.s32 $0x1  }
0xb: {  	s11 =	smov.u32 s5;
	s7 =	simm.s32 $0x2;
	s8 =	simm.s32 @!p0 $0x0  }
0xc: {  	[sflag:s7] =	ssyncpa.u1 $0x0;
	p0 =	por $0x0, $0x0;
	s8 =	sadd.s32 s9, s8  }
0xd: {  	vm0 =	vmmov $0xffff;
	v0 =	vlaneseq.u32;
	[sflag:s10] =	ssyncpa.u1 $0x0;
	s10 =	simm.s32 $0x0;
	s9 =	sadd.s32 $0x1, s8  }
.LBB2_4:
0xe: {  	vm1 =	vgt.s32 v1, $0x0;
	s15 =	sadd.s32 $0xFFFFFFF0, s15  }
0xf: {  	v1 =	vnsel vm1, $0x0, v1;
	p1 =	sgt.s32 s15, $0x0  }
0x10: {  	v1 =	vmin.u32 v1, $0x4E1FF;
	s15 =	simm.s32 @!p1 $0x0  }
0x11: {  	v2 =	vshll.u32 v1, $0x1;
	s15 =	smin.u32 s15, $0x10  }
0x12: {  	v1 =	vand.u32 $0x7F, v1;
	v2 =	vand.u32 $0xFFF00, v2;
	v3 =	vmov s15  }
0x13: {  	v1 =	vor.u32 v1, v2;
	vm1 =	vgt.u32 v3, v0  }
0x14: {  	v2 =	vnsel vm1, $0x7FFFFFFF, v1;
	_ =	sdelay $0x1  }
0x15: {  	s29 =	sand.u32 $0x3F00, s17;
	s16 =	sadd.s32 $0x10, s16;
	v1 =	vor.u32 $0x80, v1  }
0x16: {  	(ifvalue) =	ssetifvalue $0x7FFFFFFF;
	s16 =	sand.u32 $0x70, s16;
	s15 =	sadd.s32 s29, s14;
	v1 =	vnsel vm1, $0x7FFFFFFF, v1  }
0x17: {  	(ifvalue) =	ssetifvalue $0x7FFFFFFF;
	s15 =	sadd.s32 s16, s15  }
0x18: {  	[tilespmem:s15], [sflag:$0x1] =	stream.indirect_vreg.gather [hbm4b:s2+s10], $0x1, v2, vm0, $0x4038;
	[tilespmem:$0x9600] =	vst v63  }
0x19: {  	(ifvalue) =	ssetifvalue $0x7FFFFFFF  }
0x1a: {  	s30 =	sshll.u32 s13, $0x1;
	s15 =	sadd.s32 $0x80, s15;
	(ifvalue) =	ssetifvalue $0x7FFFFFFF  }
0x1b: {  	[tilespmem:s15], [sflag:$0x1] =	stream.indirect_vreg.gather [hbm4b:s2+s10], $0x1, v1, vm0, $0x4038;
	[tilespmem:$0x9600] =	vst v63  }
0x1c: {  	s31 =	sand.u32 $0x78, s13;
	s15 =	sand.u32 $0xFFFFFF00, s30  }
0x1d: {  	_ =	swait.ge [sflag:s6], $0x3200;
	s13 =	sor.u32 s31, s15  }
0x1e: {  	[sflag:s6] =	ssyncset.done $0x0;
	s13 =	sshrl.u32 s13, $0x3  }
0x1f: {  	[sflag:s6] =	ssyncadd.s32 $0xFFFFCE00;
	s13 =	sadd.s32 s3, s13  }
0x20: {  	[hbm:s13] =	stream.linear.scatter [tilespmem:s14], [sflag:$0x3], $0x3200, $0x38;
	[tilespmem:$0x9600] =	vst v63  }
.LBB2_5:
0x21: {  	s15 =	sadd.s32 $0x32000, s11  }
0x22: {  	p2 =	sgt.s32 s15, $0x3E7FF  }
0x23: {  	s15 =	smov.u32 @p2 s5;
	p2 =	sne.s32 s12, s9  }
.Ltmp1:
0x24: {  	p1 =	slt.u32 s12, $0x2;
	(pc) =	sbr.rel @!p2 .LBB2_6-.Ltmp1, $4  }
0x25: {  	s14 =	simm.s32 @!p1 $0x3  }
0x26: {  	s16 =	sadd.s32 $0x1, s12;
	_ =	swait.ge @!p1 [sflag:s14], $0x3200  }
0x27: {  	s13 =	smov.u32 s11;
	p0 =	por !p0, !p0;
	[sflag:s14] =	ssyncset.done @!p1 $0x0  }
0x28: {  	s12 =	smov.u32 s16;
	s11 =	smov.u32 s15;
	[sflag:s14] =	ssyncadd.s32 @!p1 $0xFFFFCE00  }
.LBB2_1:
0x29: {  	p1 =	sge.u32 s12, s8  }
0x2a: {  	s14 =	sxor.u32 @!p1 $0x1, s12  }
0x2b: {  	s14 =	smul.u32 @!p1 $0x6400, s14  }
0x2c: {  	s31 =	sadd.s32 $0xFFFFFFFF, s12;
	s15 =	sshrl.u32 @!p1 s11, $0x3  }
0x2d: {  	s16 =	sand.u32 @!p1 $0x7, s11;
	s15 =	sadd.s32 @!p1 s4, s15;
	s14 =	sshra.s32 @!p1 s14, $0x2  }
0x2e: {  	[tilespmem:s14], [sflag:$0x2] =	stream.linear.gather @!p1 [hbm4b:s15+s16], $0x1900, $0x38;
	[tilespmem:$0x9600] =	vst v63  }
0x2f: {  	p1 =	sge.u32 s31, s8  }
.Ltmp2:
0x30: {  	_ = 	snop;
	(pc) =	sbr.rel @p1 .LBB2_5-.Ltmp2, $1  }
0x31: {  	_ =	sdelay $0x3  }
0x32: {  	s14 =	simm.s32 $0x1  }
0x33: {  	s14 =	simm.s32 @!p0 $0x0  }
0x34: {  	_ =	swait.ge [sflag:s7], $0x1900;
	s14 =	smul.u32 $0x6400, s14  }
0x35: {  	[sflag:s7] =	ssyncset.done $0x0  }
0x36: {  	[sflag:s7] =	ssyncadd.s32 $0xFFFFE700;
	s17 =	sshrl.u32 s14, $0x2  }
0x37: {  	v1 =	vld.msk [tilespmem:s17+$0x0 ss:$0x1], $0xffff;
	_ =	sdelay $0x2  }
0x38: {  	s15 =	ssub.s32 $0x3E800, s13  }
0x39: {  	p1 =	slt.s32 s15, $0x1900  }
0x3a: {  	s15 =	simm.s32 @!p1 $0x1900;
	vm1 =	vgt.s32 v1, $0x0  }
0x3b: {  	p1 =	sgt.s32 s15, $0x0;
	s14 =	smov.u32 s15;
	v1 =	vnsel vm1, $0x0, v1  }
0x3c: {  	s14 =	simm.s32 @!p1 $0x0;
	v1 =	vmin.u32 v1, $0x4E1FF  }
0x3d: {  	s14 =	smin.u32 s14, $0x10;
	v2 =	vshll.u32 v1, $0x1  }
0x3e: {  	s16 =	sand.u32 $0x1, s12;
	v3 =	vmov s14;
	v1 =	vand.u32 $0x7F, v1;
	v2 =	vand.u32 $0xFFF00, v2  }
0x3f: {  	s31 =	smul.u32 $0xC800, s16;
	vm1 =	vgt.u32 v3, v0;
	v1 =	vor.u32 v1, v2  }
0x40: {  	v2 =	vnsel vm1, $0x7FFFFFFF, v1  }
0x41: {  	s16 =	simm.s32 $0x0;
	s14 =	sshrl.u32 s31, $0x2  }
0x42: {  	s18 =	sand.u32 $0x3F00, s16;
	s14 =	sadd.s32 $0x3200, s14;
	v1 =	vor.u32 $0x80, v1  }
0x43: {  	s19 =	sand.u32 $0x70, s16;
	(ifvalue) =	ssetifvalue $0x7FFFFFFF;
	s18 =	sadd.s32 s18, s14;
	v1 =	vnsel vm1, $0x7FFFFFFF, v1  }
0x44: {  	(ifvalue) =	ssetifvalue $0x7FFFFFFF;
	s18 =	sadd.s32 s19, s18  }
0x45: {  	[tilespmem:s18], [sflag:$0x1] =	stream.indirect_vreg.gather [hbm4b:s2+s10], $0x1, v2, vm0, $0x4038;
	[tilespmem:$0x9600] =	vst v63  }
0x46: {  	(ifvalue) =	ssetifvalue $0x7FFFFFFF  }
0x47: {  	s18 =	sadd.s32 $0x80, s18;
	(ifvalue) =	ssetifvalue $0x7FFFFFFF  }
0x48: {  	[tilespmem:s18], [sflag:$0x1] =	stream.indirect_vreg.gather [hbm4b:s2+s10], $0x1, v1, vm0, $0x4038;
	[tilespmem:$0x9600] =	vst v63  }
0x49: {  	s18 =	sadd.s32 $0x10, s17  }
0x4a: {  	v1 =	vld.msk [tilespmem:s18+$0x0 ss:$0x1], $0xffff  }
0x4b: {  	s19 =	simm.s32 $0x40;
	s17 =	simm.s32 $0x20  }
.LBB2_3:
0x4c: {  	p1 =	sne.s32 s19, $0x31E0;
	_ =	sdelay $0x2  }
0x4d: {  	vm1 =	vgt.s32 v1, $0x0;
	s15 =	sadd.s32 $0xFFFFFFF0, s15  }
0x4e: {  	v1 =	vnsel vm1, $0x0, v1;
	p2 =	sgt.s32 s15, $0x0;
	s20 =	smov.u32 s15  }
0x4f: {  	v1 =	vmin.u32 v1, $0x4E1FF;
	s20 =	simm.s32 @!p2 $0x0  }
0x50: {  	v2 =	vshll.u32 v1, $0x1;
	s20 =	smin.u32 s20, $0x10  }
0x51: {  	v1 =	vand.u32 $0x7F, v1;
	v2 =	vand.u32 $0xFFF00, v2;
	v3 =	vmov s20  }
0x52: {  	v1 =	vor.u32 v1, v2;
	vm1 =	vgt.u32 v3, v0  }
0x53: {  	v2 =	vnsel vm1, $0x7FFFFFFF, v1;
	_ =	sdelay $0x1  }
0x54: {  	s16 =	sadd.s32 $0x10, s16;
	s20 =	sand.u32 $0x3F00, s17;
	s17 =	smov.u32 s19;
	v1 =	vor.u32 $0x80, v1  }
0x55: {  	s21 =	sand.u32 $0x70, s16;
	s20 =	sadd.s32 s20, s14;
	v1 =	vnsel vm1, $0x7FFFFFFF, v1;
	(ifvalue) =	ssetifvalue $0x7FFFFFFF  }
0x56: {  	s20 =	sadd.s32 s21, s20;
	(ifvalue) =	ssetifvalue $0x7FFFFFFF  }
0x57: {  	[tilespmem:s20], [sflag:$0x1] =	stream.indirect_vreg.gather [hbm4b:s2+s10], $0x1, v2, vm0, $0x4038;
	[tilespmem:$0x9600] =	vst v63  }
0x58: {  	s18 =	sadd.s32 $0x10, s18;
	(ifvalue) =	ssetifvalue $0x7FFFFFFF  }
.Ltmp3:
0x59: {  	s20 =	sadd.s32 $0x80, s20;
	(ifvalue) =	ssetifvalue $0x7FFFFFFF;
	(pc) =	sbr.rel @p1 .LBB2_3-.Ltmp3, $3  }
0x5a: {  	[tilespmem:s20], [sflag:$0x1] =	stream.indirect_vreg.gather [hbm4b:s2+s10], $0x1, v1, vm0, $0x4038;
	[tilespmem:$0x9600] =	vst v63  }
0x5b: {  	v1 =	vld.msk [tilespmem:s18+$0x0 ss:$0x1], $0xffff;
	_ =	sdelay $0x1  }
0x5c: {  	s19 =	sadd.s32 $0x20, s19  }
.Ltmp4:
0x5d: {  	_ = 	snop;
	(pc) =	sbr.rel .LBB2_4-.Ltmp4, $1  }
0x5e: {  	_ =	sdelay $0x3  }
.LBB2_6:
0x5f: {  	_ =	sfence.sel $0x180000  }
0x60: {  	s2 =	simm.s32 $0x2;
	[bflag:$0x0] =	sbarrier.arrive $0xFFFF  }
0x61: {  	s30 =	simm.s32 $0x3;
	[sflag:s2] =	ssyncpa.u1 $0x1  }
0x62: {  	s31 =	simm.s32 $0x1;
	[sflag:s30] =	ssyncpa.u1 $0x1  }
0x63: {  	[sflag:s31] =	ssyncpa.u1 $0x1  }
0x64: {  	p0 =	sne.s32 s0, $0x0;
	_ =	strace $0x9000005F  }
0x65: {  	s0 =	sadd.s32 @!p0 $0x100000, s1;
	[bflag:$0x2] =	sbarrier.arrive $0xFFFF  }
0x66: {  	[sflag:s0] =	ssyncadd.tile.s32 @!p0 $0x1;
	_ =	shalt  }
.Lfunc_end2:
_tile_overlayer_lowered:
.L_overlay_start_2:
0x67: {  	(tag) =	ssettag $0x2  }
0x68: {  	s0 =	rddreg [dreg:$0x0];
	s2 =	stileid.u32  }
0x69: {  	s1 =	rddreg [dreg:$0x1];
	p0 =	sne.s32 s2, $0x0  }
0x6a: {  	s3 =	rddreg [dreg:$0x2];
	[bflag:$0x3] =	sbarrier.arrive $0xFFFF;
	s2 =	simm.s32 @!p0 $0x1C01  }
0x6b: {  	[timem:s3], [sflag:s2] =	dma.local @!p0 [hbm:s0], s1  }
0x6c: {  	s0 =	simm.s32 @!p0 $0x1  }
0x6d: {  	_ =	swait.ge @!p0 [sflag:s0], s1  }
0x6e: {  	s1 =	ssub.s32 @!p0 $0x0, s1;
	[sflag:s0] =	ssyncset.done @!p0 $0x0  }
0x6f: {  	[sflag:s0] =	ssyncadd.s32 @!p0 s1  }
0x70: {  	[bflag:$0x3] =	sbarrier.arrive $0xFFFF  }
0x71: {  	_ =	shalt  }

// kernel: gather_offload_async_start.3
scs
__scs_entry_jumppad:
0x0: {  	(pc) =	sbr.rel $0x88, $3  }
0x1: {  	(tag) =	ssettag $0x0;
	lr =	simm.s32 $0x1  }
0x2: {  	[smem:$0x3F9B] =	sst lr;
	_ =	strace $0xD0000000  }
0x3: {  	_ = 	snop  }
0x4: {  	_ = 	snop  }
0x5: {  	_ = 	snop  }
0x6: {  	_ = 	snop  }
0x7: {  	_ = 	snop  }
__scs_overlays_trampoline_lowered:
0x8: {  	[smem:$0x3FAA] =	sst s0  }
0x9: {  	[smem:$0x3FAB] =	sst s1  }
0xa: {  	[smem:$0x3FAC] =	sst s2  }
0xb: {  	[smem:$0x3FAD] =	sst s3  }
0xc: {  	[smem:$0x3FAE] =	sst s4  }
0xd: {  	[smem:$0x3FAF] =	sst s5  }
0xe: {  	[smem:$0x3FB0] =	sst s6  }
0xf: {  	[smem:$0x3FB1] =	sst s7  }
0x10: {  	[smem:$0x3FB2] =	sst s8  }
0x11: {  	[smem:$0x3FB3] =	sst s9;
	s0 =	simm.s32 @!p0 $0x0  }
0x12: {  	s1 =	sld [smem:$0x3F99];
	s0 =	simm.s32 @p0 $0x1  }
0x13: {  	[smem:$0x3FB4] =	sst s0;
	s0 =	simm.s32 @!p1 $0x0  }
0x14: {  	s2 =	sld [smem:$0x3F98];
	s0 =	simm.s32 @p1 $0x1  }
0x15: {  	[smem:$0x3FB5] =	sst s0;
	s0 =	simm.s32 @!p2 $0x0  }
0x16: {  	s3 =	sld [smem:$0x3FDB];
	s0 =	simm.s32 @p2 $0x1  }
0x17: {  	s4 =	simm.s32 $0x1BF5;
	[smem:$0x3FB7] =	sst s0  }
0x18: {  	s0 =	sld [smem:$0x3F9A];
	_ =	swait.ge [sflag:s4], $0x0  }
0x19: {  	s7 =	sld [smem:$0x3F9B]  }
0x1a: {  	s8 =	sadd.s32 $0xFFFFE003, lr  }
0x1b: {  	s9 =	sadd.s32 $0xFFFFFEF7, lr;
	s5 =	simm.s32 $0xFFFFFFFF;
	p2 =	slt.u32 s8, $0xFFFFF086  }
0x1c: {  	p1 =	slt.u32 s9, $0xF7A;
	s5 =	simm.s32 @!p2 $0x0  }
0x1d: {  	s5 =	simm.s32 @p1 $0x1;
	p0 =	seq.s32 s7, s2  }
0x1e: {  	s7 =	smul.u32 @!p0 $0xF7A, s2;
	p2 =	seq.s32 @!p0 s5, $0x0  }
0x1f: {  	s9 =	smul.u32 $0xF7A, s1;
	s8 =	simm.s32 @!p0 $0x1BF5;
	p2 =	por !p2, p0  }
0x20: {  	[sflag:s8] =	ssyncset.s32 @!p0 $0xFFFFF086;
	s6 =	sadd.s32 @!p0 s3, s7;
	s7 =	simm.s32 @!p0 $0x108  }
0x21: {  	s3 =	sadd.s32 s3, s9;
	s6 =	sadd.s32 @!p0 $0x88, s6;
	s7 =	simm.s32 @p2 $0x1082  }
0x22: {  	[simem:s7], [sflag:s8] =	dma.local @!p0 [hbm:s6], $0xF7A  }
0x23: {  	s9 =	sor.u32 $0xD0000000, s2;
	s6 =	simm.s32 $0x108;
	_ =	swait.ge @!p0 [sflag:s8], $0x0  }
0x24: {  	s3 =	sadd.s32 $0x88, s3;
	s6 =	simm.s32 @!p1 $0x1082;
	[sflag:s4] =	ssyncset.s32 $0xFFFFF086  }
0x25: {  	[simem:s6], [sflag:s4] =	dma.local [hbm:s3], $0xF7A  }
0x26: {  	[smem:$0x3F9B] =	sst s1;
	(tag) =	ssettag s2;
	_ =	strace s9  }
0x27: {  	s1 =	sld [smem:$0x3FAB]  }
0x28: {  	s2 =	sld [smem:$0x3FAC]  }
0x29: {  	s4 =	sld [smem:$0x3FAE]  }
0x2a: {  	p0 =	seq.s32 s5, $0x0;
	s5 =	sld [smem:$0x3FAF]  }
0x2b: {  	s6 =	sld [smem:$0x3FB0]  }
0x2c: {  	s7 =	sld [smem:$0x3FB1]  }
0x2d: {  	s3 =	simm.s32 $0x108;
	s8 =	sld [smem:$0x3FB2]  }
0x2e: {  	s3 =	simm.s32 @!p0 $0x1082;
	s9 =	sld [smem:$0x3FB3]  }
0x2f: {  	lr =	sadd.s32 s0, s3;
	s0 =	sld [smem:$0x3FAA]  }
0x30: {  	s3 =	sld [smem:$0x3FAD]  }
0x31: {  	[smem:$0x3FB6] =	sst s10  }
0x32: {  	s10 =	sld [smem:$0x3FB4];
	_ =	sdelay $0x3  }
0x33: {  	p0 =	seq.s32 s10, $0x1;
	s10 =	sld [smem:$0x3FB6];
	_ =	sdelay $0x3  }
0x34: {  	[smem:$0x3FB6] =	sst s10  }
0x35: {  	s10 =	sld [smem:$0x3FB5];
	_ =	sdelay $0x3  }
0x36: {  	p1 =	seq.s32 s10, $0x1;
	s10 =	sld [smem:$0x3FB6];
	_ =	sdelay $0x3  }
0x37: {  	[smem:$0x3FB6] =	sst s10  }
0x38: {  	s10 =	sld [smem:$0x3FB7]  }
0x39: {  	_ = 	snop;
	(pc) =	sbr.ind lr, $3  }
0x3a: {  	_ = 	snop  }
0x3b: {  	_ = 	snop  }
0x3c: {  	p2 =	seq.s32 s10, $0x1;
	s10 =	sld [smem:$0x3FB6]  }
0x3d: {  	_ =	shalt  }
0x3e: {  	_ =	shalt  }
0x3f: {  	_ =	shalt  }
0x40: {  	_ =	shalt  }
0x41: {  	_ =	shalt  }
0x42: {  	_ =	shalt  }
0x43: {  	_ =	shalt  }
0x44: {  	_ =	shalt  }
0x45: {  	_ =	shalt  }
0x46: {  	_ =	shalt  }
0x47: {  	_ =	shalt  }
0x48: {  	_ =	shalt  }
0x49: {  	_ =	shalt  }
0x4a: {  	_ =	shalt  }
0x4b: {  	_ =	shalt  }
0x4c: {  	_ =	shalt  }
0x4d: {  	_ =	shalt  }
0x4e: {  	_ =	shalt  }
0x4f: {  	_ =	shalt  }
0x50: {  	_ =	shalt  }
0x51: {  	_ =	shalt  }
0x52: {  	_ =	shalt  }
0x53: {  	_ =	shalt  }
0x54: {  	_ =	shalt  }
0x55: {  	_ =	shalt  }
0x56: {  	_ =	shalt  }
0x57: {  	_ =	shalt  }
0x58: {  	_ =	shalt  }
0x59: {  	_ =	shalt  }
0x5a: {  	_ =	shalt  }
0x5b: {  	_ =	shalt  }
0x5c: {  	_ =	shalt  }
0x5d: {  	_ =	shalt  }
0x5e: {  	_ =	shalt  }
0x5f: {  	_ =	shalt  }
0x60: {  	_ =	shalt  }
0x61: {  	_ =	shalt  }
0x62: {  	_ =	shalt  }
0x63: {  	_ =	shalt  }
0x64: {  	_ =	shalt  }
0x65: {  	_ =	shalt  }
0x66: {  	_ =	shalt  }
0x67: {  	_ =	shalt  }
0x68: {  	_ =	shalt  }
0x69: {  	_ =	shalt  }
0x6a: {  	_ =	shalt  }
0x6b: {  	_ =	shalt  }
0x6c: {  	_ =	shalt  }
0x6d: {  	_ =	shalt  }
0x6e: {  	_ =	shalt  }
0x6f: {  	_ =	shalt  }
0x70: {  	_ =	shalt  }
0x71: {  	_ =	shalt  }
0x72: {  	_ =	shalt  }
0x73: {  	_ =	shalt  }
0x74: {  	_ =	shalt  }
0x75: {  	_ =	shalt  }
0x76: {  	_ =	shalt  }
0x77: {  	_ =	shalt  }
0x78: {  	_ =	shalt  }
0x79: {  	_ =	shalt  }
0x7a: {  	_ =	shalt  }
0x7b: {  	_ =	shalt  }
0x7c: {  	_ =	shalt  }
0x7d: {  	_ =	shalt  }
0x7e: {  	_ =	shalt  }
0x7f: {  	_ =	shalt  }
0x80: {  	_ =	shalt  }
0x81: {  	_ =	shalt  }
0x82: {  	_ =	shalt  }
0x83: {  	_ =	shalt  }
0x84: {  	_ =	shalt  }
0x85: {  	_ =	shalt  }
0x86: {  	_ =	shalt  }
0x87: {  	_ =	shalt  }
.Lfunc_end0:
.L_simem_size_0:
called_computation.6_lowered:
.L_overlay_start_0:
0x88: {  	s2 =	sld [smem:$0x3FD9]  }
0x89: {  	s3 =	sld [smem:$0x3FFE];
	_ =	sdelay $0x1  }
0x8a: {  	s1 =	srdreg.scid  }
0x8b: {  	s0 =	sand.u32 $0x1, s1  }
0x8c: {  	s14 =	sshll.u32 s0, $0xA;
	s2 =	sadd.s32 s3, s2  }
0x8d: {  	s2 =	sadd.s32 s2, s14  }
0x8e: {  	[smem:$0x3FC2] =	sst s2  }
0x8f: {  	_ = 	snop  }
0x90: {  	s2 =	sld [smem:$0x3FD0];
	_ =	sdelay $0x2  }
0x91: {  	s4 =	simm.s32 $0xB;
	s5 =	simm.s32 $0x10;
	s15 =	sld [smem:$0x3FC8]  }
0x92: {  	[smem:s5], [sflag:s4] =	dma.local [hbm:s2], $0x1  }
0x93: {  	_ =	swait.eq [sflag:s4], $0x1  }
0x94: {  	[sflag:s4] =	ssyncset.done $0x0  }
0x95: {  	[sflag:s4] =	ssyncadd.s32 $0xFFFFFFFF  }
0x96: {  	s16 =	sld [smem:$0x11];
	(tm) =	ssettm $0x1  }
0x97: {  	s17 =	sld [smem:$0x3FFB];
	_ =	sdelay $0x3  }
0x98: {  	_ =	strace s17  }
0x99: {  	s4 =	sld [smem:$0x3FFC];
	_ =	sdelay $0x3  }
0x9a: {  	_ =	strace s4  }
0x9b: {  	s4 =	sld [smem:$0x3FFD];
	_ =	sdelay $0x3  }
0x9c: {  	_ =	strace s4  }
0x9d: {  	_ =	strace $0x8FFFFFFF  }
0x9e: {  	s18 =	sld [smem:$0x3FDB];
	_ =	sdelay $0x1  }
0x9f: {  	s19 =	simm.s32 $_scs_section_size  }
0xa0: {  	s6 =	simm.s32 $_size__tile_overlayer_lowered;
	s7 =	simm.s32 $_tile_overlayer_lowered  }
0xa1: {  	s22 =	simm.s32 $0x1BFF;
	s21 =	sshll.u32 s7, $0x1;
	s4 =	sadd.s32 s19, s18  }
0xa2: {  	s8 =	simm.s32 $0x0;
	s20 =	sshll.u32 s6, $0x1;
	s6 =	sadd.s32 s21, s4  }
0xa3: {  	[timem:s8], [sflag:s22] =	dma.local [hbm:s6], s20  }
0xa4: {  	_ =	swait.ge [sflag:s22], s20  }
0xa5: {  	s5 =	ssub.s32 $0x0, s20;
	[sflag:s22] =	ssyncset.done $0x0  }
0xa6: {  	[sflag:s22] =	ssyncadd.s32 s5;
	_ =	sdelay $0x1  }
0xa7: {  	s23 =	simm.s32 $0x1B8B  }
0xa8: {  	_ =	swait.ge [sflag:s23], $0x1  }
0xa9: {  	[sflag:s23] =	ssyncset.done $0x0  }
0xaa: {  	s25 =	simm.s32 $0x1B8E;
	s24 =	sld [smem:$0x3FFE];
	[sflag:s23] =	ssyncadd.s32 $0xFFFFFFFF  }
0xab: {  	s26 =	simm.s32 $execute0_lowered;
	[smem:$0x3FD2] =	sst s25  }
0xac: {  	s6 =	sshll.u32 s26, $0x1;
	_ =	strace $0x8000005B;
	[dreg:$0x1] =	wrdreg $0xFFFFFFFF  }
0xad: {  	s28 =	simm.s32 $_size_execute0_lowered;
	s4 =	sadd.s32 s4, s6;
	[dreg:$0x0] =	wrdreg $0x0  }
0xae: {  	s6 =	sshll.u32 s28, $0x1;
	[dreg:$0x2] =	wrdreg s4  }
0xaf: {  	[dreg:$0x3] =	wrdreg s6  }
0xb0: {  	[dreg:$0x4] =	wrdreg $0xC0  }
0xb1: {  	_ =	task [dreg:s8], $0x5FFFF  }
0xb2: {  	[dreg:$0x1] =	wrdreg $0xFFFFFFFF  }
0xb3: {  	[dreg:$0x0] =	wrdreg $0x60  }
0xb4: {  	[dreg:$0x2] =	wrdreg s15  }
0xb5: {  	[dreg:$0x3] =	wrdreg s24  }
0xb6: {  	[dreg:$0x4] =	wrdreg s16  }
0xb7: {  	[dreg:$0x5] =	wrdreg $0xA  }
0xb8: {  	_ =	task.clear_ibuf [dreg:s8], $0x6FFFF;
	_ =	strace $0x9000005B  }
0xb9: {  	s29 =	simm.s32 $0xA;
	_ =	strace $0x8000005D  }
0xba: {  	_ =	swait.ge [sflag:s29], $0x1  }
0xbb: {  	[sflag:s29] =	ssyncadd.s32 $0xFFFFFFFF  }
0xbc: {  	_ =	strace $0x9000005D  }
0xbd: {  	_ =	sfence  }
0xbe: {  	s30 =	sld [smem:$0x0];
	_ =	sdelay $0x2  }
0xbf: {  	s31 =	sshll.u32 s1, $0xD;
	s1 =	sshrl.u32 s1, $0x2  }
0xc0: {  	s3 =	sand.u32 $0x4000, s31;
	s1 =	sadd.s32 s1, s30  }
0xc1: {  	s0 =	sor.u32 s3, s0;
	s1 =	sshll.u32 s1, $0x11  }
0xc2: {  	s0 =	sor.u32 s1, s0  }
0xc3: {  	s0 =	sadd.s32 $0x8F2B, s0  }
0xc4: {  	[sflag:s0] =	ssyncadd.remote.s32 $0x1  }
0xc5: {  	_ =	sfence.sel $0xFFFF  }
0xc6: {  	[dreg:$0x0] =	wrdreg $0xFFFFFFFF;
	(pc) =	sbr.abs _section_cstart, $3  }
0xc7: {  	[dreg:$0x1] =	wrdreg $0xFFFFFFFF  }
0xc8: {  	_ =	task.clear_ibuf [dreg:s8], $0x2FFFF;
	_ =	strace $0x9FFFFFFF  }
0xc9: {  	(tm) =	ssettm $0x7FFFFFFF  }
tec
execute0_lowered:
.L_overlay_start_1:
0x0: {  	(tag) =	ssettag $0x1  }
0x1: {  	s2 =	rddreg [dreg:$0x0]  }
0x2: {  	s4 =	rddreg [dreg:$0x1];
	s0 =	stileid.u32  }
0x3: {  	s1 =	srdreg.scid;
	s3 =	rddreg [dreg:$0x2]  }
0x4: {  	s9 =	simm.s32 $0x1;
	s10 =	simm.s32 $0x3;
	s13 =	simm.s32 $0x0  }
0x5: {  	s12 =	simm.s32 $0x0;
	s5 =	sand.u32 $0x1, s1;
	s6 =	sshll.u32 s0, $0x1  }
0x6: {  	s1 =	rddreg [dreg:$0x3];
	_ =	strace $0x8000005C;
	s7 =	sor.u32 s6, s5  }
0x7: {  	s4 =	sadd.s32 $0x29000, s4;
	s6 =	simm.s32 $0x1;
	s5 =	smul.u32 $0x500, s7  }
0x8: {  	p0 =	slt.u32 s7, $0x13;
	s7 =	simm.s32 $0xA000;
	[sflag:s6] =	ssyncpa.u1 $0x0  }
.Ltmp0:
0x9: {  	s7 =	simm.s32 @!p0 $0x0;
	s8 =	ssub.s32 $0xFA00, s5;
	(pc) =	sbr.rel .LBB2_1-.Ltmp0, $4  }
0xa: {  	s9 =	simm.s32 @!p0 $0x0;
	p0 =	sne.s32 s8, s7;
	s8 =	simm.s32 $0x1  }
0xb: {  	s11 =	smov.u32 s5;
	s7 =	simm.s32 $0x2;
	s8 =	simm.s32 @!p0 $0x0  }
0xc: {  	[sflag:s7] =	ssyncpa.u1 $0x0;
	p0 =	por $0x0, $0x0;
	s8 =	sadd.s32 s9, s8  }
0xd: {  	vm0 =	vmmov $0xffff;
	v0 =	vlaneseq.u32;
	[sflag:s10] =	ssyncpa.u1 $0x0;
	s10 =	simm.s32 $0x0;
	s9 =	sadd.s32 $0x1, s8  }
.LBB2_4:
0xe: {  	vm1 =	vgt.s32 v1, $0x0;
	s15 =	sadd.s32 $0xFFFFFFF0, s15  }
0xf: {  	v1 =	vnsel vm1, $0x0, v1;
	p1 =	sgt.s32 s15, $0x0  }
0x10: {  	v1 =	vmin.u32 v1, $0x4E1FF;
	s15 =	simm.s32 @!p1 $0x0  }
0x11: {  	v2 =	vshll.u32 v1, $0x1;
	s15 =	smin.u32 s15, $0x10  }
0x12: {  	v1 =	vand.u32 $0x7F, v1;
	v2 =	vand.u32 $0xFFF00, v2;
	v3 =	vmov s15  }
0x13: {  	v1 =	vor.u32 v1, v2;
	vm1 =	vgt.u32 v3, v0  }
0x14: {  	v2 =	vnsel vm1, $0x7FFFFFFF, v1;
	_ =	sdelay $0x1  }
0x15: {  	s29 =	sand.u32 $0xF00, s17;
	s16 =	sadd.s32 $0x10, s16;
	v1 =	vor.u32 $0x80, v1  }
0x16: {  	(ifvalue) =	ssetifvalue $0x7FFFFFFF;
	s16 =	sand.u32 $0x70, s16;
	s15 =	sadd.s32 s29, s14;
	v1 =	vnsel vm1, $0x7FFFFFFF, v1  }
0x17: {  	(ifvalue) =	ssetifvalue $0x7FFFFFFF;
	s15 =	sadd.s32 s16, s15  }
0x18: {  	[tilespmem:s15], [sflag:$0x1] =	stream.indirect_vreg.gather [hbm4b:s2+s10], $0x1, v2, vm0, $0x4038;
	[tilespmem:$0x1E00] =	vst v63  }
0x19: {  	(ifvalue) =	ssetifvalue $0x7FFFFFFF  }
0x1a: {  	s30 =	sshll.u32 s13, $0x1;
	s15 =	sadd.s32 $0x80, s15;
	(ifvalue) =	ssetifvalue $0x7FFFFFFF  }
0x1b: {  	[tilespmem:s15], [sflag:$0x1] =	stream.indirect_vreg.gather [hbm4b:s2+s10], $0x1, v1, vm0, $0x4038;
	[tilespmem:$0x1E00] =	vst v63  }
0x1c: {  	s31 =	sand.u32 $0x78, s13;
	s15 =	sand.u32 $0xFFFFFF00, s30  }
0x1d: {  	_ =	swait.ge [sflag:s6], $0xA00;
	s13 =	sor.u32 s31, s15  }
0x1e: {  	[sflag:s6] =	ssyncset.done $0x0;
	s13 =	sshrl.u32 s13, $0x3  }
0x1f: {  	[sflag:s6] =	ssyncadd.s32 $0xFFFFF600;
	s13 =	sadd.s32 s3, s13  }
0x20: {  	[hbm:s13] =	stream.linear.scatter [tilespmem:s14], [sflag:$0x3], $0xA00, $0x38;
	[tilespmem:$0x1E00] =	vst v63  }
.LBB2_5:
0x21: {  	s15 =	sadd.s32 $0xA000, s11  }
0x22: {  	p2 =	sgt.s32 s15, $0xF9FF  }
0x23: {  	s15 =	smov.u32 @p2 s5;
	p2 =	sne.s32 s12, s9  }
.Ltmp1:
0x24: {  	p1 =	slt.u32 s12, $0x2;
	(pc) =	sbr.rel @!p2 .LBB2_6-.Ltmp1, $4  }
0x25: {  	s14 =	simm.s32 @!p1 $0x3  }
0x26: {  	s16 =	sadd.s32 $0x1, s12;
	_ =	swait.ge @!p1 [sflag:s14], $0xA00  }
0x27: {  	s13 =	smov.u32 s11;
	p0 =	por !p0, !p0;
	[sflag:s14] =	ssyncset.done @!p1 $0x0  }
0x28: {  	s12 =	smov.u32 s16;
	s11 =	smov.u32 s15;
	[sflag:s14] =	ssyncadd.s32 @!p1 $0xFFFFF600  }
.LBB2_1:
0x29: {  	p1 =	sge.u32 s12, s8  }
0x2a: {  	s14 =	sxor.u32 @!p1 $0x1, s12  }
0x2b: {  	s14 =	smul.u32 @!p1 $0x1400, s14  }
0x2c: {  	s31 =	sadd.s32 $0xFFFFFFFF, s12;
	s15 =	sshrl.u32 @!p1 s11, $0x3  }
0x2d: {  	s16 =	sand.u32 @!p1 $0x7, s11;
	s15 =	sadd.s32 @!p1 s4, s15;
	s14 =	sshra.s32 @!p1 s14, $0x2  }
0x2e: {  	[tilespmem:s14], [sflag:$0x2] =	stream.linear.gather @!p1 [hbm4b:s15+s16], $0x500, $0x38;
	[tilespmem:$0x1E00] =	vst v63  }
0x2f: {  	p1 =	sge.u32 s31, s8  }
.Ltmp2:
0x30: {  	_ = 	snop;
	(pc) =	sbr.rel @p1 .LBB2_5-.Ltmp2, $1  }
0x31: {  	_ =	sdelay $0x3  }
0x32: {  	s14 =	simm.s32 $0x1  }
0x33: {  	s14 =	simm.s32 @!p0 $0x0  }
0x34: {  	_ =	swait.ge [sflag:s7], $0x500;
	s14 =	smul.u32 $0x1400, s14  }
0x35: {  	[sflag:s7] =	ssyncset.done $0x0  }
0x36: {  	[sflag:s7] =	ssyncadd.s32 $0xFFFFFB00;
	s17 =	sshrl.u32 s14, $0x2  }
0x37: {  	v1 =	vld.msk [tilespmem:s17+$0x0 ss:$0x1], $0xffff;
	_ =	sdelay $0x2  }
0x38: {  	s15 =	ssub.s32 $0xFA00, s13  }
0x39: {  	p1 =	slt.s32 s15, $0x500  }
0x3a: {  	s15 =	simm.s32 @!p1 $0x500;
	vm1 =	vgt.s32 v1, $0x0  }
0x3b: {  	p1 =	sgt.s32 s15, $0x0;
	s14 =	smov.u32 s15;
	v1 =	vnsel vm1, $0x0, v1  }
0x3c: {  	s14 =	simm.s32 @!p1 $0x0;
	v1 =	vmin.u32 v1, $0x4E1FF  }
0x3d: {  	s14 =	smin.u32 s14, $0x10;
	v2 =	vshll.u32 v1, $0x1  }
0x3e: {  	s16 =	sand.u32 $0x1, s12;
	v3 =	vmov s14;
	v1 =	vand.u32 $0x7F, v1;
	v2 =	vand.u32 $0xFFF00, v2  }
0x3f: {  	s31 =	smul.u32 $0x2800, s16;
	vm1 =	vgt.u32 v3, v0;
	v1 =	vor.u32 v1, v2  }
0x40: {  	v2 =	vnsel vm1, $0x7FFFFFFF, v1  }
0x41: {  	s16 =	simm.s32 $0x0;
	s14 =	sshrl.u32 s31, $0x2  }
0x42: {  	s18 =	sand.u32 $0xF00, s16;
	s14 =	sadd.s32 $0xA00, s14;
	v1 =	vor.u32 $0x80, v1  }
0x43: {  	s19 =	sand.u32 $0x70, s16;
	(ifvalue) =	ssetifvalue $0x7FFFFFFF;
	s18 =	sadd.s32 s18, s14;
	v1 =	vnsel vm1, $0x7FFFFFFF, v1  }
0x44: {  	(ifvalue) =	ssetifvalue $0x7FFFFFFF;
	s18 =	sadd.s32 s19, s18  }
0x45: {  	[tilespmem:s18], [sflag:$0x1] =	stream.indirect_vreg.gather [hbm4b:s2+s10], $0x1, v2, vm0, $0x4038;
	[tilespmem:$0x1E00] =	vst v63  }
0x46: {  	(ifvalue) =	ssetifvalue $0x7FFFFFFF  }
0x47: {  	s18 =	sadd.s32 $0x80, s18;
	(ifvalue) =	ssetifvalue $0x7FFFFFFF  }
0x48: {  	[tilespmem:s18], [sflag:$0x1] =	stream.indirect_vreg.gather [hbm4b:s2+s10], $0x1, v1, vm0, $0x4038;
	[tilespmem:$0x1E00] =	vst v63  }
0x49: {  	s18 =	sadd.s32 $0x10, s17  }
0x4a: {  	v1 =	vld.msk [tilespmem:s18+$0x0 ss:$0x1], $0xffff  }
0x4b: {  	s19 =	simm.s32 $0x40;
	s17 =	simm.s32 $0x20  }
.LBB2_3:
0x4c: {  	p1 =	sne.s32 s19, $0x9E0;
	_ =	sdelay $0x2  }
0x4d: {  	vm1 =	vgt.s32 v1, $0x0;
	s15 =	sadd.s32 $0xFFFFFFF0, s15  }
0x4e: {  	v1 =	vnsel vm1, $0x0, v1;
	p2 =	sgt.s32 s15, $0x0;
	s20 =	smov.u32 s15  }
0x4f: {  	v1 =	vmin.u32 v1, $0x4E1FF;
	s20 =	simm.s32 @!p2 $0x0  }
0x50: {  	v2 =	vshll.u32 v1, $0x1;
	s20 =	smin.u32 s20, $0x10  }
0x51: {  	v1 =	vand.u32 $0x7F, v1;
	v2 =	vand.u32 $0xFFF00, v2;
	v3 =	vmov s20  }
0x52: {  	v1 =	vor.u32 v1, v2;
	vm1 =	vgt.u32 v3, v0  }
0x53: {  	v2 =	vnsel vm1, $0x7FFFFFFF, v1;
	_ =	sdelay $0x1  }
0x54: {  	s16 =	sadd.s32 $0x10, s16;
	s20 =	sand.u32 $0xF00, s17;
	s17 =	smov.u32 s19;
	v1 =	vor.u32 $0x80, v1  }
0x55: {  	s21 =	sand.u32 $0x70, s16;
	s20 =	sadd.s32 s20, s14;
	v1 =	vnsel vm1, $0x7FFFFFFF, v1;
	(ifvalue) =	ssetifvalue $0x7FFFFFFF  }
0x56: {  	s20 =	sadd.s32 s21, s20;
	(ifvalue) =	ssetifvalue $0x7FFFFFFF  }
0x57: {  	[tilespmem:s20], [sflag:$0x1] =	stream.indirect_vreg.gather [hbm4b:s2+s10], $0x1, v2, vm0, $0x4038;
	[tilespmem:$0x1E00] =	vst v63  }
0x58: {  	s18 =	sadd.s32 $0x10, s18;
	(ifvalue) =	ssetifvalue $0x7FFFFFFF  }
.Ltmp3:
0x59: {  	s20 =	sadd.s32 $0x80, s20;
	(ifvalue) =	ssetifvalue $0x7FFFFFFF;
	(pc) =	sbr.rel @p1 .LBB2_3-.Ltmp3, $3  }
0x5a: {  	[tilespmem:s20], [sflag:$0x1] =	stream.indirect_vreg.gather [hbm4b:s2+s10], $0x1, v1, vm0, $0x4038;
	[tilespmem:$0x1E00] =	vst v63  }
0x5b: {  	v1 =	vld.msk [tilespmem:s18+$0x0 ss:$0x1], $0xffff;
	_ =	sdelay $0x1  }
0x5c: {  	s19 =	sadd.s32 $0x20, s19  }
.Ltmp4:
0x5d: {  	_ = 	snop;
	(pc) =	sbr.rel .LBB2_4-.Ltmp4, $1  }
0x5e: {  	_ =	sdelay $0x3  }
.LBB2_6:
0x5f: {  	_ =	sfence.sel $0x180000  }
0x60: {  	s2 =	simm.s32 $0x2;
	[bflag:$0x0] =	sbarrier.arrive $0xFFFF  }
0x61: {  	s30 =	simm.s32 $0x3;
	[sflag:s2] =	ssyncpa.u1 $0x1  }
0x62: {  	s31 =	simm.s32 $0x1;
	[sflag:s30] =	ssyncpa.u1 $0x1  }
0x63: {  	[sflag:s31] =	ssyncpa.u1 $0x1  }
0x64: {  	p0 =	sne.s32 s0, $0x0;
	_ =	strace $0x9000005C  }
0x65: {  	s0 =	sadd.s32 @!p0 $0x100000, s1;
	[bflag:$0x2] =	sbarrier.arrive $0xFFFF  }
0x66: {  	[sflag:s0] =	ssyncadd.tile.s32 @!p0 $0x1;
	_ =	shalt  }
.Lfunc_end2:
_tile_overlayer_lowered:
.L_overlay_start_2:
0x67: {  	(tag) =	ssettag $0x2  }
0x68: {  	s0 =	rddreg [dreg:$0x0];
	s2 =	stileid.u32  }
0x69: {  	s1 =	rddreg [dreg:$0x1];
	p0 =	sne.s32 s2, $0x0  }
0x6a: {  	s3 =	rddreg [dreg:$0x2];
	[bflag:$0x3] =	sbarrier.arrive $0xFFFF;
	s2 =	simm.s32 @!p0 $0x1C01  }
0x6b: {  	[timem:s3], [sflag:s2] =	dma.local @!p0 [hbm:s0], s1  }
0x6c: {  	s0 =	simm.s32 @!p0 $0x1  }
0x6d: {  	_ =	swait.ge @!p0 [sflag:s0], s1  }
0x6e: {  	s1 =	ssub.s32 @!p0 $0x0, s1;
	[sflag:s0] =	ssyncset.done @!p0 $0x0  }
0x6f: {  	[sflag:s0] =	ssyncadd.s32 @!p0 s1  }
0x70: {  	[bflag:$0x3] =	sbarrier.arrive $0xFFFF  }
0x71: {  	_ =	shalt  }

// kernel: gather_offload_async_start
scs
__scs_entry_jumppad:
0x0: {  	(pc) =	sbr.rel $0x88, $3  }
0x1: {  	(tag) =	ssettag $0x0;
	lr =	simm.s32 $0x1  }
0x2: {  	[smem:$0x3F9B] =	sst lr;
	_ =	strace $0xD0000000  }
0x3: {  	_ = 	snop  }
0x4: {  	_ = 	snop  }
0x5: {  	_ = 	snop  }
0x6: {  	_ = 	snop  }
0x7: {  	_ = 	snop  }
__scs_overlays_trampoline_lowered:
0x8: {  	[smem:$0x3FAA] =	sst s0  }
0x9: {  	[smem:$0x3FAB] =	sst s1  }
0xa: {  	[smem:$0x3FAC] =	sst s2  }
0xb: {  	[smem:$0x3FAD] =	sst s3  }
0xc: {  	[smem:$0x3FAE] =	sst s4  }
0xd: {  	[smem:$0x3FAF] =	sst s5  }
0xe: {  	[smem:$0x3FB0] =	sst s6  }
0xf: {  	[smem:$0x3FB1] =	sst s7  }
0x10: {  	[smem:$0x3FB2] =	sst s8  }
0x11: {  	[smem:$0x3FB3] =	sst s9;
	s0 =	simm.s32 @!p0 $0x0  }
0x12: {  	s1 =	sld [smem:$0x3F99];
	s0 =	simm.s32 @p0 $0x1  }
0x13: {  	[smem:$0x3FB4] =	sst s0;
	s0 =	simm.s32 @!p1 $0x0  }
0x14: {  	s2 =	sld [smem:$0x3F98];
	s0 =	simm.s32 @p1 $0x1  }
0x15: {  	[smem:$0x3FB5] =	sst s0;
	s0 =	simm.s32 @!p2 $0x0  }
0x16: {  	s3 =	sld [smem:$0x3FDB];
	s0 =	simm.s32 @p2 $0x1  }
0x17: {  	s4 =	simm.s32 $0x1BF5;
	[smem:$0x3FB7] =	sst s0  }
0x18: {  	s0 =	sld [smem:$0x3F9A];
	_ =	swait.ge [sflag:s4], $0x0  }
0x19: {  	s7 =	sld [smem:$0x3F9B]  }
0x1a: {  	s8 =	sadd.s32 $0xFFFFE003, lr  }
0x1b: {  	s9 =	sadd.s32 $0xFFFFFEF7, lr;
	s5 =	simm.s32 $0xFFFFFFFF;
	p2 =	slt.u32 s8, $0xFFFFF086  }
0x1c: {  	p1 =	slt.u32 s9, $0xF7A;
	s5 =	simm.s32 @!p2 $0x0  }
0x1d: {  	s5 =	simm.s32 @p1 $0x1;
	p0 =	seq.s32 s7, s2  }
0x1e: {  	s7 =	smul.u32 @!p0 $0xF7A, s2;
	p2 =	seq.s32 @!p0 s5, $0x0  }
0x1f: {  	s9 =	smul.u32 $0xF7A, s1;
	s8 =	simm.s32 @!p0 $0x1BF5;
	p2 =	por !p2, p0  }
0x20: {  	[sflag:s8] =	ssyncset.s32 @!p0 $0xFFFFF086;
	s6 =	sadd.s32 @!p0 s3, s7;
	s7 =	simm.s32 @!p0 $0x108  }
0x21: {  	s3 =	sadd.s32 s3, s9;
	s6 =	sadd.s32 @!p0 $0x88, s6;
	s7 =	simm.s32 @p2 $0x1082  }
0x22: {  	[simem:s7], [sflag:s8] =	dma.local @!p0 [hbm:s6], $0xF7A  }
0x23: {  	s9 =	sor.u32 $0xD0000000, s2;
	s6 =	simm.s32 $0x108;
	_ =	swait.ge @!p0 [sflag:s8], $0x0  }
0x24: {  	s3 =	sadd.s32 $0x88, s3;
	s6 =	simm.s32 @!p1 $0x1082;
	[sflag:s4] =	ssyncset.s32 $0xFFFFF086  }
0x25: {  	[simem:s6], [sflag:s4] =	dma.local [hbm:s3], $0xF7A  }
0x26: {  	[smem:$0x3F9B] =	sst s1;
	(tag) =	ssettag s2;
	_ =	strace s9  }
0x27: {  	s1 =	sld [smem:$0x3FAB]  }
0x28: {  	s2 =	sld [smem:$0x3FAC]  }
0x29: {  	s4 =	sld [smem:$0x3FAE]  }
0x2a: {  	p0 =	seq.s32 s5, $0x0;
	s5 =	sld [smem:$0x3FAF]  }
0x2b: {  	s6 =	sld [smem:$0x3FB0]  }
0x2c: {  	s7 =	sld [smem:$0x3FB1]  }
0x2d: {  	s3 =	simm.s32 $0x108;
	s8 =	sld [smem:$0x3FB2]  }
0x2e: {  	s3 =	simm.s32 @!p0 $0x1082;
	s9 =	sld [smem:$0x3FB3]  }
0x2f: {  	lr =	sadd.s32 s0, s3;
	s0 =	sld [smem:$0x3FAA]  }
0x30: {  	s3 =	sld [smem:$0x3FAD]  }
0x31: {  	[smem:$0x3FB6] =	sst s10  }
0x32: {  	s10 =	sld [smem:$0x3FB4];
	_ =	sdelay $0x3  }
0x33: {  	p0 =	seq.s32 s10, $0x1;
	s10 =	sld [smem:$0x3FB6];
	_ =	sdelay $0x3  }
0x34: {  	[smem:$0x3FB6] =	sst s10  }
0x35: {  	s10 =	sld [smem:$0x3FB5];
	_ =	sdelay $0x3  }
0x36: {  	p1 =	seq.s32 s10, $0x1;
	s10 =	sld [smem:$0x3FB6];
	_ =	sdelay $0x3  }
0x37: {  	[smem:$0x3FB6] =	sst s10  }
0x38: {  	s10 =	sld [smem:$0x3FB7]  }
0x39: {  	_ = 	snop;
	(pc) =	sbr.ind lr, $3  }
0x3a: {  	_ = 	snop  }
0x3b: {  	_ = 	snop  }
0x3c: {  	p2 =	seq.s32 s10, $0x1;
	s10 =	sld [smem:$0x3FB6]  }
0x3d: {  	_ =	shalt  }
0x3e: {  	_ =	shalt  }
0x3f: {  	_ =	shalt  }
0x40: {  	_ =	shalt  }
0x41: {  	_ =	shalt  }
0x42: {  	_ =	shalt  }
0x43: {  	_ =	shalt  }
0x44: {  	_ =	shalt  }
0x45: {  	_ =	shalt  }
0x46: {  	_ =	shalt  }
0x47: {  	_ =	shalt  }
0x48: {  	_ =	shalt  }
0x49: {  	_ =	shalt  }
0x4a: {  	_ =	shalt  }
0x4b: {  	_ =	shalt  }
0x4c: {  	_ =	shalt  }
0x4d: {  	_ =	shalt  }
0x4e: {  	_ =	shalt  }
0x4f: {  	_ =	shalt  }
0x50: {  	_ =	shalt  }
0x51: {  	_ =	shalt  }
0x52: {  	_ =	shalt  }
0x53: {  	_ =	shalt  }
0x54: {  	_ =	shalt  }
0x55: {  	_ =	shalt  }
0x56: {  	_ =	shalt  }
0x57: {  	_ =	shalt  }
0x58: {  	_ =	shalt  }
0x59: {  	_ =	shalt  }
0x5a: {  	_ =	shalt  }
0x5b: {  	_ =	shalt  }
0x5c: {  	_ =	shalt  }
0x5d: {  	_ =	shalt  }
0x5e: {  	_ =	shalt  }
0x5f: {  	_ =	shalt  }
0x60: {  	_ =	shalt  }
0x61: {  	_ =	shalt  }
0x62: {  	_ =	shalt  }
0x63: {  	_ =	shalt  }
0x64: {  	_ =	shalt  }
0x65: {  	_ =	shalt  }
0x66: {  	_ =	shalt  }
0x67: {  	_ =	shalt  }
0x68: {  	_ =	shalt  }
0x69: {  	_ =	shalt  }
0x6a: {  	_ =	shalt  }
0x6b: {  	_ =	shalt  }
0x6c: {  	_ =	shalt  }
0x6d: {  	_ =	shalt  }
0x6e: {  	_ =	shalt  }
0x6f: {  	_ =	shalt  }
0x70: {  	_ =	shalt  }
0x71: {  	_ =	shalt  }
0x72: {  	_ =	shalt  }
0x73: {  	_ =	shalt  }
0x74: {  	_ =	shalt  }
0x75: {  	_ =	shalt  }
0x76: {  	_ =	shalt  }
0x77: {  	_ =	shalt  }
0x78: {  	_ =	shalt  }
0x79: {  	_ =	shalt  }
0x7a: {  	_ =	shalt  }
0x7b: {  	_ =	shalt  }
0x7c: {  	_ =	shalt  }
0x7d: {  	_ =	shalt  }
0x7e: {  	_ =	shalt  }
0x7f: {  	_ =	shalt  }
0x80: {  	_ =	shalt  }
0x81: {  	_ =	shalt  }
0x82: {  	_ =	shalt  }
0x83: {  	_ =	shalt  }
0x84: {  	_ =	shalt  }
0x85: {  	_ =	shalt  }
0x86: {  	_ =	shalt  }
0x87: {  	_ =	shalt  }
.Lfunc_end0:
.L_simem_size_0:
called_computation.3_lowered:
.L_overlay_start_0:
0x88: {  	s2 =	sld [smem:$0x3FD9]  }
0x89: {  	s3 =	sld [smem:$0x3FFE];
	_ =	sdelay $0x1  }
0x8a: {  	s1 =	srdreg.scid  }
0x8b: {  	s0 =	sand.u32 $0x1, s1  }
0x8c: {  	s16 =	sshll.u32 s0, $0xA;
	s2 =	sadd.s32 s3, s2  }
0x8d: {  	s2 =	sadd.s32 s2, s16  }
0x8e: {  	[smem:$0x3FC2] =	sst s2  }
0x8f: {  	_ = 	snop  }
0x90: {  	(tm) =	ssettm $0x1  }
0x91: {  	s17 =	sld [smem:$0x3FFB];
	_ =	sdelay $0x3  }
0x92: {  	_ =	strace s17  }
0x93: {  	s2 =	sld [smem:$0x3FFC];
	_ =	sdelay $0x3  }
0x94: {  	_ =	strace s2  }
0x95: {  	s2 =	sld [smem:$0x3FFD];
	_ =	sdelay $0x3  }
0x96: {  	_ =	strace s2  }
0x97: {  	_ =	strace $0x8FFFFFFF  }
0x98: {  	s18 =	sld [smem:$0x3FDB];
	_ =	sdelay $0x1  }
0x99: {  	s19 =	simm.s32 $_scs_section_size  }
0x9a: {  	s4 =	simm.s32 $_size__tile_overlayer_lowered;
	s5 =	simm.s32 $_tile_overlayer_lowered  }
0x9b: {  	s22 =	simm.s32 $0x1BFF;
	s21 =	sshll.u32 s5, $0x1;
	s2 =	sadd.s32 s19, s18  }
0x9c: {  	s6 =	simm.s32 $0x0;
	s20 =	sshll.u32 s4, $0x1;
	s4 =	sadd.s32 s21, s2  }
0x9d: {  	[timem:s6], [sflag:s22] =	dma.local [hbm:s4], s20  }
0x9e: {  	_ =	swait.ge [sflag:s22], s20  }
0x9f: {  	s3 =	ssub.s32 $0x0, s20;
	[sflag:s22] =	ssyncset.done $0x0  }
0xa0: {  	[sflag:s22] =	ssyncadd.s32 s3;
	_ =	sdelay $0x1  }
0xa1: {  	s23 =	simm.s32 $0x1B8B  }
0xa2: {  	_ =	swait.ge [sflag:s23], $0x1  }
0xa3: {  	[sflag:s23] =	ssyncset.done $0x0  }
0xa4: {  	s25 =	simm.s32 $0x1B8E;
	s24 =	sld [smem:$0x3FFE];
	[sflag:s23] =	ssyncadd.s32 $0xFFFFFFFF  }
0xa5: {  	s26 =	simm.s32 $execute0_lowered;
	[smem:$0x3FD2] =	sst s25  }
0xa6: {  	s4 =	sshll.u32 s26, $0x1;
	_ =	strace $0x80000055;
	[dreg:$0x1] =	wrdreg $0xFFFFFFFF  }
0xa7: {  	s28 =	simm.s32 $_size_execute0_lowered;
	s2 =	sadd.s32 s2, s4;
	[dreg:$0x0] =	wrdreg $0x0  }
0xa8: {  	s4 =	sshll.u32 s28, $0x1;
	[dreg:$0x2] =	wrdreg s2  }
0xa9: {  	[dreg:$0x3] =	wrdreg s4  }
0xaa: {  	[dreg:$0x4] =	wrdreg $0xC0  }
0xab: {  	_ =	task [dreg:s6], $0x5FFFF  }
0xac: {  	[dreg:$0x1] =	wrdreg $0xFFFFFFFF  }
0xad: {  	[dreg:$0x0] =	wrdreg $0x60  }
0xae: {  	[dreg:$0x2] =	wrdreg s24  }
0xaf: {  	[dreg:$0x3] =	wrdreg $0x9  }
0xb0: {  	_ =	task.clear_ibuf [dreg:s6], $0x4FFFF;
	_ =	strace $0x90000055  }
0xb1: {  	s29 =	simm.s32 $0x9;
	_ =	strace $0x80000057  }
0xb2: {  	_ =	swait.ge [sflag:s29], $0x1  }
0xb3: {  	[sflag:s29] =	ssyncadd.s32 $0xFFFFFFFF  }
0xb4: {  	_ =	strace $0x90000057  }
0xb5: {  	_ =	sfence  }
0xb6: {  	s30 =	sld [smem:$0x0];
	_ =	sdelay $0x2  }
0xb7: {  	s31 =	sshll.u32 s1, $0xD;
	s1 =	sshrl.u32 s1, $0x2  }
0xb8: {  	s3 =	sand.u32 $0x4000, s31;
	s1 =	sadd.s32 s1, s30  }
0xb9: {  	s0 =	sor.u32 s3, s0;
	s1 =	sshll.u32 s1, $0x11  }
0xba: {  	s0 =	sor.u32 s1, s0  }
0xbb: {  	s0 =	sadd.s32 $0x8F2B, s0  }
0xbc: {  	[sflag:s0] =	ssyncadd.remote.s32 $0x1  }
0xbd: {  	_ =	sfence.sel $0xFFFF  }
0xbe: {  	[dreg:$0x0] =	wrdreg $0xFFFFFFFF;
	(pc) =	sbr.abs _section_cstart, $3  }
0xbf: {  	[dreg:$0x1] =	wrdreg $0xFFFFFFFF  }
0xc0: {  	_ =	task.clear_ibuf [dreg:s6], $0x2FFFF;
	_ =	strace $0x9FFFFFFF  }
0xc1: {  	(tm) =	ssettm $0x7FFFFFFF  }
tec
execute0_lowered:
.L_overlay_start_1:
0x0: {  	(tag) =	ssettag $0x1  }
0x1: {  	s8 =	rddreg [dreg:$0x0];
	s1 =	stileid.u32  }
0x2: {  	s2 =	srdreg.scid;
	s0 =	rddreg [dreg:$0x1]  }
0x3: {  	_ =	strace $0x80000056;
	s5 =	simm.s32 $0x1;
	s9 =	simm.s32 $0x1  }
0x4: {  	s10 =	simm.s32 $0x3;
	s2 =	sand.u32 $0x1, s2;
	s3 =	sshll.u32 s1, $0x1  }
0x5: {  	s13 =	simm.s32 $0x0;
	s12 =	simm.s32 $0x0;
	s6 =	sor.u32 s3, s2  }
0x6: {  	[sflag:s5] =	ssyncpa.u1 $0x0;
	s2 =	sadd.s32 $0x8800, s8;
	s4 =	smul.u32 $0x1900, s6  }
0x7: {  	s3 =	sadd.s32 $0xA00, s8;
	p0 =	slt.u32 s6, $0x9;
	s6 =	simm.s32 $0x32000  }
.Ltmp0:
0x8: {  	s6 =	simm.s32 @!p0 $0x0;
	s7 =	ssub.s32 $0x3E800, s4;
	(pc) =	sbr.rel .LBB2_1-.Ltmp0, $4  }
0x9: {  	s9 =	simm.s32 @!p0 $0x0;
	p0 =	sne.s32 s7, s6;
	s7 =	simm.s32 $0x1  }
0xa: {  	s8 =	sadd.s32 $0x2B000, s8;
	s6 =	simm.s32 $0x2;
	s7 =	simm.s32 @!p0 $0x0  }
0xb: {  	s11 =	smov.u32 s4;
	[sflag:s6] =	ssyncpa.u1 $0x0;
	s7 =	sadd.s32 s9, s7  }
0xc: {  	vm0 =	vmmov $0xffff;
	[sflag:s10] =	ssyncpa.u1 $0x0;
	s10 =	simm.s32 $0x0;
	s9 =	sadd.s32 $0x1, s7  }
.LBB2_4:
0xd: {  	v2 =	vnsel vm1, $0x0, v2  }
0xe: {  	vm1 =	vgt.s32 v0, $0x0;
	v2 =	vmin.u32 v2, $0x7FFFF  }
0xf: {  	v0 =	vnsel vm1, $0x0, v0  }
0x10: {  	v0 =	vmin.u32 v0, $0x7FFFF  }
0x11: {  	[tilespmem:s18], [sflag:$0x1] =	stream.indirect_vreg.gather [hbm4b:s2+s10], $0x1, v1, vm0, $0x4038;
	[tilespmem:$0x6400] =	vst v63  }
0x12: {  	(ifvalue) =	ssetifvalue $0x7FFFFFFF  }
0x13: {  	[tilespmem:s15], [sflag:$0x1] =	stream.indirect_vreg.gather [hbm4b:s2+s10], $0x1, v2, vm0, $0x4038;
	[tilespmem:$0x6400] =	vst v63  }
0x14: {  	s29 =	sadd.s32 $0x10, s15;
	(ifvalue) =	ssetifvalue $0x7FFFFFFF  }
0x15: {  	[tilespmem:s29], [sflag:$0x1] =	stream.indirect_vreg.gather [hbm4b:s2+s10], $0x1, v0, vm0, $0x4038;
	[tilespmem:$0x6400] =	vst v63  }
0x16: {  	_ =	swait.ge [sflag:s5], $0x1900  }
0x17: {  	s30 =	sshrl.u32 s13, $0x3;
	[sflag:s5] =	ssyncset.done $0x0  }
0x18: {  	s31 =	sand.u32 $0x7, s13;
	s15 =	sadd.s32 s8, s30;
	[sflag:s5] =	ssyncadd.s32 $0xFFFFE700  }
0x19: {  	[hbm4b:s15+s31] =	stream.linear.scatter [tilespmem:s14], [sflag:$0x3], $0x1900, $0x38;
	[tilespmem:$0x6400] =	vst v63  }
.LBB2_5:
0x1a: {  	s15 =	sadd.s32 $0x32000, s11  }
0x1b: {  	p1 =	sgt.s32 s15, $0x3E7FF  }
0x1c: {  	s15 =	smov.u32 @p1 s4;
	p1 =	sne.s32 s12, s9  }
.Ltmp1:
0x1d: {  	p0 =	slt.u32 s12, $0x2;
	(pc) =	sbr.rel @!p1 .LBB2_6-.Ltmp1, $4  }
0x1e: {  	s14 =	simm.s32 @!p0 $0x3  }
0x1f: {  	_ =	swait.ge @!p0 [sflag:s14], $0x1900  }
0x20: {  	s16 =	sadd.s32 $0x1, s12;
	s13 =	smov.u32 s11;
	[sflag:s14] =	ssyncset.done @!p0 $0x0  }
0x21: {  	s12 =	smov.u32 s16;
	s11 =	smov.u32 s15;
	[sflag:s14] =	ssyncadd.s32 @!p0 $0xFFFFE700  }
.LBB2_1:
0x22: {  	p0 =	sge.u32 s12, s7  }
0x23: {  	s14 =	sxor.u32 @!p0 $0x1, s12  }
0x24: {  	s14 =	smul.u32 @!p0 $0x6400, s14  }
0x25: {  	s31 =	sadd.s32 $0xFFFFFFFF, s12;
	s15 =	sshrl.u32 @!p0 s11, $0x3  }
0x26: {  	s16 =	sand.u32 @!p0 $0x7, s11;
	s15 =	sadd.s32 @!p0 s3, s15;
	s14 =	sshra.s32 @!p0 s14, $0x2  }
0x27: {  	[tilespmem:s14], [sflag:$0x2] =	stream.linear.gather @!p0 [hbm4b:s15+s16], $0x1900, $0x38;
	[tilespmem:$0x6400] =	vst v63  }
0x28: {  	p0 =	sge.u32 s31, s7  }
.Ltmp2:
0x29: {  	_ = 	snop;
	(pc) =	sbr.rel @p0 .LBB2_5-.Ltmp2, $1  }
0x2a: {  	_ =	sdelay $0x3  }
0x2b: {  	s14 =	sand.u32 $0x1, s12  }
0x2c: {  	_ =	swait.ge [sflag:s6], $0x1900;
	p0 =	seq.s32 s14, $0x1;
	s14 =	simm.s32 $0x1900  }
0x2d: {  	[sflag:s6] =	ssyncset.done $0x0;
	s14 =	simm.s32 @!p0 $0x0  }
0x2e: {  	[sflag:s6] =	ssyncadd.s32 $0xFFFFE700;
	(ifvalue) =	ssetifvalue $0x7FFFFFFF;
	v0 =	vld.msk [tilespmem:s14+$0x0 ss:$0x1], $0xffff;
	_ =	sdelay $0x4  }
0x2f: {  	s15 =	sadd.s32 $0x10, s14;
	vm1 =	vgt.s32 v0, $0x0  }
0x30: {  	v2 =	vld.msk [tilespmem:s15+$0x0 ss:$0x1], $0xffff;
	v1 =	vnsel vm1, $0x0, v0  }
0x31: {  	v1 =	vmin.u32 v1, $0x7FFFF;
	_ =	sdelay $0x2  }
0x32: {  	s17 =	simm.s32 $0x20;
	s14 =	sadd.s32 $0x3200, s14;
	s16 =	sadd.s32 $0x10, s15  }
0x33: {  	s15 =	sadd.s32 $0x10, s14;
	s18 =	smov.u32 s14;
	v0 =	vld.msk [tilespmem:s16+$0x0 ss:$0x1], $0xffff;
	vm1 =	vgt.s32 v2, $0x0;
	(ifvalue) =	ssetifvalue $0x7FFFFFFF  }
.LBB2_3:
0x34: {  	[tilespmem:s18], [sflag:$0x1] =	stream.indirect_vreg.gather [hbm4b:s2+s10], $0x1, v1, vm0, $0x4038;
	[tilespmem:$0x6400] =	vst v63  }
0x35: {  	s17 =	sadd.s32 $0x10, s17  }
0x36: {  	v2 =	vnsel vm1, $0x0, v2;
	p0 =	slt.u32 s17, $0x18F0  }
.Ltmp3:
0x37: {  	s18 =	smov.u32 s15;
	v1 =	vmin.u32 v2, $0x7FFFF;
	(pc) =	sbr.rel @p0 .LBB2_3-.Ltmp3, $3  }
0x38: {  	_ =	sdelay $0x1  }
0x39: {  	s16 =	sadd.s32 $0x10, s16  }
0x3a: {  	vm1 =	vgt.s32 v0, $0x0;
	s15 =	sadd.s32 $0x10, s15;
	v2 =	vmov v0;
	(ifvalue) =	ssetifvalue $0x7FFFFFFF;
	v0 =	vld.msk [tilespmem:s16+$0x0 ss:$0x1], $0xffff  }
.Ltmp4:
0x3b: {  	_ = 	snop;
	(pc) =	sbr.rel .LBB2_4-.Ltmp4, $1  }
0x3c: {  	_ =	sdelay $0x3  }
.LBB2_6:
0x3d: {  	_ =	sfence.sel $0x180000  }
0x3e: {  	s2 =	simm.s32 $0x2;
	[bflag:$0x0] =	sbarrier.arrive $0xFFFF  }
0x3f: {  	s30 =	simm.s32 $0x3;
	[sflag:s2] =	ssyncpa.u1 $0x1  }
0x40: {  	s31 =	simm.s32 $0x1;
	[sflag:s30] =	ssyncpa.u1 $0x1  }
0x41: {  	[sflag:s31] =	ssyncpa.u1 $0x1  }
0x42: {  	p0 =	sne.s32 s1, $0x0;
	_ =	strace $0x90000056  }
0x43: {  	s0 =	sadd.s32 @!p0 $0x100000, s0;
	[bflag:$0x2] =	sbarrier.arrive $0xFFFF  }
0x44: {  	[sflag:s0] =	ssyncadd.tile.s32 @!p0 $0x1;
	_ =	shalt  }
.Lfunc_end2:
_tile_overlayer_lowered:
.L_overlay_start_2:
0x45: {  	(tag) =	ssettag $0x2  }
0x46: {  	s0 =	rddreg [dreg:$0x0];
	s2 =	stileid.u32  }
0x47: {  	s1 =	rddreg [dreg:$0x1];
	p0 =	sne.s32 s2, $0x0  }
0x48: {  	s3 =	rddreg [dreg:$0x2];
	[bflag:$0x3] =	sbarrier.arrive $0xFFFF;
	s2 =	simm.s32 @!p0 $0x1C01  }
0x49: {  	[timem:s3], [sflag:s2] =	dma.local @!p0 [hbm:s0], s1  }
0x4a: {  	s0 =	simm.s32 @!p0 $0x1  }
0x4b: {  	_ =	swait.ge @!p0 [sflag:s0], s1  }
0x4c: {  	s1 =	ssub.s32 @!p0 $0x0, s1;
	[sflag:s0] =	ssyncset.done @!p0 $0x0  }
0x4d: {  	[sflag:s0] =	ssyncadd.s32 @!p0 s1  }
0x4e: {  	[bflag:$0x3] =	sbarrier.arrive $0xFFFF  }
0x4f: {  	_ =	shalt  }

// kernel: kernel.5.cloned.1.call-start
scs
__scs_entry_jumppad:
0x0: {  	(pc) =	sbr.rel $0x88, $3  }
0x1: {  	(tag) =	ssettag $0x0;
	lr =	simm.s32 $0x1  }
0x2: {  	[smem:$0x3F9B] =	sst lr;
	_ =	strace $0xD0000000  }
0x3: {  	_ = 	snop  }
0x4: {  	_ = 	snop  }
0x5: {  	_ = 	snop  }
0x6: {  	_ = 	snop  }
0x7: {  	_ = 	snop  }
__scs_overlays_trampoline_lowered:
0x8: {  	[smem:$0x3FAA] =	sst s0  }
0x9: {  	[smem:$0x3FAB] =	sst s1  }
0xa: {  	[smem:$0x3FAC] =	sst s2  }
0xb: {  	[smem:$0x3FAD] =	sst s3  }
0xc: {  	[smem:$0x3FAE] =	sst s4  }
0xd: {  	[smem:$0x3FAF] =	sst s5  }
0xe: {  	[smem:$0x3FB0] =	sst s6  }
0xf: {  	[smem:$0x3FB1] =	sst s7  }
0x10: {  	[smem:$0x3FB2] =	sst s8  }
0x11: {  	[smem:$0x3FB3] =	sst s9;
	s0 =	simm.s32 @!p0 $0x0  }
0x12: {  	s1 =	sld [smem:$0x3F99];
	s0 =	simm.s32 @p0 $0x1  }
0x13: {  	[smem:$0x3FB4] =	sst s0;
	s0 =	simm.s32 @!p1 $0x0  }
0x14: {  	s2 =	sld [smem:$0x3F98];
	s0 =	simm.s32 @p1 $0x1  }
0x15: {  	[smem:$0x3FB5] =	sst s0;
	s0 =	simm.s32 @!p2 $0x0  }
0x16: {  	s3 =	sld [smem:$0x3FDB];
	s0 =	simm.s32 @p2 $0x1  }
0x17: {  	s4 =	simm.s32 $0x1BF5;
	[smem:$0x3FB7] =	sst s0  }
0x18: {  	s0 =	sld [smem:$0x3F9A];
	_ =	swait.ge [sflag:s4], $0x0  }
0x19: {  	s7 =	sld [smem:$0x3F9B]  }
0x1a: {  	s8 =	sadd.s32 $0xFFFFE003, lr  }
0x1b: {  	s9 =	sadd.s32 $0xFFFFFEF7, lr;
	s5 =	simm.s32 $0xFFFFFFFF;
	p2 =	slt.u32 s8, $0xFFFFF086  }
0x1c: {  	p1 =	slt.u32 s9, $0xF7A;
	s5 =	simm.s32 @!p2 $0x0  }
0x1d: {  	s5 =	simm.s32 @p1 $0x1;
	p0 =	seq.s32 s7, s2  }
0x1e: {  	s7 =	smul.u32 @!p0 $0xF7A, s2;
	p2 =	seq.s32 @!p0 s5, $0x0  }
0x1f: {  	s9 =	smul.u32 $0xF7A, s1;
	s8 =	simm.s32 @!p0 $0x1BF5;
	p2 =	por !p2, p0  }
0x20: {  	[sflag:s8] =	ssyncset.s32 @!p0 $0xFFFFF086;
	s6 =	sadd.s32 @!p0 s3, s7;
	s7 =	simm.s32 @!p0 $0x108  }
0x21: {  	s3 =	sadd.s32 s3, s9;
	s6 =	sadd.s32 @!p0 $0x88, s6;
	s7 =	simm.s32 @p2 $0x1082  }
0x22: {  	[simem:s7], [sflag:s8] =	dma.local @!p0 [hbm:s6], $0xF7A  }
0x23: {  	s9 =	sor.u32 $0xD0000000, s2;
	s6 =	simm.s32 $0x108;
	_ =	swait.ge @!p0 [sflag:s8], $0x0  }
0x24: {  	s3 =	sadd.s32 $0x88, s3;
	s6 =	simm.s32 @!p1 $0x1082;
	[sflag:s4] =	ssyncset.s32 $0xFFFFF086  }
0x25: {  	[simem:s6], [sflag:s4] =	dma.local [hbm:s3], $0xF7A  }
0x26: {  	[smem:$0x3F9B] =	sst s1;
	(tag) =	ssettag s2;
	_ =	strace s9  }
0x27: {  	s1 =	sld [smem:$0x3FAB]  }
0x28: {  	s2 =	sld [smem:$0x3FAC]  }
0x29: {  	s4 =	sld [smem:$0x3FAE]  }
0x2a: {  	p0 =	seq.s32 s5, $0x0;
	s5 =	sld [smem:$0x3FAF]  }
0x2b: {  	s6 =	sld [smem:$0x3FB0]  }
0x2c: {  	s7 =	sld [smem:$0x3FB1]  }
0x2d: {  	s3 =	simm.s32 $0x108;
	s8 =	sld [smem:$0x3FB2]  }
0x2e: {  	s3 =	simm.s32 @!p0 $0x1082;
	s9 =	sld [smem:$0x3FB3]  }
0x2f: {  	lr =	sadd.s32 s0, s3;
	s0 =	sld [smem:$0x3FAA]  }
0x30: {  	s3 =	sld [smem:$0x3FAD]  }
0x31: {  	[smem:$0x3FB6] =	sst s10  }
0x32: {  	s10 =	sld [smem:$0x3FB4];
	_ =	sdelay $0x3  }
0x33: {  	p0 =	seq.s32 s10, $0x1;
	s10 =	sld [smem:$0x3FB6];
	_ =	sdelay $0x3  }
0x34: {  	[smem:$0x3FB6] =	sst s10  }
0x35: {  	s10 =	sld [smem:$0x3FB5];
	_ =	sdelay $0x3  }
0x36: {  	p1 =	seq.s32 s10, $0x1;
	s10 =	sld [smem:$0x3FB6];
	_ =	sdelay $0x3  }
0x37: {  	[smem:$0x3FB6] =	sst s10  }
0x38: {  	s10 =	sld [smem:$0x3FB7]  }
0x39: {  	_ = 	snop;
	(pc) =	sbr.ind lr, $3  }
0x3a: {  	_ = 	snop  }
0x3b: {  	_ = 	snop  }
0x3c: {  	p2 =	seq.s32 s10, $0x1;
	s10 =	sld [smem:$0x3FB6]  }
0x3d: {  	_ =	shalt  }
0x3e: {  	_ =	shalt  }
0x3f: {  	_ =	shalt  }
0x40: {  	_ =	shalt  }
0x41: {  	_ =	shalt  }
0x42: {  	_ =	shalt  }
0x43: {  	_ =	shalt  }
0x44: {  	_ =	shalt  }
0x45: {  	_ =	shalt  }
0x46: {  	_ =	shalt  }
0x47: {  	_ =	shalt  }
0x48: {  	_ =	shalt  }
0x49: {  	_ =	shalt  }
0x4a: {  	_ =	shalt  }
0x4b: {  	_ =	shalt  }
0x4c: {  	_ =	shalt  }
0x4d: {  	_ =	shalt  }
0x4e: {  	_ =	shalt  }
0x4f: {  	_ =	shalt  }
0x50: {  	_ =	shalt  }
0x51: {  	_ =	shalt  }
0x52: {  	_ =	shalt  }
0x53: {  	_ =	shalt  }
0x54: {  	_ =	shalt  }
0x55: {  	_ =	shalt  }
0x56: {  	_ =	shalt  }
0x57: {  	_ =	shalt  }
0x58: {  	_ =	shalt  }
0x59: {  	_ =	shalt  }
0x5a: {  	_ =	shalt  }
0x5b: {  	_ =	shalt  }
0x5c: {  	_ =	shalt  }
0x5d: {  	_ =	shalt  }
0x5e: {  	_ =	shalt  }
0x5f: {  	_ =	shalt  }
0x60: {  	_ =	shalt  }
0x61: {  	_ =	shalt  }
0x62: {  	_ =	shalt  }
0x63: {  	_ =	shalt  }
0x64: {  	_ =	shalt  }
0x65: {  	_ =	shalt  }
0x66: {  	_ =	shalt  }
0x67: {  	_ =	shalt  }
0x68: {  	_ =	shalt  }
0x69: {  	_ =	shalt  }
0x6a: {  	_ =	shalt  }
0x6b: {  	_ =	shalt  }
0x6c: {  	_ =	shalt  }
0x6d: {  	_ =	shalt  }
0x6e: {  	_ =	shalt  }
0x6f: {  	_ =	shalt  }
0x70: {  	_ =	shalt  }
0x71: {  	_ =	shalt  }
0x72: {  	_ =	shalt  }
0x73: {  	_ =	shalt  }
0x74: {  	_ =	shalt  }
0x75: {  	_ =	shalt  }
0x76: {  	_ =	shalt  }
0x77: {  	_ =	shalt  }
0x78: {  	_ =	shalt  }
0x79: {  	_ =	shalt  }
0x7a: {  	_ =	shalt  }
0x7b: {  	_ =	shalt  }
0x7c: {  	_ =	shalt  }
0x7d: {  	_ =	shalt  }
0x7e: {  	_ =	shalt  }
0x7f: {  	_ =	shalt  }
0x80: {  	_ =	shalt  }
0x81: {  	_ =	shalt  }
0x82: {  	_ =	shalt  }
0x83: {  	_ =	shalt  }
0x84: {  	_ =	shalt  }
0x85: {  	_ =	shalt  }
0x86: {  	_ =	shalt  }
0x87: {  	_ =	shalt  }
.Lfunc_end0:
.L_simem_size_0:
called_computation.7_lowered:
.L_overlay_start_0:
0x88: {  	s2 =	sld [smem:$0x3FD9]  }
0x89: {  	s3 =	sld [smem:$0x3FFE];
	_ =	sdelay $0x1  }
0x8a: {  	s1 =	srdreg.scid  }
0x8b: {  	s0 =	sand.u32 $0x1, s1  }
0x8c: {  	s16 =	sshll.u32 s0, $0xA;
	s2 =	sadd.s32 s3, s2  }
0x8d: {  	s2 =	sadd.s32 s2, s16  }
0x8e: {  	[smem:$0x3FC2] =	sst s2  }
0x8f: {  	_ = 	snop  }
0x90: {  	(tm) =	ssettm $0x1  }
0x91: {  	s17 =	sld [smem:$0x3FFB];
	_ =	sdelay $0x3  }
0x92: {  	_ =	strace s17  }
0x93: {  	s2 =	sld [smem:$0x3FFC];
	_ =	sdelay $0x3  }
0x94: {  	_ =	strace s2  }
0x95: {  	s2 =	sld [smem:$0x3FFD];
	_ =	sdelay $0x3  }
0x96: {  	_ =	strace s2  }
0x97: {  	_ =	strace $0x8FFFFFFF  }
0x98: {  	s18 =	sld [smem:$0x3FDB];
	_ =	sdelay $0x1  }
0x99: {  	s19 =	simm.s32 $_scs_section_size  }
0x9a: {  	s4 =	simm.s32 $_size__tile_overlayer_lowered;
	s5 =	simm.s32 $_tile_overlayer_lowered  }
0x9b: {  	s22 =	simm.s32 $0x1BFF;
	s21 =	sshll.u32 s5, $0x1;
	s2 =	sadd.s32 s19, s18  }
0x9c: {  	s6 =	simm.s32 $0x0;
	s20 =	sshll.u32 s4, $0x1;
	s4 =	sadd.s32 s21, s2  }
0x9d: {  	[timem:s6], [sflag:s22] =	dma.local [hbm:s4], s20  }
0x9e: {  	_ =	swait.ge [sflag:s22], s20  }
0x9f: {  	s3 =	ssub.s32 $0x0, s20;
	[sflag:s22] =	ssyncset.done $0x0  }
0xa0: {  	[sflag:s22] =	ssyncadd.s32 s3;
	_ =	sdelay $0x1  }
0xa1: {  	s23 =	simm.s32 $0x1B8B  }
0xa2: {  	_ =	swait.ge [sflag:s23], $0x1  }
0xa3: {  	[sflag:s23] =	ssyncset.done $0x0  }
0xa4: {  	s25 =	simm.s32 $0x1B8E;
	s24 =	sld [smem:$0x3FFE];
	[sflag:s23] =	ssyncadd.s32 $0xFFFFFFFF  }
0xa5: {  	s26 =	simm.s32 $execute0_lowered;
	[smem:$0x3FD2] =	sst s25  }
0xa6: {  	s4 =	sshll.u32 s26, $0x1;
	_ =	strace $0x8000004F;
	[dreg:$0x1] =	wrdreg $0xFFFFFFFF  }
0xa7: {  	s28 =	simm.s32 $_size_execute0_lowered;
	s2 =	sadd.s32 s2, s4;
	[dreg:$0x0] =	wrdreg $0x0  }
0xa8: {  	s4 =	sshll.u32 s28, $0x1;
	[dreg:$0x2] =	wrdreg s2  }
0xa9: {  	[dreg:$0x3] =	wrdreg s4  }
0xaa: {  	[dreg:$0x4] =	wrdreg $0xC0  }
0xab: {  	_ =	task [dreg:s6], $0x5FFFF  }
0xac: {  	[dreg:$0x1] =	wrdreg $0xFFFFFFFF  }
0xad: {  	[dreg:$0x0] =	wrdreg $0x60  }
0xae: {  	[dreg:$0x2] =	wrdreg s24  }
0xaf: {  	[dreg:$0x3] =	wrdreg $0x9  }
0xb0: {  	_ =	task.clear_ibuf [dreg:s6], $0x4FFFF;
	_ =	strace $0x9000004F  }
0xb1: {  	s29 =	simm.s32 $0x9;
	_ =	strace $0x80000051  }
0xb2: {  	_ =	swait.ge [sflag:s29], $0x1  }
0xb3: {  	[sflag:s29] =	ssyncadd.s32 $0xFFFFFFFF  }
0xb4: {  	_ =	strace $0x90000051  }
0xb5: {  	_ =	sfence  }
0xb6: {  	s30 =	sld [smem:$0x0];
	_ =	sdelay $0x2  }
0xb7: {  	s31 =	sshll.u32 s1, $0xD;
	s1 =	sshrl.u32 s1, $0x2  }
0xb8: {  	s3 =	sand.u32 $0x4000, s31;
	s1 =	sadd.s32 s1, s30  }
0xb9: {  	s0 =	sor.u32 s3, s0;
	s1 =	sshll.u32 s1, $0x11  }
0xba: {  	s0 =	sor.u32 s1, s0  }
0xbb: {  	s0 =	sadd.s32 $0x8F2B, s0  }
0xbc: {  	[sflag:s0] =	ssyncadd.remote.s32 $0x1  }
0xbd: {  	_ =	sfence.sel $0xFFFF  }
0xbe: {  	[dreg:$0x0] =	wrdreg $0xFFFFFFFF;
	(pc) =	sbr.abs _section_cstart, $3  }
0xbf: {  	[dreg:$0x1] =	wrdreg $0xFFFFFFFF  }
0xc0: {  	_ =	task.clear_ibuf [dreg:s6], $0x2FFFF;
	_ =	strace $0x9FFFFFFF  }
0xc1: {  	(tm) =	ssettm $0x7FFFFFFF  }
tec
execute0_lowered:
.L_overlay_start_1:
0x0: {  	(tag) =	ssettag $0x1  }
0x1: {  	s4 =	rddreg [dreg:$0x0]  }
0x2: {  	s0 =	rddreg [dreg:$0x1]  }
0x3: {  	s3 =	srdreg.scid;
	s1 =	stileid.u32;
	s2 =	simm.s32 $0x0  }
0x4: {  	s10 =	simm.s32 $0x1;
	s11 =	simm.s32 $0x0;
	s6 =	smul.u32 $0x4EC0, s1  }
0x5: {  	s5 =	sand.u32 $0x1, s3;
	[smem:$0x7FF] =	sst s2;
	s8 =	smul.u32 $0x4EC00, s1  }
0x6: {  	s3 =	sadd.s32 $0x3B800, s4;
	s7 =	smul.u32 $0x2760, s5;
	s9 =	ssub.s32 $0x2, s5  }
0x7: {  	_ =	strace $0x80000050;
	s5 =	smul.u32 $0x27600, s5;
	s31 =	sshrl.u32 s9, $0x1  }
0x8: {  	s30 =	sadd.s32 s8, s4;
	s6 =	sadd.s32 s7, s6;
	s8 =	ssub.s32 s9, s31  }
0x9: {  	s5 =	sadd.s32 s5, s30;
	s7 =	simm.s32 $0x2;
	s6 =	sshrl.u32 s6, $0x3  }
0xa: {  	s9 =	simm.s32 $0x80;
	s5 =	sadd.s32 $0x62A00, s5;
	s6 =	sadd.s32 s6, s4  }
0xb: {  	s4 =	smax.u32 s8, $0x1;
	s8 =	simm.s32 $0x78;
	s6 =	sadd.s32 $0x550200, s6  }
.LBB2_1:
0xc: {  	s12 =	sadd.s32 $0x0, s6  }
0xd: {  	[tilespmem:s2], [sflag:$0x2] =	stream.linear.gather [hbm4b:s12+s2], $0x78, $0x38;
	[tilespmem:$0x3C80] =	vst v63  }
0xe: {  	_ =	swait.ge [sflag:s7], $0x78  }
0xf: {  	[sflag:s7] =	ssyncset.done $0x0  }
0x10: {  	[sflag:s7] =	ssyncadd.s32 $0xFFFFFF88  }
0x11: {  	[tilespmem:s9], [sflag:$0x1] =	stream.indirect.gather [hbm4b:s3+s8], $0x80, s2, s8, $0xb8;
	[tilespmem:$0x3C80] =	vst v63  }
0x12: {  	_ =	swait.ge [sflag:s10], $0x3C00  }
0x13: {  	[sflag:s10] =	ssyncset.done $0x0  }
0x14: {  	[sflag:s10] =	ssyncadd.s32 $0xFFFFC400  }
0x15: {  	[hbm4b:s5+s2] =	stream.linear.scatter [tilespmem:s9], [sflag:$0x2], $0x3C00, $0x38;
	[tilespmem:$0x3C80] =	vst v63  }
0x16: {  	s13 =	simm.s32 $0xF;
	_ =	swait.ge [sflag:s7], $0x3C00  }
0x17: {  	s14 =	simm.s32 $0x1E;
	s12 =	sadd.s32 $0x780, s5;
	[sflag:s7] =	ssyncset.done $0x0  }
.LBB2_2:
0x18: {  	s15 =	sadd.s32 s13, s6  }
0x19: {  	[sflag:s7] =	ssyncadd.s32 $0xFFFFC400;
	s13 =	smov.u32 s14;
	s16 =	sadd.s32 $0xF, s14  }
0x1a: {  	[tilespmem:s2], [sflag:$0x2] =	stream.linear.gather [hbm4b:s15+s2], $0x78, $0x38;
	[tilespmem:$0x3C80] =	vst v63  }
0x1b: {  	p0 =	sne.s32 s14, $0x4DD;
	_ =	swait.ge [sflag:s7], $0x78  }
0x1c: {  	[sflag:s7] =	ssyncset.done $0x0  }
0x1d: {  	[sflag:s7] =	ssyncadd.s32 $0xFFFFFF88  }
0x1e: {  	[tilespmem:s9], [sflag:$0x1] =	stream.indirect.gather [hbm4b:s3+s8], $0x80, s2, s8, $0xb8;
	[tilespmem:$0x3C80] =	vst v63  }
0x1f: {  	_ =	swait.ge [sflag:s10], $0x3C00  }
.Ltmp0:
0x20: {  	[sflag:s10] =	ssyncset.done $0x0;
	(pc) =	sbr.rel @p0 .LBB2_2-.Ltmp0, $4  }
0x21: {  	[sflag:s10] =	ssyncadd.s32 $0xFFFFC400  }
0x22: {  	[hbm4b:s12+s2] =	stream.linear.scatter [tilespmem:s9], [sflag:$0x2], $0x3C00, $0x38;
	[tilespmem:$0x3C80] =	vst v63  }
0x23: {  	_ =	swait.ge [sflag:s7], $0x3C00  }
0x24: {  	s14 =	smov.u32 s16;
	s12 =	sadd.s32 $0x780, s12;
	[sflag:s7] =	ssyncset.done $0x0  }
0x25: {  	s13 =	sadd.s32 s13, s6;
	[sflag:s7] =	ssyncadd.s32 $0xFFFFC400  }
0x26: {  	[tilespmem:s2], [sflag:$0x2] =	stream.linear.gather [hbm4b:s13+s2], $0x78, $0x38;
	[tilespmem:$0x3C80] =	vst v63  }
0x27: {  	_ =	swait.ge [sflag:s7], $0x78  }
0x28: {  	[sflag:s7] =	ssyncset.done $0x0  }
0x29: {  	[sflag:s7] =	ssyncadd.s32 $0xFFFFFF88  }
0x2a: {  	[tilespmem:s9], [sflag:$0x1] =	stream.indirect.gather [hbm4b:s3+s8], $0x80, s2, s8, $0xb8;
	[tilespmem:$0x3C80] =	vst v63  }
0x2b: {  	s11 =	sadd.s32 $0x1, s11;
	_ =	swait.ge [sflag:s10], $0x3C00  }
0x2c: {  	p0 =	sne.s32 s11, s4;
	[sflag:s10] =	ssyncset.done $0x0  }
.Ltmp1:
0x2d: {  	[sflag:s10] =	ssyncadd.s32 $0xFFFFC400;
	(pc) =	sbr.rel @p0 .LBB2_1-.Ltmp1, $4  }
0x2e: {  	[hbm4b:s12+s2] =	stream.linear.scatter [tilespmem:s9], [sflag:$0x2], $0x3C00, $0x38;
	[tilespmem:$0x3C80] =	vst v63  }
0x2f: {  	_ =	swait.ge [sflag:s7], $0x3C00  }
0x30: {  	[sflag:s7] =	ssyncset.done $0x0  }
0x31: {  	[sflag:s7] =	ssyncadd.s32 $0xFFFFC400  }
0x32: {  	_ =	sfence.sel $0x180000  }
0x33: {  	[bflag:$0x0] =	sbarrier.arrive $0xFFFF  }
0x34: {  	p0 =	sne.s32 s1, $0x0;
	_ =	strace $0x90000050  }
0x35: {  	s0 =	sadd.s32 @!p0 $0x100000, s0;
	[bflag:$0x2] =	sbarrier.arrive $0xFFFF  }
0x36: {  	[sflag:s0] =	ssyncadd.tile.s32 @!p0 $0x1;
	_ =	shalt  }
.Lfunc_end2:
_tile_overlayer_lowered:
.L_overlay_start_2:
0x37: {  	(tag) =	ssettag $0x2  }
0x38: {  	s0 =	rddreg [dreg:$0x0];
	s2 =	stileid.u32  }
0x39: {  	s1 =	rddreg [dreg:$0x1];
	p0 =	sne.s32 s2, $0x0  }
0x3a: {  	s3 =	rddreg [dreg:$0x2];
	[bflag:$0x3] =	sbarrier.arrive $0xFFFF;
	s2 =	simm.s32 @!p0 $0x1C02  }
0x3b: {  	[timem:s3], [sflag:s2] =	dma.local @!p0 [hbm:s0], s1  }
0x3c: {  	s0 =	simm.s32 @!p0 $0x2  }
0x3d: {  	_ =	swait.ge @!p0 [sflag:s0], s1  }
0x3e: {  	s1 =	ssub.s32 @!p0 $0x0, s1;
	[sflag:s0] =	ssyncset.done @!p0 $0x0  }
0x3f: {  	[sflag:s0] =	ssyncadd.s32 @!p0 s1  }
0x40: {  	[bflag:$0x3] =	sbarrier.arrive $0xFFFF  }
0x41: {  	_ =	shalt  }

// kernel: kernel.8.cloned.1.call-start
scs
__scs_entry_jumppad:
0x0: {  	(pc) =	sbr.rel $0x88, $3  }
0x1: {  	(tag) =	ssettag $0x0;
	lr =	simm.s32 $0x1  }
0x2: {  	[smem:$0x3F9B] =	sst lr;
	_ =	strace $0xD0000000  }
0x3: {  	_ = 	snop  }
0x4: {  	_ = 	snop  }
0x5: {  	_ = 	snop  }
0x6: {  	_ = 	snop  }
0x7: {  	_ = 	snop  }
__scs_overlays_trampoline_lowered:
0x8: {  	[smem:$0x3FAA] =	sst s0  }
0x9: {  	[smem:$0x3FAB] =	sst s1  }
0xa: {  	[smem:$0x3FAC] =	sst s2  }
0xb: {  	[smem:$0x3FAD] =	sst s3  }
0xc: {  	[smem:$0x3FAE] =	sst s4  }
0xd: {  	[smem:$0x3FAF] =	sst s5  }
0xe: {  	[smem:$0x3FB0] =	sst s6  }
0xf: {  	[smem:$0x3FB1] =	sst s7  }
0x10: {  	[smem:$0x3FB2] =	sst s8  }
0x11: {  	[smem:$0x3FB3] =	sst s9;
	s0 =	simm.s32 @!p0 $0x0  }
0x12: {  	s1 =	sld [smem:$0x3F99];
	s0 =	simm.s32 @p0 $0x1  }
0x13: {  	[smem:$0x3FB4] =	sst s0;
	s0 =	simm.s32 @!p1 $0x0  }
0x14: {  	s2 =	sld [smem:$0x3F98];
	s0 =	simm.s32 @p1 $0x1  }
0x15: {  	[smem:$0x3FB5] =	sst s0;
	s0 =	simm.s32 @!p2 $0x0  }
0x16: {  	s3 =	sld [smem:$0x3FDB];
	s0 =	simm.s32 @p2 $0x1  }
0x17: {  	s4 =	simm.s32 $0x1BF5;
	[smem:$0x3FB7] =	sst s0  }
0x18: {  	s0 =	sld [smem:$0x3F9A];
	_ =	swait.ge [sflag:s4], $0x0  }
0x19: {  	s7 =	sld [smem:$0x3F9B]  }
0x1a: {  	s8 =	sadd.s32 $0xFFFFE003, lr  }
0x1b: {  	s9 =	sadd.s32 $0xFFFFFEF7, lr;
	s5 =	simm.s32 $0xFFFFFFFF;
	p2 =	slt.u32 s8, $0xFFFFF086  }
0x1c: {  	p1 =	slt.u32 s9, $0xF7A;
	s5 =	simm.s32 @!p2 $0x0  }
0x1d: {  	s5 =	simm.s32 @p1 $0x1;
	p0 =	seq.s32 s7, s2  }
0x1e: {  	s7 =	smul.u32 @!p0 $0xF7A, s2;
	p2 =	seq.s32 @!p0 s5, $0x0  }
0x1f: {  	s9 =	smul.u32 $0xF7A, s1;
	s8 =	simm.s32 @!p0 $0x1BF5;
	p2 =	por !p2, p0  }
0x20: {  	[sflag:s8] =	ssyncset.s32 @!p0 $0xFFFFF086;
	s6 =	sadd.s32 @!p0 s3, s7;
	s7 =	simm.s32 @!p0 $0x108  }
0x21: {  	s3 =	sadd.s32 s3, s9;
	s6 =	sadd.s32 @!p0 $0x88, s6;
	s7 =	simm.s32 @p2 $0x1082  }
0x22: {  	[simem:s7], [sflag:s8] =	dma.local @!p0 [hbm:s6], $0xF7A  }
0x23: {  	s9 =	sor.u32 $0xD0000000, s2;
	s6 =	simm.s32 $0x108;
	_ =	swait.ge @!p0 [sflag:s8], $0x0  }
0x24: {  	s3 =	sadd.s32 $0x88, s3;
	s6 =	simm.s32 @!p1 $0x1082;
	[sflag:s4] =	ssyncset.s32 $0xFFFFF086  }
0x25: {  	[simem:s6], [sflag:s4] =	dma.local [hbm:s3], $0xF7A  }
0x26: {  	[smem:$0x3F9B] =	sst s1;
	(tag) =	ssettag s2;
	_ =	strace s9  }
0x27: {  	s1 =	sld [smem:$0x3FAB]  }
0x28: {  	s2 =	sld [smem:$0x3FAC]  }
0x29: {  	s4 =	sld [smem:$0x3FAE]  }
0x2a: {  	p0 =	seq.s32 s5, $0x0;
	s5 =	sld [smem:$0x3FAF]  }
0x2b: {  	s6 =	sld [smem:$0x3FB0]  }
0x2c: {  	s7 =	sld [smem:$0x3FB1]  }
0x2d: {  	s3 =	simm.s32 $0x108;
	s8 =	sld [smem:$0x3FB2]  }
0x2e: {  	s3 =	simm.s32 @!p0 $0x1082;
	s9 =	sld [smem:$0x3FB3]  }
0x2f: {  	lr =	sadd.s32 s0, s3;
	s0 =	sld [smem:$0x3FAA]  }
0x30: {  	s3 =	sld [smem:$0x3FAD]  }
0x31: {  	[smem:$0x3FB6] =	sst s10  }
0x32: {  	s10 =	sld [smem:$0x3FB4];
	_ =	sdelay $0x3  }
0x33: {  	p0 =	seq.s32 s10, $0x1;
	s10 =	sld [smem:$0x3FB6];
	_ =	sdelay $0x3  }
0x34: {  	[smem:$0x3FB6] =	sst s10  }
0x35: {  	s10 =	sld [smem:$0x3FB5];
	_ =	sdelay $0x3  }
0x36: {  	p1 =	seq.s32 s10, $0x1;
	s10 =	sld [smem:$0x3FB6];
	_ =	sdelay $0x3  }
0x37: {  	[smem:$0x3FB6] =	sst s10  }
0x38: {  	s10 =	sld [smem:$0x3FB7]  }
0x39: {  	_ = 	snop;
	(pc) =	sbr.ind lr, $3  }
0x3a: {  	_ = 	snop  }
0x3b: {  	_ = 	snop  }
0x3c: {  	p2 =	seq.s32 s10, $0x1;
	s10 =	sld [smem:$0x3FB6]  }
0x3d: {  	_ =	shalt  }
0x3e: {  	_ =	shalt  }
0x3f: {  	_ =	shalt  }
0x40: {  	_ =	shalt  }
0x41: {  	_ =	shalt  }
0x42: {  	_ =	shalt  }
0x43: {  	_ =	shalt  }
0x44: {  	_ =	shalt  }
0x45: {  	_ =	shalt  }
0x46: {  	_ =	shalt  }
0x47: {  	_ =	shalt  }
0x48: {  	_ =	shalt  }
0x49: {  	_ =	shalt  }
0x4a: {  	_ =	shalt  }
0x4b: {  	_ =	shalt  }
0x4c: {  	_ =	shalt  }
0x4d: {  	_ =	shalt  }
0x4e: {  	_ =	shalt  }
0x4f: {  	_ =	shalt  }
0x50: {  	_ =	shalt  }
0x51: {  	_ =	shalt  }
0x52: {  	_ =	shalt  }
0x53: {  	_ =	shalt  }
0x54: {  	_ =	shalt  }
0x55: {  	_ =	shalt  }
0x56: {  	_ =	shalt  }
0x57: {  	_ =	shalt  }
0x58: {  	_ =	shalt  }
0x59: {  	_ =	shalt  }
0x5a: {  	_ =	shalt  }
0x5b: {  	_ =	shalt  }
0x5c: {  	_ =	shalt  }
0x5d: {  	_ =	shalt  }
0x5e: {  	_ =	shalt  }
0x5f: {  	_ =	shalt  }
0x60: {  	_ =	shalt  }
0x61: {  	_ =	shalt  }
0x62: {  	_ =	shalt  }
0x63: {  	_ =	shalt  }
0x64: {  	_ =	shalt  }
0x65: {  	_ =	shalt  }
0x66: {  	_ =	shalt  }
0x67: {  	_ =	shalt  }
0x68: {  	_ =	shalt  }
0x69: {  	_ =	shalt  }
0x6a: {  	_ =	shalt  }
0x6b: {  	_ =	shalt  }
0x6c: {  	_ =	shalt  }
0x6d: {  	_ =	shalt  }
0x6e: {  	_ =	shalt  }
0x6f: {  	_ =	shalt  }
0x70: {  	_ =	shalt  }
0x71: {  	_ =	shalt  }
0x72: {  	_ =	shalt  }
0x73: {  	_ =	shalt  }
0x74: {  	_ =	shalt  }
0x75: {  	_ =	shalt  }
0x76: {  	_ =	shalt  }
0x77: {  	_ =	shalt  }
0x78: {  	_ =	shalt  }
0x79: {  	_ =	shalt  }
0x7a: {  	_ =	shalt  }
0x7b: {  	_ =	shalt  }
0x7c: {  	_ =	shalt  }
0x7d: {  	_ =	shalt  }
0x7e: {  	_ =	shalt  }
0x7f: {  	_ =	shalt  }
0x80: {  	_ =	shalt  }
0x81: {  	_ =	shalt  }
0x82: {  	_ =	shalt  }
0x83: {  	_ =	shalt  }
0x84: {  	_ =	shalt  }
0x85: {  	_ =	shalt  }
0x86: {  	_ =	shalt  }
0x87: {  	_ =	shalt  }
.Lfunc_end0:
.L_simem_size_0:
called_computation.8_lowered:
.L_overlay_start_0:
0x88: {  	s2 =	sld [smem:$0x3FD9]  }
0x89: {  	s3 =	sld [smem:$0x3FFE];
	_ =	sdelay $0x1  }
0x8a: {  	s1 =	srdreg.scid  }
0x8b: {  	s0 =	sand.u32 $0x1, s1  }
0x8c: {  	s15 =	sshll.u32 s0, $0xA;
	s2 =	sadd.s32 s3, s2  }
0x8d: {  	s2 =	sadd.s32 s2, s15  }
0x8e: {  	[smem:$0x3FC2] =	sst s2  }
0x8f: {  	_ = 	snop  }
0x90: {  	s2 =	sld [smem:$0x3FD0];
	_ =	sdelay $0x2  }
0x91: {  	s16 =	simm.s32 $0xB;
	s4 =	simm.s32 $0x10  }
0x92: {  	[smem:s4], [sflag:s16] =	dma.local [hbm:s2], $0x1  }
0x93: {  	_ =	swait.eq [sflag:s16], $0x1  }
0x94: {  	[sflag:s16] =	ssyncset.done $0x0  }
0x95: {  	[sflag:s16] =	ssyncadd.s32 $0xFFFFFFFF  }
0x96: {  	s17 =	sld [smem:$0x10];
	(tm) =	ssettm $0x1  }
0x97: {  	s18 =	sld [smem:$0x3FFB];
	_ =	sdelay $0x3  }
0x98: {  	_ =	strace s18  }
0x99: {  	s2 =	sld [smem:$0x3FFC];
	_ =	sdelay $0x3  }
0x9a: {  	_ =	strace s2  }
0x9b: {  	s2 =	sld [smem:$0x3FFD];
	_ =	sdelay $0x3  }
0x9c: {  	_ =	strace s2  }
0x9d: {  	_ =	strace $0x8FFFFFFF  }
0x9e: {  	s19 =	sld [smem:$0x3FDB];
	_ =	sdelay $0x1  }
0x9f: {  	s20 =	simm.s32 $_scs_section_size  }
0xa0: {  	s5 =	simm.s32 $_size__tile_overlayer_lowered;
	s6 =	simm.s32 $_tile_overlayer_lowered  }
0xa1: {  	s7 =	simm.s32 $0x1BFF;
	s21 =	sshll.u32 s6, $0x1;
	s4 =	sadd.s32 s20, s19  }
0xa2: {  	s22 =	simm.s32 $0x0;
	s5 =	sshll.u32 s5, $0x1;
	s6 =	sadd.s32 s21, s4  }
0xa3: {  	[timem:s22], [sflag:s7] =	dma.local [hbm:s6], s5  }
0xa4: {  	_ =	swait.ge [sflag:s7], s5  }
0xa5: {  	s5 =	ssub.s32 $0x0, s5;
	[sflag:s7] =	ssyncset.done $0x0  }
0xa6: {  	[sflag:s7] =	ssyncadd.s32 s5;
	_ =	sdelay $0x1  }
0xa7: {  	s23 =	simm.s32 $0x1B8B  }
0xa8: {  	_ =	swait.ge [sflag:s23], $0x1  }
0xa9: {  	[sflag:s23] =	ssyncset.done $0x0  }
0xaa: {  	[sflag:s23] =	ssyncadd.s32 $0xFFFFFFFF  }
0xab: {  	s5 =	sld [smem:$0x0]  }
0xac: {  	s6 =	sand.u32 $0xFFFFFFFE, s1  }
0xad: {  	p0 =	sne.s32 s1, s6  }
0xae: {  	s6 =	sshll.u32 @p0 s6, $0xE  }
0xaf: {  	s6 =	sadd.s32 @p0 $0x11B8D, s6;
	s7 =	sshll.u32 @p0 s5, $0x11  }
0xb0: {  	s6 =	sor.u32 @p0 s7, s6  }
0xb1: {  	[sflag:s6] =	ssyncadd.remote.s32 @p0 $0x1;
	_ =	sdelay $0x1  }
0xb2: {  	s6 =	simm.s32 @p0 $0x1B8D  }
0xb3: {  	_ =	swait.eq @p0 [sflag:s6], $0x1  }
0xb4: {  	[sflag:s6] =	ssyncadd.s32 @p0 $0xFFFFFFFF  }
0xb5: {  	s7 =	sshll.u32 @!p0 s1, $0xE  }
0xb6: {  	s7 =	sor.u32 @!p0 $0x4000, s7;
	s6 =	simm.s32 @!p0 $0x1B8D  }
0xb7: {  	s5 =	sshll.u32 @!p0 s5, $0x11;
	s7 =	sadd.s32 @!p0 $0x11B8D, s7;
	_ =	swait.eq @!p0 [sflag:s6], $0x1  }
0xb8: {  	s5 =	sor.u32 @!p0 s5, s7;
	[sflag:s6] =	ssyncadd.s32 @!p0 $0xFFFFFFFF  }
0xb9: {  	s25 =	simm.s32 $0x1B8E;
	s24 =	sld [smem:$0x3FFE];
	[sflag:s5] =	ssyncadd.remote.s32 @!p0 $0x1  }
0xba: {  	s26 =	simm.s32 $execute0_lowered;
	[smem:$0x3FD2] =	sst s25  }
0xbb: {  	s6 =	sshll.u32 s26, $0x1;
	_ =	strace $0x80000052;
	[dreg:$0x1] =	wrdreg $0xFFFFFFFF  }
0xbc: {  	s28 =	simm.s32 $_size_execute0_lowered;
	s4 =	sadd.s32 s4, s6;
	[dreg:$0x0] =	wrdreg $0x0  }
0xbd: {  	s6 =	sshll.u32 s28, $0x1;
	[dreg:$0x2] =	wrdreg s4  }
0xbe: {  	[dreg:$0x3] =	wrdreg s6  }
0xbf: {  	[dreg:$0x4] =	wrdreg $0xC0  }
0xc0: {  	_ =	task [dreg:s22], $0x5FFFF  }
0xc1: {  	[dreg:$0x1] =	wrdreg $0xFFFFFFFF  }
0xc2: {  	[dreg:$0x0] =	wrdreg $0x60  }
0xc3: {  	[dreg:$0x2] =	wrdreg s24  }
0xc4: {  	[dreg:$0x3] =	wrdreg s17  }
0xc5: {  	[dreg:$0x4] =	wrdreg $0xA  }
0xc6: {  	_ =	task.clear_ibuf [dreg:s22], $0x5FFFF;
	_ =	strace $0x90000052  }
0xc7: {  	s29 =	simm.s32 $0xA;
	_ =	strace $0x80000054  }
0xc8: {  	_ =	swait.ge [sflag:s29], $0x1  }
0xc9: {  	[sflag:s29] =	ssyncadd.s32 $0xFFFFFFFF  }
0xca: {  	_ =	strace $0x90000054  }
0xcb: {  	_ =	sfence  }
0xcc: {  	s30 =	sld [smem:$0x0];
	_ =	sdelay $0x2  }
0xcd: {  	s31 =	sshll.u32 s1, $0xD;
	s1 =	sshrl.u32 s1, $0x2  }
0xce: {  	s4 =	sand.u32 $0x4000, s31;
	s1 =	sadd.s32 s1, s30  }
0xcf: {  	s0 =	sor.u32 s4, s0;
	s1 =	sshll.u32 s1, $0x11  }
0xd0: {  	s0 =	sor.u32 s1, s0  }
0xd1: {  	s0 =	sadd.s32 $0x8F2B, s0  }
0xd2: {  	[sflag:s0] =	ssyncadd.remote.s32 $0x1  }
0xd3: {  	_ =	sfence.sel $0xFFFF  }
0xd4: {  	[dreg:$0x0] =	wrdreg $0xFFFFFFFF;
	(pc) =	sbr.abs _section_cstart, $3  }
0xd5: {  	[dreg:$0x1] =	wrdreg $0xFFFFFFFF  }
0xd6: {  	_ =	task.clear_ibuf [dreg:s22], $0x2FFFF;
	_ =	strace $0x9FFFFFFF  }
0xd7: {  	(tm) =	ssettm $0x7FFFFFFF  }
tec
execute0_lowered:
.L_overlay_start_1:
0x0: {  	(tag) =	ssettag $0x1  }
0x1: {  	s4 =	rddreg [dreg:$0x0]  }
0x2: {  	s0 =	stileid.u32;
	s1 =	srdreg.scid  }
0x3: {  	s6 =	rddreg [dreg:$0x1];
	s5 =	smul.u32 $0x4EC00, s0  }
0x4: {  	s2 =	simm.s32 $0x0;
	s3 =	sand.u32 $0x1, s1;
	s8 =	smul.u32 $0x4EC0, s0  }
0x5: {  	s11 =	simm.s32 $0x0;
	s1 =	rddreg [dreg:$0x2];
	s7 =	smul.u32 $0x27600, s3  }
0x6: {  	[smem:$0x7FF] =	sst s2;
	s9 =	ssub.s32 $0x2, s3;
	s10 =	smul.u32 $0x2760, s3  }
0x7: {  	s3 =	sadd.s32 $0x3B800, s4;
	s4 =	sadd.s32 s5, s4;
	s30 =	sshrl.u32 s9, $0x1  }
0x8: {  	_ =	strace $0x80000053;
	s5 =	ssub.s32 s9, s30;
	s7 =	sadd.s32 s7, s4  }
0x9: {  	s8 =	sadd.s32 s10, s8;
	s9 =	simm.s32 $0x80;
	s10 =	simm.s32 $0x1  }
0xa: {  	s4 =	smax.u32 s5, $0x1;
	s5 =	sadd.s32 $0x55A000, s7;
	s31 =	sshrl.u32 s8, $0x3  }
0xb: {  	s7 =	simm.s32 $0x2;
	s8 =	simm.s32 $0x78;
	s6 =	sadd.s32 s31, s6  }
.LBB2_1:
0xc: {  	s12 =	sadd.s32 $0x0, s6  }
0xd: {  	[tilespmem:s2], [sflag:$0x2] =	stream.linear.gather [hbm4b:s12+s2], $0x78, $0x38;
	[tilespmem:$0x3C80] =	vst v63  }
0xe: {  	_ =	swait.ge [sflag:s7], $0x78  }
0xf: {  	[sflag:s7] =	ssyncset.done $0x0  }
0x10: {  	[sflag:s7] =	ssyncadd.s32 $0xFFFFFF88  }
0x11: {  	[tilespmem:s9], [sflag:$0x1] =	stream.indirect.gather [hbm4b:s3+s8], $0x80, s2, s8, $0xb8;
	[tilespmem:$0x3C80] =	vst v63  }
0x12: {  	_ =	swait.ge [sflag:s10], $0x3C00  }
0x13: {  	[sflag:s10] =	ssyncset.done $0x0  }
0x14: {  	[sflag:s10] =	ssyncadd.s32 $0xFFFFC400  }
0x15: {  	[hbm4b:s5+s2] =	stream.linear.scatter [tilespmem:s9], [sflag:$0x2], $0x3C00, $0x38;
	[tilespmem:$0x3C80] =	vst v63  }
0x16: {  	s13 =	simm.s32 $0xF;
	_ =	swait.ge [sflag:s7], $0x3C00  }
0x17: {  	s14 =	simm.s32 $0x1E;
	s12 =	sadd.s32 $0x780, s5;
	[sflag:s7] =	ssyncset.done $0x0  }
.LBB2_2:
0x18: {  	s15 =	sadd.s32 s13, s6  }
0x19: {  	[sflag:s7] =	ssyncadd.s32 $0xFFFFC400;
	s13 =	smov.u32 s14;
	s16 =	sadd.s32 $0xF, s14  }
0x1a: {  	[tilespmem:s2], [sflag:$0x2] =	stream.linear.gather [hbm4b:s15+s2], $0x78, $0x38;
	[tilespmem:$0x3C80] =	vst v63  }
0x1b: {  	p0 =	sne.s32 s14, $0x4DD;
	_ =	swait.ge [sflag:s7], $0x78  }
0x1c: {  	[sflag:s7] =	ssyncset.done $0x0  }
0x1d: {  	[sflag:s7] =	ssyncadd.s32 $0xFFFFFF88  }
0x1e: {  	[tilespmem:s9], [sflag:$0x1] =	stream.indirect.gather [hbm4b:s3+s8], $0x80, s2, s8, $0xb8;
	[tilespmem:$0x3C80] =	vst v63  }
0x1f: {  	_ =	swait.ge [sflag:s10], $0x3C00  }
.Ltmp0:
0x20: {  	[sflag:s10] =	ssyncset.done $0x0;
	(pc) =	sbr.rel @p0 .LBB2_2-.Ltmp0, $4  }
0x21: {  	[sflag:s10] =	ssyncadd.s32 $0xFFFFC400  }
0x22: {  	[hbm4b:s12+s2] =	stream.linear.scatter [tilespmem:s9], [sflag:$0x2], $0x3C00, $0x38;
	[tilespmem:$0x3C80] =	vst v63  }
0x23: {  	_ =	swait.ge [sflag:s7], $0x3C00  }
0x24: {  	s14 =	smov.u32 s16;
	s12 =	sadd.s32 $0x780, s12;
	[sflag:s7] =	ssyncset.done $0x0  }
0x25: {  	s13 =	sadd.s32 s13, s6;
	[sflag:s7] =	ssyncadd.s32 $0xFFFFC400  }
0x26: {  	[tilespmem:s2], [sflag:$0x2] =	stream.linear.gather [hbm4b:s13+s2], $0x78, $0x38;
	[tilespmem:$0x3C80] =	vst v63  }
0x27: {  	_ =	swait.ge [sflag:s7], $0x78  }
0x28: {  	[sflag:s7] =	ssyncset.done $0x0  }
0x29: {  	[sflag:s7] =	ssyncadd.s32 $0xFFFFFF88  }
0x2a: {  	[tilespmem:s9], [sflag:$0x1] =	stream.indirect.gather [hbm4b:s3+s8], $0x80, s2, s8, $0xb8;
	[tilespmem:$0x3C80] =	vst v63  }
0x2b: {  	s11 =	sadd.s32 $0x1, s11;
	_ =	swait.ge [sflag:s10], $0x3C00  }
0x2c: {  	p0 =	sne.s32 s11, s4;
	[sflag:s10] =	ssyncset.done $0x0  }
.Ltmp1:
0x2d: {  	[sflag:s10] =	ssyncadd.s32 $0xFFFFC400;
	(pc) =	sbr.rel @p0 .LBB2_1-.Ltmp1, $4  }
0x2e: {  	[hbm4b:s12+s2] =	stream.linear.scatter [tilespmem:s9], [sflag:$0x2], $0x3C00, $0x38;
	[tilespmem:$0x3C80] =	vst v63  }
0x2f: {  	_ =	swait.ge [sflag:s7], $0x3C00  }
0x30: {  	[sflag:s7] =	ssyncset.done $0x0  }
0x31: {  	[sflag:s7] =	ssyncadd.s32 $0xFFFFC400  }
0x32: {  	_ =	sfence.sel $0x180000  }
0x33: {  	[bflag:$0x0] =	sbarrier.arrive $0xFFFF  }
0x34: {  	p0 =	sne.s32 s0, $0x0;
	_ =	strace $0x90000053  }
0x35: {  	s0 =	sadd.s32 @!p0 $0x100000, s1;
	[bflag:$0x2] =	sbarrier.arrive $0xFFFF  }
0x36: {  	[sflag:s0] =	ssyncadd.tile.s32 @!p0 $0x1;
	_ =	shalt  }
.Lfunc_end2:
_tile_overlayer_lowered:
.L_overlay_start_2:
0x37: {  	(tag) =	ssettag $0x2  }
0x38: {  	s0 =	rddreg [dreg:$0x0];
	s2 =	stileid.u32  }
0x39: {  	s1 =	rddreg [dreg:$0x1];
	p0 =	sne.s32 s2, $0x0  }
0x3a: {  	s3 =	rddreg [dreg:$0x2];
	[bflag:$0x3] =	sbarrier.arrive $0xFFFF;
	s2 =	simm.s32 @!p0 $0x1C02  }
0x3b: {  	[timem:s3], [sflag:s2] =	dma.local @!p0 [hbm:s0], s1  }
0x3c: {  	s0 =	simm.s32 @!p0 $0x2  }
0x3d: {  	_ =	swait.ge @!p0 [sflag:s0], s1  }
0x3e: {  	s1 =	ssub.s32 @!p0 $0x0, s1;
	[sflag:s0] =	ssyncset.done @!p0 $0x0  }
0x3f: {  	[sflag:s0] =	ssyncadd.s32 @!p0 s1  }
0x40: {  	[bflag:$0x3] =	sbarrier.arrive $0xFFFF  }
0x41: {  	_ =	shalt  }

// kernel: scatter_offload_async_start.1
scs
__scs_entry_jumppad:
0x0: {  	(pc) =	sbr.rel $0x88, $3  }
0x1: {  	(tag) =	ssettag $0x0;
	lr =	simm.s32 $0x1  }
0x2: {  	[smem:$0x3F9B] =	sst lr;
	_ =	strace $0xD0000000  }
0x3: {  	_ = 	snop  }
0x4: {  	_ = 	snop  }
0x5: {  	_ = 	snop  }
0x6: {  	_ = 	snop  }
0x7: {  	_ = 	snop  }
__scs_overlays_trampoline_lowered:
0x8: {  	[smem:$0x3FAA] =	sst s0  }
0x9: {  	[smem:$0x3FAB] =	sst s1  }
0xa: {  	[smem:$0x3FAC] =	sst s2  }
0xb: {  	[smem:$0x3FAD] =	sst s3  }
0xc: {  	[smem:$0x3FAE] =	sst s4  }
0xd: {  	[smem:$0x3FAF] =	sst s5  }
0xe: {  	[smem:$0x3FB0] =	sst s6  }
0xf: {  	[smem:$0x3FB1] =	sst s7  }
0x10: {  	[smem:$0x3FB2] =	sst s8  }
0x11: {  	[smem:$0x3FB3] =	sst s9;
	s0 =	simm.s32 @!p0 $0x0  }
0x12: {  	s1 =	sld [smem:$0x3F99];
	s0 =	simm.s32 @p0 $0x1  }
0x13: {  	[smem:$0x3FB4] =	sst s0;
	s0 =	simm.s32 @!p1 $0x0  }
0x14: {  	s2 =	sld [smem:$0x3F98];
	s0 =	simm.s32 @p1 $0x1  }
0x15: {  	[smem:$0x3FB5] =	sst s0;
	s0 =	simm.s32 @!p2 $0x0  }
0x16: {  	s3 =	sld [smem:$0x3FDB];
	s0 =	simm.s32 @p2 $0x1  }
0x17: {  	s4 =	simm.s32 $0x1BF5;
	[smem:$0x3FB7] =	sst s0  }
0x18: {  	s0 =	sld [smem:$0x3F9A];
	_ =	swait.ge [sflag:s4], $0x0  }
0x19: {  	s7 =	sld [smem:$0x3F9B]  }
0x1a: {  	s8 =	sadd.s32 $0xFFFFE003, lr  }
0x1b: {  	s9 =	sadd.s32 $0xFFFFFEF7, lr;
	s5 =	simm.s32 $0xFFFFFFFF;
	p2 =	slt.u32 s8, $0xFFFFF086  }
0x1c: {  	p1 =	slt.u32 s9, $0xF7A;
	s5 =	simm.s32 @!p2 $0x0  }
0x1d: {  	s5 =	simm.s32 @p1 $0x1;
	p0 =	seq.s32 s7, s2  }
0x1e: {  	s7 =	smul.u32 @!p0 $0xF7A, s2;
	p2 =	seq.s32 @!p0 s5, $0x0  }
0x1f: {  	s9 =	smul.u32 $0xF7A, s1;
	s8 =	simm.s32 @!p0 $0x1BF5;
	p2 =	por !p2, p0  }
0x20: {  	[sflag:s8] =	ssyncset.s32 @!p0 $0xFFFFF086;
	s6 =	sadd.s32 @!p0 s3, s7;
	s7 =	simm.s32 @!p0 $0x108  }
0x21: {  	s3 =	sadd.s32 s3, s9;
	s6 =	sadd.s32 @!p0 $0x88, s6;
	s7 =	simm.s32 @p2 $0x1082  }
0x22: {  	[simem:s7], [sflag:s8] =	dma.local @!p0 [hbm:s6], $0xF7A  }
0x23: {  	s9 =	sor.u32 $0xD0000000, s2;
	s6 =	simm.s32 $0x108;
	_ =	swait.ge @!p0 [sflag:s8], $0x0  }
0x24: {  	s3 =	sadd.s32 $0x88, s3;
	s6 =	simm.s32 @!p1 $0x1082;
	[sflag:s4] =	ssyncset.s32 $0xFFFFF086  }
0x25: {  	[simem:s6], [sflag:s4] =	dma.local [hbm:s3], $0xF7A  }
0x26: {  	[smem:$0x3F9B] =	sst s1;
	(tag) =	ssettag s2;
	_ =	strace s9  }
0x27: {  	s1 =	sld [smem:$0x3FAB]  }
0x28: {  	s2 =	sld [smem:$0x3FAC]  }
0x29: {  	s4 =	sld [smem:$0x3FAE]  }
0x2a: {  	p0 =	seq.s32 s5, $0x0;
	s5 =	sld [smem:$0x3FAF]  }
0x2b: {  	s6 =	sld [smem:$0x3FB0]  }
0x2c: {  	s7 =	sld [smem:$0x3FB1]  }
0x2d: {  	s3 =	simm.s32 $0x108;
	s8 =	sld [smem:$0x3FB2]  }
0x2e: {  	s3 =	simm.s32 @!p0 $0x1082;
	s9 =	sld [smem:$0x3FB3]  }
0x2f: {  	lr =	sadd.s32 s0, s3;
	s0 =	sld [smem:$0x3FAA]  }
0x30: {  	s3 =	sld [smem:$0x3FAD]  }
0x31: {  	[smem:$0x3FB6] =	sst s10  }
0x32: {  	s10 =	sld [smem:$0x3FB4];
	_ =	sdelay $0x3  }
0x33: {  	p0 =	seq.s32 s10, $0x1;
	s10 =	sld [smem:$0x3FB6];
	_ =	sdelay $0x3  }
0x34: {  	[smem:$0x3FB6] =	sst s10  }
0x35: {  	s10 =	sld [smem:$0x3FB5];
	_ =	sdelay $0x3  }
0x36: {  	p1 =	seq.s32 s10, $0x1;
	s10 =	sld [smem:$0x3FB6];
	_ =	sdelay $0x3  }
0x37: {  	[smem:$0x3FB6] =	sst s10  }
0x38: {  	s10 =	sld [smem:$0x3FB7]  }
0x39: {  	_ = 	snop;
	(pc) =	sbr.ind lr, $3  }
0x3a: {  	_ = 	snop  }
0x3b: {  	_ = 	snop  }
0x3c: {  	p2 =	seq.s32 s10, $0x1;
	s10 =	sld [smem:$0x3FB6]  }
0x3d: {  	_ =	shalt  }
0x3e: {  	_ =	shalt  }
0x3f: {  	_ =	shalt  }
0x40: {  	_ =	shalt  }
0x41: {  	_ =	shalt  }
0x42: {  	_ =	shalt  }
0x43: {  	_ =	shalt  }
0x44: {  	_ =	shalt  }
0x45: {  	_ =	shalt  }
0x46: {  	_ =	shalt  }
0x47: {  	_ =	shalt  }
0x48: {  	_ =	shalt  }
0x49: {  	_ =	shalt  }
0x4a: {  	_ =	shalt  }
0x4b: {  	_ =	shalt  }
0x4c: {  	_ =	shalt  }
0x4d: {  	_ =	shalt  }
0x4e: {  	_ =	shalt  }
0x4f: {  	_ =	shalt  }
0x50: {  	_ =	shalt  }
0x51: {  	_ =	shalt  }
0x52: {  	_ =	shalt  }
0x53: {  	_ =	shalt  }
0x54: {  	_ =	shalt  }
0x55: {  	_ =	shalt  }
0x56: {  	_ =	shalt  }
0x57: {  	_ =	shalt  }
0x58: {  	_ =	shalt  }
0x59: {  	_ =	shalt  }
0x5a: {  	_ =	shalt  }
0x5b: {  	_ =	shalt  }
0x5c: {  	_ =	shalt  }
0x5d: {  	_ =	shalt  }
0x5e: {  	_ =	shalt  }
0x5f: {  	_ =	shalt  }
0x60: {  	_ =	shalt  }
0x61: {  	_ =	shalt  }
0x62: {  	_ =	shalt  }
0x63: {  	_ =	shalt  }
0x64: {  	_ =	shalt  }
0x65: {  	_ =	shalt  }
0x66: {  	_ =	shalt  }
0x67: {  	_ =	shalt  }
0x68: {  	_ =	shalt  }
0x69: {  	_ =	shalt  }
0x6a: {  	_ =	shalt  }
0x6b: {  	_ =	shalt  }
0x6c: {  	_ =	shalt  }
0x6d: {  	_ =	shalt  }
0x6e: {  	_ =	shalt  }
0x6f: {  	_ =	shalt  }
0x70: {  	_ =	shalt  }
0x71: {  	_ =	shalt  }
0x72: {  	_ =	shalt  }
0x73: {  	_ =	shalt  }
0x74: {  	_ =	shalt  }
0x75: {  	_ =	shalt  }
0x76: {  	_ =	shalt  }
0x77: {  	_ =	shalt  }
0x78: {  	_ =	shalt  }
0x79: {  	_ =	shalt  }
0x7a: {  	_ =	shalt  }
0x7b: {  	_ =	shalt  }
0x7c: {  	_ =	shalt  }
0x7d: {  	_ =	shalt  }
0x7e: {  	_ =	shalt  }
0x7f: {  	_ =	shalt  }
0x80: {  	_ =	shalt  }
0x81: {  	_ =	shalt  }
0x82: {  	_ =	shalt  }
0x83: {  	_ =	shalt  }
0x84: {  	_ =	shalt  }
0x85: {  	_ =	shalt  }
0x86: {  	_ =	shalt  }
0x87: {  	_ =	shalt  }
.Lfunc_end0:
.L_simem_size_0:
called_computation.1_lowered:
.L_overlay_start_0:
0x88: {  	s0 =	sld [smem:$0x3FD9]  }
0x89: {  	s1 =	sld [smem:$0x3FFE];
	_ =	sdelay $0x3  }
0x8a: {  	s0 =	sadd.s32 s1, s0  }
0x8b: {  	[smem:$0x3FC2] =	sst s0  }
0x8c: {  	_ = 	snop  }
0x8d: {  	s0 =	sld [smem:$0x3FD0];
	_ =	sdelay $0x2  }
0x8e: {  	s13 =	simm.s32 $0xB;
	s2 =	simm.s32 $0x10  }
0x8f: {  	[smem:s2], [sflag:s13] =	dma.local [hbm:s0], $0x1  }
0x90: {  	_ =	swait.eq [sflag:s13], $0x1  }
0x91: {  	[sflag:s13] =	ssyncset.done $0x0  }
0x92: {  	[sflag:s13] =	ssyncadd.s32 $0xFFFFFFFF  }
0x93: {  	s14 =	sld [smem:$0x10];
	(tm) =	ssettm $0x1  }
0x94: {  	s15 =	sld [smem:$0x3FFB];
	_ =	sdelay $0x3  }
0x95: {  	_ =	strace s15  }
0x96: {  	s1 =	sld [smem:$0x3FFC];
	_ =	sdelay $0x3  }
0x97: {  	_ =	strace s1  }
0x98: {  	s1 =	sld [smem:$0x3FFD];
	_ =	sdelay $0x3  }
0x99: {  	_ =	strace s1  }
0x9a: {  	_ =	strace $0x8FFFFFFF  }
0x9b: {  	s16 =	sld [smem:$0x3FDB];
	_ =	sdelay $0x1  }
0x9c: {  	s17 =	simm.s32 $_scs_section_size  }
0x9d: {  	s3 =	simm.s32 $_size__tile_overlayer_lowered;
	s4 =	simm.s32 $_tile_overlayer_lowered  }
0x9e: {  	s20 =	simm.s32 $0x1BFF;
	s19 =	sshll.u32 s4, $0x1;
	s1 =	sadd.s32 s17, s16  }
0x9f: {  	s5 =	simm.s32 $0x0;
	s18 =	sshll.u32 s3, $0x1;
	s3 =	sadd.s32 s19, s1  }
0xa0: {  	[timem:s5], [sflag:s20] =	dma.local [hbm:s3], s18  }
0xa1: {  	_ =	swait.ge [sflag:s20], s18  }
0xa2: {  	s2 =	ssub.s32 $0x0, s18;
	[sflag:s20] =	ssyncset.done $0x0  }
0xa3: {  	[sflag:s20] =	ssyncadd.s32 s2;
	_ =	sdelay $0x1  }
0xa4: {  	s21 =	simm.s32 $0x1B8B  }
0xa5: {  	_ =	swait.ge [sflag:s21], $0x1  }
0xa6: {  	[sflag:s21] =	ssyncset.done $0x0  }
0xa7: {  	s23 =	simm.s32 $0x1B8E;
	s22 =	sld [smem:$0x3FFE];
	[sflag:s21] =	ssyncadd.s32 $0xFFFFFFFF  }
0xa8: {  	s24 =	simm.s32 $execute0_lowered;
	[smem:$0x3FD2] =	sst s23  }
0xa9: {  	s3 =	sshll.u32 s24, $0x1;
	_ =	strace $0x80000049;
	[dreg:$0x1] =	wrdreg $0xFFFFFFFF  }
0xaa: {  	s25 =	simm.s32 $_size_execute0_lowered;
	s1 =	sadd.s32 s1, s3;
	[dreg:$0x0] =	wrdreg $0x0  }
0xab: {  	s3 =	sshll.u32 s25, $0x1;
	[dreg:$0x2] =	wrdreg s1  }
0xac: {  	[dreg:$0x3] =	wrdreg s3  }
0xad: {  	[dreg:$0x4] =	wrdreg $0xC0  }
0xae: {  	_ =	task [dreg:s5], $0x5FFFF  }
0xaf: {  	[dreg:$0x1] =	wrdreg $0xFFFFFFFF  }
0xb0: {  	[dreg:$0x0] =	wrdreg $0x60  }
0xb1: {  	[dreg:$0x2] =	wrdreg s22  }
0xb2: {  	[dreg:$0x3] =	wrdreg s14  }
0xb3: {  	[dreg:$0x4] =	wrdreg $0x9  }
0xb4: {  	_ =	task.clear_ibuf [dreg:s5], $0x5FFFF;
	_ =	strace $0x90000049  }
0xb5: {  	s26 =	simm.s32 $0x9;
	_ =	strace $0x8000004B  }
0xb6: {  	_ =	swait.ge [sflag:s26], $0x1  }
0xb7: {  	[sflag:s26] =	ssyncadd.s32 $0xFFFFFFFF  }
0xb8: {  	_ =	strace $0x9000004B  }
0xb9: {  	_ =	sfence  }
0xba: {  	s28 =	sld [smem:$0x0];
	_ =	sdelay $0x1  }
0xbb: {  	s29 =	srdreg.scid  }
0xbc: {  	s30 =	sshll.u32 s29, $0xD;
	s31 =	sshrl.u32 s29, $0x2  }
0xbd: {  	s2 =	sand.u32 $0x4000, s30;
	s1 =	sand.u32 $0x1, s29;
	s0 =	sadd.s32 s31, s28  }
0xbe: {  	s1 =	sor.u32 s2, s1;
	s0 =	sshll.u32 s0, $0x11  }
0xbf: {  	s0 =	sor.u32 s0, s1  }
0xc0: {  	s0 =	sadd.s32 $0x8F2B, s0  }
0xc1: {  	[sflag:s0] =	ssyncadd.remote.s32 $0x1  }
0xc2: {  	_ =	sfence.sel $0xFFFF  }
0xc3: {  	[dreg:$0x0] =	wrdreg $0xFFFFFFFF;
	(pc) =	sbr.abs _section_cstart, $3  }
0xc4: {  	[dreg:$0x1] =	wrdreg $0xFFFFFFFF  }
0xc5: {  	_ =	task.clear_ibuf [dreg:s5], $0x2FFFF;
	_ =	strace $0x9FFFFFFF  }
0xc6: {  	(tm) =	ssettm $0x7FFFFFFF  }
0xc7: {  	_ =	shalt  }
tec
execute0_lowered:
.L_overlay_start_1:
0x0: {  	(tag) =	ssettag $0x1  }
0x1: {  	s0 =	rddreg [dreg:$0x0]  }
0x2: {  	s9 =	rddreg [dreg:$0x1];
	_ =	strace $0x8000004A;
	s1 =	simm.s32 $0x1  }
0x3: {  	s8 =	simm.s32 $0x88;
	v0 =	vimm.s32 $0x0;
	[sflag:s1] =	ssyncpa.u1 $0x0  }
0x4: {  	[tilespmem:s8+$0x30] =	vst v0  }
0x5: {  	s1 =	sadd.s32 $0x47000, s0;
	[tilespmem:s8+$0x20] =	vst v0  }
0x6: {  	s4 =	sadd.s32 $0x6E200, s0;
	s5 =	sadd.s32 $0x3CE00, s0;
	s0 =	simm.s32 $0x40;
	[tilespmem:s8+$0x10] =	vst v0  }
.LBB2_1:
0x7: {  	s0 =	sadd.s32 $0x40, s0  }
0x8: {  	[tilespmem:s8+$0x0] =	vst v0;
	s8 =	sadd.s32 $0x40, s8;
	p0 =	slt.u32 s0, $0x5040  }
.Ltmp0:
0x9: {  	(pc) =	sbr.rel @p0 .LBB2_1-.Ltmp0, $4  }
0xa: {  	_ = 	snop  }
0xb: {  	[tilespmem:s8+$0x30] =	vst v0  }
0xc: {  	[tilespmem:s8+$0x20] =	vst v0  }
0xd: {  	[tilespmem:s8+$0x10] =	vst v0  }
0xe: {  	s13 =	stileid.u32  }
0xf: {  	s0 =	smin.u32 s13, $0x8;
	s2 =	sshll.u32 s13, $0x6  }
0x10: {  	s0 =	sor.u32 s0, s2  }
0x11: {  	p0 =	slt.u32 s13, $0x8;
	s6 =	smul.u32 $0x140, s0;
	s0 =	simm.s32 $0x5140  }
0x12: {  	s0 =	simm.s32 @!p0 $0x5000  }
0x13: {  	s0 =	sadd.s32 s0, s6  }
0x14: {  	s7 =	smin.u32 s0, $0x50910  }
0x15: {  	s0 =	ssub.s32 s7, s6  }
0x16: {  	p0 =	sgt.s32 s0, $0x0  }
0x17: {  	s0 =	simm.s32 @!p0 $0x0  }
0x18: {  	s3 =	simm.s32 $0x2;
	s30 =	simm.s32 $0x7;
	s29 =	smulhi.u32 $0x66666667, s0  }
0x19: {  	s10 =	simm.s32 $0x8;
	s11 =	simm.s32 $0x1;
	s15 =	simm.s32 $0x0  }
0x1a: {  	p1 =	por $0x0, $0x0;
	s16 =	simm.s32 $0xA;
	s2 =	sshrl.u32 s29, $0x7  }
0x1b: {  	s20 =	simm.s32 $0x0;
	s17 =	simm.s32 $0x0;
	s31 =	smul.u32 $0x140, s2  }
.Ltmp1:
0x1c: {  	[tilespmem:s8+$0x0] =	vst v0;
	v0 =	vimm.s32 $0xFFFFFFFF;
	s19 =	simm.s32 $0x0;
	[sflag:s3] =	ssyncpa.u1 $0x0;
	(pc) =	sbr.rel .LBB2_3-.Ltmp1, $4  }
0x1d: {  	[tilespmem:$0xA108] =	vst v0;
	[sflag:s30] =	ssyncpa.u1 $0x0;
	p0 =	sne.s32 s0, s31;
	s0 =	simm.s32 $0x1  }
0x1e: {  	[sflag:s10] =	ssyncpa.u1 $0x0;
	s10 =	simm.s32 $0x9;
	s0 =	simm.s32 @!p0 $0x0  }
0x1f: {  	s13 =	sshll.u32 s13, $0x7;
	[sflag:s10] =	ssyncpa.u1 $0x0;
	s12 =	sadd.s32 s0, s2  }
0x20: {  	v0 =	vlaneseq.u32;
	s18 =	smov.u32 s6;
	p0 =	por $0x1, $0x1;
	s14 =	sadd.s32 $0x1, s12  }
.LBB2_24:
0x21: {  	s0 =	sshrl.u32 s29, $0x2  }
.LBB2_26:
0x22: {  	_ =	swait.ge [sflag:s16], s0  }
0x23: {  	s31 =	ssub.s32 $0x0, s0;
	v1 =	vmov s22;
	vm0 =	veq.s32 v0, $0x0;
	[sflag:s16] =	ssyncset.done $0x0  }
0x24: {  	vm15 =	veq.s32 v0, $0x2;
	v1 =	vsel vm0, s28, v1;
	[sflag:s16] =	ssyncadd.s32 s31  }
0x25: {  	v1 =	vsel vm15, s20, v1;
	[sflag:s16] =	ssyncpa.u1 $0x1  }
0x26: {  	[tilespmem:$0xA108] =	vst v1  }
.LBB2_27:
0x27: {  	s0 =	sadd.s32 $0x140, s18  }
0x28: {  	s2 =	smov.u32 s6;
	p2 =	slt.s32 s0, s7  }
0x29: {  	s2 =	smov.u32 @p2 s0;
	p2 =	sne.s32 s19, s14  }
.Ltmp2:
0x2a: {  	_ = 	snop;
	(pc) =	sbr.rel @!p2 .LBB2_28-.Ltmp2, $4  }
0x2b: {  	_ = 	snop  }
0x2c: {  	s20 =	smov.u32 s17  }
0x2d: {  	s31 =	sadd.s32 $0x1, s19;
	s17 =	smov.u32 s18;
	p0 =	por !p0, !p0  }
0x2e: {  	p1 =	por !p1, !p1;
	s19 =	smov.u32 s31;
	s18 =	smov.u32 s2  }
.LBB2_3:
0x2f: {  	p2 =	sge.u32 s19, s12  }
0x30: {  	s0 =	smulhi.u32 @!p2 $0xAAAAAAAB, s19  }
0x31: {  	s2 =	smov.u32 s18;
	p3 =	sgt.s32 @!p2 s18, $0x507D0  }
0x32: {  	s3 =	sshra.s32 @!p2 s18, $0x1F;
	p3 =	por !p3, p2;
	s0 =	sshrl.u32 @!p2 s0, $0x1  }
0x33: {  	s3 =	sand.u32 @!p2 s3, s18;
	s2 =	simm.s32 @p3 $0x507D0;
	s0 =	smul.u32 @!p2 $0x3, s0  }
0x34: {  	s2 =	ssub.s32 @!p2 s2, s3  }
0x35: {  	s22 =	sadd.s32 $0xFFFFFFFF, s19;
	s2 =	sadd.s32 @!p2 $0xFFFAF830, s2;
	s0 =	ssub.s32 @!p2 s19, s0  }
0x36: {  	s3 =	sshll.u32 @!p2 s2, $0x2;
	p3 =	sgt.s32 @!p2 s2, $0x13F;
	s0 =	smul.u32 @!p2 $0x500, s0  }
0x37: {  	s21 =	sand.u32 @!p2 $0x7, s18;
	s2 =	ssub.s32 @!p2 $0x500, s3;
	p3 =	por !p3, p2  }
0x38: {  	s3 =	sshrl.u32 @!p2 s18, $0x3;
	s2 =	sshrl.u32 @!p2 s2, $0x2;
	s0 =	sshrl.u32 @!p2 s0, $0x2  }
0x39: {  	s3 =	sadd.s32 @!p2 s5, s3;
	s2 =	simm.s32 @!p3 $0x0;
	s0 =	sadd.s32 @!p2 $0xA938, s0  }
0x3a: {  	[tilespmem:s0], [sflag:$0x8] =	stream.linear.gather @!p2 [hbm4b:s3+s21], s2, $0x38;
	[tilespmem:$0x1EF78] =	vst v63  }
0x3b: {  	p2 =	sge.u32 s22, s12  }
0x3c: {  	p3 =	sgt.s32 @!p2 s17, $0x507D0  }
0x3d: {  	s0 =	smov.u32 s17;
	s2 =	sshra.s32 @!p2 s17, $0x1F;
	p3 =	por !p3, p2  }
0x3e: {  	s2 =	sand.u32 @!p2 s2, s17;
	s0 =	simm.s32 @p3 $0x507D0  }
0x3f: {  	s0 =	ssub.s32 @!p2 s0, s2  }
0x40: {  	s0 =	sadd.s32 @!p2 $0xFFFAF830, s0  }
0x41: {  	s2 =	sshll.u32 @!p2 s0, $0x2  }
0x42: {  	p3 =	sgt.s32 @!p2 s0, $0x13F;
	s0 =	ssub.s32 @!p2 $0x500, s2  }
0x43: {  	p3 =	por !p3, p2;
	s0 =	sshrl.u32 @!p2 s0, $0x2  }
0x44: {  	s3 =	simm.s32 @!p2 $0x8;
	s2 =	sand.u32 @!p2 $0x1, s22;
	s0 =	simm.s32 @!p3 $0x0  }
0x45: {  	s2 =	smul.u32 @!p2 $0x500, s2;
	_ =	swait.ge @!p2 [sflag:s3], s0  }
0x46: {  	s21 =	ssub.s32 @!p2 $0x0, s0;
	[sflag:s3] =	ssyncset.done @!p2 $0x0  }
0x47: {  	s2 =	sshrl.u32 @!p2 s2, $0x2;
	[sflag:s3] =	ssyncadd.s32 @!p2 s21;
	s3 =	sshrl.u32 @!p2 s17, $0x3  }
0x48: {  	s2 =	sadd.s32 @!p2 $0xACF8, s2;
	s21 =	sand.u32 @!p2 $0x7, s17;
	s3 =	sadd.s32 @!p2 s9, s3  }
0x49: {  	[tilespmem:s2], [sflag:$0x9] =	stream.linear.gather @!p2 [hbm4b:s3+s21], s0, $0x38;
	[tilespmem:$0x1EF78] =	vst v63  }
0x4a: {  	s21 =	ssub.s32 @!p2 $0x50910, s17  }
0x4b: {  	p3 =	slt.s32 @!p2 s21, $0x1  }
0x4c: {  	p3 =	por p2, p3  }
.Ltmp3:
0x4d: {  	_ = 	snop;
	(pc) =	sbr.rel @p3 .LBB2_9-.Ltmp3, $1  }
0x4e: {  	_ =	sdelay $0x3  }
0x4f: {  	s0 =	smulhi.u32 $0xAAAAAAAB, s22;
	_ =	sdelay $0x1  }
0x50: {  	s0 =	sshrl.u32 s0, $0x1  }
0x51: {  	s0 =	smul.u32 $0x3, s0;
	_ =	sdelay $0x1  }
0x52: {  	s0 =	ssub.s32 s22, s0  }
0x53: {  	s2 =	simm.s32 $0x1;
	s0 =	smul.u32 $0x500, s0  }
.Ltmp4:
0x54: {  	s2 =	simm.s32 @!p0 $0x0;
	(pc) =	sbr.rel .LBB2_6-.Ltmp4, $4  }
0x55: {  	s2 =	smul.u32 $0x28000, s2  }
0x56: {  	p3 =	slt.s32 @!p2 s21, $0x140;
	s0 =	sshrl.u32 s0, $0x2  }
0x57: {  	p2 =	por !p3, p2;
	s2 =	sshrl.u32 s2, $0x2;
	s0 =	sadd.s32 $0xA938, s0  }
0x58: {  	s23 =	simm.s32 $0x0;
	s21 =	simm.s32 @p2 $0x140;
	s22 =	sadd.s32 $0xAF78, s2;
	v1 =	vmov s0  }
.LBB2_5:
0x59: {  	p2 =	sge.s32 s23, s21  }
.Ltmp5:
0x5a: {  	_ = 	snop;
	(pc) =	sbr.rel @p2 .LBB2_9-.Ltmp5, $2  }
0x5b: {  	_ =	sdelay $0x2  }
0x5c: {  	s22 =	sadd.s32 $0x800, s22  }
.LBB2_6:
0x5d: {  	p2 =	sle.s32 s21, s23  }
.Ltmp6:
0x5e: {  	_ = 	snop;
	(pc) =	sbr.rel @p2 .LBB2_5-.Ltmp6, $2  }
0x5f: {  	_ =	sdelay $0x2  }
0x60: {  	s24 =	smov.u32 s23;
	s23 =	sadd.s32 $0x10, s23  }
0x61: {  	s0 =	ssub.s32 s21, s24  }
0x62: {  	p2 =	slt.s32 s0, $0x10  }
0x63: {  	s0 =	simm.s32 @!p2 $0x10  }
0x64: {  	v2 =	vmov s0  }
0x65: {  	vm0 =	vgt.s32 v2, v0;
	_ =	sdelay $0x5  }
0x66: {  	v2 =	vld.idx.msk [tilespmem:v1+s24+$0x0 ss:$0x1], vm0;
	_ =	sdelay $0x2  }
0x67: {  	p2 =	slt.s32 s23, s21;
	s0 =	smov.u32 s21  }
0x68: {  	s2 =	smov.u32 s22;
	s25 =	simm.s32 $0x0;
	s0 =	smov.u32 @p2 s23  }
.LBB2_8:
0x69: {  	(v2sf) =	vpush v2, s25;
	_ =	sdelay $0xc  }
0x6a: {  	s25 =	sadd.s32 $0x1, s25  }
0x6b: {  	s31 =	sadd.s32 s25, s24  }
0x6c: {  	p2 =	slt.s32 s31, s0;
	s3 =	spop (v2sf)  }
.Ltmp7:
0x6d: {  	s3 =	sshll.u32 s3, $0x4;
	(pc) =	sbr.rel @p2 .LBB2_8-.Ltmp7, $4  }
0x6e: {  	s3 =	sand.u32 $0x1FFFFFF0, s3  }
0x6f: {  	s3 =	sadd.s32 s4, s3  }
0x70: {  	[tilespmem:s2], [sflag:$0x7] =	stream.linear.gather [hbm4b:s3+s15], $0x40, $0x38;
	[tilespmem:$0x1EF78] =	vst v63  }
0x71: {  	s2 =	sadd.s32 $0x80, s2  }
.Ltmp8:
0x72: {  	_ = 	snop;
	(pc) =	sbr.rel .LBB2_5-.Ltmp8, $1  }
0x73: {  	_ =	sdelay $0x3  }
.LBB2_9:
0x74: {  	p2 =	slt.u32 s19, $0x2  }
.Ltmp9:
0x75: {  	_ = 	snop;
	(pc) =	sbr.rel @p2 .LBB2_27-.Ltmp9, $1  }
0x76: {  	_ =	sdelay $0x3  }
0x77: {  	p2 =	sgt.s32 s20, $0x507D0;
	s0 =	smov.u32 s20  }
0x78: {  	s2 =	sshra.s32 s20, $0x1F;
	s3 =	ssub.s32 $0x50910, s20;
	s0 =	simm.s32 @!p2 $0x507D0  }
0x79: {  	s2 =	sand.u32 s2, s20;
	p2 =	slt.s32 s3, $0x140;
	s21 =	smov.u32 s3  }
0x7a: {  	s0 =	ssub.s32 s0, s2;
	s21 =	simm.s32 @!p2 $0x140  }
0x7b: {  	s0 =	sadd.s32 $0xFFFAF830, s0;
	s26 =	sshll.u32 s21, $0x6  }
0x7c: {  	s8 =	simm.s32 $0x7;
	s29 =	sshll.u32 s0, $0x2;
	s2 =	sand.u32 $0x3FFFFFC0, s26  }
0x7d: {  	p2 =	sgt.s32 s0, $0x13F;
	s30 =	ssub.s32 $0x500, s29;
	_ =	swait.ge [sflag:s8], s2  }
0x7e: {  	s2 =	ssub.s32 $0x0, s2;
	[sflag:s8] =	ssyncset.done $0x0;
	s0 =	sshrl.u32 s30, $0x2  }
0x7f: {  	[sflag:s8] =	ssyncadd.s32 s2;
	s0 =	simm.s32 @p2 $0x0  }
0x80: {  	_ =	swait.ge [sflag:s10], s0  }
0x81: {  	s0 =	ssub.s32 $0x0, s0;
	[sflag:s10] =	ssyncset.done $0x0  }
0x82: {  	[sflag:s10] =	ssyncadd.s32 s0  }
0x83: {  	v1 =	vld [tilespmem:$0xA108];
	_ =	sdelay $0x4  }
0x84: {  	(v2sf) =	vpush v1, $0x0  }
0x85: {  	(v2sf) =	vpush v1, $0x1  }
0x86: {  	(v2sf) =	vpush v1, $0x2;
	_ =	sdelay $0x3  }
0x87: {  	s0 =	sadd.s32 $0x140, s20  }
0x88: {  	p2 =	slt.s32 s7, s0  }
0x89: {  	s0 =	smov.u32 @p2 s7;
	p2 =	sgt.s32 s3, $0x0  }
0x8a: {  	s24 =	ssub.s32 s0, s20;
	s3 =	simm.s32 @!p2 $0x0  }
0x8b: {  	p2 =	slt.s32 s3, s24  }
0x8c: {  	s24 =	smov.u32 @p2 s3  }
0x8d: {  	s23 =	simm.s32 $0x1;
	p2 =	slt.s32 s24, $0x1  }
.Ltmp10:
0x8e: {  	s23 =	simm.s32 @!p1 $0x0;
	(pc) =	sbr.rel @p2 .LBB2_14-.Ltmp10, $4  }
0x8f: {  	s31 =	smul.u32 $0x500, s23  }
0x90: {  	s25 =	spop (v2sf)  }
0x91: {  	s0 =	sshrl.u32 s31, $0x2;
	s28 =	spop (v2sf)  }
0x92: {  	s21 =	sadd.s32 $0xACF8, s0;
	s20 =	spop (v2sf)  }
0x93: {  	s0 =	smin.u32 s24, $0x10  }
0x94: {  	v1 =	vmov s0  }
0x95: {  	p3 =	sgt.s32 s24, $0x10;
	vm1 =	vgt.u32 v1, v0  }
.Ltmp11:
0x96: {  	_ = 	snop;
	(pc) =	sbr.rel @!p3 .LBB2_13-.Ltmp11, $2  }
0x97: {  	_ =	sdelay $0x2  }
0x98: {  	s26 =	simm.s32 $0x10;
	s29 =	sadd.s32 $0xFFFFFFF0, s24;
	s22 =	smov.u32 s21;
	vm0 =	vmmov vm1  }
.LBB2_12:
0x99: {  	s0 =	smin.u32 s29, $0x10;
	s26 =	sadd.s32 $0x10, s26;
	v1 =	vld.msk [tilespmem:s22+$0x0 ss:$0x1], vm1  }
0x9a: {  	v2 =	vmov s0;
	p3 =	slt.s32 s26, s24  }
0x9b: {  	vm1 =	vgt.u32 v2, v0  }
.Ltmp12:
0x9c: {  	(pc) =	sbr.rel @p3 .LBB2_12-.Ltmp12, $3  }
0x9d: {  	_ =	sdelay $0x1  }
0x9e: {  	v1 =	vshll.u32 v1, $0x4  }
0x9f: {  	s29 =	sadd.s32 $0xFFFFFFF0, s29;
	[tilespmem:s22+$0x0] =	vst.msk vm0, v1;
	s22 =	sadd.s32 $0x10, s22;
	vm0 =	vmmov vm1  }
.LBB2_13:
0xa0: {  	_ =	sdelay $0x4  }
0xa1: {  	v1 =	vld.msk [tilespmem:s22+$0x0 ss:$0x1], vm1;
	_ =	sdelay $0x4  }
0xa2: {  	v1 =	vshll.u32 v1, $0x4  }
0xa3: {  	[tilespmem:s22+$0x0] =	vst.msk vm0, v1  }
.LBB2_14:
0xa4: {  	s0 =	sand.u32 $0x1, s19  }
0xa5: {  	s0 =	smul.u32 $0x140, s0  }
0xa6: {  	p3 =	sne.s32 s28, $0xFFFFFFFF  }
0xa7: {  	v1 =	vld.msk @!p3 [tilespmem:s0+$0xACF8], $0x1;
	_ =	sdelay $0x4  }
0xa8: {  	(v2sf) =	vpush @!p3 v1, $0x0;
	_ =	sdelay $0xc  }
.Ltmp13:
0xa9: {  	_ = 	snop;
	(pc) =	sbr.rel @p2 .LBB2_25-.Ltmp13, $4  }
0xaa: {  	_ = 	snop  }
0xab: {  	s26 =	spop @!p3 (v2sf)  }
0xac: {  	s20 =	simm.s32 @!p3 $0x0;
	s22 =	smov.u32 s26  }
0xad: {  	[sflag:s16] =	ssyncpa.u1 $0x0;
	s26 =	smov.u32 @p3 s25;
	s22 =	smov.u32 @p3 s28  }
0xae: {  	v1 =	vld.msk [tilespmem:s21+$0x0], $0x1;
	_ =	sdelay $0x4  }
0xaf: {  	(v2sf) =	vpush v1, $0x0;
	_ =	sdelay $0xe  }
0xb0: {  	s0 =	smul.u32 $0x28000, s23;
	s30 =	spop (v2sf)  }
0xb1: {  	s24 =	ssub.s32 $0x0, s24;
	p2 =	seq.s32 s26, s30  }
0xb2: {  	s28 =	sadd.s32 $0x1, s24;
	s0 =	sshrl.u32 s0, $0x2;
	p3 =	sgt.s32 @!p2 s26, $0x0  }
0xb3: {  	s23 =	sadd.s32 $0xAF98, s0;
	s0 =	smov.u32 s26;
	p3 =	por !p3, p2  }
0xb4: {  	s0 =	simm.s32 @p3 $0x0;
	p3 =	seq.s32 s28, $0x0  }
.Ltmp14:
0xb5: {  	_ = 	snop;
	(pc) =	sbr.rel @p3 .LBB2_17-.Ltmp14, $4  }
0xb6: {  	_ = 	snop  }
0xb7: {  	s25 =	simm.s32 $0x0;
	s31 =	simm.s32 @!p2 $0x1;
	s2 =	smin.u32 @!p2 s0, $0x270F8  }
0xb8: {  	s29 =	sadd.s32 $0x1, s21;
	s31 =	smov.u32 @p2 s25;
	s3 =	sand.u32 @!p2 $0x3FFF8, s2  }
0xb9: {  	s0 =	simm.s32 @!p2 $0x50C8;
	s2 =	sand.u32 @!p2 $0x7, s2;
	s3 =	sadd.s32 @!p2 s1, s3  }
.LBB2_16:
0xba: {  	s8 =	smov.u32 s31  }
0xbb: {  	[tilespmem:s0], [sflag:$0x2] =	stream.linear.gather @!p2 [hbm4b:s3+s2], $0x40, $0x38;
	[tilespmem:$0x1EF78] =	vst v63  }
0xbc: {  	s28 =	sadd.s32 $0x1, s28;
	s2 =	smov.u32 s30;
	v1 =	vld.msk [tilespmem:s29+$0x0], $0x1  }
0xbd: {  	p3 =	seq.s32 s28, $0x0;
	_ =	sdelay $0x3  }
0xbe: {  	(v2sf) =	vpush v1, $0x0;
	_ =	sdelay $0xe  }
0xbf: {  	s30 =	spop (v2sf)  }
0xc0: {  	p2 =	seq.s32 s2, s30  }
0xc1: {  	p4 =	sgt.s32 @!p2 s2, $0x0;
	s0 =	sshll.u32 @!p2 s31, $0x8;
	s31 =	sadd.s32 @!p2 $0x1, s31  }
.Ltmp15:
0xc2: {  	p4 =	por !p4, p2;
	s0 =	sshra.s32 @!p2 s0, $0x2;
	(pc) =	sbr.rel @!p3 .LBB2_16-.Ltmp15, $4  }
0xc3: {  	s31 =	smov.u32 @p2 s8;
	s2 =	simm.s32 @p4 $0x0;
	s0 =	sadd.s32 @!p2 $0x50C8, s0  }
0xc4: {  	s2 =	smin.u32 @!p2 s2, $0x270F8  }
0xc5: {  	s3 =	sand.u32 @!p2 $0x3FFF8, s2;
	s2 =	sand.u32 @!p2 $0x7, s2  }
0xc6: {  	s29 =	sadd.s32 $0x1, s29;
	s3 =	sadd.s32 @!p2 s1, s3  }
.LBB2_17:
0xc7: {  	[tilespmem:s0], [sflag:$0x2] =	stream.linear.gather @!p2 [hbm4b:s3+s2], $0x40, $0x38;
	[tilespmem:$0x1EF78] =	vst v63  }
.Ltmp16:
0xc8: {  	s30 =	sshll.u32 s31, $0x6;
	(pc) =	sbr.rel .LBB2_18-.Ltmp16, $4  }
0xc9: {  	s31 =	simm.s32 $0x2;
	s0 =	sand.u32 $0x3FFFFFC0, s30  }
0xca: {  	_ =	swait.ge [sflag:s31], s0  }
0xcb: {  	s0 =	ssub.s32 $0x0, s0;
	[sflag:s31] =	ssyncset.done $0x0  }
0xcc: {  	s29 =	simm.s32 $0x0;
	[sflag:s31] =	ssyncadd.s32 s0  }
.LBB2_19:
0xcd: {  	v1 =	vld [tilespmem:s23+$0xFFFFFFE0];
	_ =	sdelay $0x4  }
0xce: {  	[tilespmem:s30+$0x88] =	vst.add.f32.msk $0xffff, v1  }
0xcf: {  	v1 =	vld [tilespmem:s23+$0xFFFFFFF0];
	_ =	sdelay $0x4  }
0xd0: {  	[tilespmem:s30+$0x98] =	vst.add.f32.msk $0xffff, v1  }
0xd1: {  	v1 =	vld [tilespmem:s23+$0x0];
	_ =	sdelay $0x4  }
0xd2: {  	[tilespmem:s30+$0xA8] =	vst.add.f32.msk $0xffff, v1  }
0xd3: {  	v1 =	vld [tilespmem:s23+$0x10];
	_ =	sdelay $0x4  }
0xd4: {  	[tilespmem:s30+$0xB8] =	vst.add.f32.msk $0xffff, v1  }
.LBB2_23:
0xd5: {  	s24 =	sadd.s32 $0x1, s24  }
0xd6: {  	p2 =	seq.s32 s24, $0x0  }
.Ltmp17:
0xd7: {  	_ = 	snop;
	(pc) =	sbr.rel @p2 .LBB2_24-.Ltmp17, $2  }
0xd8: {  	_ =	sdelay $0x2  }
0xd9: {  	s23 =	sadd.s32 $0x80, s23;
	s21 =	sadd.s32 $0x1, s21;
	s26 =	smov.u32 s28  }
.LBB2_18:
0xda: {  	v1 =	vld.msk [tilespmem:s21+$0x0], $0x1;
	_ =	sdelay $0x4  }
0xdb: {  	(v2sf) =	vpush v1, $0x0;
	_ =	sdelay $0xe  }
0xdc: {  	s28 =	spop (v2sf)  }
0xdd: {  	p2 =	sne.s32 s26, s28  }
.Ltmp18:
0xde: {  	_ = 	snop;
	(pc) =	sbr.rel @!p2 .LBB2_19-.Ltmp18, $3  }
0xdf: {  	_ =	sdelay $0x1  }
0xe0: {  	s0 =	sshll.u32 s20, $0x8  }
0xe1: {  	s30 =	sshra.s32 s0, $0x2  }
0xe2: {  	p2 =	seq.s32 s26, s22  }
.Ltmp19:
0xe3: {  	_ = 	snop;
	(pc) =	sbr.rel @!p2 .LBB2_21-.Ltmp19, $1  }
0xe4: {  	_ =	sdelay $0x3  }
.Ltmp20:
0xe5: {  	s0 =	sadd.s32 $0x88, s30;
	(pc) =	sbr.rel .LBB2_22-.Ltmp20, $4  }
0xe6: {  	[spmem:s13] =	stream.linear.scatter [tilespmem:s0], [sflag:$0x1], $0x40, $0x38;
	[tilespmem:$0x1EF78] =	vst v63  }
0xe7: {  	_ =	swait.ge [sflag:s11], $0x40  }
0xe8: {  	[sflag:s11] =	ssyncset.done $0x0  }
0xe9: {  	[sflag:s11] =	ssyncadd.s32 $0xFFFFFFC0  }
.LBB2_21:
0xea: {  	s0 =	sshll.u32 s25, $0x8  }
0xeb: {  	s0 =	sshra.s32 s0, $0x2  }
0xec: {  	v1 =	vld [tilespmem:s0+$0x50C8];
	_ =	sdelay $0x4  }
0xed: {  	[tilespmem:s30+$0x88] =	vst.add.f32.msk $0xffff, v1  }
0xee: {  	v1 =	vld [tilespmem:s0+$0x50D8];
	_ =	sdelay $0x4  }
0xef: {  	[tilespmem:s30+$0x98] =	vst.add.f32.msk $0xffff, v1  }
0xf0: {  	v1 =	vld [tilespmem:s0+$0x50E8];
	_ =	sdelay $0x4  }
0xf1: {  	[tilespmem:s30+$0xA8] =	vst.add.f32.msk $0xffff, v1  }
0xf2: {  	v1 =	vld [tilespmem:s0+$0x50F8];
	_ =	sdelay $0x2  }
0xf3: {  	p2 =	sgt.u32 s26, $0x270F8  }
0xf4: {  	s0 =	sand.u32 @!p2 $0x3FFF8, s26  }
0xf5: {  	s2 =	sadd.s32 $0x88, s30;
	s3 =	sand.u32 @!p2 $0x7, s26;
	s0 =	sadd.s32 @!p2 s1, s0;
	[tilespmem:s30+$0xB8] =	vst.add.f32.msk $0xffff, v1  }
0xf6: {  	[hbm4b:s0+s3] =	stream.linear.scatter @!p2 [tilespmem:s2], [sflag:$0xA], $0x40, $0x38;
	[tilespmem:$0x1EF78] =	vst v63  }
0xf7: {  	s0 =	simm.s32 $0x0  }
0xf8: {  	s0 =	simm.s32 @!p2 $0x100  }
0xf9: {  	s29 =	sadd.s32 s0, s29  }
.LBB2_22:
0xfa: {  	s0 =	sadd.s32 $0x1, s20  }
0xfb: {  	s2 =	smulhi.u32 $0xCCCCCCCD, s0;
	_ =	sdelay $0x1  }
0xfc: {  	v1 =	vld [tilespmem:s23+$0xFFFFFFE0];
	s2 =	sshrl.u32 s2, $0x8  }
0xfd: {  	s2 =	smul.u32 $0x140, s2;
	_ =	sdelay $0x1  }
0xfe: {  	s20 =	ssub.s32 s0, s2  }
0xff: {  	s0 =	sshll.u32 s20, $0x6  }
0x100: {  	[tilespmem:s0+$0x88] =	vst v1  }
0x101: {  	v1 =	vld [tilespmem:s23+$0xFFFFFFF0];
	_ =	sdelay $0x4  }
0x102: {  	[tilespmem:s0+$0x98] =	vst v1  }
0x103: {  	v1 =	vld [tilespmem:s23+$0x0];
	_ =	sdelay $0x4  }
0x104: {  	[tilespmem:s0+$0xA8] =	vst v1  }
0x105: {  	v1 =	vld [tilespmem:s23+$0x10]  }
.Ltmp21:
0x106: {  	_ = 	snop;
	(pc) =	sbr.rel .LBB2_23-.Ltmp21, $2  }
0x107: {  	_ =	sdelay $0x2  }
0x108: {  	s25 =	sadd.s32 $0x1, s25;
	[tilespmem:s0+$0xB8] =	vst v1  }
.LBB2_25:
.Ltmp22:
0x109: {  	(pc) =	sbr.rel .LBB2_26-.Ltmp22, $4  }
0x10a: {  	_ = 	snop  }
0x10b: {  	s0 =	simm.s32 $0x2  }
0x10c: {  	_ =	swait.ge [sflag:s0], $0x0  }
0x10d: {  	s28 =	smov.u32 s26;
	[sflag:s0] =	ssyncset.done $0x0;
	s0 =	simm.s32 $0x0  }
.LBB2_28:
0x10e: {  	_ =	sfence.sel $0x180000  }
0x10f: {  	s0 =	simm.s32 $0x7;
	[bflag:$0x0] =	sbarrier.arrive $0xFFFF  }
0x110: {  	s25 =	simm.s32 $0x8;
	[sflag:s0] =	ssyncpa.u1 $0x1  }
0x111: {  	s26 =	simm.s32 $0x9;
	[sflag:s25] =	ssyncpa.u1 $0x1  }
0x112: {  	s28 =	simm.s32 $0x2;
	[sflag:s26] =	ssyncpa.u1 $0x1  }
0x113: {  	[sflag:s28] =	ssyncpa.u1 $0x1  }
0x114: {  	v0 =	vld [tilespmem:$0xA108];
	_ =	sdelay $0x4  }
0x115: {  	(v2sf) =	vpush v0, $0x0  }
0x116: {  	(v2sf) =	vpush v0, $0x1;
	_ =	sdelay $0x1  }
0x117: {  	(v2sf) =	vpush v0, $0x2;
	_ =	sdelay $0xb  }
0x118: {  	s0 =	spop (v2sf)  }
0x119: {  	s2 =	spop (v2sf)  }
0x11a: {  	s3 =	smov.u32 s0;
	p0 =	sne.s32 s0, s2  }
0x11b: {  	s4 =	spop (v2sf);
	s3 =	simm.s32 @!p0 $0xFFFFFFFF  }
0x11c: {  	v2 =	vimm.s32 $0x1;
	v3 =	vlaneseq.u32;
	p0 =	seq.s32 s4, $0xFFFFFFFF;
	v1 =	vmov s3  }
0x11d: {  	s7 =	stileid.u32;
	v0 =	vperm.xlane v0, v2;
	p1 =	sne.s32 @!p0 s0, s2;
	v1 =	vperm.xlane v1, v3  }
0x11e: {  	vm0 =	vcmask $0x3F04;
	s6 =	simm.s32 $0xA108;
	s0 =	simm.s32 @!p0 $0x1;
	p1 =	por !p1, p0  }
0x11f: {  	s3 =	sshll.u32 s7, $0x1;
	s2 =	sshll.u32 @!p0 s4, $0x8;
	s0 =	simm.s32 @p1 $0x0;
	v0 =	vsel vm0, v1, v0  }
0x120: {  	s5 =	sor.u32 $0x800, s3;
	s2 =	sshra.s32 @!p0 s2, $0x2;
	s0 =	sor.u32 @!p0 s0, s3;
	[tilespmem:$0xA108] =	vst v0  }
0x121: {  	[spmem:s5] =	stream.linear.scatter [tilespmem:s6], [sflag:$0x1], $0x2, $0x38;
	[tilespmem:$0x1EF78] =	vst v63  }
0x122: {  	s2 =	sadd.s32 @!p0 $0x88, s2;
	s0 =	sshll.u32 @!p0 s0, $0x6  }
0x123: {  	[spmem:s0] =	stream.linear.scatter @!p0 [tilespmem:s2], [sflag:$0x1], $0x40, $0x38;
	[tilespmem:$0x1EF78] =	vst v63  }
0x124: {  	s2 =	simm.s32 @!p0 $0x42  }
0x125: {  	s0 =	simm.s32 $0x1;
	s2 =	simm.s32 @p0 $0x2  }
0x126: {  	_ =	swait.ge [sflag:s0], s2  }
0x127: {  	s2 =	ssub.s32 $0x0, s2;
	[sflag:s0] =	ssyncset.done $0x0  }
0x128: {  	[sflag:s0] =	ssyncadd.s32 s2  }
0x129: {  	_ =	sfence.stream.spmem  }
0x12a: {  	s29 =	simm.s32 $0x3;
	[bflag:$0x0] =	sbarrier.arrive $0xFFFF  }
0x12b: {  	s30 =	simm.s32 $0x4;
	[sflag:s29] =	ssyncpa.u1 $0x1  }
0x12c: {  	s31 =	simm.s32 $0x3C;
	[sflag:s30] =	ssyncpa.u1 $0x1  }
0x12d: {  	p0 =	sne.s32 s7, $0x0;
	[sflag:s31] =	ssyncpa.u1 $0x1  }
0x12e: {  	_ =	sfence @p0  }
0x12f: {  	[sflag:s0] =	ssyncpa.u1 @p0 $0x1  }
0x130: {  	_ =	strace @p0 $0x9000004A  }
0x131: {  	[bflag:$0x2] =	sbarrier.arrive @p0 $0xFFFF  }
0x132: {  	_ =	shalt @p0  }
.LBB2_29:
0x133: {  	_ =	sfence.stream.spmem;
	s0 =	simm.s32 $0x5  }
0x134: {  	s2 =	simm.s32 $0x800;
	s3 =	simm.s32 $0xA118;
	[sflag:s0] =	ssyncpa.u1 $0x0  }
0x135: {  	[tilespmem:s3], [sflag:$0x5] =	stream.linear.gather [spmem:s2], $0x20, $0x38;
	[tilespmem:$0x1EF78] =	vst v63  }
0x136: {  	s30 =	simm.s32 $0xA138;
	s2 =	simm.s32 $0x0  }
0x137: {  	[tilespmem:s30], [sflag:$0x5] =	stream.linear.gather [spmem:s2], $0x800, $0x38;
	[tilespmem:$0x1EF78] =	vst v63  }
.Ltmp23:
0x138: {  	_ = 	snop;
	(pc) =	sbr.rel .LBB2_30-.Ltmp23, $4  }
0x139: {  	_ =	swait.ge [sflag:s0], $0x820  }
0x13a: {  	[sflag:s0] =	ssyncset.done $0x0  }
0x13b: {  	s31 =	simm.s32 $0x6;
	[sflag:s0] =	ssyncadd.s32 $0xFFFFF7E0  }
0x13c: {  	s3 =	simm.s32 $0x0;
	[sflag:s31] =	ssyncpa.u1 $0x0  }
.LBB2_36:
0x13d: {  	p0 =	slt.u32 s4, $0x270F9  }
0x13e: {  	s0 =	sand.u32 @p0 $0x3FFF8, s4  }
0x13f: {  	s4 =	sand.u32 @p0 $0x7, s4;
	s5 =	simm.s32 @p0 $0xA0C8;
	s0 =	sadd.s32 @p0 s1, s0  }
0x140: {  	[tilespmem:s5], [sflag:$0x6] =	stream.linear.gather @p0 [hbm4b:s0+s4], $0x40, $0x38;
	[tilespmem:$0x1EF78] =	vst v63  }
0x141: {  	s0 =	simm.s32 @p0 $0x6  }
0x142: {  	_ =	swait.ge @p0 [sflag:s0], $0x40  }
0x143: {  	[sflag:s0] =	ssyncset.done @p0 $0x0  }
0x144: {  	[sflag:s0] =	ssyncadd.s32 @p0 $0xFFFFFFC0  }
0x145: {  	v1 =	vld @p0 [tilespmem:$0xA0C8];
	_ =	sdelay $0x2  }
0x146: {  	s0 =	sshll.u32 @p0 s3, $0x8  }
0x147: {  	s4 =	sshrl.u32 @p0 s0, $0x2  }
0x148: {  	[tilespmem:s4+$0xA138] =	vst.add.f32.msk @p0 $0xffff, v1  }
0x149: {  	v1 =	vld @p0 [tilespmem:$0xA0D8];
	_ =	sdelay $0x4  }
0x14a: {  	[tilespmem:s4+$0xA148] =	vst.add.f32.msk @p0 $0xffff, v1  }
0x14b: {  	v1 =	vld @p0 [tilespmem:$0xA0E8];
	_ =	sdelay $0x4  }
0x14c: {  	[tilespmem:s4+$0xA158] =	vst.add.f32.msk @p0 $0xffff, v1  }
0x14d: {  	v1 =	vld @p0 [tilespmem:$0xA0F8];
	_ =	sdelay $0x3  }
0x14e: {  	s5 =	sshll.u32 @!p0 s3, $0x8  }
0x14f: {  	s5 =	smov.u32 @p0 s0;
	[tilespmem:s4+$0xA168] =	vst.add.f32.msk @p0 $0xffff, v1  }
0x150: {  	s0 =	sshrl.u32 s5, $0x2;
	[tilespmem:s2+$0xA118] =	vst.msk $0x1, v0  }
0x151: {  	v0 =	vld [tilespmem:s0+$0xA138];
	_ =	sdelay $0x2  }
0x152: {  	s31 =	sshll.u32 s2, $0x8  }
0x153: {  	s4 =	sshra.s32 s31, $0x2  }
0x154: {  	[tilespmem:s4+$0xA138] =	vst v0  }
0x155: {  	v0 =	vld [tilespmem:s0+$0xA148];
	_ =	sdelay $0x4  }
0x156: {  	[tilespmem:s4+$0xA148] =	vst v0  }
0x157: {  	v0 =	vld [tilespmem:s0+$0xA158];
	_ =	sdelay $0x4  }
0x158: {  	[tilespmem:s4+$0xA158] =	vst v0  }
0x159: {  	v0 =	vld [tilespmem:s0+$0xA168];
	_ =	sdelay $0x4  }
0x15a: {  	s2 =	sadd.s32 $0x1, s2;
	[tilespmem:s4+$0xA168] =	vst v0  }
.LBB2_37:
0x15b: {  	s3 =	sadd.s32 $0x1, s3  }
0x15c: {  	p0 =	sne.s32 s3, $0x20  }
.Ltmp24:
0x15d: {  	_ = 	snop;
	(pc) =	sbr.rel @!p0 .LBB2_38-.Ltmp24, $1  }
0x15e: {  	_ =	sdelay $0x3  }
.LBB2_30:
0x15f: {  	v0 =	vld.msk [tilespmem:s3+$0xA118], $0x1;
	_ =	sdelay $0x4  }
0x160: {  	(v2sf) =	vpush v0, $0x0;
	_ =	sdelay $0xe  }
0x161: {  	s4 =	spop (v2sf)  }
0x162: {  	p0 =	seq.s32 s4, $0xFFFFFFFF  }
.Ltmp25:
0x163: {  	_ = 	snop;
	(pc) =	sbr.rel @p0 .LBB2_37-.Ltmp25, $1  }
0x164: {  	_ =	sdelay $0x3  }
0x165: {  	p0 =	slt.s32 s2, $0x1  }
.Ltmp26:
0x166: {  	_ = 	snop;
	(pc) =	sbr.rel @p0 .LBB2_36-.Ltmp26, $1  }
0x167: {  	_ =	sdelay $0x3  }
0x168: {  	s5 =	simm.s32 $0xA118;
	p0 =	por $0x0, $0x0  }
0x169: {  	v1 =	vld.msk @!p0 [tilespmem:s5+$0x0], $0x1;
	_ =	sdelay $0x4  }
0x16a: {  	(v2sf) =	vpush @!p0 v1, $0x0;
	_ =	sdelay $0xd  }
0x16b: {  	p2 =	sne.s32 s2, $0x1  }
.Ltmp27:
0x16c: {  	s0 =	spop @!p0 (v2sf);
	(pc) =	sbr.rel @!p2 .LBB2_34-.Ltmp27, $4  }
0x16d: {  	p1 =	seq.s32 @!p0 s4, s0  }
0x16e: {  	s6 =	simm.s32 $0x0;
	p1 =	por !p1, p0  }
0x16f: {  	s0 =	simm.s32 $0xFFFFFFFF;
	s6 =	simm.s32 @p1 $0xFFFFFFFF  }
0x170: {  	s7 =	simm.s32 $0x1;
	s6 =	smov.u32 @p0 s0  }
.LBB2_33:
0x171: {  	s0 =	smov.u32 s6;
	p0 =	sne.s32 s6, $0xFFFFFFFF  }
0x172: {  	s5 =	sadd.s32 $0x1, s5;
	s6 =	smov.u32 s7;
	s7 =	sadd.s32 $0x1, s7  }
0x173: {  	p1 =	sne.s32 s2, s7;
	v1 =	vld.msk @!p0 [tilespmem:s5+$0x0], $0x1;
	_ =	sdelay $0x4  }
0x174: {  	(v2sf) =	vpush @!p0 v1, $0x0;
	_ =	sdelay $0xe  }
.Ltmp28:
0x175: {  	s8 =	spop @!p0 (v2sf);
	(pc) =	sbr.rel @p1 .LBB2_33-.Ltmp28, $4  }
0x176: {  	p2 =	seq.s32 @!p0 s4, s8  }
0x177: {  	p2 =	por !p2, p0  }
0x178: {  	s6 =	simm.s32 @p2 $0xFFFFFFFF  }
0x179: {  	s6 =	smov.u32 @p0 s0  }
.LBB2_34:
0x17a: {  	p0 =	seq.s32 s6, $0xFFFFFFFF  }
.Ltmp29:
0x17b: {  	_ = 	snop;
	(pc) =	sbr.rel @p0 .LBB2_36-.Ltmp29, $1  }
0x17c: {  	_ =	sdelay $0x3  }
0x17d: {  	s0 =	sshll.u32 s3, $0x6  }
0x17e: {  	s0 =	sand.u32 $0x3FFFFFC0, s0  }
0x17f: {  	v0 =	vld [tilespmem:s0+$0xA138];
	_ =	sdelay $0x2  }
0x180: {  	s4 =	sshll.u32 s6, $0x8  }
0x181: {  	s4 =	sshra.s32 s4, $0x2  }
0x182: {  	[tilespmem:s4+$0xA138] =	vst.add.f32.msk $0xffff, v0  }
0x183: {  	v0 =	vld [tilespmem:s0+$0xA148];
	_ =	sdelay $0x4  }
0x184: {  	[tilespmem:s4+$0xA148] =	vst.add.f32.msk $0xffff, v0  }
0x185: {  	v0 =	vld [tilespmem:s0+$0xA158];
	_ =	sdelay $0x4  }
0x186: {  	[tilespmem:s4+$0xA158] =	vst.add.f32.msk $0xffff, v0  }
0x187: {  	v0 =	vld [tilespmem:s0+$0xA168]  }
.Ltmp30:
0x188: {  	_ = 	snop;
	(pc) =	sbr.rel .LBB2_37-.Ltmp30, $2  }
0x189: {  	_ =	sdelay $0x2  }
0x18a: {  	[tilespmem:s4+$0xA168] =	vst.add.f32.msk $0xffff, v0  }
.LBB2_38:
0x18b: {  	p0 =	slt.s32 s2, $0x1  }
.Ltmp31:
0x18c: {  	_ = 	snop;
	(pc) =	sbr.rel @p0 .LBB2_42-.Ltmp31, $3  }
0x18d: {  	_ =	sdelay $0x1  }
0x18e: {  	s0 =	simm.s32 $0x6  }
0x18f: {  	s3 =	simm.s32 $0x0;
	[sflag:s0] =	ssyncpa.u1 $0x1  }
0x190: {  	s0 =	simm.s32 $0xA118  }
0x191: {  	v0 =	vld.msk [tilespmem:s0+$0x0], $0x1;
	_ =	sdelay $0x4  }
0x192: {  	(v2sf) =	vpush v0, $0x0;
	_ =	sdelay $0xe  }
0x193: {  	s2 =	sadd.s32 $0xFFFFFFFF, s2;
	s0 =	spop (v2sf)  }
0x194: {  	p1 =	sne.s32 s2, $0x0;
	p0 =	sgt.u32 s0, $0x270F8  }
.Ltmp32:
0x195: {  	s5 =	sand.u32 @!p0 $0x3FFF8, s0;
	(pc) =	sbr.rel @!p1 .LBB2_41-.Ltmp32, $4  }
0x196: {  	s4 =	simm.s32 $0xA138;
	s0 =	sand.u32 @!p0 $0x7, s0;
	s5 =	sadd.s32 @!p0 s1, s5  }
0x197: {  	[hbm4b:s5+s0] =	stream.linear.scatter @!p0 [tilespmem:s4], [sflag:$0x5], $0x40, $0x38;
	[tilespmem:$0x1EF78] =	vst v63  }
0x198: {  	s0 =	simm.s32 $0x0  }
0x199: {  	s5 =	simm.s32 $0xA119;
	s0 =	simm.s32 @!p0 $0x100  }
.LBB2_40:
0x19a: {  	v0 =	vld.msk [tilespmem:s5+$0x0], $0x1;
	s2 =	sadd.s32 $0xFFFFFFFF, s2;
	s3 =	sadd.s32 s3, s0  }
0x19b: {  	p0 =	sne.s32 s2, $0x0;
	_ =	sdelay $0x3  }
0x19c: {  	(v2sf) =	vpush v0, $0x0;
	_ =	sdelay $0xe  }
.Ltmp33:
0x19d: {  	s6 =	spop (v2sf);
	(pc) =	sbr.rel @p0 .LBB2_40-.Ltmp33, $4  }
0x19e: {  	s0 =	simm.s32 $0x0;
	p1 =	sgt.u32 s6, $0x270F8  }
0x19f: {  	s4 =	sadd.s32 $0x40, s4;
	s0 =	simm.s32 @!p1 $0x100;
	s7 =	sand.u32 @!p1 $0x3FFF8, s6  }
0x1a0: {  	s5 =	sadd.s32 $0x1, s5;
	s6 =	sand.u32 @!p1 $0x7, s6;
	s7 =	sadd.s32 @!p1 s1, s7  }
0x1a1: {  	[hbm4b:s7+s6] =	stream.linear.scatter @!p1 [tilespmem:s4], [sflag:$0x5], $0x40, $0x38;
	[tilespmem:$0x1EF78] =	vst v63  }
.LBB2_41:
0x1a2: {  	s0 =	sadd.s32 s3, s0  }
0x1a3: {  	s3 =	sshrl.u32 s0, $0x2  }
.LBB2_42:
0x1a4: {  	s0 =	simm.s32 $0x5  }
0x1a5: {  	_ =	swait.ge [sflag:s0], s3  }
0x1a6: {  	s1 =	ssub.s32 $0x0, s3;
	[sflag:s0] =	ssyncset.done $0x0  }
0x1a7: {  	[sflag:s0] =	ssyncadd.s32 s1  }
0x1a8: {  	[sflag:s0] =	ssyncpa.u1 $0x1  }
0x1a9: {  	s30 =	simm.s32 $0x1;
	_ =	sfence  }
0x1aa: {  	[sflag:s30] =	ssyncpa.u1 $0x1  }
0x1ab: {  	_ =	strace $0x9000004A  }
0x1ac: {  	[bflag:$0x2] =	sbarrier.arrive $0xFFFF  }
0x1ad: {  	s31 =	rddreg [dreg:$0x2]  }
0x1ae: {  	s0 =	sadd.s32 $0x100000, s31  }
0x1af: {  	[sflag:s0] =	ssyncadd.tile.s32 $0x1;
	_ =	shalt  }
.Lfunc_end2:
_tile_overlayer_lowered:
.L_overlay_start_2:
0x1b0: {  	(tag) =	ssettag $0x2  }
0x1b1: {  	s0 =	rddreg [dreg:$0x0];
	s2 =	stileid.u32  }
0x1b2: {  	s1 =	rddreg [dreg:$0x1];
	p0 =	sne.s32 s2, $0x0  }
0x1b3: {  	s3 =	rddreg [dreg:$0x2];
	[bflag:$0x3] =	sbarrier.arrive $0xFFFF;
	s2 =	simm.s32 @!p0 $0x1C01  }
0x1b4: {  	[timem:s3], [sflag:s2] =	dma.local @!p0 [hbm:s0], s1  }
0x1b5: {  	s0 =	simm.s32 @!p0 $0x1  }
0x1b6: {  	_ =	swait.ge @!p0 [sflag:s0], s1  }
0x1b7: {  	s1 =	ssub.s32 @!p0 $0x0, s1;
	[sflag:s0] =	ssyncset.done @!p0 $0x0  }
0x1b8: {  	[sflag:s0] =	ssyncadd.s32 @!p0 s1  }
0x1b9: {  	[bflag:$0x3] =	sbarrier.arrive $0xFFFF  }
0x1ba: {  	_ =	shalt  }

// kernel: scatter_offload_async_start.2
scs
__scs_entry_jumppad:
0x0: {  	(pc) =	sbr.rel $0x88, $3  }
0x1: {  	(tag) =	ssettag $0x0;
	lr =	simm.s32 $0x1  }
0x2: {  	[smem:$0x3F9B] =	sst lr;
	_ =	strace $0xD0000000  }
0x3: {  	_ = 	snop  }
0x4: {  	_ = 	snop  }
0x5: {  	_ = 	snop  }
0x6: {  	_ = 	snop  }
0x7: {  	_ = 	snop  }
__scs_overlays_trampoline_lowered:
0x8: {  	[smem:$0x3FAA] =	sst s0  }
0x9: {  	[smem:$0x3FAB] =	sst s1  }
0xa: {  	[smem:$0x3FAC] =	sst s2  }
0xb: {  	[smem:$0x3FAD] =	sst s3  }
0xc: {  	[smem:$0x3FAE] =	sst s4  }
0xd: {  	[smem:$0x3FAF] =	sst s5  }
0xe: {  	[smem:$0x3FB0] =	sst s6  }
0xf: {  	[smem:$0x3FB1] =	sst s7  }
0x10: {  	[smem:$0x3FB2] =	sst s8  }
0x11: {  	[smem:$0x3FB3] =	sst s9;
	s0 =	simm.s32 @!p0 $0x0  }
0x12: {  	s1 =	sld [smem:$0x3F99];
	s0 =	simm.s32 @p0 $0x1  }
0x13: {  	[smem:$0x3FB4] =	sst s0;
	s0 =	simm.s32 @!p1 $0x0  }
0x14: {  	s2 =	sld [smem:$0x3F98];
	s0 =	simm.s32 @p1 $0x1  }
0x15: {  	[smem:$0x3FB5] =	sst s0;
	s0 =	simm.s32 @!p2 $0x0  }
0x16: {  	s3 =	sld [smem:$0x3FDB];
	s0 =	simm.s32 @p2 $0x1  }
0x17: {  	s4 =	simm.s32 $0x1BF5;
	[smem:$0x3FB7] =	sst s0  }
0x18: {  	s0 =	sld [smem:$0x3F9A];
	_ =	swait.ge [sflag:s4], $0x0  }
0x19: {  	s7 =	sld [smem:$0x3F9B]  }
0x1a: {  	s8 =	sadd.s32 $0xFFFFE003, lr  }
0x1b: {  	s9 =	sadd.s32 $0xFFFFFEF7, lr;
	s5 =	simm.s32 $0xFFFFFFFF;
	p2 =	slt.u32 s8, $0xFFFFF086  }
0x1c: {  	p1 =	slt.u32 s9, $0xF7A;
	s5 =	simm.s32 @!p2 $0x0  }
0x1d: {  	s5 =	simm.s32 @p1 $0x1;
	p0 =	seq.s32 s7, s2  }
0x1e: {  	s7 =	smul.u32 @!p0 $0xF7A, s2;
	p2 =	seq.s32 @!p0 s5, $0x0  }
0x1f: {  	s9 =	smul.u32 $0xF7A, s1;
	s8 =	simm.s32 @!p0 $0x1BF5;
	p2 =	por !p2, p0  }
0x20: {  	[sflag:s8] =	ssyncset.s32 @!p0 $0xFFFFF086;
	s6 =	sadd.s32 @!p0 s3, s7;
	s7 =	simm.s32 @!p0 $0x108  }
0x21: {  	s3 =	sadd.s32 s3, s9;
	s6 =	sadd.s32 @!p0 $0x88, s6;
	s7 =	simm.s32 @p2 $0x1082  }
0x22: {  	[simem:s7], [sflag:s8] =	dma.local @!p0 [hbm:s6], $0xF7A  }
0x23: {  	s9 =	sor.u32 $0xD0000000, s2;
	s6 =	simm.s32 $0x108;
	_ =	swait.ge @!p0 [sflag:s8], $0x0  }
0x24: {  	s3 =	sadd.s32 $0x88, s3;
	s6 =	simm.s32 @!p1 $0x1082;
	[sflag:s4] =	ssyncset.s32 $0xFFFFF086  }
0x25: {  	[simem:s6], [sflag:s4] =	dma.local [hbm:s3], $0xF7A  }
0x26: {  	[smem:$0x3F9B] =	sst s1;
	(tag) =	ssettag s2;
	_ =	strace s9  }
0x27: {  	s1 =	sld [smem:$0x3FAB]  }
0x28: {  	s2 =	sld [smem:$0x3FAC]  }
0x29: {  	s4 =	sld [smem:$0x3FAE]  }
0x2a: {  	p0 =	seq.s32 s5, $0x0;
	s5 =	sld [smem:$0x3FAF]  }
0x2b: {  	s6 =	sld [smem:$0x3FB0]  }
0x2c: {  	s7 =	sld [smem:$0x3FB1]  }
0x2d: {  	s3 =	simm.s32 $0x108;
	s8 =	sld [smem:$0x3FB2]  }
0x2e: {  	s3 =	simm.s32 @!p0 $0x1082;
	s9 =	sld [smem:$0x3FB3]  }
0x2f: {  	lr =	sadd.s32 s0, s3;
	s0 =	sld [smem:$0x3FAA]  }
0x30: {  	s3 =	sld [smem:$0x3FAD]  }
0x31: {  	[smem:$0x3FB6] =	sst s10  }
0x32: {  	s10 =	sld [smem:$0x3FB4];
	_ =	sdelay $0x3  }
0x33: {  	p0 =	seq.s32 s10, $0x1;
	s10 =	sld [smem:$0x3FB6];
	_ =	sdelay $0x3  }
0x34: {  	[smem:$0x3FB6] =	sst s10  }
0x35: {  	s10 =	sld [smem:$0x3FB5];
	_ =	sdelay $0x3  }
0x36: {  	p1 =	seq.s32 s10, $0x1;
	s10 =	sld [smem:$0x3FB6];
	_ =	sdelay $0x3  }
0x37: {  	[smem:$0x3FB6] =	sst s10  }
0x38: {  	s10 =	sld [smem:$0x3FB7]  }
0x39: {  	_ = 	snop;
	(pc) =	sbr.ind lr, $3  }
0x3a: {  	_ = 	snop  }
0x3b: {  	_ = 	snop  }
0x3c: {  	p2 =	seq.s32 s10, $0x1;
	s10 =	sld [smem:$0x3FB6]  }
0x3d: {  	_ =	shalt  }
0x3e: {  	_ =	shalt  }
0x3f: {  	_ =	shalt  }
0x40: {  	_ =	shalt  }
0x41: {  	_ =	shalt  }
0x42: {  	_ =	shalt  }
0x43: {  	_ =	shalt  }
0x44: {  	_ =	shalt  }
0x45: {  	_ =	shalt  }
0x46: {  	_ =	shalt  }
0x47: {  	_ =	shalt  }
0x48: {  	_ =	shalt  }
0x49: {  	_ =	shalt  }
0x4a: {  	_ =	shalt  }
0x4b: {  	_ =	shalt  }
0x4c: {  	_ =	shalt  }
0x4d: {  	_ =	shalt  }
0x4e: {  	_ =	shalt  }
0x4f: {  	_ =	shalt  }
0x50: {  	_ =	shalt  }
0x51: {  	_ =	shalt  }
0x52: {  	_ =	shalt  }
0x53: {  	_ =	shalt  }
0x54: {  	_ =	shalt  }
0x55: {  	_ =	shalt  }
0x56: {  	_ =	shalt  }
0x57: {  	_ =	shalt  }
0x58: {  	_ =	shalt  }
0x59: {  	_ =	shalt  }
0x5a: {  	_ =	shalt  }
0x5b: {  	_ =	shalt  }
0x5c: {  	_ =	shalt  }
0x5d: {  	_ =	shalt  }
0x5e: {  	_ =	shalt  }
0x5f: {  	_ =	shalt  }
0x60: {  	_ =	shalt  }
0x61: {  	_ =	shalt  }
0x62: {  	_ =	shalt  }
0x63: {  	_ =	shalt  }
0x64: {  	_ =	shalt  }
0x65: {  	_ =	shalt  }
0x66: {  	_ =	shalt  }
0x67: {  	_ =	shalt  }
0x68: {  	_ =	shalt  }
0x69: {  	_ =	shalt  }
0x6a: {  	_ =	shalt  }
0x6b: {  	_ =	shalt  }
0x6c: {  	_ =	shalt  }
0x6d: {  	_ =	shalt  }
0x6e: {  	_ =	shalt  }
0x6f: {  	_ =	shalt  }
0x70: {  	_ =	shalt  }
0x71: {  	_ =	shalt  }
0x72: {  	_ =	shalt  }
0x73: {  	_ =	shalt  }
0x74: {  	_ =	shalt  }
0x75: {  	_ =	shalt  }
0x76: {  	_ =	shalt  }
0x77: {  	_ =	shalt  }
0x78: {  	_ =	shalt  }
0x79: {  	_ =	shalt  }
0x7a: {  	_ =	shalt  }
0x7b: {  	_ =	shalt  }
0x7c: {  	_ =	shalt  }
0x7d: {  	_ =	shalt  }
0x7e: {  	_ =	shalt  }
0x7f: {  	_ =	shalt  }
0x80: {  	_ =	shalt  }
0x81: {  	_ =	shalt  }
0x82: {  	_ =	shalt  }
0x83: {  	_ =	shalt  }
0x84: {  	_ =	shalt  }
0x85: {  	_ =	shalt  }
0x86: {  	_ =	shalt  }
0x87: {  	_ =	shalt  }
.Lfunc_end0:
.L_simem_size_0:
called_computation.2_lowered:
.L_overlay_start_0:
0x88: {  	s0 =	sld [smem:$0x3FD9]  }
0x89: {  	s1 =	sld [smem:$0x3FFE];
	_ =	sdelay $0x3  }
0x8a: {  	s0 =	sadd.s32 s1, s0  }
0x8b: {  	[smem:$0x3FC2] =	sst s0  }
0x8c: {  	_ = 	snop  }
0x8d: {  	s0 =	sld [smem:$0x3FD0];
	_ =	sdelay $0x2  }
0x8e: {  	s13 =	simm.s32 $0xB;
	s2 =	simm.s32 $0x10  }
0x8f: {  	[smem:s2], [sflag:s13] =	dma.local [hbm:s0], $0x1  }
0x90: {  	_ =	swait.eq [sflag:s13], $0x1  }
0x91: {  	[sflag:s13] =	ssyncset.done $0x0  }
0x92: {  	[sflag:s13] =	ssyncadd.s32 $0xFFFFFFFF  }
0x93: {  	s14 =	sld [smem:$0x10];
	(tm) =	ssettm $0x1  }
0x94: {  	s15 =	sld [smem:$0x3FFB];
	_ =	sdelay $0x3  }
0x95: {  	_ =	strace s15  }
0x96: {  	s1 =	sld [smem:$0x3FFC];
	_ =	sdelay $0x3  }
0x97: {  	_ =	strace s1  }
0x98: {  	s1 =	sld [smem:$0x3FFD];
	_ =	sdelay $0x3  }
0x99: {  	_ =	strace s1  }
0x9a: {  	_ =	strace $0x8FFFFFFF  }
0x9b: {  	s16 =	sld [smem:$0x3FDB];
	_ =	sdelay $0x1  }
0x9c: {  	s17 =	simm.s32 $_scs_section_size  }
0x9d: {  	s3 =	simm.s32 $_size__tile_overlayer_lowered;
	s4 =	simm.s32 $_tile_overlayer_lowered  }
0x9e: {  	s20 =	simm.s32 $0x1BFF;
	s19 =	sshll.u32 s4, $0x1;
	s1 =	sadd.s32 s17, s16  }
0x9f: {  	s5 =	simm.s32 $0x0;
	s18 =	sshll.u32 s3, $0x1;
	s3 =	sadd.s32 s19, s1  }
0xa0: {  	[timem:s5], [sflag:s20] =	dma.local [hbm:s3], s18  }
0xa1: {  	_ =	swait.ge [sflag:s20], s18  }
0xa2: {  	s2 =	ssub.s32 $0x0, s18;
	[sflag:s20] =	ssyncset.done $0x0  }
0xa3: {  	[sflag:s20] =	ssyncadd.s32 s2;
	_ =	sdelay $0x1  }
0xa4: {  	s21 =	simm.s32 $0x1B8B  }
0xa5: {  	_ =	swait.ge [sflag:s21], $0x1  }
0xa6: {  	[sflag:s21] =	ssyncset.done $0x0  }
0xa7: {  	s23 =	simm.s32 $0x1B8E;
	s22 =	sld [smem:$0x3FFE];
	[sflag:s21] =	ssyncadd.s32 $0xFFFFFFFF  }
0xa8: {  	s24 =	simm.s32 $execute0_lowered;
	[smem:$0x3FD2] =	sst s23  }
0xa9: {  	s3 =	sshll.u32 s24, $0x1;
	_ =	strace $0x8000004C;
	[dreg:$0x1] =	wrdreg $0xFFFFFFFF  }
0xaa: {  	s25 =	simm.s32 $_size_execute0_lowered;
	s1 =	sadd.s32 s1, s3;
	[dreg:$0x0] =	wrdreg $0x0  }
0xab: {  	s3 =	sshll.u32 s25, $0x1;
	[dreg:$0x2] =	wrdreg s1  }
0xac: {  	[dreg:$0x3] =	wrdreg s3  }
0xad: {  	[dreg:$0x4] =	wrdreg $0xC0  }
0xae: {  	_ =	task [dreg:s5], $0x5FFFF  }
0xaf: {  	[dreg:$0x1] =	wrdreg $0xFFFFFFFF  }
0xb0: {  	[dreg:$0x0] =	wrdreg $0x60  }
0xb1: {  	[dreg:$0x2] =	wrdreg s22  }
0xb2: {  	[dreg:$0x3] =	wrdreg s14  }
0xb3: {  	[dreg:$0x4] =	wrdreg $0x9  }
0xb4: {  	_ =	task.clear_ibuf [dreg:s5], $0x5FFFF;
	_ =	strace $0x9000004C  }
0xb5: {  	s26 =	simm.s32 $0x9;
	_ =	strace $0x8000004E  }
0xb6: {  	_ =	swait.ge [sflag:s26], $0x1  }
0xb7: {  	[sflag:s26] =	ssyncadd.s32 $0xFFFFFFFF  }
0xb8: {  	_ =	strace $0x9000004E  }
0xb9: {  	_ =	sfence  }
0xba: {  	s28 =	sld [smem:$0x0];
	_ =	sdelay $0x1  }
0xbb: {  	s29 =	srdreg.scid  }
0xbc: {  	s30 =	sshll.u32 s29, $0xD;
	s31 =	sshrl.u32 s29, $0x2  }
0xbd: {  	s2 =	sand.u32 $0x4000, s30;
	s1 =	sand.u32 $0x1, s29;
	s0 =	sadd.s32 s31, s28  }
0xbe: {  	s1 =	sor.u32 s2, s1;
	s0 =	sshll.u32 s0, $0x11  }
0xbf: {  	s0 =	sor.u32 s0, s1  }
0xc0: {  	s0 =	sadd.s32 $0x8F2B, s0  }
0xc1: {  	[sflag:s0] =	ssyncadd.remote.s32 $0x1  }
0xc2: {  	_ =	sfence.sel $0xFFFF  }
0xc3: {  	[dreg:$0x0] =	wrdreg $0xFFFFFFFF;
	(pc) =	sbr.abs _section_cstart, $3  }
0xc4: {  	[dreg:$0x1] =	wrdreg $0xFFFFFFFF  }
0xc5: {  	_ =	task.clear_ibuf [dreg:s5], $0x2FFFF;
	_ =	strace $0x9FFFFFFF  }
0xc6: {  	(tm) =	ssettm $0x7FFFFFFF  }
0xc7: {  	_ =	shalt  }
tec
execute0_lowered:
.L_overlay_start_1:
0x0: {  	(tag) =	ssettag $0x1  }
0x1: {  	s8 =	rddreg [dreg:$0x0]  }
0x2: {  	s3 =	rddreg [dreg:$0x1];
	_ =	strace $0x8000004D;
	s11 =	simm.s32 $0x1  }
0x3: {  	v0 =	vimm.s32 $0x0;
	[sflag:s11] =	ssyncpa.u1 $0x0  }
0x4: {  	[tilespmem:$0x28] =	vst v0  }
0x5: {  	[tilespmem:$0x38] =	vst v0  }
0x6: {  	[tilespmem:$0x48] =	vst v0  }
0x7: {  	[tilespmem:$0x58] =	vst v0  }
0x8: {  	[tilespmem:$0x68] =	vst v0  }
0x9: {  	[tilespmem:$0x78] =	vst v0  }
0xa: {  	[tilespmem:$0x88] =	vst v0  }
0xb: {  	[tilespmem:$0x98] =	vst v0  }
0xc: {  	[tilespmem:$0xA8] =	vst v0  }
0xd: {  	[tilespmem:$0xB8] =	vst v0  }
0xe: {  	[tilespmem:$0xC8] =	vst v0  }
0xf: {  	[tilespmem:$0xD8] =	vst v0  }
0x10: {  	[tilespmem:$0xE8] =	vst v0  }
0x11: {  	[tilespmem:$0xF8] =	vst v0  }
0x12: {  	[tilespmem:$0x108] =	vst v0  }
0x13: {  	[tilespmem:$0x118] =	vst v0  }
0x14: {  	[tilespmem:$0x128] =	vst v0  }
0x15: {  	[tilespmem:$0x138] =	vst v0  }
0x16: {  	[tilespmem:$0x148] =	vst v0  }
0x17: {  	[tilespmem:$0x158] =	vst v0  }
0x18: {  	[tilespmem:$0x168] =	vst v0  }
0x19: {  	[tilespmem:$0x178] =	vst v0  }
0x1a: {  	[tilespmem:$0x188] =	vst v0  }
0x1b: {  	[tilespmem:$0x198] =	vst v0  }
0x1c: {  	[tilespmem:$0x1A8] =	vst v0  }
0x1d: {  	[tilespmem:$0x1B8] =	vst v0  }
0x1e: {  	[tilespmem:$0x1C8] =	vst v0  }
0x1f: {  	[tilespmem:$0x1D8] =	vst v0  }
0x20: {  	[tilespmem:$0x1E8] =	vst v0  }
0x21: {  	[tilespmem:$0x1F8] =	vst v0  }
0x22: {  	[tilespmem:$0x208] =	vst v0  }
0x23: {  	[tilespmem:$0x218] =	vst v0  }
0x24: {  	[tilespmem:$0x228] =	vst v0  }
0x25: {  	[tilespmem:$0x238] =	vst v0  }
0x26: {  	[tilespmem:$0x248] =	vst v0  }
0x27: {  	[tilespmem:$0x258] =	vst v0  }
0x28: {  	[tilespmem:$0x268] =	vst v0  }
0x29: {  	[tilespmem:$0x278] =	vst v0  }
0x2a: {  	[tilespmem:$0x288] =	vst v0  }
0x2b: {  	[tilespmem:$0x298] =	vst v0  }
0x2c: {  	[tilespmem:$0x2A8] =	vst v0  }
0x2d: {  	[tilespmem:$0x2B8] =	vst v0  }
0x2e: {  	[tilespmem:$0x2C8] =	vst v0  }
0x2f: {  	[tilespmem:$0x2D8] =	vst v0  }
0x30: {  	[tilespmem:$0x2E8] =	vst v0  }
0x31: {  	[tilespmem:$0x2F8] =	vst v0  }
0x32: {  	[tilespmem:$0x308] =	vst v0  }
0x33: {  	[tilespmem:$0x318] =	vst v0  }
0x34: {  	[tilespmem:$0x328] =	vst v0  }
0x35: {  	[tilespmem:$0x338] =	vst v0  }
0x36: {  	[tilespmem:$0x348] =	vst v0  }
0x37: {  	[tilespmem:$0x358] =	vst v0  }
0x38: {  	[tilespmem:$0x368] =	vst v0  }
0x39: {  	[tilespmem:$0x378] =	vst v0  }
0x3a: {  	[tilespmem:$0x388] =	vst v0  }
0x3b: {  	[tilespmem:$0x398] =	vst v0  }
0x3c: {  	[tilespmem:$0x3A8] =	vst v0  }
0x3d: {  	[tilespmem:$0x3B8] =	vst v0  }
0x3e: {  	[tilespmem:$0x3C8] =	vst v0  }
0x3f: {  	[tilespmem:$0x3D8] =	vst v0  }
0x40: {  	[tilespmem:$0x3E8] =	vst v0  }
0x41: {  	[tilespmem:$0x3F8] =	vst v0  }
0x42: {  	[tilespmem:$0x408] =	vst v0  }
0x43: {  	[tilespmem:$0x418] =	vst v0  }
0x44: {  	[tilespmem:$0x428] =	vst v0  }
0x45: {  	[tilespmem:$0x438] =	vst v0  }
0x46: {  	[tilespmem:$0x448] =	vst v0  }
0x47: {  	[tilespmem:$0x458] =	vst v0  }
0x48: {  	[tilespmem:$0x468] =	vst v0  }
0x49: {  	[tilespmem:$0x478] =	vst v0  }
0x4a: {  	[tilespmem:$0x488] =	vst v0  }
0x4b: {  	[tilespmem:$0x498] =	vst v0  }
0x4c: {  	[tilespmem:$0x4A8] =	vst v0  }
0x4d: {  	[tilespmem:$0x4B8] =	vst v0  }
0x4e: {  	[tilespmem:$0x4C8] =	vst v0  }
0x4f: {  	[tilespmem:$0x4D8] =	vst v0  }
0x50: {  	[tilespmem:$0x4E8] =	vst v0  }
0x51: {  	[tilespmem:$0x4F8] =	vst v0  }
0x52: {  	[tilespmem:$0x508] =	vst v0  }
0x53: {  	[tilespmem:$0x518] =	vst v0  }
0x54: {  	[tilespmem:$0x528] =	vst v0  }
0x55: {  	[tilespmem:$0x538] =	vst v0  }
0x56: {  	[tilespmem:$0x548] =	vst v0  }
0x57: {  	[tilespmem:$0x558] =	vst v0  }
0x58: {  	[tilespmem:$0x568] =	vst v0  }
0x59: {  	[tilespmem:$0x578] =	vst v0  }
0x5a: {  	[tilespmem:$0x588] =	vst v0  }
0x5b: {  	[tilespmem:$0x598] =	vst v0  }
0x5c: {  	[tilespmem:$0x5A8] =	vst v0  }
0x5d: {  	[tilespmem:$0x5B8] =	vst v0  }
0x5e: {  	[tilespmem:$0x5C8] =	vst v0  }
0x5f: {  	[tilespmem:$0x5D8] =	vst v0  }
0x60: {  	[tilespmem:$0x5E8] =	vst v0  }
0x61: {  	[tilespmem:$0x5F8] =	vst v0  }
0x62: {  	[tilespmem:$0x608] =	vst v0  }
0x63: {  	[tilespmem:$0x618] =	vst v0  }
0x64: {  	[tilespmem:$0x628] =	vst v0  }
0x65: {  	[tilespmem:$0x638] =	vst v0  }
0x66: {  	[tilespmem:$0x648] =	vst v0  }
0x67: {  	[tilespmem:$0x658] =	vst v0  }
0x68: {  	[tilespmem:$0x668] =	vst v0  }
0x69: {  	[tilespmem:$0x678] =	vst v0  }
0x6a: {  	[tilespmem:$0x688] =	vst v0  }
0x6b: {  	[tilespmem:$0x698] =	vst v0  }
0x6c: {  	[tilespmem:$0x6A8] =	vst v0  }
0x6d: {  	[tilespmem:$0x6B8] =	vst v0  }
0x6e: {  	[tilespmem:$0x6C8] =	vst v0  }
0x6f: {  	[tilespmem:$0x6D8] =	vst v0  }
0x70: {  	[tilespmem:$0x6E8] =	vst v0  }
0x71: {  	[tilespmem:$0x6F8] =	vst v0  }
0x72: {  	[tilespmem:$0x708] =	vst v0  }
0x73: {  	[tilespmem:$0x718] =	vst v0  }
0x74: {  	[tilespmem:$0x728] =	vst v0  }
0x75: {  	[tilespmem:$0x738] =	vst v0  }
0x76: {  	[tilespmem:$0x748] =	vst v0  }
0x77: {  	[tilespmem:$0x758] =	vst v0  }
0x78: {  	[tilespmem:$0x768] =	vst v0  }
0x79: {  	[tilespmem:$0x778] =	vst v0  }
0x7a: {  	[tilespmem:$0x788] =	vst v0  }
0x7b: {  	[tilespmem:$0x798] =	vst v0  }
0x7c: {  	[tilespmem:$0x7A8] =	vst v0  }
0x7d: {  	[tilespmem:$0x7B8] =	vst v0  }
0x7e: {  	[tilespmem:$0x7C8] =	vst v0  }
0x7f: {  	[tilespmem:$0x7D8] =	vst v0  }
0x80: {  	[tilespmem:$0x7E8] =	vst v0  }
0x81: {  	[tilespmem:$0x7F8] =	vst v0  }
0x82: {  	[tilespmem:$0x808] =	vst v0  }
0x83: {  	[tilespmem:$0x818] =	vst v0  }
0x84: {  	[tilespmem:$0x828] =	vst v0  }
0x85: {  	[tilespmem:$0x838] =	vst v0  }
0x86: {  	[tilespmem:$0x848] =	vst v0  }
0x87: {  	[tilespmem:$0x858] =	vst v0  }
0x88: {  	[tilespmem:$0x868] =	vst v0  }
0x89: {  	[tilespmem:$0x878] =	vst v0  }
0x8a: {  	[tilespmem:$0x888] =	vst v0  }
0x8b: {  	[tilespmem:$0x898] =	vst v0  }
0x8c: {  	[tilespmem:$0x8A8] =	vst v0  }
0x8d: {  	[tilespmem:$0x8B8] =	vst v0  }
0x8e: {  	[tilespmem:$0x8C8] =	vst v0  }
0x8f: {  	[tilespmem:$0x8D8] =	vst v0  }
0x90: {  	[tilespmem:$0x8E8] =	vst v0  }
0x91: {  	[tilespmem:$0x8F8] =	vst v0  }
0x92: {  	[tilespmem:$0x908] =	vst v0  }
0x93: {  	[tilespmem:$0x918] =	vst v0  }
0x94: {  	[tilespmem:$0x928] =	vst v0  }
0x95: {  	[tilespmem:$0x938] =	vst v0  }
0x96: {  	[tilespmem:$0x948] =	vst v0  }
0x97: {  	[tilespmem:$0x958] =	vst v0  }
0x98: {  	[tilespmem:$0x968] =	vst v0  }
0x99: {  	[tilespmem:$0x978] =	vst v0  }
0x9a: {  	[tilespmem:$0x988] =	vst v0  }
0x9b: {  	[tilespmem:$0x998] =	vst v0  }
0x9c: {  	[tilespmem:$0x9A8] =	vst v0  }
0x9d: {  	[tilespmem:$0x9B8] =	vst v0  }
0x9e: {  	[tilespmem:$0x9C8] =	vst v0  }
0x9f: {  	[tilespmem:$0x9D8] =	vst v0  }
0xa0: {  	[tilespmem:$0x9E8] =	vst v0  }
0xa1: {  	[tilespmem:$0x9F8] =	vst v0  }
0xa2: {  	[tilespmem:$0xA08] =	vst v0  }
0xa3: {  	[tilespmem:$0xA18] =	vst v0  }
0xa4: {  	[tilespmem:$0xA28] =	vst v0  }
0xa5: {  	[tilespmem:$0xA38] =	vst v0  }
0xa6: {  	[tilespmem:$0xA48] =	vst v0  }
0xa7: {  	[tilespmem:$0xA58] =	vst v0  }
0xa8: {  	[tilespmem:$0xA68] =	vst v0  }
0xa9: {  	[tilespmem:$0xA78] =	vst v0  }
0xaa: {  	[tilespmem:$0xA88] =	vst v0  }
0xab: {  	[tilespmem:$0xA98] =	vst v0  }
0xac: {  	[tilespmem:$0xAA8] =	vst v0  }
0xad: {  	[tilespmem:$0xAB8] =	vst v0  }
0xae: {  	[tilespmem:$0xAC8] =	vst v0  }
0xaf: {  	[tilespmem:$0xAD8] =	vst v0  }
0xb0: {  	[tilespmem:$0xAE8] =	vst v0  }
0xb1: {  	[tilespmem:$0xAF8] =	vst v0  }
0xb2: {  	[tilespmem:$0xB08] =	vst v0  }
0xb3: {  	[tilespmem:$0xB18] =	vst v0  }
0xb4: {  	[tilespmem:$0xB28] =	vst v0  }
0xb5: {  	[tilespmem:$0xB38] =	vst v0  }
0xb6: {  	[tilespmem:$0xB48] =	vst v0  }
0xb7: {  	[tilespmem:$0xB58] =	vst v0  }
0xb8: {  	[tilespmem:$0xB68] =	vst v0  }
0xb9: {  	[tilespmem:$0xB78] =	vst v0  }
0xba: {  	[tilespmem:$0xB88] =	vst v0  }
0xbb: {  	[tilespmem:$0xB98] =	vst v0  }
0xbc: {  	[tilespmem:$0xBA8] =	vst v0  }
0xbd: {  	[tilespmem:$0xBB8] =	vst v0  }
0xbe: {  	[tilespmem:$0xBC8] =	vst v0  }
0xbf: {  	[tilespmem:$0xBD8] =	vst v0  }
0xc0: {  	[tilespmem:$0xBE8] =	vst v0  }
0xc1: {  	[tilespmem:$0xBF8] =	vst v0  }
0xc2: {  	[tilespmem:$0xC08] =	vst v0  }
0xc3: {  	[tilespmem:$0xC18] =	vst v0  }
0xc4: {  	[tilespmem:$0xC28] =	vst v0  }
0xc5: {  	[tilespmem:$0xC38] =	vst v0  }
0xc6: {  	[tilespmem:$0xC48] =	vst v0  }
0xc7: {  	[tilespmem:$0xC58] =	vst v0  }
0xc8: {  	[tilespmem:$0xC68] =	vst v0  }
0xc9: {  	[tilespmem:$0xC78] =	vst v0  }
0xca: {  	[tilespmem:$0xC88] =	vst v0  }
0xcb: {  	[tilespmem:$0xC98] =	vst v0  }
0xcc: {  	[tilespmem:$0xCA8] =	vst v0  }
0xcd: {  	[tilespmem:$0xCB8] =	vst v0  }
0xce: {  	[tilespmem:$0xCC8] =	vst v0  }
0xcf: {  	[tilespmem:$0xCD8] =	vst v0  }
0xd0: {  	[tilespmem:$0xCE8] =	vst v0  }
0xd1: {  	[tilespmem:$0xCF8] =	vst v0  }
0xd2: {  	[tilespmem:$0xD08] =	vst v0  }
0xd3: {  	[tilespmem:$0xD18] =	vst v0  }
0xd4: {  	[tilespmem:$0xD28] =	vst v0  }
0xd5: {  	[tilespmem:$0xD38] =	vst v0  }
0xd6: {  	[tilespmem:$0xD48] =	vst v0  }
0xd7: {  	[tilespmem:$0xD58] =	vst v0  }
0xd8: {  	[tilespmem:$0xD68] =	vst v0  }
0xd9: {  	[tilespmem:$0xD78] =	vst v0  }
0xda: {  	[tilespmem:$0xD88] =	vst v0  }
0xdb: {  	[tilespmem:$0xD98] =	vst v0  }
0xdc: {  	[tilespmem:$0xDA8] =	vst v0  }
0xdd: {  	[tilespmem:$0xDB8] =	vst v0  }
0xde: {  	[tilespmem:$0xDC8] =	vst v0  }
0xdf: {  	[tilespmem:$0xDD8] =	vst v0  }
0xe0: {  	[tilespmem:$0xDE8] =	vst v0  }
0xe1: {  	[tilespmem:$0xDF8] =	vst v0  }
0xe2: {  	[tilespmem:$0xE08] =	vst v0  }
0xe3: {  	[tilespmem:$0xE18] =	vst v0  }
0xe4: {  	[tilespmem:$0xE28] =	vst v0  }
0xe5: {  	[tilespmem:$0xE38] =	vst v0  }
0xe6: {  	[tilespmem:$0xE48] =	vst v0  }
0xe7: {  	[tilespmem:$0xE58] =	vst v0  }
0xe8: {  	[tilespmem:$0xE68] =	vst v0  }
0xe9: {  	[tilespmem:$0xE78] =	vst v0  }
0xea: {  	[tilespmem:$0xE88] =	vst v0  }
0xeb: {  	[tilespmem:$0xE98] =	vst v0  }
0xec: {  	[tilespmem:$0xEA8] =	vst v0  }
0xed: {  	[tilespmem:$0xEB8] =	vst v0  }
0xee: {  	[tilespmem:$0xEC8] =	vst v0  }
0xef: {  	[tilespmem:$0xED8] =	vst v0  }
0xf0: {  	[tilespmem:$0xEE8] =	vst v0  }
0xf1: {  	[tilespmem:$0xEF8] =	vst v0  }
0xf2: {  	[tilespmem:$0xF08] =	vst v0  }
0xf3: {  	[tilespmem:$0xF18] =	vst v0  }
0xf4: {  	[tilespmem:$0xF28] =	vst v0  }
0xf5: {  	[tilespmem:$0xF38] =	vst v0  }
0xf6: {  	[tilespmem:$0xF48] =	vst v0  }
0xf7: {  	[tilespmem:$0xF58] =	vst v0  }
0xf8: {  	[tilespmem:$0xF68] =	vst v0  }
0xf9: {  	[tilespmem:$0xF78] =	vst v0  }
0xfa: {  	[tilespmem:$0xF88] =	vst v0  }
0xfb: {  	[tilespmem:$0xF98] =	vst v0  }
0xfc: {  	[tilespmem:$0xFA8] =	vst v0  }
0xfd: {  	[tilespmem:$0xFB8] =	vst v0  }
0xfe: {  	[tilespmem:$0xFC8] =	vst v0  }
0xff: {  	[tilespmem:$0xFD8] =	vst v0  }
0x100: {  	[tilespmem:$0xFE8] =	vst v0  }
0x101: {  	[tilespmem:$0xFF8] =	vst v0  }
0x102: {  	[tilespmem:$0x1008] =	vst v0  }
0x103: {  	[tilespmem:$0x10D8] =	vst v0  }
0x104: {  	[tilespmem:$0x1B28] =	vst v0  }
0x105: {  	[tilespmem:$0x1B18] =	vst v0  }
0x106: {  	[tilespmem:$0x1B08] =	vst v0  }
0x107: {  	[tilespmem:$0x1AF8] =	vst v0  }
0x108: {  	[tilespmem:$0x1AE8] =	vst v0  }
0x109: {  	[tilespmem:$0x1AD8] =	vst v0  }
0x10a: {  	[tilespmem:$0x1AC8] =	vst v0  }
0x10b: {  	[tilespmem:$0x1AB8] =	vst v0  }
0x10c: {  	[tilespmem:$0x1AA8] =	vst v0  }
0x10d: {  	[tilespmem:$0x1A98] =	vst v0  }
0x10e: {  	[tilespmem:$0x1A88] =	vst v0  }
0x10f: {  	[tilespmem:$0x1A78] =	vst v0  }
0x110: {  	[tilespmem:$0x1A68] =	vst v0  }
0x111: {  	[tilespmem:$0x1A58] =	vst v0  }
0x112: {  	[tilespmem:$0x1A48] =	vst v0  }
0x113: {  	[tilespmem:$0x1A38] =	vst v0  }
0x114: {  	[tilespmem:$0x1A28] =	vst v0  }
0x115: {  	[tilespmem:$0x1A18] =	vst v0  }
0x116: {  	[tilespmem:$0x1A08] =	vst v0  }
0x117: {  	[tilespmem:$0x19F8] =	vst v0  }
0x118: {  	[tilespmem:$0x19E8] =	vst v0  }
0x119: {  	[tilespmem:$0x19D8] =	vst v0  }
0x11a: {  	[tilespmem:$0x19C8] =	vst v0  }
0x11b: {  	[tilespmem:$0x19B8] =	vst v0  }
0x11c: {  	[tilespmem:$0x19A8] =	vst v0  }
0x11d: {  	[tilespmem:$0x1998] =	vst v0  }
0x11e: {  	[tilespmem:$0x1988] =	vst v0  }
0x11f: {  	[tilespmem:$0x1978] =	vst v0  }
0x120: {  	[tilespmem:$0x1968] =	vst v0  }
0x121: {  	[tilespmem:$0x1958] =	vst v0  }
0x122: {  	[tilespmem:$0x1948] =	vst v0  }
0x123: {  	[tilespmem:$0x1938] =	vst v0  }
0x124: {  	[tilespmem:$0x1928] =	vst v0  }
0x125: {  	[tilespmem:$0x1918] =	vst v0  }
0x126: {  	[tilespmem:$0x1908] =	vst v0  }
0x127: {  	[tilespmem:$0x18F8] =	vst v0  }
0x128: {  	[tilespmem:$0x18E8] =	vst v0  }
0x129: {  	[tilespmem:$0x18D8] =	vst v0  }
0x12a: {  	[tilespmem:$0x18C8] =	vst v0  }
0x12b: {  	[tilespmem:$0x18B8] =	vst v0  }
0x12c: {  	[tilespmem:$0x18A8] =	vst v0  }
0x12d: {  	[tilespmem:$0x1898] =	vst v0  }
0x12e: {  	[tilespmem:$0x1888] =	vst v0  }
0x12f: {  	[tilespmem:$0x1878] =	vst v0  }
0x130: {  	[tilespmem:$0x1868] =	vst v0  }
0x131: {  	[tilespmem:$0x1858] =	vst v0  }
0x132: {  	[tilespmem:$0x1848] =	vst v0  }
0x133: {  	[tilespmem:$0x1838] =	vst v0  }
0x134: {  	[tilespmem:$0x1828] =	vst v0  }
0x135: {  	[tilespmem:$0x1818] =	vst v0  }
0x136: {  	[tilespmem:$0x1808] =	vst v0  }
0x137: {  	[tilespmem:$0x17F8] =	vst v0  }
0x138: {  	[tilespmem:$0x17E8] =	vst v0  }
0x139: {  	[tilespmem:$0x17D8] =	vst v0  }
0x13a: {  	[tilespmem:$0x17C8] =	vst v0  }
0x13b: {  	[tilespmem:$0x17B8] =	vst v0  }
0x13c: {  	[tilespmem:$0x17A8] =	vst v0  }
0x13d: {  	[tilespmem:$0x1798] =	vst v0  }
0x13e: {  	[tilespmem:$0x1788] =	vst v0  }
0x13f: {  	[tilespmem:$0x1778] =	vst v0  }
0x140: {  	[tilespmem:$0x1768] =	vst v0  }
0x141: {  	[tilespmem:$0x1758] =	vst v0  }
0x142: {  	[tilespmem:$0x1748] =	vst v0  }
0x143: {  	[tilespmem:$0x1738] =	vst v0  }
0x144: {  	[tilespmem:$0x1728] =	vst v0  }
0x145: {  	[tilespmem:$0x1718] =	vst v0  }
0x146: {  	[tilespmem:$0x1708] =	vst v0  }
0x147: {  	[tilespmem:$0x16F8] =	vst v0  }
0x148: {  	[tilespmem:$0x16E8] =	vst v0  }
0x149: {  	[tilespmem:$0x16D8] =	vst v0  }
0x14a: {  	[tilespmem:$0x16C8] =	vst v0  }
0x14b: {  	[tilespmem:$0x16B8] =	vst v0  }
0x14c: {  	[tilespmem:$0x16A8] =	vst v0  }
0x14d: {  	[tilespmem:$0x1698] =	vst v0  }
0x14e: {  	[tilespmem:$0x1688] =	vst v0  }
0x14f: {  	[tilespmem:$0x1678] =	vst v0  }
0x150: {  	[tilespmem:$0x1668] =	vst v0  }
0x151: {  	[tilespmem:$0x1658] =	vst v0  }
0x152: {  	[tilespmem:$0x1648] =	vst v0  }
0x153: {  	[tilespmem:$0x1638] =	vst v0  }
0x154: {  	[tilespmem:$0x1628] =	vst v0  }
0x155: {  	[tilespmem:$0x1618] =	vst v0  }
0x156: {  	[tilespmem:$0x1608] =	vst v0  }
0x157: {  	[tilespmem:$0x15F8] =	vst v0  }
0x158: {  	[tilespmem:$0x15E8] =	vst v0  }
0x159: {  	[tilespmem:$0x15D8] =	vst v0  }
0x15a: {  	[tilespmem:$0x15C8] =	vst v0  }
0x15b: {  	[tilespmem:$0x15B8] =	vst v0  }
0x15c: {  	[tilespmem:$0x15A8] =	vst v0  }
0x15d: {  	[tilespmem:$0x1598] =	vst v0  }
0x15e: {  	[tilespmem:$0x1588] =	vst v0  }
0x15f: {  	[tilespmem:$0x1578] =	vst v0  }
0x160: {  	[tilespmem:$0x1568] =	vst v0  }
0x161: {  	[tilespmem:$0x1558] =	vst v0  }
0x162: {  	[tilespmem:$0x1548] =	vst v0  }
0x163: {  	[tilespmem:$0x1538] =	vst v0  }
0x164: {  	[tilespmem:$0x1528] =	vst v0  }
0x165: {  	[tilespmem:$0x1518] =	vst v0  }
0x166: {  	[tilespmem:$0x1508] =	vst v0  }
0x167: {  	[tilespmem:$0x14F8] =	vst v0  }
0x168: {  	[tilespmem:$0x14E8] =	vst v0  }
0x169: {  	[tilespmem:$0x14D8] =	vst v0  }
0x16a: {  	[tilespmem:$0x14C8] =	vst v0  }
0x16b: {  	[tilespmem:$0x14B8] =	vst v0  }
0x16c: {  	[tilespmem:$0x14A8] =	vst v0  }
0x16d: {  	[tilespmem:$0x1498] =	vst v0  }
0x16e: {  	[tilespmem:$0x1488] =	vst v0  }
0x16f: {  	[tilespmem:$0x1478] =	vst v0  }
0x170: {  	[tilespmem:$0x1468] =	vst v0  }
0x171: {  	[tilespmem:$0x1458] =	vst v0  }
0x172: {  	[tilespmem:$0x1448] =	vst v0  }
0x173: {  	[tilespmem:$0x1438] =	vst v0  }
0x174: {  	[tilespmem:$0x1428] =	vst v0  }
0x175: {  	[tilespmem:$0x1418] =	vst v0  }
0x176: {  	[tilespmem:$0x1408] =	vst v0  }
0x177: {  	[tilespmem:$0x13F8] =	vst v0  }
0x178: {  	[tilespmem:$0x13E8] =	vst v0  }
0x179: {  	[tilespmem:$0x13D8] =	vst v0  }
0x17a: {  	[tilespmem:$0x13C8] =	vst v0  }
0x17b: {  	[tilespmem:$0x13B8] =	vst v0  }
0x17c: {  	[tilespmem:$0x13A8] =	vst v0  }
0x17d: {  	[tilespmem:$0x1398] =	vst v0  }
0x17e: {  	[tilespmem:$0x1388] =	vst v0  }
0x17f: {  	[tilespmem:$0x1378] =	vst v0  }
0x180: {  	[tilespmem:$0x1368] =	vst v0  }
0x181: {  	[tilespmem:$0x1358] =	vst v0  }
0x182: {  	[tilespmem:$0x1348] =	vst v0  }
0x183: {  	[tilespmem:$0x1338] =	vst v0  }
0x184: {  	[tilespmem:$0x1328] =	vst v0  }
0x185: {  	[tilespmem:$0x1318] =	vst v0  }
0x186: {  	[tilespmem:$0x1308] =	vst v0  }
0x187: {  	[tilespmem:$0x12F8] =	vst v0  }
0x188: {  	[tilespmem:$0x12E8] =	vst v0  }
0x189: {  	[tilespmem:$0x12D8] =	vst v0  }
0x18a: {  	[tilespmem:$0x12C8] =	vst v0  }
0x18b: {  	[tilespmem:$0x12B8] =	vst v0  }
0x18c: {  	[tilespmem:$0x12A8] =	vst v0  }
0x18d: {  	[tilespmem:$0x1298] =	vst v0  }
0x18e: {  	[tilespmem:$0x1288] =	vst v0  }
0x18f: {  	[tilespmem:$0x1278] =	vst v0  }
0x190: {  	[tilespmem:$0x1268] =	vst v0  }
0x191: {  	[tilespmem:$0x1258] =	vst v0  }
0x192: {  	[tilespmem:$0x1248] =	vst v0  }
0x193: {  	[tilespmem:$0x1238] =	vst v0  }
0x194: {  	[tilespmem:$0x1228] =	vst v0  }
0x195: {  	[tilespmem:$0x1218] =	vst v0  }
0x196: {  	[tilespmem:$0x1208] =	vst v0  }
0x197: {  	[tilespmem:$0x11F8] =	vst v0  }
0x198: {  	[tilespmem:$0x11E8] =	vst v0  }
0x199: {  	[tilespmem:$0x11D8] =	vst v0  }
0x19a: {  	[tilespmem:$0x11C8] =	vst v0  }
0x19b: {  	[tilespmem:$0x11B8] =	vst v0  }
0x19c: {  	[tilespmem:$0x11A8] =	vst v0  }
0x19d: {  	[tilespmem:$0x1198] =	vst v0  }
0x19e: {  	[tilespmem:$0x1188] =	vst v0  }
0x19f: {  	[tilespmem:$0x1178] =	vst v0  }
0x1a0: {  	[tilespmem:$0x1168] =	vst v0  }
0x1a1: {  	[tilespmem:$0x1158] =	vst v0  }
0x1a2: {  	[tilespmem:$0x1148] =	vst v0  }
0x1a3: {  	[tilespmem:$0x1138] =	vst v0  }
0x1a4: {  	[tilespmem:$0x1128] =	vst v0  }
0x1a5: {  	[tilespmem:$0x1118] =	vst v0  }
0x1a6: {  	s1 =	stileid.u32;
	[tilespmem:$0x1108] =	vst v0  }
0x1a7: {  	s0 =	smul.u32 $0x2F, s1;
	[tilespmem:$0x10F8] =	vst v0  }
0x1a8: {  	s2 =	smin.u32 s1, $0xC;
	[tilespmem:$0x10E8] =	vst v0  }
0x1a9: {  	[tilespmem:$0x10B8] =	vst v0;
	s0 =	sadd.s32 s2, s0  }
0x1aa: {  	p0 =	slt.u32 s1, $0xC;
	[tilespmem:$0x10C8] =	vst v0;
	s2 =	simm.s32 $0x5100;
	s4 =	smul.u32 $0x1B0, s0  }
0x1ab: {  	s2 =	simm.s32 @!p0 $0x4F50;
	[tilespmem:$0x10A8] =	vst v0  }
0x1ac: {  	[tilespmem:$0x1038] =	vst v0;
	s0 =	sadd.s32 s2, s4  }
0x1ad: {  	[tilespmem:$0x1098] =	vst v0;
	s5 =	smin.u32 s0, $0x50910  }
0x1ae: {  	[tilespmem:$0x1088] =	vst v0;
	s0 =	ssub.s32 s5, s4  }
0x1af: {  	s6 =	simm.s32 $0x2;
	[tilespmem:$0x1078] =	vst v0;
	p0 =	sgt.s32 s0, $0x0  }
0x1b0: {  	s29 =	simm.s32 $0x7;
	s13 =	simm.s32 $0x8;
	[tilespmem:$0x1068] =	vst v0;
	s0 =	simm.s32 @!p0 $0x0  }
0x1b1: {  	s30 =	simm.s32 $0x9;
	p4 =	por $0x0, $0x0;
	[tilespmem:$0x1058] =	vst v0;
	s28 =	smulhi.u32 $0x4BDA12F7, s0  }
0x1b2: {  	s14 =	simm.s32 $0xA;
	s18 =	simm.s32 $0x0;
	s15 =	simm.s32 $0x0;
	[tilespmem:$0x1048] =	vst v0  }
0x1b3: {  	s17 =	simm.s32 $0x0;
	s7 =	sadd.s32 $0x47000, s8;
	[tilespmem:$0x1028] =	vst v0;
	s12 =	sshrl.u32 s28, $0x7  }
0x1b4: {  	s31 =	sshll.u32 s1, $0x5;
	[tilespmem:$0x1018] =	vst v0;
	[sflag:s6] =	ssyncpa.u1 $0x0;
	v0 =	vimm.s32 $0xFFFFFFFF;
	s10 =	smul.u32 $0x1B0, s12  }
.Ltmp0:
0x1b5: {  	s6 =	sadd.s32 $0x3CE00, s8;
	[tilespmem:$0x3648] =	vst v0;
	[sflag:s29] =	ssyncpa.u1 $0x0;
	(pc) =	sbr.rel .LBB2_1-.Ltmp0, $4  }
0x1b6: {  	[dreg:$0x3] =	wrdreg s31;
	[sflag:s13] =	ssyncpa.u1 $0x0;
	p0 =	sne.s32 s0, s10  }
0x1b7: {  	s13 =	simm.s32 $0x0;
	[sflag:s30] =	ssyncpa.u1 $0x0;
	s11 =	simm.s32 @!p0 $0x0  }
0x1b8: {  	s2 =	sadd.s32 $0x14600, s8;
	s16 =	smov.u32 s4;
	s11 =	sadd.s32 s11, s12  }
0x1b9: {  	v0 =	vlaneseq.u32;
	[dreg:$0x4] =	wrdreg s4;
	p0 =	por $0x1, $0x1;
	s8 =	sadd.s32 $0x1, s11  }
.LBB2_18:
0x1ba: {  	s0 =	simm.s32 $0x2  }
0x1bb: {  	_ =	swait.ge [sflag:s0], $0x0  }
0x1bc: {  	[sflag:s0] =	ssyncset.done $0x0;
	s0 =	simm.s32 $0x0  }
.LBB2_19:
0x1bd: {  	_ =	swait.ge [sflag:s14], s0  }
0x1be: {  	s31 =	ssub.s32 $0x0, s0;
	v1 =	vmov s20;
	vm0 =	veq.s32 v0, $0x0;
	[sflag:s14] =	ssyncset.done $0x0  }
0x1bf: {  	vm15 =	veq.s32 v0, $0x2;
	v1 =	vsel vm0, s24, v1;
	[sflag:s14] =	ssyncadd.s32 s31  }
0x1c0: {  	v1 =	vsel vm15, s18, v1;
	[sflag:s14] =	ssyncpa.u1 $0x1  }
0x1c1: {  	[tilespmem:$0x3648] =	vst v1  }
.LBB2_20:
0x1c2: {  	s0 =	sadd.s32 $0x1B0, s16  }
0x1c3: {  	s1 =	smov.u32 s4;
	p1 =	slt.s32 s0, s5  }
0x1c4: {  	s1 =	smov.u32 @p1 s0;
	p1 =	sne.s32 s17, s8  }
.Ltmp1:
0x1c5: {  	_ = 	snop;
	(pc) =	sbr.rel @!p1 .LBB2_21-.Ltmp1, $4  }
0x1c6: {  	_ = 	snop  }
0x1c7: {  	s18 =	smov.u32 s15  }
0x1c8: {  	s31 =	sadd.s32 $0x1, s17;
	s15 =	smov.u32 s16;
	p0 =	por !p0, !p0  }
0x1c9: {  	p4 =	por !p4, !p4;
	s17 =	smov.u32 s31;
	s16 =	smov.u32 s1  }
.LBB2_1:
0x1ca: {  	p2 =	sge.u32 s17, s11  }
0x1cb: {  	s0 =	smulhi.u32 @!p2 $0xAAAAAAAB, s17  }
0x1cc: {  	s19 =	smov.u32 s16;
	p3 =	sgt.s32 @!p2 s16, $0x50760  }
0x1cd: {  	s20 =	sshra.s32 @!p2 s16, $0x1F;
	p3 =	por !p3, p2;
	s0 =	sshrl.u32 @!p2 s0, $0x1  }
0x1ce: {  	s20 =	sand.u32 @!p2 s20, s16;
	s19 =	simm.s32 @p3 $0x50760;
	s0 =	smul.u32 @!p2 $0x3, s0  }
0x1cf: {  	s19 =	ssub.s32 @!p2 s19, s20  }
0x1d0: {  	s19 =	sadd.s32 @!p2 $0xFFFAF8A0, s19;
	s0 =	ssub.s32 @!p2 s17, s0  }
0x1d1: {  	s20 =	sshll.u32 @!p2 s19, $0x2;
	p3 =	sgt.s32 @!p2 s19, $0x1AF;
	s0 =	smul.u32 @!p2 $0x6C0, s0  }
0x1d2: {  	s21 =	sand.u32 @!p2 $0x7, s16;
	s19 =	ssub.s32 @!p2 $0x6C0, s20;
	p3 =	por !p3, p2  }
0x1d3: {  	s20 =	sshrl.u32 @!p2 s16, $0x3;
	s19 =	sshrl.u32 @!p2 s19, $0x2;
	s0 =	sshrl.u32 @!p2 s0, $0x2  }
0x1d4: {  	s20 =	sadd.s32 @!p2 s6, s20;
	s19 =	simm.s32 @!p3 $0x0;
	s0 =	sadd.s32 @!p2 $0x3878, s0  }
0x1d5: {  	[tilespmem:s0], [sflag:$0x8] =	stream.linear.gather @!p2 [hbm4b:s20+s21], s19, $0x38;
	[tilespmem:$0x1F0E8] =	vst v63  }
0x1d6: {  	s20 =	sadd.s32 $0xFFFFFFFF, s17  }
0x1d7: {  	p2 =	sge.u32 s20, s11  }
0x1d8: {  	p3 =	sgt.s32 @!p2 s15, $0x50760  }
0x1d9: {  	s0 =	smov.u32 s15;
	s19 =	sshra.s32 @!p2 s15, $0x1F;
	p3 =	por !p3, p2  }
0x1da: {  	s19 =	sand.u32 @!p2 s19, s15;
	s0 =	simm.s32 @p3 $0x50760  }
0x1db: {  	s0 =	ssub.s32 @!p2 s0, s19  }
0x1dc: {  	s0 =	sadd.s32 @!p2 $0xFFFAF8A0, s0  }
0x1dd: {  	s19 =	sshll.u32 @!p2 s0, $0x2  }
0x1de: {  	p3 =	sgt.s32 @!p2 s0, $0x1AF;
	s0 =	ssub.s32 @!p2 $0x6C0, s19  }
0x1df: {  	p3 =	por !p3, p2;
	s0 =	sshrl.u32 @!p2 s0, $0x2  }
0x1e0: {  	s21 =	simm.s32 @!p2 $0x8;
	s19 =	sand.u32 @!p2 $0x1, s20;
	s0 =	simm.s32 @!p3 $0x0  }
0x1e1: {  	s19 =	smul.u32 @!p2 $0x6C0, s19;
	_ =	swait.ge @!p2 [sflag:s21], s0  }
0x1e2: {  	s22 =	ssub.s32 @!p2 $0x0, s0;
	[sflag:s21] =	ssyncset.done @!p2 $0x0  }
0x1e3: {  	s19 =	sshrl.u32 @!p2 s19, $0x2;
	[sflag:s21] =	ssyncadd.s32 @!p2 s22;
	s21 =	sshrl.u32 @!p2 s15, $0x3  }
0x1e4: {  	s19 =	sadd.s32 @!p2 $0x3D88, s19;
	s22 =	sand.u32 @!p2 $0x7, s15;
	s21 =	sadd.s32 @!p2 s3, s21  }
0x1e5: {  	[tilespmem:s19], [sflag:$0x9] =	stream.linear.gather @!p2 [hbm4b:s21+s22], s0, $0x38;
	[tilespmem:$0x1F0E8] =	vst v63  }
0x1e6: {  	s19 =	ssub.s32 @!p2 $0x50910, s15  }
0x1e7: {  	p3 =	slt.s32 @!p2 s19, $0x1  }
0x1e8: {  	p3 =	por p2, p3  }
.Ltmp2:
0x1e9: {  	_ = 	snop;
	(pc) =	sbr.rel @p3 .LBB2_7-.Ltmp2, $1  }
0x1ea: {  	_ =	sdelay $0x3  }
0x1eb: {  	s0 =	smulhi.u32 $0xAAAAAAAB, s20;
	_ =	sdelay $0x1  }
0x1ec: {  	s0 =	sshrl.u32 s0, $0x1  }
0x1ed: {  	s0 =	smul.u32 $0x3, s0;
	_ =	sdelay $0x1  }
0x1ee: {  	s0 =	ssub.s32 s20, s0  }
0x1ef: {  	s21 =	simm.s32 $0x1;
	s0 =	smul.u32 $0x6C0, s0  }
.Ltmp3:
0x1f0: {  	s21 =	simm.s32 @!p0 $0x0;
	(pc) =	sbr.rel .LBB2_4-.Ltmp3, $4  }
0x1f1: {  	s31 =	smul.u32 $0x36000, s21  }
0x1f2: {  	p3 =	slt.s32 @!p2 s19, $0x1B0;
	s0 =	sshrl.u32 s0, $0x2  }
0x1f3: {  	p2 =	por !p3, p2;
	s20 =	sshrl.u32 s31, $0x2;
	s0 =	sadd.s32 $0x3878, s0  }
0x1f4: {  	s19 =	simm.s32 @p2 $0x1B0;
	s21 =	simm.s32 $0x0;
	s20 =	sadd.s32 $0x40E8, s20;
	v1 =	vmov s0  }
.LBB2_3:
0x1f5: {  	p2 =	sge.s32 s21, s19  }
.Ltmp4:
0x1f6: {  	_ = 	snop;
	(pc) =	sbr.rel @p2 .LBB2_7-.Ltmp4, $2  }
0x1f7: {  	_ =	sdelay $0x2  }
0x1f8: {  	s20 =	sadd.s32 $0x800, s20  }
.LBB2_4:
0x1f9: {  	p2 =	sle.s32 s19, s21  }
.Ltmp5:
0x1fa: {  	_ = 	snop;
	(pc) =	sbr.rel @p2 .LBB2_3-.Ltmp5, $2  }
0x1fb: {  	_ =	sdelay $0x2  }
0x1fc: {  	s22 =	smov.u32 s21;
	s21 =	sadd.s32 $0x10, s21  }
0x1fd: {  	s0 =	ssub.s32 s19, s22  }
0x1fe: {  	p2 =	slt.s32 s0, $0x10  }
0x1ff: {  	s0 =	simm.s32 @!p2 $0x10  }
0x200: {  	v2 =	vmov s0  }
0x201: {  	vm0 =	vgt.s32 v2, v0;
	_ =	sdelay $0x5  }
0x202: {  	v2 =	vld.idx.msk [tilespmem:v1+s22+$0x0 ss:$0x1], vm0;
	_ =	sdelay $0x2  }
0x203: {  	s23 =	smov.u32 s19;
	p2 =	slt.s32 s21, s19  }
0x204: {  	s24 =	smov.u32 s20;
	s25 =	simm.s32 $0x0;
	s23 =	smov.u32 @p2 s21  }
.LBB2_6:
0x205: {  	(v2sf) =	vpush v2, s25;
	_ =	sdelay $0xc  }
0x206: {  	s25 =	sadd.s32 $0x1, s25  }
0x207: {  	s31 =	sadd.s32 s25, s22  }
0x208: {  	p2 =	slt.s32 s31, s23;
	s0 =	spop (v2sf)  }
.Ltmp6:
0x209: {  	s0 =	sshll.u32 s0, $0x4;
	(pc) =	sbr.rel @p2 .LBB2_6-.Ltmp6, $4  }
0x20a: {  	s0 =	sand.u32 $0x1FFFFFF0, s0  }
0x20b: {  	s0 =	sadd.s32 s7, s0  }
0x20c: {  	[tilespmem:s24], [sflag:$0x7] =	stream.linear.gather [hbm4b:s0+s13], $0x10, $0x38;
	[tilespmem:$0x1F0E8] =	vst v63  }
0x20d: {  	s24 =	sadd.s32 $0x80, s24  }
.Ltmp7:
0x20e: {  	_ = 	snop;
	(pc) =	sbr.rel .LBB2_3-.Ltmp7, $1  }
0x20f: {  	_ =	sdelay $0x3  }
.LBB2_7:
0x210: {  	p2 =	slt.u32 s17, $0x2  }
.Ltmp8:
0x211: {  	_ = 	snop;
	(pc) =	sbr.rel @p2 .LBB2_20-.Ltmp8, $1  }
0x212: {  	_ =	sdelay $0x3  }
0x213: {  	p2 =	sgt.s32 s18, $0x50760;
	s0 =	smov.u32 s18  }
0x214: {  	s19 =	sshra.s32 s18, $0x1F;
	s20 =	ssub.s32 $0x50910, s18;
	s0 =	simm.s32 @!p2 $0x50760  }
0x215: {  	s19 =	sand.u32 s19, s18;
	p2 =	slt.s32 s20, $0x1B0;
	s21 =	smov.u32 s20  }
0x216: {  	s0 =	ssub.s32 s0, s19;
	s21 =	simm.s32 @!p2 $0x1B0  }
0x217: {  	s0 =	sadd.s32 $0xFFFAF8A0, s0;
	s26 =	sshll.u32 s21, $0x4  }
0x218: {  	s1 =	simm.s32 $0x7;
	s28 =	sshll.u32 s0, $0x2;
	s19 =	sand.u32 $0x3FFFFFF0, s26  }
0x219: {  	p2 =	sgt.s32 s0, $0x1AF;
	s29 =	ssub.s32 $0x6C0, s28;
	_ =	swait.ge [sflag:s1], s19  }
0x21a: {  	s19 =	ssub.s32 $0x0, s19;
	[sflag:s1] =	ssyncset.done $0x0;
	s0 =	sshrl.u32 s29, $0x2  }
0x21b: {  	s30 =	simm.s32 $0x9;
	[sflag:s1] =	ssyncadd.s32 s19;
	s0 =	simm.s32 @p2 $0x0  }
0x21c: {  	_ =	swait.ge [sflag:s30], s0  }
0x21d: {  	s0 =	ssub.s32 $0x0, s0;
	[sflag:s30] =	ssyncset.done $0x0  }
0x21e: {  	[sflag:s30] =	ssyncadd.s32 s0  }
0x21f: {  	v1 =	vld [tilespmem:$0x3648];
	_ =	sdelay $0x4  }
0x220: {  	(v2sf) =	vpush v1, $0x0  }
0x221: {  	(v2sf) =	vpush v1, $0x1  }
0x222: {  	(v2sf) =	vpush v1, $0x2;
	_ =	sdelay $0x3  }
0x223: {  	s0 =	sadd.s32 $0x1B0, s18  }
0x224: {  	p2 =	slt.s32 s5, s0  }
0x225: {  	s0 =	smov.u32 @p2 s5;
	p2 =	sgt.s32 s20, $0x0  }
0x226: {  	s22 =	ssub.s32 s0, s18;
	s20 =	simm.s32 @!p2 $0x0  }
0x227: {  	p2 =	slt.s32 s20, s22  }
0x228: {  	s22 =	smov.u32 @p2 s20  }
0x229: {  	s21 =	simm.s32 $0x1;
	p2 =	slt.s32 s22, $0x1  }
.Ltmp9:
0x22a: {  	s21 =	simm.s32 @!p4 $0x0;
	(pc) =	sbr.rel @p2 .LBB2_12-.Ltmp9, $4  }
0x22b: {  	s31 =	smul.u32 $0x6C0, s21  }
0x22c: {  	s23 =	spop (v2sf)  }
0x22d: {  	s0 =	sshrl.u32 s31, $0x2;
	s25 =	spop (v2sf)  }
0x22e: {  	s19 =	sadd.s32 $0x3D88, s0;
	s18 =	spop (v2sf)  }
0x22f: {  	s0 =	smin.u32 s22, $0x10  }
0x230: {  	v1 =	vmov s0  }
0x231: {  	p3 =	sgt.s32 s22, $0x10;
	vm1 =	vgt.u32 v1, v0  }
.Ltmp10:
0x232: {  	_ = 	snop;
	(pc) =	sbr.rel @!p3 .LBB2_11-.Ltmp10, $2  }
0x233: {  	_ =	sdelay $0x2  }
0x234: {  	s24 =	simm.s32 $0x10;
	s26 =	sadd.s32 $0xFFFFFFF0, s22;
	s20 =	smov.u32 s19;
	vm0 =	vmmov vm1  }
.LBB2_10:
0x235: {  	s0 =	smin.u32 s26, $0x10;
	s24 =	sadd.s32 $0x10, s24;
	v1 =	vld.msk [tilespmem:s20+$0x0 ss:$0x1], vm1  }
0x236: {  	v2 =	vmov s0;
	p3 =	slt.s32 s24, s22  }
0x237: {  	vm1 =	vgt.u32 v2, v0  }
.Ltmp11:
0x238: {  	(pc) =	sbr.rel @p3 .LBB2_10-.Ltmp11, $3  }
0x239: {  	_ =	sdelay $0x1  }
0x23a: {  	v1 =	vshll.u32 v1, $0x4  }
0x23b: {  	s26 =	sadd.s32 $0xFFFFFFF0, s26;
	[tilespmem:s20+$0x0] =	vst.msk vm0, v1;
	s20 =	sadd.s32 $0x10, s20;
	vm0 =	vmmov vm1  }
.LBB2_11:
0x23c: {  	_ =	sdelay $0x4  }
0x23d: {  	v1 =	vld.msk [tilespmem:s20+$0x0 ss:$0x1], vm1;
	_ =	sdelay $0x4  }
0x23e: {  	v1 =	vshll.u32 v1, $0x4  }
0x23f: {  	[tilespmem:s20+$0x0] =	vst.msk vm0, v1  }
.LBB2_12:
0x240: {  	s0 =	sand.u32 $0x1, s17  }
0x241: {  	s0 =	smul.u32 $0x1B0, s0  }
0x242: {  	p3 =	sne.s32 s25, $0xFFFFFFFF  }
0x243: {  	v1 =	vld.msk @!p3 [tilespmem:s0+$0x3D88], $0x1;
	_ =	sdelay $0x4  }
0x244: {  	(v2sf) =	vpush @!p3 v1, $0x0;
	_ =	sdelay $0xc  }
.Ltmp12:
0x245: {  	_ = 	snop;
	(pc) =	sbr.rel @p2 .LBB2_18-.Ltmp12, $4  }
0x246: {  	_ = 	snop  }
0x247: {  	s24 =	spop @!p3 (v2sf)  }
0x248: {  	s18 =	simm.s32 @!p3 $0x0;
	s20 =	smov.u32 s24  }
0x249: {  	[sflag:s14] =	ssyncpa.u1 $0x0;
	s24 =	smov.u32 @p3 s23;
	s20 =	smov.u32 @p3 s25  }
0x24a: {  	v1 =	vld.msk [tilespmem:s19+$0x0], $0x1;
	_ =	sdelay $0x4  }
0x24b: {  	(v2sf) =	vpush v1, $0x0;
	_ =	sdelay $0xd  }
0x24c: {  	s0 =	simm.s32 @!p4 $0x0  }
0x24d: {  	s26 =	smul.u32 $0x36000, s21;
	s25 =	ssub.s32 $0x0, s22;
	s28 =	spop (v2sf)  }
0x24e: {  	s0 =	simm.s32 @p4 $0x1;
	s23 =	sadd.s32 $0x1, s25;
	p2 =	seq.s32 s24, s28  }
0x24f: {  	[smem:$0x7FD] =	sst s0;
	s0 =	sshrl.u32 s26, $0x2;
	p3 =	sgt.s32 @!p2 s24, $0x0  }
0x250: {  	s21 =	sadd.s32 $0x40E8, s0;
	s0 =	smov.u32 s24;
	p3 =	por !p3, p2  }
0x251: {  	s0 =	simm.s32 @p3 $0x0;
	p3 =	seq.s32 s23, $0x0  }
.Ltmp13:
0x252: {  	_ = 	snop;
	(pc) =	sbr.rel @p3 .LBB2_15-.Ltmp13, $4  }
0x253: {  	s4 =	smov.u32 s8;
	s12 =	smov.u32 s6;
	s8 =	smov.u32 s3  }
0x254: {  	s22 =	simm.s32 $0x0;
	s29 =	simm.s32 @!p2 $0x1;
	s0 =	smin.u32 @!p2 s0, $0x270FE  }
0x255: {  	s30 =	simm.s32 @!p2 $0x1B38;
	s29 =	smov.u32 @p2 s22;
	s26 =	sand.u32 @!p2 $0x3FFF8, s0  }
0x256: {  	s31 =	sand.u32 @!p2 $0x7, s0;
	s0 =	sadd.s32 @!p2 s2, s26;
	s26 =	sadd.s32 $0x1, s19  }
.LBB2_14:
0x257: {  	s3 =	smov.u32 s29  }
0x258: {  	[tilespmem:s30], [sflag:$0x2] =	stream.linear.gather @!p2 [hbm4b:s0+s31], $0x10, $0x38;
	[tilespmem:$0x1F0E8] =	vst v63  }
0x259: {  	s23 =	sadd.s32 $0x1, s23;
	s0 =	smov.u32 s28;
	v1 =	vld.msk [tilespmem:s26+$0x0], $0x1  }
0x25a: {  	p3 =	seq.s32 s23, $0x0;
	_ =	sdelay $0x3  }
0x25b: {  	(v2sf) =	vpush v1, $0x0;
	_ =	sdelay $0xe  }
0x25c: {  	s28 =	spop (v2sf)  }
0x25d: {  	p2 =	seq.s32 s0, s28  }
0x25e: {  	p4 =	sgt.s32 @!p2 s0, $0x0;
	s30 =	sshll.u32 @!p2 s29, $0x6;
	s29 =	sadd.s32 @!p2 $0x1, s29  }
.Ltmp14:
0x25f: {  	p4 =	por !p4, p2;
	s30 =	sshra.s32 @!p2 s30, $0x2;
	(pc) =	sbr.rel @!p3 .LBB2_14-.Ltmp14, $4  }
0x260: {  	s29 =	smov.u32 @p2 s3;
	s0 =	simm.s32 @p4 $0x0;
	s30 =	sadd.s32 @!p2 $0x1B38, s30  }
0x261: {  	s0 =	smin.u32 @!p2 s0, $0x270FE  }
0x262: {  	s3 =	sand.u32 @!p2 $0x3FFF8, s0;
	s31 =	sand.u32 @!p2 $0x7, s0  }
0x263: {  	s26 =	sadd.s32 $0x1, s26;
	s0 =	sadd.s32 @!p2 s2, s3  }
.LBB2_15:
0x264: {  	[tilespmem:s30], [sflag:$0x2] =	stream.linear.gather @!p2 [hbm4b:s0+s31], $0x10, $0x38;
	[tilespmem:$0x1F0E8] =	vst v63  }
0x265: {  	s31 =	sshll.u32 s29, $0x4  }
0x266: {  	s1 =	simm.s32 $0x2;
	s0 =	sand.u32 $0x3FFFFFF0, s31  }
0x267: {  	_ =	swait.ge [sflag:s1], s0  }
0x268: {  	s0 =	ssub.s32 $0x0, s0;
	[sflag:s1] =	ssyncset.done $0x0  }
0x269: {  	[sflag:s1] =	ssyncadd.s32 s0  }
0x26a: {  	v1 =	vld.msk [tilespmem:s19+$0x0], $0x1;
	_ =	sdelay $0x4  }
0x26b: {  	(v2sf) =	vpush v1, $0x0;
	_ =	sdelay $0xe  }
0x26c: {  	s23 =	spop (v2sf)  }
0x26d: {  	p2 =	sne.s32 s24, s23  }
0x26e: {  	p4 =	sne.s32 @p2 s24, s20  }
0x26f: {  	p3 =	por !p4, !p2  }
0x270: {  	s0 =	simm.s32 @!p3 $0x0  }
0x271: {  	v1 =	vld @!p3 [tilespmem:s0+$0x1B38]  }
0x272: {  	p5 =	sgt.u32 @!p3 s24, $0x270FE  }
0x273: {  	s3 =	sshll.u32 @!p3 s18, $0x6;
	p6 =	por @p2 p5, !p4  }
0x274: {  	s3 =	sshra.s32 @!p3 s3, $0x2;
	p1 =	por p6, !p2;
	p6 =	por p4, !p2  }
0x275: {  	s26 =	sadd.s32 @!p3 $0x28, s3;
	s28 =	sand.u32 @!p1 $0x3FFF8, s24;
	s29 =	sshll.u32 @!p6 s18, $0x6  }
0x276: {  	s24 =	sand.u32 @!p1 $0x7, s24;
	[tilespmem:s3+$0x28] =	vst.add.f32.msk @!p3 $0xffff, v1;
	s3 =	sadd.s32 @!p1 s2, s28;
	s28 =	sshra.s32 @!p6 s29, $0x2  }
0x277: {  	[hbm4b:s3+s24] =	stream.linear.scatter @!p1 [tilespmem:s26], [sflag:$0xA], $0x10, $0x38;
	[tilespmem:$0x1F0E8] =	vst v63  }
0x278: {  	s0 =	rddreg [dreg:$0x3];
	s3 =	sadd.s32 @!p6 $0x28, s28;
	s24 =	simm.s32 @!p6 $0x1  }
0x279: {  	[spmem:s0] =	stream.linear.scatter @!p6 [tilespmem:s3], [sflag:$0x1], $0x10, $0x38;
	[tilespmem:$0x1F0E8] =	vst v63  }
0x27a: {  	s0 =	sadd.s32 @p2 $0x1, s18;
	_ =	swait.ge @!p6 [sflag:s24], $0x10  }
0x27b: {  	s3 =	sshrl.u32 @p2 s0, $0x4;
	[sflag:s24] =	ssyncset.done @!p6 $0x0  }
0x27c: {  	s3 =	smulhi.u32 @p2 $0x97B425F, s3;
	[sflag:s24] =	ssyncadd.s32 @!p6 $0xFFFFFFF0  }
0x27d: {  	s24 =	sadd.s32 $0x1, s25;
	v1 =	vld @p2 [tilespmem:s21+$0x0]  }
0x27e: {  	p1 =	por @p2 !p5, !p4;
	s3 =	smul.u32 @p2 $0x1B0, s3;
	p4 =	seq.s32 s24, $0x0  }
.Ltmp15:
0x27f: {  	p1 =	por !p1, !p2;
	s25 =	simm.s32 @!p3 $0x0;
	(pc) =	sbr.rel @p4 .LBB2_17-.Ltmp15, $4  }
0x280: {  	s26 =	sshll.u32 @!p2 s18, $0x6;
	s25 =	simm.s32 @!p1 $0x40;
	s0 =	ssub.s32 @p2 s0, s3  }
0x281: {  	s26 =	sshra.s32 @!p2 s26, $0x2;
	s28 =	sadd.s32 @!p3 $0x0, s25;
	s29 =	sshll.u32 @p2 s0, $0x4  }
0x282: {  	s25 =	simm.s32 $0x0;
	s3 =	simm.s32 @p2 $0x1;
	s28 =	smov.u32 @p3 s22;
	[tilespmem:s29+$0x28] =	vst @p2 v1  }
0x283: {  	s18 =	smov.u32 @p2 s0;
	s25 =	smov.u32 @p2 s28;
	s22 =	smov.u32 @p2 s3;
	v1 =	vld @!p2 [tilespmem:s21+$0x0]  }
.LBB2_16:
0x284: {  	_ =	sdelay $0x3  }
0x285: {  	s19 =	sadd.s32 $0x1, s19;
	[tilespmem:s26+$0x28] =	vst.add.f32.msk @!p2 $0xffff, v1  }
0x286: {  	v1 =	vld.msk [tilespmem:s19+$0x0], $0x1;
	_ =	sdelay $0x4  }
0x287: {  	(v2sf) =	vpush v1, $0x0;
	_ =	sdelay $0xe  }
0x288: {  	s0 =	smov.u32 s23;
	s23 =	spop (v2sf)  }
0x289: {  	p2 =	sne.s32 s0, s23  }
0x28a: {  	p5 =	sne.s32 @p2 s0, s20  }
0x28b: {  	p4 =	por !p5, !p2  }
0x28c: {  	s30 =	sshll.u32 @!p4 s22, $0x6  }
0x28d: {  	s30 =	sshra.s32 @!p4 s30, $0x2  }
0x28e: {  	p1 =	sgt.u32 @!p4 s0, $0x270FE;
	v1 =	vld @!p4 [tilespmem:s30+$0x1B38]  }
0x28f: {  	s31 =	sshll.u32 @!p4 s18, $0x6;
	p6 =	por @p2 p1, !p5;
	p1 =	por @p2 !p1, !p5  }
0x290: {  	s1 =	simm.s32 @!p4 $0x0;
	s31 =	sshra.s32 @!p4 s31, $0x2;
	p1 =	por !p1, !p2  }
0x291: {  	p5 =	por p5, !p2;
	s1 =	simm.s32 @!p1 $0x40;
	p1 =	por p6, !p2  }
0x292: {  	s30 =	sadd.s32 @!p4 $0x28, s31;
	s10 =	sshll.u32 @!p5 s18, $0x6;
	s9 =	sand.u32 @!p1 $0x3FFF8, s0  }
0x293: {  	s10 =	sshra.s32 @!p5 s10, $0x2;
	s0 =	sand.u32 @!p1 $0x7, s0;
	s9 =	sadd.s32 @!p1 s2, s9;
	[tilespmem:s31+$0x28] =	vst.add.f32.msk @!p4 $0xffff, v1  }
0x294: {  	[hbm4b:s9+s0] =	stream.linear.scatter @!p1 [tilespmem:s30], [sflag:$0xA], $0x10, $0x38;
	[tilespmem:$0x1F0E8] =	vst v63  }
0x295: {  	s3 =	rddreg [dreg:$0x3];
	s0 =	sadd.s32 @!p5 $0x28, s10;
	s9 =	simm.s32 @!p5 $0x1  }
0x296: {  	[spmem:s3] =	stream.linear.scatter @!p5 [tilespmem:s0], [sflag:$0x1], $0x10, $0x38;
	[tilespmem:$0x1F0E8] =	vst v63  }
0x297: {  	s28 =	sadd.s32 @p2 $0x1, s18;
	_ =	swait.ge @!p5 [sflag:s9], $0x10  }
0x298: {  	s29 =	sshrl.u32 @p2 s28, $0x4;
	[sflag:s9] =	ssyncset.done @!p5 $0x0  }
0x299: {  	s21 =	sadd.s32 $0x80, s21;
	s29 =	smulhi.u32 @p2 $0x97B425F, s29;
	[sflag:s9] =	ssyncadd.s32 @!p5 $0xFFFFFFF0  }
0x29a: {  	s24 =	sadd.s32 $0x1, s24;
	v1 =	vld @p2 [tilespmem:s21+$0x0]  }
0x29b: {  	p3 =	seq.s32 s24, $0x0;
	s29 =	smul.u32 @p2 $0x1B0, s29  }
.Ltmp16:
0x29c: {  	_ = 	snop;
	(pc) =	sbr.rel @!p3 .LBB2_16-.Ltmp16, $4  }
0x29d: {  	s28 =	ssub.s32 @p2 s28, s29  }
0x29e: {  	s26 =	sshll.u32 @!p2 s18, $0x6;
	s1 =	sadd.s32 @!p4 s1, s25;
	s10 =	sshll.u32 @p2 s28, $0x4  }
0x29f: {  	s6 =	sadd.s32 @p2 $0x1, s22;
	s26 =	sshra.s32 @!p2 s26, $0x2;
	s1 =	smov.u32 @p4 s25;
	[tilespmem:s10+$0x28] =	vst @p2 v1  }
0x2a0: {  	s22 =	smov.u32 @p2 s6;
	s18 =	smov.u32 @p2 s28;
	s25 =	smov.u32 @p2 s1;
	v1 =	vld @!p2 [tilespmem:s21+$0x0]  }
.LBB2_17:
.Ltmp17:
0x2a1: {  	_ = 	snop;
	(pc) =	sbr.rel .LBB2_19-.Ltmp17, $4  }
0x2a2: {  	s1 =	sld [smem:$0x7FD]  }
0x2a3: {  	s0 =	sshrl.u32 s25, $0x2  }
0x2a4: {  	s24 =	smov.u32 s23;
	s3 =	smov.u32 s8;
	s6 =	smov.u32 s12  }
0x2a5: {  	s8 =	smov.u32 s4;
	s4 =	rddreg [dreg:$0x4];
	p4 =	seq.s32 s1, $0x1;
	[tilespmem:s26+$0x28] =	vst.add.f32.msk @!p2 $0xffff, v1  }
.LBB2_21:
0x2a6: {  	_ =	sfence.sel $0x180000  }
0x2a7: {  	s0 =	simm.s32 $0x7;
	[bflag:$0x0] =	sbarrier.arrive $0xFFFF  }
0x2a8: {  	s25 =	simm.s32 $0x8;
	[sflag:s0] =	ssyncpa.u1 $0x1  }
0x2a9: {  	s26 =	simm.s32 $0x9;
	[sflag:s25] =	ssyncpa.u1 $0x1  }
0x2aa: {  	s28 =	simm.s32 $0x2;
	[sflag:s26] =	ssyncpa.u1 $0x1  }
0x2ab: {  	[sflag:s28] =	ssyncpa.u1 $0x1  }
0x2ac: {  	v0 =	vld [tilespmem:$0x3648];
	_ =	sdelay $0x4  }
0x2ad: {  	(v2sf) =	vpush v0, $0x0  }
0x2ae: {  	(v2sf) =	vpush v0, $0x1;
	_ =	sdelay $0x1  }
0x2af: {  	(v2sf) =	vpush v0, $0x2;
	_ =	sdelay $0xb  }
0x2b0: {  	s0 =	spop (v2sf)  }
0x2b1: {  	s1 =	spop (v2sf)  }
0x2b2: {  	s3 =	smov.u32 s0;
	p0 =	sne.s32 s0, s1  }
0x2b3: {  	s4 =	spop (v2sf);
	s3 =	simm.s32 @!p0 $0xFFFFFFFF  }
0x2b4: {  	v2 =	vimm.s32 $0x1;
	v3 =	vlaneseq.u32;
	p0 =	seq.s32 s4, $0xFFFFFFFF;
	v1 =	vmov s3  }
0x2b5: {  	s7 =	stileid.u32;
	v0 =	vperm.xlane v0, v2;
	p1 =	sne.s32 @!p0 s0, s1;
	v1 =	vperm.xlane v1, v3  }
0x2b6: {  	vm0 =	vcmask $0x3F04;
	s6 =	simm.s32 $0x3648;
	s0 =	simm.s32 @!p0 $0x1;
	p1 =	por !p1, p0  }
0x2b7: {  	s3 =	sshll.u32 s7, $0x1;
	s1 =	sshll.u32 @!p0 s4, $0x6;
	s0 =	simm.s32 @p1 $0x0;
	v0 =	vsel vm0, v1, v0  }
0x2b8: {  	s5 =	sor.u32 $0x200, s3;
	s1 =	sshra.s32 @!p0 s1, $0x2;
	s0 =	sor.u32 @!p0 s0, s3;
	[tilespmem:$0x3648] =	vst v0  }
0x2b9: {  	[spmem:s5] =	stream.linear.scatter [tilespmem:s6], [sflag:$0x1], $0x2, $0x38;
	[tilespmem:$0x1F0E8] =	vst v63  }
0x2ba: {  	s1 =	sadd.s32 @!p0 $0x28, s1;
	s0 =	sshll.u32 @!p0 s0, $0x4  }
0x2bb: {  	[spmem:s0] =	stream.linear.scatter @!p0 [tilespmem:s1], [sflag:$0x1], $0x10, $0x38;
	[tilespmem:$0x1F0E8] =	vst v63  }
0x2bc: {  	s0 =	simm.s32 @!p0 $0x12  }
0x2bd: {  	s1 =	simm.s32 $0x1;
	s0 =	simm.s32 @p0 $0x2  }
0x2be: {  	_ =	swait.ge [sflag:s1], s0  }
0x2bf: {  	s0 =	ssub.s32 $0x0, s0;
	[sflag:s1] =	ssyncset.done $0x0  }
0x2c0: {  	[sflag:s1] =	ssyncadd.s32 s0  }
0x2c1: {  	_ =	sfence.stream.spmem  }
0x2c2: {  	s29 =	simm.s32 $0x3;
	[bflag:$0x0] =	sbarrier.arrive $0xFFFF  }
0x2c3: {  	s30 =	simm.s32 $0x4;
	[sflag:s29] =	ssyncpa.u1 $0x1  }
0x2c4: {  	s31 =	simm.s32 $0x3C;
	[sflag:s30] =	ssyncpa.u1 $0x1  }
0x2c5: {  	p0 =	sne.s32 s7, $0x0;
	[sflag:s31] =	ssyncpa.u1 $0x1  }
0x2c6: {  	_ =	sfence @p0  }
0x2c7: {  	[sflag:s1] =	ssyncpa.u1 @p0 $0x1  }
0x2c8: {  	_ =	strace @p0 $0x9000004D  }
0x2c9: {  	[bflag:$0x2] =	sbarrier.arrive @p0 $0xFFFF  }
0x2ca: {  	_ =	shalt @p0  }
.LBB2_22:
0x2cb: {  	_ =	sfence.stream.spmem;
	s0 =	simm.s32 $0x5  }
0x2cc: {  	s1 =	simm.s32 $0x200;
	s3 =	simm.s32 $0x3658;
	[sflag:s0] =	ssyncpa.u1 $0x0  }
0x2cd: {  	[tilespmem:s3], [sflag:$0x5] =	stream.linear.gather [spmem:s1], $0x20, $0x38;
	[tilespmem:$0x1F0E8] =	vst v63  }
0x2ce: {  	s30 =	simm.s32 $0x3678;
	s1 =	simm.s32 $0x0  }
0x2cf: {  	[tilespmem:s30], [sflag:$0x5] =	stream.linear.gather [spmem:s1], $0x200, $0x38;
	[tilespmem:$0x1F0E8] =	vst v63  }
.Ltmp18:
0x2d0: {  	_ = 	snop;
	(pc) =	sbr.rel .LBB2_23-.Ltmp18, $4  }
0x2d1: {  	_ =	swait.ge [sflag:s0], $0x220  }
0x2d2: {  	[sflag:s0] =	ssyncset.done $0x0  }
0x2d3: {  	s31 =	simm.s32 $0x6;
	[sflag:s0] =	ssyncadd.s32 $0xFFFFFDE0  }
0x2d4: {  	s3 =	simm.s32 $0x0;
	[sflag:s31] =	ssyncpa.u1 $0x0  }
.LBB2_28:
0x2d5: {  	p0 =	slt.u32 s4, $0x270FF  }
0x2d6: {  	s0 =	sand.u32 @p0 $0x3FFF8, s4  }
0x2d7: {  	s4 =	sand.u32 @p0 $0x7, s4;
	s5 =	simm.s32 @p0 $0x3638;
	s0 =	sadd.s32 @p0 s2, s0  }
0x2d8: {  	[tilespmem:s5], [sflag:$0x6] =	stream.linear.gather @p0 [hbm4b:s0+s4], $0x10, $0x38;
	[tilespmem:$0x1F0E8] =	vst v63  }
0x2d9: {  	s0 =	simm.s32 @p0 $0x6  }
0x2da: {  	_ =	swait.ge @p0 [sflag:s0], $0x10  }
0x2db: {  	[sflag:s0] =	ssyncset.done @p0 $0x0  }
0x2dc: {  	[sflag:s0] =	ssyncadd.s32 @p0 $0xFFFFFFF0  }
0x2dd: {  	v1 =	vld @p0 [tilespmem:$0x3638];
	_ =	sdelay $0x2  }
0x2de: {  	s0 =	sshll.u32 @p0 s3, $0x6  }
0x2df: {  	s5 =	sshll.u32 @!p0 s3, $0x6;
	s4 =	sshrl.u32 @p0 s0, $0x2  }
0x2e0: {  	s5 =	smov.u32 @p0 s0;
	[tilespmem:s4+$0x3678] =	vst.add.f32.msk @p0 $0xffff, v1  }
0x2e1: {  	s0 =	sshrl.u32 s5, $0x2;
	[tilespmem:s1+$0x3658] =	vst.msk $0x1, v0  }
0x2e2: {  	v0 =	vld [tilespmem:s0+$0x3678];
	_ =	sdelay $0x2  }
0x2e3: {  	s31 =	sshll.u32 s1, $0x6  }
0x2e4: {  	s0 =	sshra.s32 s31, $0x2  }
0x2e5: {  	s1 =	sadd.s32 $0x1, s1;
	[tilespmem:s0+$0x3678] =	vst v0  }
.LBB2_30:
0x2e6: {  	s3 =	sadd.s32 $0x1, s3  }
0x2e7: {  	p0 =	sne.s32 s3, $0x20  }
.Ltmp19:
0x2e8: {  	_ = 	snop;
	(pc) =	sbr.rel @!p0 .LBB2_31-.Ltmp19, $1  }
0x2e9: {  	_ =	sdelay $0x3  }
.LBB2_23:
0x2ea: {  	v0 =	vld.msk [tilespmem:s3+$0x3658], $0x1;
	_ =	sdelay $0x4  }
0x2eb: {  	(v2sf) =	vpush v0, $0x0;
	_ =	sdelay $0xe  }
0x2ec: {  	s4 =	spop (v2sf)  }
0x2ed: {  	p0 =	seq.s32 s4, $0xFFFFFFFF  }
.Ltmp20:
0x2ee: {  	_ = 	snop;
	(pc) =	sbr.rel @p0 .LBB2_30-.Ltmp20, $1  }
0x2ef: {  	_ =	sdelay $0x3  }
0x2f0: {  	p0 =	slt.s32 s1, $0x1  }
.Ltmp21:
0x2f1: {  	_ = 	snop;
	(pc) =	sbr.rel @p0 .LBB2_28-.Ltmp21, $1  }
0x2f2: {  	_ =	sdelay $0x3  }
0x2f3: {  	s5 =	simm.s32 $0x3658;
	p0 =	por $0x0, $0x0  }
0x2f4: {  	v1 =	vld.msk @!p0 [tilespmem:s5+$0x0], $0x1;
	_ =	sdelay $0x4  }
0x2f5: {  	(v2sf) =	vpush @!p0 v1, $0x0;
	_ =	sdelay $0xd  }
0x2f6: {  	p2 =	sne.s32 s1, $0x1  }
.Ltmp22:
0x2f7: {  	s0 =	spop @!p0 (v2sf);
	(pc) =	sbr.rel @!p2 .LBB2_27-.Ltmp22, $4  }
0x2f8: {  	p1 =	seq.s32 @!p0 s4, s0  }
0x2f9: {  	s6 =	simm.s32 $0x0;
	p1 =	por !p1, p0  }
0x2fa: {  	s0 =	simm.s32 $0xFFFFFFFF;
	s6 =	simm.s32 @p1 $0xFFFFFFFF  }
0x2fb: {  	s7 =	simm.s32 $0x1;
	s6 =	smov.u32 @p0 s0  }
.LBB2_26:
0x2fc: {  	s0 =	smov.u32 s6;
	p0 =	sne.s32 s6, $0xFFFFFFFF  }
0x2fd: {  	s5 =	sadd.s32 $0x1, s5;
	s6 =	smov.u32 s7;
	s7 =	sadd.s32 $0x1, s7  }
0x2fe: {  	p1 =	sne.s32 s1, s7;
	v1 =	vld.msk @!p0 [tilespmem:s5+$0x0], $0x1;
	_ =	sdelay $0x4  }
0x2ff: {  	(v2sf) =	vpush @!p0 v1, $0x0;
	_ =	sdelay $0xe  }
.Ltmp23:
0x300: {  	s8 =	spop @!p0 (v2sf);
	(pc) =	sbr.rel @p1 .LBB2_26-.Ltmp23, $4  }
0x301: {  	p2 =	seq.s32 @!p0 s4, s8  }
0x302: {  	p2 =	por !p2, p0  }
0x303: {  	s6 =	simm.s32 @p2 $0xFFFFFFFF  }
0x304: {  	s6 =	smov.u32 @p0 s0  }
.LBB2_27:
0x305: {  	p0 =	sne.s32 s6, $0xFFFFFFFF  }
.Ltmp24:
0x306: {  	_ = 	snop;
	(pc) =	sbr.rel @!p0 .LBB2_28-.Ltmp24, $1  }
0x307: {  	_ =	sdelay $0x3  }
0x308: {  	s0 =	sshll.u32 s3, $0x4  }
0x309: {  	s0 =	sand.u32 $0x3FFFFFF0, s0  }
0x30a: {  	v0 =	vld [tilespmem:s0+$0x3678]  }
.Ltmp25:
0x30b: {  	_ = 	snop;
	(pc) =	sbr.rel .LBB2_30-.Ltmp25, $4  }
0x30c: {  	_ = 	snop  }
0x30d: {  	s31 =	sshll.u32 s6, $0x6  }
0x30e: {  	s0 =	sshra.s32 s31, $0x2  }
0x30f: {  	[tilespmem:s0+$0x3678] =	vst.add.f32.msk $0xffff, v0  }
.LBB2_31:
0x310: {  	p0 =	slt.s32 s1, $0x1  }
.Ltmp26:
0x311: {  	_ = 	snop;
	(pc) =	sbr.rel @p0 .LBB2_35-.Ltmp26, $3  }
0x312: {  	_ =	sdelay $0x1  }
0x313: {  	s0 =	simm.s32 $0x6  }
0x314: {  	s3 =	simm.s32 $0x0;
	[sflag:s0] =	ssyncpa.u1 $0x1  }
0x315: {  	s0 =	simm.s32 $0x3658  }
0x316: {  	v0 =	vld.msk [tilespmem:s0+$0x0], $0x1;
	_ =	sdelay $0x4  }
0x317: {  	(v2sf) =	vpush v0, $0x0;
	_ =	sdelay $0xd  }
0x318: {  	s1 =	sadd.s32 $0xFFFFFFFF, s1  }
0x319: {  	p1 =	sne.s32 s1, $0x0;
	s0 =	spop (v2sf)  }
.Ltmp27:
0x31a: {  	p0 =	sgt.u32 s0, $0x270FE;
	(pc) =	sbr.rel @!p1 .LBB2_34-.Ltmp27, $4  }
0x31b: {  	s4 =	simm.s32 $0x3678;
	s5 =	sand.u32 @!p0 $0x3FFF8, s0  }
0x31c: {  	s6 =	simm.s32 $0x0;
	s0 =	sand.u32 @!p0 $0x7, s0;
	s5 =	sadd.s32 @!p0 s2, s5  }
0x31d: {  	[hbm4b:s5+s0] =	stream.linear.scatter @!p0 [tilespmem:s4], [sflag:$0x5], $0x10, $0x38;
	[tilespmem:$0x1F0E8] =	vst v63  }
0x31e: {  	s6 =	simm.s32 @!p0 $0x40;
	s5 =	simm.s32 $0x3659  }
.LBB2_33:
0x31f: {  	v0 =	vld.msk [tilespmem:s5+$0x0], $0x1;
	s1 =	sadd.s32 $0xFFFFFFFF, s1;
	s3 =	sadd.s32 s3, s6  }
0x320: {  	p0 =	sne.s32 s1, $0x0;
	_ =	sdelay $0x3  }
0x321: {  	(v2sf) =	vpush v0, $0x0;
	_ =	sdelay $0xe  }
.Ltmp28:
0x322: {  	s0 =	spop (v2sf);
	(pc) =	sbr.rel @p0 .LBB2_33-.Ltmp28, $4  }
0x323: {  	s6 =	simm.s32 $0x0;
	p1 =	sgt.u32 s0, $0x270FE  }
0x324: {  	s4 =	sadd.s32 $0x10, s4;
	s6 =	simm.s32 @!p1 $0x40;
	s7 =	sand.u32 @!p1 $0x3FFF8, s0  }
0x325: {  	s5 =	sadd.s32 $0x1, s5;
	s0 =	sand.u32 @!p1 $0x7, s0;
	s7 =	sadd.s32 @!p1 s2, s7  }
0x326: {  	[hbm4b:s7+s0] =	stream.linear.scatter @!p1 [tilespmem:s4], [sflag:$0x5], $0x10, $0x38;
	[tilespmem:$0x1F0E8] =	vst v63  }
.LBB2_34:
0x327: {  	s0 =	sadd.s32 s3, s6  }
0x328: {  	s3 =	sshrl.u32 s0, $0x2  }
.LBB2_35:
0x329: {  	s0 =	simm.s32 $0x5  }
0x32a: {  	_ =	swait.ge [sflag:s0], s3  }
0x32b: {  	s1 =	ssub.s32 $0x0, s3;
	[sflag:s0] =	ssyncset.done $0x0  }
0x32c: {  	[sflag:s0] =	ssyncadd.s32 s1  }
0x32d: {  	[sflag:s0] =	ssyncpa.u1 $0x1  }
0x32e: {  	s30 =	simm.s32 $0x1;
	_ =	sfence  }
0x32f: {  	[sflag:s30] =	ssyncpa.u1 $0x1  }
0x330: {  	_ =	strace $0x9000004D  }
0x331: {  	[bflag:$0x2] =	sbarrier.arrive $0xFFFF  }
0x332: {  	s31 =	rddreg [dreg:$0x2]  }
0x333: {  	s0 =	sadd.s32 $0x100000, s31  }
0x334: {  	[sflag:s0] =	ssyncadd.tile.s32 $0x1;
	_ =	shalt  }
.Lfunc_end2:
_tile_overlayer_lowered:
.L_overlay_start_2:
0x335: {  	(tag) =	ssettag $0x2  }
0x336: {  	s0 =	rddreg [dreg:$0x0];
	s2 =	stileid.u32  }
0x337: {  	s1 =	rddreg [dreg:$0x1];
	p0 =	sne.s32 s2, $0x0  }
0x338: {  	s3 =	rddreg [dreg:$0x2];
	[bflag:$0x3] =	sbarrier.arrive $0xFFFF;
	s2 =	simm.s32 @!p0 $0x1C01  }
0x339: {  	[timem:s3], [sflag:s2] =	dma.local @!p0 [hbm:s0], s1  }
0x33a: {  	s0 =	simm.s32 @!p0 $0x1  }
0x33b: {  	_ =	swait.ge @!p0 [sflag:s0], s1  }
0x33c: {  	s1 =	ssub.s32 @!p0 $0x0, s1;
	[sflag:s0] =	ssyncset.done @!p0 $0x0  }
0x33d: {  	[sflag:s0] =	ssyncadd.s32 @!p0 s1  }
0x33e: {  	[bflag:$0x3] =	sbarrier.arrive $0xFFFF  }
0x33f: {  	_ =	shalt  }

// kernel: scatter_offload_async_start
scs
__scs_entry_jumppad:
0x0: {  	(pc) =	sbr.rel $0x88, $3  }
0x1: {  	(tag) =	ssettag $0x0;
	lr =	simm.s32 $0x1  }
0x2: {  	[smem:$0x3F9B] =	sst lr;
	_ =	strace $0xD0000000  }
0x3: {  	_ = 	snop  }
0x4: {  	_ = 	snop  }
0x5: {  	_ = 	snop  }
0x6: {  	_ = 	snop  }
0x7: {  	_ = 	snop  }
__scs_overlays_trampoline_lowered:
0x8: {  	[smem:$0x3FAA] =	sst s0  }
0x9: {  	[smem:$0x3FAB] =	sst s1  }
0xa: {  	[smem:$0x3FAC] =	sst s2  }
0xb: {  	[smem:$0x3FAD] =	sst s3  }
0xc: {  	[smem:$0x3FAE] =	sst s4  }
0xd: {  	[smem:$0x3FAF] =	sst s5  }
0xe: {  	[smem:$0x3FB0] =	sst s6  }
0xf: {  	[smem:$0x3FB1] =	sst s7  }
0x10: {  	[smem:$0x3FB2] =	sst s8  }
0x11: {  	[smem:$0x3FB3] =	sst s9;
	s0 =	simm.s32 @!p0 $0x0  }
0x12: {  	s1 =	sld [smem:$0x3F99];
	s0 =	simm.s32 @p0 $0x1  }
0x13: {  	[smem:$0x3FB4] =	sst s0;
	s0 =	simm.s32 @!p1 $0x0  }
0x14: {  	s2 =	sld [smem:$0x3F98];
	s0 =	simm.s32 @p1 $0x1  }
0x15: {  	[smem:$0x3FB5] =	sst s0;
	s0 =	simm.s32 @!p2 $0x0  }
0x16: {  	s3 =	sld [smem:$0x3FDB];
	s0 =	simm.s32 @p2 $0x1  }
0x17: {  	s4 =	simm.s32 $0x1BF5;
	[smem:$0x3FB7] =	sst s0  }
0x18: {  	s0 =	sld [smem:$0x3F9A];
	_ =	swait.ge [sflag:s4], $0x0  }
0x19: {  	s7 =	sld [smem:$0x3F9B]  }
0x1a: {  	s8 =	sadd.s32 $0xFFFFE003, lr  }
0x1b: {  	s9 =	sadd.s32 $0xFFFFFEF7, lr;
	s5 =	simm.s32 $0xFFFFFFFF;
	p2 =	slt.u32 s8, $0xFFFFF086  }
0x1c: {  	p1 =	slt.u32 s9, $0xF7A;
	s5 =	simm.s32 @!p2 $0x0  }
0x1d: {  	s5 =	simm.s32 @p1 $0x1;
	p0 =	seq.s32 s7, s2  }
0x1e: {  	s7 =	smul.u32 @!p0 $0xF7A, s2;
	p2 =	seq.s32 @!p0 s5, $0x0  }
0x1f: {  	s9 =	smul.u32 $0xF7A, s1;
	s8 =	simm.s32 @!p0 $0x1BF5;
	p2 =	por !p2, p0  }
0x20: {  	[sflag:s8] =	ssyncset.s32 @!p0 $0xFFFFF086;
	s6 =	sadd.s32 @!p0 s3, s7;
	s7 =	simm.s32 @!p0 $0x108  }
0x21: {  	s3 =	sadd.s32 s3, s9;
	s6 =	sadd.s32 @!p0 $0x88, s6;
	s7 =	simm.s32 @p2 $0x1082  }
0x22: {  	[simem:s7], [sflag:s8] =	dma.local @!p0 [hbm:s6], $0xF7A  }
0x23: {  	s9 =	sor.u32 $0xD0000000, s2;
	s6 =	simm.s32 $0x108;
	_ =	swait.ge @!p0 [sflag:s8], $0x0  }
0x24: {  	s3 =	sadd.s32 $0x88, s3;
	s6 =	simm.s32 @!p1 $0x1082;
	[sflag:s4] =	ssyncset.s32 $0xFFFFF086  }
0x25: {  	[simem:s6], [sflag:s4] =	dma.local [hbm:s3], $0xF7A  }
0x26: {  	[smem:$0x3F9B] =	sst s1;
	(tag) =	ssettag s2;
	_ =	strace s9  }
0x27: {  	s1 =	sld [smem:$0x3FAB]  }
0x28: {  	s2 =	sld [smem:$0x3FAC]  }
0x29: {  	s4 =	sld [smem:$0x3FAE]  }
0x2a: {  	p0 =	seq.s32 s5, $0x0;
	s5 =	sld [smem:$0x3FAF]  }
0x2b: {  	s6 =	sld [smem:$0x3FB0]  }
0x2c: {  	s7 =	sld [smem:$0x3FB1]  }
0x2d: {  	s3 =	simm.s32 $0x108;
	s8 =	sld [smem:$0x3FB2]  }
0x2e: {  	s3 =	simm.s32 @!p0 $0x1082;
	s9 =	sld [smem:$0x3FB3]  }
0x2f: {  	lr =	sadd.s32 s0, s3;
	s0 =	sld [smem:$0x3FAA]  }
0x30: {  	s3 =	sld [smem:$0x3FAD]  }
0x31: {  	[smem:$0x3FB6] =	sst s10  }
0x32: {  	s10 =	sld [smem:$0x3FB4];
	_ =	sdelay $0x3  }
0x33: {  	p0 =	seq.s32 s10, $0x1;
	s10 =	sld [smem:$0x3FB6];
	_ =	sdelay $0x3  }
0x34: {  	[smem:$0x3FB6] =	sst s10  }
0x35: {  	s10 =	sld [smem:$0x3FB5];
	_ =	sdelay $0x3  }
0x36: {  	p1 =	seq.s32 s10, $0x1;
	s10 =	sld [smem:$0x3FB6];
	_ =	sdelay $0x3  }
0x37: {  	[smem:$0x3FB6] =	sst s10  }
0x38: {  	s10 =	sld [smem:$0x3FB7]  }
0x39: {  	_ = 	snop;
	(pc) =	sbr.ind lr, $3  }
0x3a: {  	_ = 	snop  }
0x3b: {  	_ = 	snop  }
0x3c: {  	p2 =	seq.s32 s10, $0x1;
	s10 =	sld [smem:$0x3FB6]  }
0x3d: {  	_ =	shalt  }
0x3e: {  	_ =	shalt  }
0x3f: {  	_ =	shalt  }
0x40: {  	_ =	shalt  }
0x41: {  	_ =	shalt  }
0x42: {  	_ =	shalt  }
0x43: {  	_ =	shalt  }
0x44: {  	_ =	shalt  }
0x45: {  	_ =	shalt  }
0x46: {  	_ =	shalt  }
0x47: {  	_ =	shalt  }
0x48: {  	_ =	shalt  }
0x49: {  	_ =	shalt  }
0x4a: {  	_ =	shalt  }
0x4b: {  	_ =	shalt  }
0x4c: {  	_ =	shalt  }
0x4d: {  	_ =	shalt  }
0x4e: {  	_ =	shalt  }
0x4f: {  	_ =	shalt  }
0x50: {  	_ =	shalt  }
0x51: {  	_ =	shalt  }
0x52: {  	_ =	shalt  }
0x53: {  	_ =	shalt  }
0x54: {  	_ =	shalt  }
0x55: {  	_ =	shalt  }
0x56: {  	_ =	shalt  }
0x57: {  	_ =	shalt  }
0x58: {  	_ =	shalt  }
0x59: {  	_ =	shalt  }
0x5a: {  	_ =	shalt  }
0x5b: {  	_ =	shalt  }
0x5c: {  	_ =	shalt  }
0x5d: {  	_ =	shalt  }
0x5e: {  	_ =	shalt  }
0x5f: {  	_ =	shalt  }
0x60: {  	_ =	shalt  }
0x61: {  	_ =	shalt  }
0x62: {  	_ =	shalt  }
0x63: {  	_ =	shalt  }
0x64: {  	_ =	shalt  }
0x65: {  	_ =	shalt  }
0x66: {  	_ =	shalt  }
0x67: {  	_ =	shalt  }
0x68: {  	_ =	shalt  }
0x69: {  	_ =	shalt  }
0x6a: {  	_ =	shalt  }
0x6b: {  	_ =	shalt  }
0x6c: {  	_ =	shalt  }
0x6d: {  	_ =	shalt  }
0x6e: {  	_ =	shalt  }
0x6f: {  	_ =	shalt  }
0x70: {  	_ =	shalt  }
0x71: {  	_ =	shalt  }
0x72: {  	_ =	shalt  }
0x73: {  	_ =	shalt  }
0x74: {  	_ =	shalt  }
0x75: {  	_ =	shalt  }
0x76: {  	_ =	shalt  }
0x77: {  	_ =	shalt  }
0x78: {  	_ =	shalt  }
0x79: {  	_ =	shalt  }
0x7a: {  	_ =	shalt  }
0x7b: {  	_ =	shalt  }
0x7c: {  	_ =	shalt  }
0x7d: {  	_ =	shalt  }
0x7e: {  	_ =	shalt  }
0x7f: {  	_ =	shalt  }
0x80: {  	_ =	shalt  }
0x81: {  	_ =	shalt  }
0x82: {  	_ =	shalt  }
0x83: {  	_ =	shalt  }
0x84: {  	_ =	shalt  }
0x85: {  	_ =	shalt  }
0x86: {  	_ =	shalt  }
0x87: {  	_ =	shalt  }
.Lfunc_end0:
.L_simem_size_0:
called_computation_lowered:
.L_overlay_start_0:
0x88: {  	s0 =	sld [smem:$0x3FD9]  }
0x89: {  	s1 =	sld [smem:$0x3FFE];
	_ =	sdelay $0x3  }
0x8a: {  	s0 =	sadd.s32 s1, s0  }
0x8b: {  	[smem:$0x3FC2] =	sst s0  }
0x8c: {  	_ = 	snop  }
0x8d: {  	s0 =	sld [smem:$0x3FD0];
	_ =	sdelay $0x2  }
0x8e: {  	s13 =	simm.s32 $0xB;
	s2 =	simm.s32 $0x10  }
0x8f: {  	[smem:s2], [sflag:s13] =	dma.local [hbm:s0], $0x1  }
0x90: {  	_ =	swait.eq [sflag:s13], $0x1  }
0x91: {  	[sflag:s13] =	ssyncset.done $0x0  }
0x92: {  	[sflag:s13] =	ssyncadd.s32 $0xFFFFFFFF  }
0x93: {  	s14 =	sld [smem:$0x11];
	(tm) =	ssettm $0x1  }
0x94: {  	s15 =	sld [smem:$0x3FFB];
	_ =	sdelay $0x3  }
0x95: {  	_ =	strace s15  }
0x96: {  	s1 =	sld [smem:$0x3FFC];
	_ =	sdelay $0x3  }
0x97: {  	_ =	strace s1  }
0x98: {  	s1 =	sld [smem:$0x3FFD];
	_ =	sdelay $0x3  }
0x99: {  	_ =	strace s1  }
0x9a: {  	_ =	strace $0x8FFFFFFF  }
0x9b: {  	s16 =	sld [smem:$0x3FDB];
	_ =	sdelay $0x1  }
0x9c: {  	s17 =	simm.s32 $_scs_section_size  }
0x9d: {  	s3 =	simm.s32 $_size__tile_overlayer_lowered;
	s4 =	simm.s32 $_tile_overlayer_lowered  }
0x9e: {  	s20 =	simm.s32 $0x1BFF;
	s19 =	sshll.u32 s4, $0x1;
	s1 =	sadd.s32 s17, s16  }
0x9f: {  	s5 =	simm.s32 $0x0;
	s18 =	sshll.u32 s3, $0x1;
	s3 =	sadd.s32 s19, s1  }
0xa0: {  	[timem:s5], [sflag:s20] =	dma.local [hbm:s3], s18  }
0xa1: {  	_ =	swait.ge [sflag:s20], s18  }
0xa2: {  	s2 =	ssub.s32 $0x0, s18;
	[sflag:s20] =	ssyncset.done $0x0  }
0xa3: {  	[sflag:s20] =	ssyncadd.s32 s2;
	_ =	sdelay $0x1  }
0xa4: {  	s21 =	simm.s32 $0x1B8B  }
0xa5: {  	_ =	swait.ge [sflag:s21], $0x1  }
0xa6: {  	[sflag:s21] =	ssyncset.done $0x0  }
0xa7: {  	s23 =	simm.s32 $0x1B8E;
	s22 =	sld [smem:$0x3FFE];
	[sflag:s21] =	ssyncadd.s32 $0xFFFFFFFF  }
0xa8: {  	s24 =	simm.s32 $execute0_lowered;
	[smem:$0x3FD2] =	sst s23  }
0xa9: {  	s3 =	sshll.u32 s24, $0x1;
	_ =	strace $0x80000046;
	[dreg:$0x1] =	wrdreg $0xFFFFFFFF  }
0xaa: {  	s25 =	simm.s32 $_size_execute0_lowered;
	s1 =	sadd.s32 s1, s3;
	[dreg:$0x0] =	wrdreg $0x0  }
0xab: {  	s3 =	sshll.u32 s25, $0x1;
	[dreg:$0x2] =	wrdreg s1  }
0xac: {  	[dreg:$0x3] =	wrdreg s3  }
0xad: {  	[dreg:$0x4] =	wrdreg $0xC0  }
0xae: {  	_ =	task [dreg:s5], $0x5FFFF  }
0xaf: {  	[dreg:$0x1] =	wrdreg $0xFFFFFFFF  }
0xb0: {  	[dreg:$0x0] =	wrdreg $0x60  }
0xb1: {  	[dreg:$0x2] =	wrdreg s14  }
0xb2: {  	[dreg:$0x3] =	wrdreg s22  }
0xb3: {  	[dreg:$0x4] =	wrdreg $0x9  }
0xb4: {  	_ =	task.clear_ibuf [dreg:s5], $0x5FFFF;
	_ =	strace $0x90000046  }
0xb5: {  	s26 =	simm.s32 $0x9;
	_ =	strace $0x80000048  }
0xb6: {  	_ =	swait.ge [sflag:s26], $0x1  }
0xb7: {  	[sflag:s26] =	ssyncadd.s32 $0xFFFFFFFF  }
0xb8: {  	_ =	strace $0x90000048  }
0xb9: {  	_ =	sfence  }
0xba: {  	s28 =	sld [smem:$0x0];
	_ =	sdelay $0x1  }
0xbb: {  	s29 =	srdreg.scid  }
0xbc: {  	s30 =	sshll.u32 s29, $0xD;
	s31 =	sshrl.u32 s29, $0x2  }
0xbd: {  	s2 =	sand.u32 $0x4000, s30;
	s1 =	sand.u32 $0x1, s29;
	s0 =	sadd.s32 s31, s28  }
0xbe: {  	s1 =	sor.u32 s2, s1;
	s0 =	sshll.u32 s0, $0x11  }
0xbf: {  	s0 =	sor.u32 s0, s1  }
0xc0: {  	s0 =	sadd.s32 $0x8F2B, s0  }
0xc1: {  	[sflag:s0] =	ssyncadd.remote.s32 $0x1  }
0xc2: {  	_ =	sfence.sel $0xFFFF  }
0xc3: {  	[dreg:$0x0] =	wrdreg $0xFFFFFFFF;
	(pc) =	sbr.abs _section_cstart, $3  }
0xc4: {  	[dreg:$0x1] =	wrdreg $0xFFFFFFFF  }
0xc5: {  	_ =	task.clear_ibuf [dreg:s5], $0x2FFFF;
	_ =	strace $0x9FFFFFFF  }
0xc6: {  	(tm) =	ssettm $0x7FFFFFFF  }
0xc7: {  	_ =	shalt  }
tec
execute0_lowered:
.L_overlay_start_1:
0x0: {  	(tag) =	ssettag $0x1  }
0x1: {  	s1 =	rddreg [dreg:$0x0]  }
0x2: {  	s0 =	rddreg [dreg:$0x1];
	s6 =	stileid.u32  }
0x3: {  	_ =	strace $0x80000047;
	s9 =	simm.s32 $0x1;
	s2 =	smul.u32 $0x3, s6  }
0x4: {  	v1 =	vimm.s32 $0xFFFFFFFF;
	s3 =	smin.u32 s6, $0x7;
	[sflag:s9] =	ssyncpa.u1 $0x0  }
0x5: {  	[tilespmem:$0x10] =	vst v1;
	s2 =	sadd.s32 s3, s2  }
0x6: {  	v0 =	vimm.f32 $0.0e+00;
	p0 =	slt.u32 s6, $0x7;
	[tilespmem:$0x20] =	vst v1;
	s3 =	smul.u32 $0x1770, s2;
	s2 =	simm.s32 $0x5DC0  }
0x7: {  	[tilespmem:$0x30] =	vst v0;
	s2 =	simm.s32 @!p0 $0x4650  }
0x8: {  	[tilespmem:$0x40] =	vst v0;
	s2 =	sadd.s32 s2, s3  }
0x9: {  	[tilespmem:$0x50] =	vst v0;
	s4 =	smin.u32 s2, $0x50910  }
0xa: {  	[tilespmem:$0x60] =	vst v1;
	s2 =	ssub.s32 s4, s3  }
0xb: {  	s7 =	simm.s32 $0x2;
	s8 =	simm.s32 $0x8;
	[tilespmem:$0x70] =	vst v1;
	p0 =	sgt.s32 s2, $0x0  }
0xc: {  	s31 =	simm.s32 $0x9;
	s16 =	simm.s32 $0x0;
	[tilespmem:$0x80] =	vst v1;
	s2 =	simm.s32 @!p0 $0x0  }
0xd: {  	s17 =	simm.s32 $0xF0;
	s18 =	simm.s32 $0xFFFFFFFF;
	v1 =	vimm.s32 $0x0;
	[tilespmem:$0xB0] =	vst v0;
	s5 =	smulhi.u32 $0x57619F1, s2  }
0xe: {  	s19 =	simm.s32 $0xFFFFD220;
	s20 =	simm.s32 $0xFFFFFFFE;
	s21 =	simm.s32 $0xF;
	[tilespmem:$0x90] =	vst v1  }
0xf: {  	[tilespmem:$0xA0] =	vst v1;
	[sflag:s7] =	ssyncpa.u1 $0x0;
	s7 =	simm.s32 $0x7;
	s10 =	sshrl.u32 s5, $0x7  }
0x10: {  	s25 =	simm.s32 $0x0;
	[sflag:s7] =	ssyncpa.u1 $0x0;
	s11 =	smul.u32 $0x1770, s10  }
0x11: {  	s24 =	simm.s32 $0x0;
	s14 =	sshllo.u32 s6, $0x1;
	[sflag:s8] =	ssyncpa.u1 $0x0  }
.Ltmp0:
0x12: {  	[sflag:s31] =	ssyncpa.u1 $0x0;
	p0 =	sne.s32 s2, s11;
	(pc) =	sbr.rel .LBB2_1-.Ltmp0, $4  }
0x13: {  	s5 =	sadd.s32 $0x14600, s0;
	s0 =	sadd.s32 $0x1E800, s0;
	s9 =	simm.s32 @!p0 $0x0  }
0x14: {  	s23 =	smov.u32 s3;
	[dreg:$0x3] =	wrdreg s0;
	s9 =	sadd.s32 s9, s10  }
0x15: {  	vm0 =	vmmov $0xffff;
	v2 =	vlaneseq.u32;
	p0 =	por $0x0, $0x0;
	s10 =	sshll.u32 s6, $0x1;
	s11 =	sadd.s32 $0x1, s9  }
0x16: {  	vm1 =	vmxor vm1, vm1;
	vm2 =	vmmov $0x1;
	vm3 =	vcmask $0x3F3C;
	s12 =	sadd.s32 $0x2, s9;
	s13 =	sor.u32 $0x81, s10;
	s15 =	sor.u32 $0x80, s10  }
.LBB2_9:
0x17: {  	p1 =	slt.u32 s24, $0x3  }
0x18: {  	s0 =	simm.s32 @!p1 $0x2  }
0x19: {  	_ =	swait.ge @!p1 [sflag:s0], $0x1770  }
0x1a: {  	[sflag:s0] =	ssyncset.done @!p1 $0x0  }
0x1b: {  	[sflag:s0] =	ssyncadd.s32 @!p1 $0xFFFFE890;
	s0 =	simm.s32 @!p1 $0x9  }
0x1c: {  	_ =	swait.ge @!p1 [sflag:s0], $0x10  }
0x1d: {  	[sflag:s0] =	ssyncset.done @!p1 $0x0  }
0x1e: {  	[sflag:s0] =	ssyncadd.s32 @!p1 $0xFFFFFFF0;
	p1 =	sne.s32 s24, s12  }
.Ltmp1:
0x1f: {  	s2 =	sadd.s32 $0x1770, s23;
	(pc) =	sbr.rel @!p1 .LBB2_10-.Ltmp1, $4  }
0x20: {  	s6 =	smov.u32 s3;
	s31 =	sadd.s32 $0x1, s24;
	s17 =	sadd.s32 $0x1770, s17  }
0x21: {  	s18 =	sadd.s32 $0x1, s18;
	s25 =	smov.u32 s23;
	p2 =	slt.s32 s2, s4  }
0x22: {  	p0 =	por !p0, !p0;
	s19 =	sadd.s32 $0x1770, s19;
	s6 =	smov.u32 @p2 s2  }
0x23: {  	s20 =	sadd.s32 $0x1, s20;
	s23 =	smov.u32 s6;
	s24 =	smov.u32 s31  }
.LBB2_1:
0x24: {  	p1 =	sge.u32 s24, s9  }
0x25: {  	s0 =	smulhi.u32 @!p1 $0xAAAAAAAB, s24;
	_ =	sdelay $0x1  }
0x26: {  	s0 =	sshrl.u32 @!p1 s0, $0x1  }
0x27: {  	s0 =	smul.u32 @!p1 $0x3, s0;
	_ =	sdelay $0x1  }
0x28: {  	s0 =	ssub.s32 @!p1 s24, s0  }
0x29: {  	s0 =	smul.u32 @!p1 $0x5DC0, s0;
	_ =	sdelay $0x1  }
0x2a: {  	s2 =	sshrl.u32 @!p1 s23, $0x3;
	s0 =	sshrl.u32 @!p1 s0, $0x2  }
0x2b: {  	s22 =	sand.u32 @!p1 $0x7, s23;
	s2 =	sadd.s32 @!p1 s5, s2;
	s0 =	sadd.s32 @!p1 $0x100, s0  }
0x2c: {  	[tilespmem:s0], [sflag:$0x7] =	stream.linear.gather @!p1 [hbm4b:s2+s22], $0x1770, $0x38;
	[tilespmem:$0xD410] =	vst v63  }
0x2d: {  	s0 =	sadd.s32 $0xFFFFFFFF, s24  }
0x2e: {  	p1 =	sge.u32 s0, s9  }
.Ltmp2:
0x2f: {  	_ = 	snop;
	(pc) =	sbr.rel @p1 .LBB2_5-.Ltmp2, $1  }
0x30: {  	_ =	sdelay $0x3  }
0x31: {  	s2 =	smulhi.u32 $0xAAAAAAAB, s0;
	_ =	sdelay $0x1  }
0x32: {  	s2 =	sshrl.u32 s2, $0x1  }
0x33: {  	s2 =	smul.u32 $0x3, s2;
	_ =	sdelay $0x1  }
0x34: {  	s2 =	ssub.s32 s0, s2  }
0x35: {  	s2 =	smul.u32 $0x5DC0, s2  }
0x36: {  	_ =	swait.ge [sflag:s7], $0x1770  }
0x37: {  	[sflag:s7] =	ssyncset.done $0x0;
	s2 =	sshrl.u32 s2, $0x2  }
0x38: {  	[sflag:s7] =	ssyncadd.s32 $0xFFFFE890;
	(ifvalue) =	ssetifvalue $0xFFFFFFFF;
	v3 =	vld.msk [tilespmem:s2+$0x100 ss:$0x1], $0xffff;
	_ =	sdelay $0x2  }
0x39: {  	s30 =	smulhi.u32 $0xAAAAAAAB, s18;
	p1 =	sne.s32 s24, $0x1  }
0x3a: {  	v4 =	vimm.s32 @!p1 $0x0  }
0x3b: {  	s2 =	sshrl.u32 s30, $0x1;
	v4 =	vperm.xlane @!p1 v3, v4  }
0x3c: {  	s22 =	sshll.u32 s24, $0x4;
	s2 =	smul.u32 $0xFFFEE6C0, s2;
	vm4 =	vlt.u32 v3, $0x2800  }
0x3d: {  	s22 =	sand.u32 $0x10, s22;
	v3 =	vnsel vm4, $0xFFFFFFFE, v3;
	vm4 =	vlt.u32 @!p1 v4, $0x2800  }
0x3e: {  	s2 =	sshra.s32 s2, $0x2;
	[tilespmem:s22+$0x60] =	vst v3;
	v3 =	vnsel @!p1 vm4, $0xFFFFFFFE, v4  }
0x3f: {  	s28 =	sadd.s32 s2, s17;
	[tilespmem:$0x80] =	vst @!p1 v3  }
0x40: {  	v3 =	vld.msk [tilespmem:s28+$0x0 ss:$0x1], $0xffff;
	_ =	sdelay $0x4  }
0x41: {  	(xrf1) =	vunique.msk.u32 $0xffff, v3;
	_ =	sdelay $0xd  }
0x42: {  	v4 =	vimm.s32 $0xFFFFFFFF;
	v5, _, _ =	vpop (xrf1)  }
0x43: {  	vm5 =	vne.s32 v3, v4;
	vm4 =	veq.s32 v5, v2  }
0x44: {  	vm6 =	vlt.u32 v3, $0x2800;
	vm4 =	vmand vm5, vm4  }
0x45: {  	vm4 =	vmand vm6, vm4  }
0x46: {  	v4 =	vnsel vm4, $0xFFFFFFFF, v3  }
0x47: {  	s31 =	sand.u32 $0x1, s0  }
0x48: {  	s0 =	simm.s32 $0x1770;
	p1 =	seq.s32 s31, $0x1  }
0x49: {  	s0 =	simm.s32 @!p1 $0x0  }
0x4a: {  	s26 =	sadd.s32 $0x5EB0, s0;
	(ifvalue) =	ssetifvalue $0xFFFFFFFF  }
0x4b: {  	v3 =	vperm.xlane v3, v1;
	[tilespmem:s26], [sflag:$0x8] =	stream.indirect_vreg.gather [hbm4b:s1+s16], $0x1, v4, vm0, $0x4038;
	v4 =	vnsel vm6, $0xFFFFFFFE, v4;
	[tilespmem:$0xD410] =	vst v63  }
0x4c: {  	s2 =	simm.s32 $0x0;
	s22 =	sadd.s32 $0xFFFFFFF0, s28;
	[tilespmem:s28+$0x0] =	vst v4  }
.LBB2_3:
0x4d: {  	v4 =	vld.msk [tilespmem:s22+$0x0 ss:$0x1], $0xffff;
	s2 =	sadd.s32 $0x10, s2;
	v5 =	vmov v3;
	s28 =	smov.u32 s22  }
0x4e: {  	p1 =	slt.u32 s2, $0x1760;
	_ =	sdelay $0x4  }
0x4f: {  	v3 =	vperm.xlane v4, v1;
	(xrf1) =	vunique.msk.u32 $0xffff, v4;
	_ =	sdelay $0xd  }
0x50: {  	v6, _, _ =	vpop (xrf1)  }
0x51: {  	vm5 =	vne.s32 v4, v5;
	vm4 =	veq.s32 v6, v2  }
0x52: {  	vm6 =	vlt.u32 v4, $0x2800;
	vm4 =	vmand vm5, vm4  }
0x53: {  	vm4 =	vmand vm6, vm4  }
0x54: {  	v4 =	vnsel vm4, $0xFFFFFFFF, v4  }
.Ltmp3:
0x55: {  	v5 =	vnsel vm6, $0xFFFFFFFE, v4;
	(pc) =	sbr.rel @p1 .LBB2_3-.Ltmp3, $3  }
0x56: {  	_ =	sdelay $0x1  }
0x57: {  	s22 =	sadd.s32 $0xFFFFFFF0, s22;
	s26 =	sadd.s32 $0xFFFFFFF0, s26;
	(ifvalue) =	ssetifvalue $0xFFFFFFFF  }
0x58: {  	[tilespmem:s26], [sflag:$0x8] =	stream.indirect_vreg.gather [hbm4b:s1+s16], $0x1, v4, vm0, $0x4038;
	[tilespmem:s28+$0x0] =	vst v5  }
0x59: {  	s2 =	sshrl.u32 s25, $0x3;
	s6 =	rddreg [dreg:$0x3]  }
0x5a: {  	s0 =	sadd.s32 $0x7630, s0;
	s2 =	sadd.s32 s6, s2  }
0x5b: {  	[tilespmem:s0], [sflag:$0x8] =	stream.linear.gather [hbm:s2], $0x1770, $0x38;
	[tilespmem:$0xD410] =	vst v63  }
.LBB2_5:
0x5c: {  	p1 =	slt.u32 s24, $0x2  }
0x5d: {  	p2 =	sge.u32 @!p1 s24, s12  }
0x5e: {  	p1 =	por p1, p2  }
.Ltmp4:
0x5f: {  	_ = 	snop;
	(pc) =	sbr.rel @p1 .LBB2_9-.Ltmp4, $1  }
0x60: {  	_ =	sdelay $0x3  }
0x61: {  	s0 =	sadd.s32 $0xFFFFFFFE, s24  }
0x62: {  	s2 =	smulhi.u32 $0xAAAAAAAB, s0;
	_ =	sdelay $0x1  }
0x63: {  	s2 =	sshrl.u32 s2, $0x1  }
0x64: {  	s2 =	smul.u32 $0x3, s2;
	_ =	sdelay $0x1  }
0x65: {  	s0 =	ssub.s32 s0, s2  }
0x66: {  	_ =	swait.ge [sflag:s8], $0x2EE0;
	s0 =	smul.u32 $0x1770, s0  }
0x67: {  	p1 =	sne.s32 s24, s11;
	[sflag:s8] =	ssyncset.done $0x0  }
0x68: {  	[sflag:s8] =	ssyncadd.s32 $0xFFFFD120;
	s2 =	sadd.s32 @!p1 $0x186F, s0  }
0x69: {  	[spmem:s13] =	stream.linear.scatter @!p1 [tilespmem:s2], [sflag:$0x1], $0x1, $0x38;
	[tilespmem:$0xD410] =	vst v63  }
0x6a: {  	s2 =	simm.s32 @!p1 $0x1  }
0x6b: {  	_ =	swait.ge @!p1 [sflag:s2], $0x1  }
0x6c: {  	s22 =	sshll.u32 s24, $0x4;
	[sflag:s2] =	ssyncset.done @!p1 $0x0  }
0x6d: {  	s25 =	sand.u32 $0x10, s22;
	[sflag:s2] =	ssyncadd.s32 @!p1 $0xFFFFFFFF  }
0x6e: {  	s2 =	sxor.u32 $0x10, s25;
	v4 =	vld [tilespmem:s25+$0x10]  }
0x6f: {  	v5 =	vld [tilespmem:s2+$0x60]  }
0x70: {  	v3 =	vld [tilespmem:$0x80];
	_ =	sdelay $0x2  }
0x71: {  	(v2sf) =	vpush v4, $0x0  }
0x72: {  	(v2sf) =	vpush v5, $0x0  }
0x73: {  	(v2sf) =	vpush v3, $0x0;
	_ =	sdelay $0xc  }
0x74: {  	s6 =	spop (v2sf)  }
0x75: {  	s28 =	spop (v2sf)  }
0x76: {  	s26 =	spop (v2sf)  }
0x77: {  	p2 =	seq.s32 s6, s28;
	p3 =	seq.s32 s26, s6  }
0x78: {  	p3 =	por p2, p3  }
0x79: {  	s6 =	sand.u32 $0x1, s24;
	v4 =	vpsel p3, $0xFFFFFFFF, v4  }
0x7a: {  	s28 =	smul.u32 $0x1770, s6;
	[tilespmem:s25+$0x10] =	vst.msk $0x1, v4  }
0x7b: {  	v4 =	vld [tilespmem:$0x30]  }
0x7c: {  	v5 =	vld [tilespmem:s28+$0x7630]  }
0x7d: {  	v6 =	vld [tilespmem:s25+$0x40];
	_ =	sdelay $0x3  }
0x7e: {  	vm4 =	vmmov vm1;
	v5 =	vadd.f32 v5, v4  }
0x7f: {  	vm5 =	vmmov vm2;
	vm4 =	vmmov @p2 vm2;
	v4 =	vadd.f32 v6, v4  }
0x80: {  	s22 =	sshll.u32 s6, $0x4;
	vm5 =	vmmov @p3 vm1;
	[tilespmem:s28+$0x7630] =	vst.msk vm4, v5  }
0x81: {  	[tilespmem:s22+$0xD3F0] =	vst.msk vm5, v4  }
0x82: {  	v4 =	vld [tilespmem:s28+$0x5EB0];
	_ =	sdelay $0x3  }
0x83: {  	v5 =	vimm.f32 $0.0e+00  }
0x84: {  	v4 =	vshift.insert v4, v5, s21  }
0x85: {  	s29 =	sor.u32 $0x40, s2  }
0x86: {  	[tilespmem:s29+$0x0] =	vst.msk $0x1, v4  }
0x87: {  	[tilespmem:s28+$0x5EBF] =	vst.msk $0x1, v5  }
0x88: {  	v4 =	vld [tilespmem:s0+$0x1860];
	_ =	sdelay $0x1  }
0x89: {  	s29 =	smulhi.u32 $0xAAAAAAAB, s20;
	s0 =	simm.s32 $0x1  }
0x8a: {  	s0 =	simm.s32 @!p0 $0x0  }
0x8b: {  	s29 =	sshrl.u32 s29, $0x1;
	s0 =	smul.u32 $0x5DC0, s0  }
0x8c: {  	s29 =	smul.u32 $0xFFFEE6C0, s29;
	v4 =	vshift.insert v4, v1, s21  }
0x8d: {  	s0 =	sshrl.u32 s0, $0x2  }
0x8e: {  	s29 =	sshra.s32 s29, $0x2;
	s30 =	sadd.s32 $0x7630, s0;
	[tilespmem:s2+$0x10] =	vst.msk $0x1, v4  }
0x8f: {  	s6 =	sadd.s32 s29, s19;
	v6 =	vld [tilespmem:s30+$0x0]  }
0x90: {  	v7 =	vld [tilespmem:s6+$0x0];
	_ =	sdelay $0x3  }
0x91: {  	v5 =	vadd.f32 v6, v5  }
0x92: {  	vm4 =	vne.s32 v7, $0xFFFFFFFF  }
0x93: {  	(xrf2) =	vadd.seg.scan.f32 vm4, v5;
	_ =	sdelay $0x3  }
0x94: {  	s31 =	sadd.s32 $0x4750, s0;
	v5 =	vperm.xlane v4, v1  }
0x95: {  	v6 =	vld [tilespmem:s31+$0x0]  }
0x96: {  	vm5 =	veq.s32 v7, v3;
	vm6 =	veq.s32 v7, v5  }
0x97: {  	vm7 =	vgt.u32 v7, $0xFFFFFFFD;
	vm6 =	vmor vm6, vm5  }
0x98: {  	vm6 =	vmor vm6, vm7  }
0x99: {  	v9 =	vld [tilespmem:$0xA0];
	v7 =	vsel vm6, $0xFFFFFFFF, v7  }
0x9a: {  	v10 =	vld [tilespmem:$0x90];
	v6 =	vsel vm5, $0x0, v6;
	v8, _, _ =	vpop (xrf2)  }
0x9b: {  	v6 =	vadd.f32 v8, v6  }
0x9c: {  	s0 =	sadd.s32 $0xA510, s0  }
0x9d: {  	vm4 =	vmand vm4, vm3;
	[tilespmem:s0+$0x0] =	vst v6;
	(ifvalue) =	ssetifvalue $0xFFFFFFFF  }
0x9e: {  	vm6 =	veq.s32 v9, $0x1;
	[hbm4b:s1+s16] =	stream.indirect_vreg.scatter [tilespmem:s0], [sflag:$0x2], $0x1, v7, vm0, $0x4038;
	v7 =	vsel vm4, $0x0, v8;
	[tilespmem:$0xD410] =	vst v63  }
0x9f: {  	s29 =	sadd.s32 $0xD3F0, s22;
	s22 =	sadd.s32 $0x10, s6;
	s2 =	simm.s32 $0x0;
	vm4 =	vmor vm6, vm5;
	v6 =	vsel vm5, v8, v10;
	v7 =	vshift.insert v7, v0, s21  }
.LBB2_7:
0xa0: {  	v8 =	vld [tilespmem:s22+$0x0];
	s30 =	sadd.s32 $0x10, s30  }
0xa1: {  	s31 =	sadd.s32 $0x10, s31;
	v9 =	vld [tilespmem:s30+$0x0]  }
0xa2: {  	s2 =	sadd.s32 $0x10, s2;
	v10 =	vld [tilespmem:s31+$0x0]  }
0xa3: {  	p2 =	slt.u32 s2, $0x1760;
	_ =	sdelay $0x2  }
0xa4: {  	v7 =	vadd.f32 v9, v7  }
0xa5: {  	vm5 =	vne.s32 v8, $0xFFFFFFFF  }
0xa6: {  	vm6 =	vmand vm5, vm3;
	(xrf2) =	vadd.seg.scan.f32 vm5, v7;
	_ =	sdelay $0x5  }
0xa7: {  	vm7 =	veq.s32 v8, v5;
	vm5 =	veq.s32 v8, v3  }
0xa8: {  	vm8 =	vgt.u32 v8, $0xFFFFFFFD;
	vm4 =	vmor vm4, vm5;
	vm7 =	vmor vm7, vm5  }
0xa9: {  	vm7 =	vmor vm7, vm8  }
0xaa: {  	v8 =	vsel vm7, $0xFFFFFFFF, v8  }
.Ltmp5:
0xab: {  	v7 =	vsel vm5, $0x0, v10;
	v9, _, _ =	vpop (xrf2);
	(pc) =	sbr.rel @p2 .LBB2_7-.Ltmp5, $4  }
0xac: {  	v6 =	vsel vm5, v9, v6;
	v10 =	vadd.f32 v9, v7;
	v7 =	vsel vm6, $0x0, v9  }
0xad: {  	s0 =	sadd.s32 $0x10, s0;
	v7 =	vshift.insert v7, v0, s21  }
0xae: {  	s22 =	sadd.s32 $0x10, s22;
	[tilespmem:s0+$0x0] =	vst v10;
	(ifvalue) =	ssetifvalue $0xFFFFFFFF  }
0xaf: {  	[hbm4b:s1+s16] =	stream.indirect_vreg.scatter [tilespmem:s0], [sflag:$0x2], $0x1, v8, vm0, $0x4038;
	[tilespmem:$0xD410] =	vst v63  }
0xb0: {  	v3 =	vld [tilespmem:s28+$0xBC70];
	_ =	sdelay $0x4  }
0xb1: {  	v3 =	vshift.insert v3, v0, s21  }
0xb2: {  	s0 =	simm.s32 $0x30  }
0xb3: {  	[tilespmem:s0+$0x0] =	vst.msk $0x1, v3  }
0xb4: {  	v3 =	vsel vm4, $0x1, v1;
	[tilespmem:$0x90] =	vst v6  }
0xb5: {  	s0 =	sadd.s32 @!p1 $0xBC7F, s28;
	[tilespmem:$0xA0] =	vst v3  }
0xb6: {  	[spmem:s14] =	stream.linear.scatter @!p1 [tilespmem:s0], [sflag:$0x1], $0x1, $0x38;
	[tilespmem:$0xD410] =	vst v63  }
0xb7: {  	s0 =	simm.s32 @!p1 $0x1  }
0xb8: {  	v3 =	vmctz.xlane @!p1 vm4;
	_ =	swait.ge @!p1 [sflag:s0], $0x1  }
0xb9: {  	(v2sf) =	vpush @!p1 v4, $0x0  }
0xba: {  	(v2sf) =	vpush @!p1 v3, $0x0;
	_ =	sdelay $0xd  }
0xbb: {  	s2 =	spop @!p1 (v2sf)  }
0xbc: {  	s6 =	spop @!p1 (v2sf)  }
0xbd: {  	p2 =	sne.s32 @!p1 s26, s2;
	p3 =	slt.s32 @!p1 s6, $0xF  }
0xbe: {  	[sflag:s0] =	ssyncset.done @!p1 $0x0;
	p2 =	por p2, p1;
	p3 =	por !p3, p1  }
0xbf: {  	[sflag:s0] =	ssyncadd.s32 @!p1 $0xFFFFFFFF;
	v3 =	vimm.s32 @!p2 $0xFFFFFFFF;
	s6 =	simm.s32 @p3 $0xF  }
0xc0: {  	[tilespmem:$0x80] =	vst @!p2 v3;
	s2 =	sadd.s32 @!p1 $0x90, s6  }
0xc1: {  	[spmem:s10] =	stream.linear.scatter @!p1 [tilespmem:s2], [sflag:$0x1], $0x1, $0x38;
	[tilespmem:$0xD410] =	vst v63  }
0xc2: {  	_ =	swait.ge @!p1 [sflag:s0], $0x1  }
0xc3: {  	[sflag:s0] =	ssyncset.done @!p1 $0x0  }
0xc4: {  	s2 =	simm.s32 @!p1 $0x80;
	[sflag:s0] =	ssyncadd.s32 @!p1 $0xFFFFFFFF  }
0xc5: {  	[spmem:s15] =	stream.linear.scatter @!p1 [tilespmem:s2], [sflag:$0x1], $0x1, $0x38;
	[tilespmem:$0xD410] =	vst v63  }
0xc6: {  	_ =	swait.ge @!p1 [sflag:s0], $0x1  }
0xc7: {  	[sflag:s0] =	ssyncset.done @!p1 $0x0  }
0xc8: {  	[sflag:s0] =	ssyncadd.s32 @!p1 $0xFFFFFFFF;
	(ifvalue) =	ssetifvalue $0xFFFFFFFF;
	v3 =	vld [tilespmem:s25+$0x10];
	_ =	sdelay $0x3  }
.Ltmp6:
0xc9: {  	_ = 	snop;
	(pc) =	sbr.rel .LBB2_9-.Ltmp6, $3  }
0xca: {  	_ =	sdelay $0x1  }
0xcb: {  	(ifvalue) =	ssetifvalue $0xFFFFFFFF  }
0xcc: {  	[hbm4b:s1+s16] =	stream.indirect_vreg.scatter [tilespmem:s29], [sflag:$0x9], $0x1, v3, vm0, $0x4038;
	[tilespmem:$0xD410] =	vst v63  }
.LBB2_10:
0xcd: {  	_ =	sfence.sel $0x180000  }
0xce: {  	s0 =	simm.s32 $0x7;
	[bflag:$0x0] =	sbarrier.arrive $0xFFFF  }
0xcf: {  	s26 =	simm.s32 $0x8;
	[sflag:s0] =	ssyncpa.u1 $0x1  }
0xd0: {  	s28 =	simm.s32 $0x9;
	[sflag:s26] =	ssyncpa.u1 $0x1  }
0xd1: {  	[sflag:s28] =	ssyncpa.u1 $0x1  }
0xd2: {  	_ =	sfence.stream.spmem  }
0xd3: {  	s29 =	simm.s32 $0x3;
	[bflag:$0x0] =	sbarrier.arrive $0xFFFF  }
0xd4: {  	s30 =	simm.s32 $0x4;
	[sflag:s29] =	ssyncpa.u1 $0x1  }
0xd5: {  	s31 =	simm.s32 $0x3C;
	s2 =	stileid.u32;
	[sflag:s30] =	ssyncpa.u1 $0x1  }
0xd6: {  	p0 =	sne.s32 s2, $0x0;
	[sflag:s31] =	ssyncpa.u1 $0x1  }
0xd7: {  	s0 =	simm.s32 @p0 $0x1;
	_ =	sfence @p0  }
0xd8: {  	[sflag:s0] =	ssyncpa.u1 @p0 $0x1;
	s0 =	simm.s32 @p0 $0x2  }
0xd9: {  	[sflag:s0] =	ssyncpa.u1 @p0 $0x1  }
0xda: {  	_ =	strace @p0 $0x90000047  }
0xdb: {  	[bflag:$0x2] =	sbarrier.arrive @p0 $0xFFFF  }
0xdc: {  	_ =	shalt @p0  }
.LBB2_11:
0xdd: {  	_ =	sfence.stream.spmem;
	s0 =	simm.s32 $0x5  }
0xde: {  	s2 =	simm.s32 $0x80;
	s3 =	simm.s32 $0xC0;
	[sflag:s0] =	ssyncpa.u1 $0x0  }
0xdf: {  	[tilespmem:s3], [sflag:$0x5] =	stream.linear.gather [spmem:s2], $0x20, $0x38;
	[tilespmem:$0xD410] =	vst v63  }
0xe0: {  	s2 =	simm.s32 $0x0;
	s3 =	simm.s32 $0xE0  }
0xe1: {  	[tilespmem:s3], [sflag:$0x5] =	stream.linear.gather [spmem:s2], $0x20, $0x38;
	[tilespmem:$0xD410] =	vst v63  }
.Ltmp7:
0xe2: {  	_ = 	snop;
	(pc) =	sbr.rel .LBB2_12-.Ltmp7, $4  }
0xe3: {  	_ =	swait.ge [sflag:s0], $0x40  }
0xe4: {  	[sflag:s0] =	ssyncset.done $0x0  }
0xe5: {  	s31 =	simm.s32 $0x6;
	[sflag:s0] =	ssyncadd.s32 $0xFFFFFFC0  }
0xe6: {  	s4 =	simm.s32 $0x0;
	[sflag:s31] =	ssyncpa.u1 $0x0  }
.LBB2_17:
0xe7: {  	p0 =	sgt.u32 s5, $0x27FF  }
0xe8: {  	s0 =	sshrl.u32 @!p0 s5, $0x3  }
0xe9: {  	s5 =	sand.u32 @!p0 $0x7, s5;
	s6 =	simm.s32 @!p0 $0xB0;
	s0 =	sadd.s32 @!p0 s1, s0  }
0xea: {  	[tilespmem:s6], [sflag:$0x6] =	stream.linear.gather @!p0 [hbm4b:s0+s5], $0x1, $0x38;
	[tilespmem:$0xD410] =	vst v63  }
0xeb: {  	s0 =	simm.s32 @!p0 $0x6  }
0xec: {  	_ =	swait.ge @!p0 [sflag:s0], $0x1  }
0xed: {  	[sflag:s0] =	ssyncset.done @!p0 $0x0  }
0xee: {  	[sflag:s0] =	ssyncadd.s32 @!p0 $0xFFFFFFFF  }
0xef: {  	v2 =	vmov @!p0 s4;
	v1 =	vld.msk @!p0 [tilespmem:$0xB0], $0x1;
	_ =	sdelay $0x3  }
0xf0: {  	s0 =	simm.s32 @!p0 $0xE0  }
0xf1: {  	[tilespmem:v2+s0+$0x0], v1 =	vst.idx.ret.add.f32.msk @!p0 $0x1, v1  }
0xf2: {  	[tilespmem:s2+$0xC0] =	vst.msk $0x1, v0  }
0xf3: {  	v0 =	vld.msk [tilespmem:s4+$0xE0], $0x1;
	_ =	sdelay $0x4  }
0xf4: {  	[tilespmem:s2+$0xE0] =	vst.msk $0x1, v0;
	s2 =	sadd.s32 $0x1, s2  }
.LBB2_19:
0xf5: {  	s4 =	sadd.s32 $0x1, s4  }
0xf6: {  	p0 =	sne.s32 s4, $0x20  }
.Ltmp8:
0xf7: {  	_ = 	snop;
	(pc) =	sbr.rel @!p0 .LBB2_20-.Ltmp8, $1  }
0xf8: {  	_ =	sdelay $0x3  }
.LBB2_12:
0xf9: {  	v0 =	vld.msk [tilespmem:s4+$0xC0], $0x1;
	_ =	sdelay $0x4  }
0xfa: {  	(v2sf) =	vpush v0, $0x0;
	_ =	sdelay $0xe  }
0xfb: {  	s5 =	spop (v2sf)  }
0xfc: {  	p0 =	seq.s32 s5, $0xFFFFFFFF  }
.Ltmp9:
0xfd: {  	_ = 	snop;
	(pc) =	sbr.rel @p0 .LBB2_19-.Ltmp9, $1  }
0xfe: {  	_ =	sdelay $0x3  }
0xff: {  	p0 =	slt.s32 s2, $0x1  }
.Ltmp10:
0x100: {  	_ = 	snop;
	(pc) =	sbr.rel @p0 .LBB2_17-.Ltmp10, $1  }
0x101: {  	_ =	sdelay $0x3  }
0x102: {  	s0 =	simm.s32 $0xC0;
	p0 =	por $0x0, $0x0  }
0x103: {  	v1 =	vld.msk @!p0 [tilespmem:s0+$0x0], $0x1;
	_ =	sdelay $0x4  }
0x104: {  	(v2sf) =	vpush @!p0 v1, $0x0;
	_ =	sdelay $0xd  }
0x105: {  	p2 =	sne.s32 s2, $0x1  }
.Ltmp11:
0x106: {  	s6 =	spop @!p0 (v2sf);
	(pc) =	sbr.rel @!p2 .LBB2_16-.Ltmp11, $4  }
0x107: {  	p1 =	seq.s32 @!p0 s5, s6  }
0x108: {  	s6 =	simm.s32 $0x0;
	p1 =	por !p1, p0  }
0x109: {  	s8 =	simm.s32 $0xFFFFFFFF;
	s6 =	simm.s32 @p1 $0xFFFFFFFF  }
0x10a: {  	s7 =	simm.s32 $0x1;
	s6 =	smov.u32 @p0 s8  }
.LBB2_15:
0x10b: {  	s8 =	smov.u32 s6;
	p0 =	sne.s32 s6, $0xFFFFFFFF  }
0x10c: {  	s0 =	sadd.s32 $0x1, s0;
	s6 =	smov.u32 s7;
	s7 =	sadd.s32 $0x1, s7  }
0x10d: {  	p1 =	sne.s32 s2, s7;
	v1 =	vld.msk @!p0 [tilespmem:s0+$0x0], $0x1;
	_ =	sdelay $0x4  }
0x10e: {  	(v2sf) =	vpush @!p0 v1, $0x0;
	_ =	sdelay $0xe  }
.Ltmp12:
0x10f: {  	s9 =	spop @!p0 (v2sf);
	(pc) =	sbr.rel @p1 .LBB2_15-.Ltmp12, $4  }
0x110: {  	p2 =	seq.s32 @!p0 s5, s9  }
0x111: {  	p2 =	por !p2, p0  }
0x112: {  	s6 =	simm.s32 @p2 $0xFFFFFFFF  }
0x113: {  	s6 =	smov.u32 @p0 s8  }
.LBB2_16:
0x114: {  	p0 =	sne.s32 s6, $0xFFFFFFFF  }
.Ltmp13:
0x115: {  	_ = 	snop;
	(pc) =	sbr.rel @!p0 .LBB2_17-.Ltmp13, $1  }
0x116: {  	_ =	sdelay $0x3  }
0x117: {  	v0 =	vld.msk [tilespmem:s4+$0xE0], $0x1;
	v1 =	vmov s6  }
.Ltmp14:
0x118: {  	_ = 	snop;
	(pc) =	sbr.rel .LBB2_19-.Ltmp14, $2  }
0x119: {  	_ =	sdelay $0x2  }
0x11a: {  	[tilespmem:v1+s3+$0x0], v0 =	vst.idx.ret.add.f32.msk $0x1, v0  }
.LBB2_20:
0x11b: {  	p0 =	slt.s32 s2, $0x1  }
.Ltmp15:
0x11c: {  	_ = 	snop;
	(pc) =	sbr.rel @p0 .LBB2_24-.Ltmp15, $3  }
0x11d: {  	_ =	sdelay $0x1  }
0x11e: {  	s0 =	simm.s32 $0x6  }
0x11f: {  	s3 =	simm.s32 $0x0;
	[sflag:s0] =	ssyncpa.u1 $0x1  }
0x120: {  	s0 =	simm.s32 $0xC0  }
0x121: {  	v0 =	vld.msk [tilespmem:s0+$0x0], $0x1;
	_ =	sdelay $0x4  }
0x122: {  	(v2sf) =	vpush v0, $0x0;
	_ =	sdelay $0xe  }
0x123: {  	s2 =	sadd.s32 $0xFFFFFFFF, s2;
	s4 =	spop (v2sf)  }
0x124: {  	p1 =	sne.s32 s2, $0x0;
	p0 =	sgt.u32 s4, $0x27FF  }
.Ltmp16:
0x125: {  	s5 =	sshrl.u32 @!p0 s4, $0x3;
	(pc) =	sbr.rel @!p1 .LBB2_23-.Ltmp16, $4  }
0x126: {  	s0 =	simm.s32 $0xE0;
	s4 =	sand.u32 @!p0 $0x7, s4;
	s5 =	sadd.s32 @!p0 s1, s5  }
0x127: {  	[hbm4b:s5+s4] =	stream.linear.scatter @!p0 [tilespmem:s0], [sflag:$0x5], $0x1, $0x38;
	[tilespmem:$0xD410] =	vst v63  }
0x128: {  	s5 =	simm.s32 $0x0  }
0x129: {  	s4 =	simm.s32 $0xC1;
	s5 =	simm.s32 @!p0 $0x4  }
.LBB2_22:
0x12a: {  	v0 =	vld.msk [tilespmem:s4+$0x0], $0x1;
	s2 =	sadd.s32 $0xFFFFFFFF, s2;
	s3 =	sadd.s32 s3, s5  }
0x12b: {  	p0 =	sne.s32 s2, $0x0;
	_ =	sdelay $0x3  }
0x12c: {  	(v2sf) =	vpush v0, $0x0;
	_ =	sdelay $0xe  }
.Ltmp17:
0x12d: {  	s6 =	spop (v2sf);
	(pc) =	sbr.rel @p0 .LBB2_22-.Ltmp17, $4  }
0x12e: {  	s5 =	simm.s32 $0x0;
	p1 =	sgt.u32 s6, $0x27FF  }
0x12f: {  	s0 =	sadd.s32 $0x1, s0;
	s5 =	simm.s32 @!p1 $0x4;
	s7 =	sshrl.u32 @!p1 s6, $0x3  }
0x130: {  	s4 =	sadd.s32 $0x1, s4;
	s6 =	sand.u32 @!p1 $0x7, s6;
	s7 =	sadd.s32 @!p1 s1, s7  }
0x131: {  	[hbm4b:s7+s6] =	stream.linear.scatter @!p1 [tilespmem:s0], [sflag:$0x5], $0x1, $0x38;
	[tilespmem:$0xD410] =	vst v63  }
.LBB2_23:
0x132: {  	s0 =	sadd.s32 s3, s5  }
0x133: {  	s3 =	sshrl.u32 s0, $0x2  }
.LBB2_24:
0x134: {  	s0 =	simm.s32 $0x5  }
0x135: {  	_ =	swait.ge [sflag:s0], s3  }
0x136: {  	s1 =	ssub.s32 $0x0, s3;
	[sflag:s0] =	ssyncset.done $0x0  }
0x137: {  	[sflag:s0] =	ssyncadd.s32 s1  }
0x138: {  	[sflag:s0] =	ssyncpa.u1 $0x1  }
0x139: {  	s29 =	simm.s32 $0x1;
	_ =	sfence  }
0x13a: {  	s30 =	simm.s32 $0x2;
	[sflag:s29] =	ssyncpa.u1 $0x1  }
0x13b: {  	[sflag:s30] =	ssyncpa.u1 $0x1  }
0x13c: {  	_ =	strace $0x90000047  }
0x13d: {  	[bflag:$0x2] =	sbarrier.arrive $0xFFFF  }
0x13e: {  	s31 =	rddreg [dreg:$0x2]  }
0x13f: {  	s0 =	sadd.s32 $0x100000, s31  }
0x140: {  	[sflag:s0] =	ssyncadd.tile.s32 $0x1;
	_ =	shalt  }
.Lfunc_end2:
_tile_overlayer_lowered:
.L_overlay_start_2:
0x141: {  	(tag) =	ssettag $0x2  }
0x142: {  	s0 =	rddreg [dreg:$0x0];
	s2 =	stileid.u32  }
0x143: {  	s1 =	rddreg [dreg:$0x1];
	p0 =	sne.s32 s2, $0x0  }
0x144: {  	s3 =	rddreg [dreg:$0x2];
	[bflag:$0x3] =	sbarrier.arrive $0xFFFF;
	s2 =	simm.s32 @!p0 $0x1C01  }
0x145: {  	[timem:s3], [sflag:s2] =	dma.local @!p0 [hbm:s0], s1  }
0x146: {  	s0 =	simm.s32 @!p0 $0x1  }
0x147: {  	_ =	swait.ge @!p0 [sflag:s0], s1  }
0x148: {  	s1 =	ssub.s32 @!p0 $0x0, s1;
	[sflag:s0] =	ssyncset.done @!p0 $0x0  }
0x149: {  	[sflag:s0] =	ssyncadd.s32 @!p0 s1  }
0x14a: {  	[bflag:$0x3] =	sbarrier.arrive $0xFFFF  }
0x14b: {  	_ =	shalt  }

</sc_bundles>
